<compile_context>
chip_gen: v7x
topology: tpu7x:2x2x1
jax: 0.10.2.dev20260603
libtpu: 0.0.44.dev20260713+nightly
codegen_flags: <defaults>
</compile_context>

<pallas_src>
import functools

import jax
import jax.numpy as jnp
from jax import lax
from jax.experimental import pallas as pl
from jax.experimental.pallas import tpu as pltpu
from jax.experimental.pallas import tpu_sc as plsc

N = 10000
E = 320000
D_IN = 128
D_HID = 128
D_OUT = 64

NC = 2
NS = 16
NW = NC * NS
EPW = E // NW
CHUNK = 128
NCH = EPW // CHUNK
TAIL = EPW - NCH * CHUNK
CHD = 80
NCHD = EPW // CHD
RPT = 640
RPT_LAST = N - (NS - 1) * RPT
NB = 3
NBI = 6

BN = 2000


def _mesh():
    return plsc.VectorSubcoreMesh(core_axis_name="c", subcore_axis_name="s")


_SC_PARAMS = pltpu.CompilerParams(use_tc_tiling_on_sc=False)


def _stripe_copy(sid, src, dst):
    s0 = sid * RPT

    @pl.when(sid < NS - 1)
    def _():
        pltpu.sync_copy(src.at[pl.ds(s0, RPT)], dst.at[pl.ds(s0, RPT)])

    @pl.when(sid == NS - 1)
    def _():
        pltpu.sync_copy(src.at[pl.ds(s0, RPT_LAST)],
                        dst.at[pl.ds(s0, RPT_LAST)])


def _sc_degree(er, ones, z8):

    @functools.partial(
        pl.kernel,
        out_type=jax.ShapeDtypeStruct((NC, N, 8), jnp.float32),
        mesh=_mesh(),
        scratch_types=[
            pltpu.VMEM((CHD, 8), jnp.float32),
            pltpu.VMEM_SHARED((N, 8), jnp.float32),
            [pltpu.VMEM((CHD,), jnp.int32)] * 12,
            [pltpu.SemaphoreType.DMA] * 12,
            [pltpu.SemaphoreType.DMA] * 12,
        ],
        compiler_params=_SC_PARAMS,
    )
    def deg_kernel(er_hbm, ones_hbm, z_hbm, out_hbm, ones_v, acc,
                   ibufs, isems, ssems):
        core = lax.axis_index("c")
        sid = lax.axis_index("s")
        wid = core * NS + sid
        _stripe_copy(sid, z_hbm, acc)
        pltpu.sync_copy(ones_hbm, ones_v)
        plsc.subcore_barrier()

        def iload(c, j, w=False):
            cp = (pltpu.make_async_copy if w else pltpu.async_copy)(
                er_hbm.at[0, wid, pl.ds(c * CHD, CHD)], ibufs[j], isems[j])
            if w:
                cp.wait()

        def scat(j):
            pltpu.async_copy(ones_v, acc.at[ibufs[j]], ssems[j], add=True)

        def scat_wait(j):
            pltpu.make_async_copy(ones_v, acc.at[ibufs[j]],
                                  ssems[j]).wait()

        def slot(s, m, swait=True, post=True):
            iload(s, m % 12, w=True)
            scat(m % 12)
            if swait:
                scat_wait((m - 2) % 12)
            if post:
                iload(s + 10, (m + 10) % 12)

        for c in range(10):
            iload(c, c)
        for s in range(2):
            slot(s, s, swait=False)

        @pl.loop(0, 9)
        def _(i):
            for k in range(12):
                slot(12 * i + 2 + k, 2 + k)

        for s in range(110, NCHD):
            slot(s, s, post=(s + 10 < NCHD))
        scat_wait((NCHD - 2) % 12)
        scat_wait((NCHD - 1) % 12)

        plsc.subcore_barrier()
        _stripe_copy(sid, acc, out_hbm.at[core])

    return deg_kernel(er, ones, z8)


def _sc_spmm(table, er, zeros, d):

    @functools.partial(
        pl.kernel,
        out_type=jax.ShapeDtypeStruct((NC, N, d), jnp.float32),
        mesh=_mesh(),
        scratch_types=[
            pltpu.VMEM_SHARED((N, d), jnp.float32),
            [pltpu.VMEM((CHUNK,), jnp.int32)] * NBI,
            [pltpu.VMEM((CHUNK,), jnp.int32)] * NBI,
            [pltpu.VMEM((CHUNK, d), jnp.float32)] * NB,
            pltpu.VMEM((TAIL,), jnp.int32),
            pltpu.VMEM((TAIL,), jnp.int32),
            [pltpu.SemaphoreType.DMA] * NBI,
            [pltpu.SemaphoreType.DMA] * NBI,
            [pltpu.SemaphoreType.DMA] * NB,
            [pltpu.SemaphoreType.DMA] * NB,
        ],
        compiler_params=_SC_PARAMS,
    )
    def spmm_kernel(tab_hbm, er_hbm, z_hbm, out_hbm,
                    acc, rbufs, cbufs, bufs, rt_v, ct_v,
                    rsems, csems, gsems, ssems):
        core = lax.axis_index("c")
        sid = lax.axis_index("s")
        wid = core * NS + sid
        _stripe_copy(sid, z_hbm, acc)
        plsc.subcore_barrier()

        def iload(c, j, w=False):
            if w:
                pltpu.make_async_copy(er_hbm.at[0, wid, pl.ds(c * CHUNK, CHUNK)],
                                      rbufs[j], rsems[j]).wait()
                pltpu.make_async_copy(er_hbm.at[1, wid, pl.ds(c * CHUNK, CHUNK)],
                                      cbufs[j], csems[j]).wait()
            else:
                pltpu.async_copy(er_hbm.at[0, wid, pl.ds(c * CHUNK, CHUNK)],
                                 rbufs[j], rsems[j])
                pltpu.async_copy(er_hbm.at[1, wid, pl.ds(c * CHUNK, CHUNK)],
                                 cbufs[j], csems[j])

        def gather(j, ji, w=False):
            cp = (pltpu.make_async_copy if w else pltpu.async_copy)(
                tab_hbm.at[rbufs[ji]], bufs[j], gsems[j])
            if w:
                cp.wait()

        def scat(j, ji):
            pltpu.async_copy(bufs[j], acc.at[cbufs[ji]], ssems[j], add=True)

        def scat_wait(j, ji):
            pltpu.make_async_copy(bufs[j], acc.at[cbufs[ji]],
                                  ssems[j]).wait()

        def slot(s, m, swait=True, pre=True, post=True):
            gather(m % NB, m % NBI, w=True)
            scat(m % NB, m % NBI)
            if swait:
                scat_wait((m - 1) % NB, (m - 1) % NBI)
            if pre:
                iload(s + 2, (m + 2) % NBI, w=True)
                gather((m + 2) % NB, (m + 2) % NBI)
            if post:
                iload(s + 4, (m + 4) % NBI)

        for c in range(4):
            iload(c, c)
        for c in range(2):
            iload(c, c, w=True)
            gather(c, c)
        slot(0, 0, swait=False)

        @pl.loop(0, (NCH - 6) // NBI)
        def _(i):
            for k in range(NBI):
                slot(NBI * i + 1 + k, 1 + k)

        for s in range(NCH - 5, NCH):
            slot(s, s, pre=(s + 2 < NCH), post=(s + 4 < NCH))
        scat_wait((NCH - 1) % NB, (NCH - 1) % NBI)

        pltpu.sync_copy(er_hbm.at[0, wid, pl.ds(NCH * CHUNK, TAIL)], rt_v)
        pltpu.sync_copy(er_hbm.at[1, wid, pl.ds(NCH * CHUNK, TAIL)], ct_v)
        pltpu.sync_copy(tab_hbm.at[rt_v], bufs[0].at[pl.ds(0, TAIL)])
        pltpu.sync_copy(bufs[0].at[pl.ds(0, TAIL)], acc.at[ct_v], add=True)

        plsc.subcore_barrier()
        _stripe_copy(sid, acc, out_hbm.at[core])

    return spmm_kernel(table, er, zeros)


def _dis(dref):
    return lax.rsqrt(dref[0, :, :1] + dref[1, :, :1] + 1.0)


def _deg_spec():
    return pl.BlockSpec((NC, BN, 8), lambda i: (0, i, 0))


def _tc_scale(x, deg):

    def body(x_ref, d_ref, xs_ref):
        xs_ref[...] = x_ref[...] * _dis(d_ref)

    return pl.pallas_call(
        body,
        out_shape=jax.ShapeDtypeStruct((N, D_IN), jnp.float32),
        grid=(N // BN,),
        in_specs=[
            pl.BlockSpec((BN, D_IN), lambda i: (i, 0)),
            _deg_spec(),
        ],
        out_specs=pl.BlockSpec((BN, D_IN), lambda i: (i, 0)),
    )(x, deg)


def _tc_layer1(ag, xs, deg, W1, b1, W2):

    def body(a_ref, xs_ref, d_ref, w1, b1r, w2, g_ref):
        dis = _dis(d_ref)
        tot = (a_ref[0] + a_ref[1] + xs_ref[...]) * dis
        h = lax.dot_general(tot, w1[...], (((1,), (1,)), ((), ())),
                            preferred_element_type=jnp.float32)
        h = jnp.maximum(h + b1r[...], 0.0)
        g = lax.dot_general(h, w2[...], (((1,), (1,)), ((), ())),
                            preferred_element_type=jnp.float32)
        g_ref[...] = g * dis

    return pl.pallas_call(
        body,
        out_shape=jax.ShapeDtypeStruct((N, D_OUT), jnp.float32),
        grid=(N // BN,),
        in_specs=[
            pl.BlockSpec((NC, BN, D_HID), lambda i: (0, i, 0)),
            pl.BlockSpec((BN, D_IN), lambda i: (i, 0)),
            _deg_spec(),
            pl.BlockSpec((D_HID, D_IN), lambda i: (0, 0)),
            pl.BlockSpec((1, D_HID), lambda i: (0, 0)),
            pl.BlockSpec((D_OUT, D_HID), lambda i: (0, 0)),
        ],
        out_specs=pl.BlockSpec((BN, D_OUT), lambda i: (i, 0)),
    )(ag, xs, deg, W1, b1, W2)


def _tc_out(ag, g, deg, b2):

    def body(a_ref, g_ref, d_ref, b2r, o_ref):
        dis = _dis(d_ref)
        z = (a_ref[0] + a_ref[1] + g_ref[...]) * dis + b2r[...]
        m = jnp.max(z, axis=1, keepdims=True)
        lse = jnp.log(jnp.sum(jnp.exp(z - m), axis=1, keepdims=True)) + m
        o_ref[...] = z - lse

    return pl.pallas_call(
        body,
        out_shape=jax.ShapeDtypeStruct((N, D_OUT), jnp.float32),
        grid=(N // BN,),
        in_specs=[
            pl.BlockSpec((NC, BN, D_OUT), lambda i: (0, i, 0)),
            pl.BlockSpec((BN, D_OUT), lambda i: (i, 0)),
            _deg_spec(),
            pl.BlockSpec((1, D_OUT), lambda i: (0, 0)),
        ],
        out_specs=pl.BlockSpec((BN, D_OUT), lambda i: (i, 0)),
    )(ag, g, deg, b2)


def kernel(x, edge_index, W1, b1, W2, b2):
    er = edge_index.astype(jnp.int32).reshape(2, NW, EPW)
    ones = jnp.ones((CHD, 8), jnp.float32)
    z8 = jnp.zeros((N, 8), jnp.float32)
    z128 = jnp.zeros((N, D_IN), jnp.float32)
    z64 = jnp.zeros((N, D_OUT), jnp.float32)

    deg = _sc_degree(er, ones, z8)
    xs = _tc_scale(x, deg)
    ag1 = _sc_spmm(xs, er, z128, D_IN)
    g = _tc_layer1(ag1, xs, deg, W1, b1.reshape(1, D_HID), W2)
    ag2 = _sc_spmm(g, er, z64, D_OUT)
    return _tc_out(ag2, g, deg, b2.reshape(1, D_OUT))

# --- scband reference (transcript-rebuilt; emitter-appended) ---
"""Pipeline reference for scband-simple-gnn-28269474742292 (READ-ONLY COPY).

The authoritative reference and input builder live on the scoring server;
editing this copy changes nothing except your own understanding.
"""

import jax, jax.numpy as jnp
import numpy as np

N = 10000
E = 320000
D_IN = 128
D_HID = 128
D_OUT = 64


def setup_inputs(seed: int = 0) -> dict:
    key = jax.random.key(seed)
    ks = jax.random.split(key, 6)
    x = jax.random.uniform(ks[0], (N, D_IN), dtype=jnp.float32)
    edge_index = jax.random.randint(ks[1], (2, E), 0, N)
    W1 = jax.random.normal(ks[2], (D_HID, D_IN), dtype=jnp.float32) * (1.0 / np.sqrt(D_IN))
    b1 = jnp.zeros((D_HID,), dtype=jnp.float32)
    W2 = jax.random.normal(ks[3], (D_OUT, D_HID), dtype=jnp.float32) * (1.0 / np.sqrt(D_HID))
    b2 = jnp.zeros((D_OUT,), dtype=jnp.float32)
    return {"x": x, "edge_index": edge_index, "W1": W1, "b1": b1, "W2": W2, "b2": b2}


def _gcn_conv(x, edge_index, W, b):
    # GraphConvolution.forward: add_self_loops, symmetric norm, scatter-add aggregate, then Linear (update)
    n = x.shape[0]
    sl = jnp.arange(n, dtype=edge_index.dtype)
    row = jnp.concatenate([edge_index[0], sl])  # source nodes (x_j gathered from row)
    col = jnp.concatenate([edge_index[1], sl])  # target nodes (aggregation index)
    deg = jnp.zeros((n,), dtype=x.dtype).at[row].add(jnp.ones_like(row, dtype=x.dtype))
    deg_inv_sqrt = jax.lax.rsqrt(deg)  # deg >= 1 because of self-loops
    norm = deg_inv_sqrt[row] * deg_inv_sqrt[col]
    msg = norm[:, None] * jnp.take(x, row, axis=0)
    aggr = jnp.zeros((n, x.shape[1]), dtype=x.dtype).at[col].add(msg)
    return aggr @ W.T + b


def reference(x, edge_index, W1, b1, W2, b2):
    h = jax.nn.relu(_gcn_conv(x, edge_index, W1, b1))
    # F.dropout in eval / deterministic mode is identity
    out = _gcn_conv(h, edge_index, W2, b2)
    return jax.nn.log_softmax(out, axis=1)

if __name__ == "__main__":
    import jax
    _d = setup_inputs()
    print(jax.jit(kernel)(*tuple(_d.values())))

</pallas_src>

<mosaic_0001>
#map = affine_map<(d0, d1) -> (0, 0, 0)>
#map1 = affine_map<(d0, d1) -> (0, 0)>
module attributes {stable_mosaic.version = 14 : i64} {
  func.func @deg_kernel(%arg0: i32, %arg1: i32, %arg2: memref<2x32x10000xi32, #tpu.memory_space<hbm>>, %arg3: memref<80x8xf32, #tpu.memory_space<hbm>>, %arg4: memref<10000x8xf32, #tpu.memory_space<hbm>>, %arg5: memref<2x10000x8xf32, #tpu.memory_space<hbm>>, %arg6: memref<80x8xf32, #tpu.memory_space<vmem>>, %arg7: memref<10000x8xf32, #tpu.memory_space<vmem_shared>>, %arg8: memref<80xi32, #tpu.memory_space<vmem>>, %arg9: memref<80xi32, #tpu.memory_space<vmem>>, %arg10: memref<80xi32, #tpu.memory_space<vmem>>, %arg11: memref<80xi32, #tpu.memory_space<vmem>>, %arg12: memref<80xi32, #tpu.memory_space<vmem>>, %arg13: memref<80xi32, #tpu.memory_space<vmem>>, %arg14: memref<80xi32, #tpu.memory_space<vmem>>, %arg15: memref<80xi32, #tpu.memory_space<vmem>>, %arg16: memref<80xi32, #tpu.memory_space<vmem>>, %arg17: memref<80xi32, #tpu.memory_space<vmem>>, %arg18: memref<80xi32, #tpu.memory_space<vmem>>, %arg19: memref<80xi32, #tpu.memory_space<vmem>>, %arg20: memref<!tpu.dma_semaphore, #tpu.memory_space<semaphore_mem>>, %arg21: memref<!tpu.dma_semaphore, #tpu.memory_space<semaphore_mem>>, %arg22: memref<!tpu.dma_semaphore, #tpu.memory_space<semaphore_mem>>, %arg23: memref<!tpu.dma_semaphore, #tpu.memory_space<semaphore_mem>>, %arg24: memref<!tpu.dma_semaphore, #tpu.memory_space<semaphore_mem>>, %arg25: memref<!tpu.dma_semaphore, #tpu.memory_space<semaphore_mem>>, %arg26: memref<!tpu.dma_semaphore, #tpu.memory_space<semaphore_mem>>, %arg27: memref<!tpu.dma_semaphore, #tpu.memory_space<semaphore_mem>>, %arg28: memref<!tpu.dma_semaphore, #tpu.memory_space<semaphore_mem>>, %arg29: memref<!tpu.dma_semaphore, #tpu.memory_space<semaphore_mem>>, %arg30: memref<!tpu.dma_semaphore, #tpu.memory_space<semaphore_mem>>, %arg31: memref<!tpu.dma_semaphore, #tpu.memory_space<semaphore_mem>>, %arg32: memref<!tpu.dma_semaphore, #tpu.memory_space<semaphore_mem>>, %arg33: memref<!tpu.dma_semaphore, #tpu.memory_space<semaphore_mem>>, %arg34: memref<!tpu.dma_semaphore, #tpu.memory_space<semaphore_mem>>, %arg35: memref<!tpu.dma_semaphore, #tpu.memory_space<semaphore_mem>>, %arg36: memref<!tpu.dma_semaphore, #tpu.memory_space<semaphore_mem>>, %arg37: memref<!tpu.dma_semaphore, #tpu.memory_space<semaphore_mem>>, %arg38: memref<!tpu.dma_semaphore, #tpu.memory_space<semaphore_mem>>, %arg39: memref<!tpu.dma_semaphore, #tpu.memory_space<semaphore_mem>>, %arg40: memref<!tpu.dma_semaphore, #tpu.memory_space<semaphore_mem>>, %arg41: memref<!tpu.dma_semaphore, #tpu.memory_space<semaphore_mem>>, %arg42: memref<!tpu.dma_semaphore, #tpu.memory_space<semaphore_mem>>, %arg43: memref<!tpu.dma_semaphore, #tpu.memory_space<semaphore_mem>>) attributes {dimension_semantics = [#tpu.dimension_semantics<core_parallel>, #tpu.dimension_semantics<subcore_parallel>], iteration_bounds = array<i64: 2, 16>, scalar_prefetch = 0 : i64, scratch_operands = 38 : i64, tpu.core_type = #tpu.core_type<sc_vector_subcore>, window_params = [{transform_indices = #map}, {transform_indices = #map1}, {transform_indices = #map1}, {transform_indices = #map}]} {
    %mul3A = arith.constant 16 : i32
    %mul3A_0 = arith.muli %arg0, %mul3A : i32
    %add3A = arith.addi %mul3A_0, %arg1 : i32
    %mul3A_1 = arith.constant 640 : i32
    %mul3A_2 = arith.muli %arg1, %mul3A_1 : i32
    %lt3A = arith.constant 15 : i32
    %lt3A_3 = arith.cmpi slt, %arg1, %lt3A : i32
    %convert_element_type3A = arith.extui %lt3A_3 : i1 to i32
    %cond3A = arith.constant 0 : i32
    %cond3A_4 = arith.cmpi ne, %convert_element_type3A, %cond3A : i32
    scf.if %cond3A_4 {
      "tpu.region"() ({
        %run_scoped3A = tpu.sem_alloc : memref<!tpu.dma_semaphore, #tpu.memory_space<semaphore_mem>>
        %dma_start3A_364 = arith.constant 0 : i32
        %dma_start3A_365 = tpu.memref_slice %arg7[%mul3A_2, %dma_start3A_364] : memref<10000x8xf32, #tpu.memory_space<vmem_shared>> -> memref<640x8xf32, #tpu.memory_space<vmem_shared>>
        %dma_start3A_366 = arith.constant 0 : i32
        %dma_start3A_367 = tpu.memref_slice %arg4[%mul3A_2, %dma_start3A_366] : memref<10000x8xf32, #tpu.memory_space<hbm>> -> memref<640x8xf32, #tpu.memory_space<hbm>>
        tpu.enqueue_dma source(%dma_start3A_367 : memref<640x8xf32, #tpu.memory_space<hbm>>) target(%dma_start3A_365 : memref<640x8xf32, #tpu.memory_space<vmem_shared>>) target_semaphore(%run_scoped3A : memref<!tpu.dma_semaphore, #tpu.memory_space<semaphore_mem>>)
        %dma_wait3A_368 = arith.constant 0 : i32
        %dma_wait3A_369 = tpu.memref_slice %arg7[%mul3A_2, %dma_wait3A_368] : memref<10000x8xf32, #tpu.memory_space<vmem_shared>> -> memref<640x8xf32, #tpu.memory_space<vmem_shared>>
        %dma_wait3A_370 = arith.constant 0 : i32
        %dma_wait3A_371 = tpu.memref_slice %arg4[%mul3A_2, %dma_wait3A_370] : memref<10000x8xf32, #tpu.memory_space<hbm>> -> memref<640x8xf32, #tpu.memory_space<hbm>>
        tpu.wait_dma2 semaphore(%run_scoped3A : memref<!tpu.dma_semaphore, #tpu.memory_space<semaphore_mem>>) src(%dma_wait3A_371 : memref<640x8xf32, #tpu.memory_space<hbm>>) dst(%dma_wait3A_369 : memref<640x8xf32, #tpu.memory_space<vmem_shared>>)
        tpu.yield
      }) : () -> ()
    } else {
    }
    %eq3A = arith.constant 15 : i32
    %eq3A_5 = arith.cmpi eq, %arg1, %eq3A : i32
    %convert_element_type3A_6 = arith.extui %eq3A_5 : i1 to i32
    %cond3A_7 = arith.constant 0 : i32
    %cond3A_8 = arith.cmpi ne, %convert_element_type3A_6, %cond3A_7 : i32
    scf.if %cond3A_8 {
      "tpu.region"() ({
        %run_scoped3A = tpu.sem_alloc : memref<!tpu.dma_semaphore, #tpu.memory_space<semaphore_mem>>
        %dma_start3A_364 = arith.constant 0 : i32
        %dma_start3A_365 = tpu.memref_slice %arg7[%mul3A_2, %dma_start3A_364] : memref<10000x8xf32, #tpu.memory_space<vmem_shared>> -> memref<400x8xf32, #tpu.memory_space<vmem_shared>>
        %dma_start3A_366 = arith.constant 0 : i32
        %dma_start3A_367 = tpu.memref_slice %arg4[%mul3A_2, %dma_start3A_366] : memref<10000x8xf32, #tpu.memory_space<hbm>> -> memref<400x8xf32, #tpu.memory_space<hbm>>
        tpu.enqueue_dma source(%dma_start3A_367 : memref<400x8xf32, #tpu.memory_space<hbm>>) target(%dma_start3A_365 : memref<400x8xf32, #tpu.memory_space<vmem_shared>>) target_semaphore(%run_scoped3A : memref<!tpu.dma_semaphore, #tpu.memory_space<semaphore_mem>>)
        %dma_wait3A_368 = arith.constant 0 : i32
        %dma_wait3A_369 = tpu.memref_slice %arg7[%mul3A_2, %dma_wait3A_368] : memref<10000x8xf32, #tpu.memory_space<vmem_shared>> -> memref<400x8xf32, #tpu.memory_space<vmem_shared>>
        %dma_wait3A_370 = arith.constant 0 : i32
        %dma_wait3A_371 = tpu.memref_slice %arg4[%mul3A_2, %dma_wait3A_370] : memref<10000x8xf32, #tpu.memory_space<hbm>> -> memref<400x8xf32, #tpu.memory_space<hbm>>
        tpu.wait_dma2 semaphore(%run_scoped3A : memref<!tpu.dma_semaphore, #tpu.memory_space<semaphore_mem>>) src(%dma_wait3A_371 : memref<400x8xf32, #tpu.memory_space<hbm>>) dst(%dma_wait3A_369 : memref<400x8xf32, #tpu.memory_space<vmem_shared>>)
        tpu.yield
      }) : () -> ()
    } else {
    }
    "tpu.region"() ({
      %run_scoped3A = tpu.sem_alloc : memref<!tpu.dma_semaphore, #tpu.memory_space<semaphore_mem>>
      tpu.enqueue_dma source(%arg3 : memref<80x8xf32, #tpu.memory_space<hbm>>) target(%arg6 : memref<80x8xf32, #tpu.memory_space<vmem>>) target_semaphore(%run_scoped3A : memref<!tpu.dma_semaphore, #tpu.memory_space<semaphore_mem>>)
      tpu.wait_dma2 semaphore(%run_scoped3A : memref<!tpu.dma_semaphore, #tpu.memory_space<semaphore_mem>>) src(%arg3 : memref<80x8xf32, #tpu.memory_space<hbm>>) dst(%arg6 : memref<80x8xf32, #tpu.memory_space<vmem>>)
      tpu.yield
    }) : () -> ()
    %barrier3A = arith.constant 0 : index
    tpu.barrier barrier_id(%barrier3A)
    %dma_start3A = arith.constant 0 : i32
    %dma_start3A_9 = arith.constant 0 : i32
    %dma_start3A_10 = tpu.memref_slice %arg2[%dma_start3A, %add3A, %dma_start3A_9] : memref<2x32x10000xi32, #tpu.memory_space<hbm>> -> memref<1x1x80xi32, #tpu.memory_space<hbm>>
    %dma_start3A_11 = tpu.memref_squeeze %dma_start3A_10 : memref<1x1x80xi32, #tpu.memory_space<hbm>> -> memref<80xi32, #tpu.memory_space<hbm>>
    %dma_start3A_12 = arith.constant 0 : i32
    %dma_start3A_13 = tpu.memref_slice %arg2[%dma_start3A, %add3A, %dma_start3A_12] : memref<2x32x10000xi32, #tpu.memory_space<hbm>> -> memref<1x1x80xi32, #tpu.memory_space<hbm>>
    %dma_start3A_14 = tpu.memref_squeeze %dma_start3A_13 : memref<1x1x80xi32, #tpu.memory_space<hbm>> -> memref<80xi32, #tpu.memory_space<hbm>>
    tpu.enqueue_dma source(%dma_start3A_14 : memref<80xi32, #tpu.memory_space<hbm>>) target(%arg8 : memref<80xi32, #tpu.memory_space<vmem>>) target_semaphore(%arg20 : memref<!tpu.dma_semaphore, #tpu.memory_space<semaphore_mem>>)
    %dma_start3A_15 = arith.constant 0 : i32
    %dma_start3A_16 = arith.constant 80 : i32
    %dma_start3A_17 = tpu.memref_slice %arg2[%dma_start3A_15, %add3A, %dma_start3A_16] : memref<2x32x10000xi32, #tpu.memory_space<hbm>> -> memref<1x1x80xi32, #tpu.memory_space<hbm>>
    %dma_start3A_18 = tpu.memref_squeeze %dma_start3A_17 : memref<1x1x80xi32, #tpu.memory_space<hbm>> -> memref<80xi32, #tpu.memory_space<hbm>>
    %dma_start3A_19 = arith.constant 80 : i32
    %dma_start3A_20 = tpu.memref_slice %arg2[%dma_start3A_15, %add3A, %dma_start3A_19] : memref<2x32x10000xi32, #tpu.memory_space<hbm>> -> memref<1x1x80xi32, #tpu.memory_space<hbm>>
    %dma_start3A_21 = tpu.memref_squeeze %dma_start3A_20 : memref<1x1x80xi32, #tpu.memory_space<hbm>> -> memref<80xi32, #tpu.memory_space<hbm>>
    tpu.enqueue_dma source(%dma_start3A_21 : memref<80xi32, #tpu.memory_space<hbm>>) target(%arg9 : memref<80xi32, #tpu.memory_space<vmem>>) target_semaphore(%arg21 : memref<!tpu.dma_semaphore, #tpu.memory_space<semaphore_mem>>)
    %dma_start3A_22 = arith.constant 0 : i32
    %dma_start3A_23 = arith.constant 160 : i32
    %dma_start3A_24 = tpu.memref_slice %arg2[%dma_start3A_22, %add3A, %dma_start3A_23] : memref<2x32x10000xi32, #tpu.memory_space<hbm>> -> memref<1x1x80xi32, #tpu.memory_space<hbm>>
    %dma_start3A_25 = tpu.memref_squeeze %dma_start3A_24 : memref<1x1x80xi32, #tpu.memory_space<hbm>> -> memref<80xi32, #tpu.memory_space<hbm>>
    %dma_start3A_26 = arith.constant 160 : i32
    %dma_start3A_27 = tpu.memref_slice %arg2[%dma_start3A_22, %add3A, %dma_start3A_26] : memref<2x32x10000xi32, #tpu.memory_space<hbm>> -> memref<1x1x80xi32, #tpu.memory_space<hbm>>
    %dma_start3A_28 = tpu.memref_squeeze %dma_start3A_27 : memref<1x1x80xi32, #tpu.memory_space<hbm>> -> memref<80xi32, #tpu.memory_space<hbm>>
    tpu.enqueue_dma source(%dma_start3A_28 : memref<80xi32, #tpu.memory_space<hbm>>) target(%arg10 : memref<80xi32, #tpu.memory_space<vmem>>) target_semaphore(%arg22 : memref<!tpu.dma_semaphore, #tpu.memory_space<semaphore_mem>>)
    %dma_start3A_29 = arith.constant 0 : i32
    %dma_start3A_30 = arith.constant 240 : i32
    %dma_start3A_31 = tpu.memref_slice %arg2[%dma_start3A_29, %add3A, %dma_start3A_30] : memref<2x32x10000xi32, #tpu.memory_space<hbm>> -> memref<1x1x80xi32, #tpu.memory_space<hbm>>
    %dma_start3A_32 = tpu.memref_squeeze %dma_start3A_31 : memref<1x1x80xi32, #tpu.memory_space<hbm>> -> memref<80xi32, #tpu.memory_space<hbm>>
    %dma_start3A_33 = arith.constant 240 : i32
    %dma_start3A_34 = tpu.memref_slice %arg2[%dma_start3A_29, %add3A, %dma_start3A_33] : memref<2x32x10000xi32, #tpu.memory_space<hbm>> -> memref<1x1x80xi32, #tpu.memory_space<hbm>>
    %dma_start3A_35 = tpu.memref_squeeze %dma_start3A_34 : memref<1x1x80xi32, #tpu.memory_space<hbm>> -> memref<80xi32, #tpu.memory_space<hbm>>
    tpu.enqueue_dma source(%dma_start3A_35 : memref<80xi32, #tpu.memory_space<hbm>>) target(%arg11 : memref<80xi32, #tpu.memory_space<vmem>>) target_semaphore(%arg23 : memref<!tpu.dma_semaphore, #tpu.memory_space<semaphore_mem>>)
    %dma_start3A_36 = arith.constant 0 : i32
    %dma_start3A_37 = arith.constant 320 : i32
    %dma_start3A_38 = tpu.memref_slice %arg2[%dma_start3A_36, %add3A, %dma_start3A_37] : memref<2x32x10000xi32, #tpu.memory_space<hbm>> -> memref<1x1x80xi32, #tpu.memory_space<hbm>>
    %dma_start3A_39 = tpu.memref_squeeze %dma_start3A_38 : memref<1x1x80xi32, #tpu.memory_space<hbm>> -> memref<80xi32, #tpu.memory_space<hbm>>
    %dma_start3A_40 = arith.constant 320 : i32
    %dma_start3A_41 = tpu.memref_slice %arg2[%dma_start3A_36, %add3A, %dma_start3A_40] : memref<2x32x10000xi32, #tpu.memory_space<hbm>> -> memref<1x1x80xi32, #tpu.memory_space<hbm>>
    %dma_start3A_42 = tpu.memref_squeeze %dma_start3A_41 : memref<1x1x80xi32, #tpu.memory_space<hbm>> -> memref<80xi32, #tpu.memory_space<hbm>>
    tpu.enqueue_dma source(%dma_start3A_42 : memref<80xi32, #tpu.memory_space<hbm>>) target(%arg12 : memref<80xi32, #tpu.memory_space<vmem>>) target_semaphore(%arg24 : memref<!tpu.dma_semaphore, #tpu.memory_space<semaphore_mem>>)
    %dma_start3A_43 = arith.constant 0 : i32
    %dma_start3A_44 = arith.constant 400 : i32
    %dma_start3A_45 = tpu.memref_slice %arg2[%dma_start3A_43, %add3A, %dma_start3A_44] : memref<2x32x10000xi32, #tpu.memory_space<hbm>> -> memref<1x1x80xi32, #tpu.memory_space<hbm>>
    %dma_start3A_46 = tpu.memref_squeeze %dma_start3A_45 : memref<1x1x80xi32, #tpu.memory_space<hbm>> -> memref<80xi32, #tpu.memory_space<hbm>>
    %dma_start3A_47 = arith.constant 400 : i32
    %dma_start3A_48 = tpu.memref_slice %arg2[%dma_start3A_43, %add3A, %dma_start3A_47] : memref<2x32x10000xi32, #tpu.memory_space<hbm>> -> memref<1x1x80xi32, #tpu.memory_space<hbm>>
    %dma_start3A_49 = tpu.memref_squeeze %dma_start3A_48 : memref<1x1x80xi32, #tpu.memory_space<hbm>> -> memref<80xi32, #tpu.memory_space<hbm>>
    tpu.enqueue_dma source(%dma_start3A_49 : memref<80xi32, #tpu.memory_space<hbm>>) target(%arg13 : memref<80xi32, #tpu.memory_space<vmem>>) target_semaphore(%arg25 : memref<!tpu.dma_semaphore, #tpu.memory_space<semaphore_mem>>)
    %dma_start3A_50 = arith.constant 0 : i32
    %dma_start3A_51 = arith.constant 480 : i32
    %dma_start3A_52 = tpu.memref_slice %arg2[%dma_start3A_50, %add3A, %dma_start3A_51] : memref<2x32x10000xi32, #tpu.memory_space<hbm>> -> memref<1x1x80xi32, #tpu.memory_space<hbm>>
    %dma_start3A_53 = tpu.memref_squeeze %dma_start3A_52 : memref<1x1x80xi32, #tpu.memory_space<hbm>> -> memref<80xi32, #tpu.memory_space<hbm>>
    %dma_start3A_54 = arith.constant 480 : i32
    %dma_start3A_55 = tpu.memref_slice %arg2[%dma_start3A_50, %add3A, %dma_start3A_54] : memref<2x32x10000xi32, #tpu.memory_space<hbm>> -> memref<1x1x80xi32, #tpu.memory_space<hbm>>
    %dma_start3A_56 = tpu.memref_squeeze %dma_start3A_55 : memref<1x1x80xi32, #tpu.memory_space<hbm>> -> memref<80xi32, #tpu.memory_space<hbm>>
    tpu.enqueue_dma source(%dma_start3A_56 : memref<80xi32, #tpu.memory_space<hbm>>) target(%arg14 : memref<80xi32, #tpu.memory_space<vmem>>) target_semaphore(%arg26 : memref<!tpu.dma_semaphore, #tpu.memory_space<semaphore_mem>>)
    %dma_start3A_57 = arith.constant 0 : i32
    %dma_start3A_58 = arith.constant 560 : i32
    %dma_start3A_59 = tpu.memref_slice %arg2[%dma_start3A_57, %add3A, %dma_start3A_58] : memref<2x32x10000xi32, #tpu.memory_space<hbm>> -> memref<1x1x80xi32, #tpu.memory_space<hbm>>
    %dma_start3A_60 = tpu.memref_squeeze %dma_start3A_59 : memref<1x1x80xi32, #tpu.memory_space<hbm>> -> memref<80xi32, #tpu.memory_space<hbm>>
    %dma_start3A_61 = arith.constant 560 : i32
    %dma_start3A_62 = tpu.memref_slice %arg2[%dma_start3A_57, %add3A, %dma_start3A_61] : memref<2x32x10000xi32, #tpu.memory_space<hbm>> -> memref<1x1x80xi32, #tpu.memory_space<hbm>>
    %dma_start3A_63 = tpu.memref_squeeze %dma_start3A_62 : memref<1x1x80xi32, #tpu.memory_space<hbm>> -> memref<80xi32, #tpu.memory_space<hbm>>
    tpu.enqueue_dma source(%dma_start3A_63 : memref<80xi32, #tpu.memory_space<hbm>>) target(%arg15 : memref<80xi32, #tpu.memory_space<vmem>>) target_semaphore(%arg27 : memref<!tpu.dma_semaphore, #tpu.memory_space<semaphore_mem>>)
    %dma_start3A_64 = arith.constant 0 : i32
    %dma_start3A_65 = arith.constant 640 : i32
    %dma_start3A_66 = tpu.memref_slice %arg2[%dma_start3A_64, %add3A, %dma_start3A_65] : memref<2x32x10000xi32, #tpu.memory_space<hbm>> -> memref<1x1x80xi32, #tpu.memory_space<hbm>>
    %dma_start3A_67 = tpu.memref_squeeze %dma_start3A_66 : memref<1x1x80xi32, #tpu.memory_space<hbm>> -> memref<80xi32, #tpu.memory_space<hbm>>
    %dma_start3A_68 = arith.constant 640 : i32
    %dma_start3A_69 = tpu.memref_slice %arg2[%dma_start3A_64, %add3A, %dma_start3A_68] : memref<2x32x10000xi32, #tpu.memory_space<hbm>> -> memref<1x1x80xi32, #tpu.memory_space<hbm>>
    %dma_start3A_70 = tpu.memref_squeeze %dma_start3A_69 : memref<1x1x80xi32, #tpu.memory_space<hbm>> -> memref<80xi32, #tpu.memory_space<hbm>>
    tpu.enqueue_dma source(%dma_start3A_70 : memref<80xi32, #tpu.memory_space<hbm>>) target(%arg16 : memref<80xi32, #tpu.memory_space<vmem>>) target_semaphore(%arg28 : memref<!tpu.dma_semaphore, #tpu.memory_space<semaphore_mem>>)
    %dma_start3A_71 = arith.constant 0 : i32
    %dma_start3A_72 = arith.constant 720 : i32
    %dma_start3A_73 = tpu.memref_slice %arg2[%dma_start3A_71, %add3A, %dma_start3A_72] : memref<2x32x10000xi32, #tpu.memory_space<hbm>> -> memref<1x1x80xi32, #tpu.memory_space<hbm>>
    %dma_start3A_74 = tpu.memref_squeeze %dma_start3A_73 : memref<1x1x80xi32, #tpu.memory_space<hbm>> -> memref<80xi32, #tpu.memory_space<hbm>>
    %dma_start3A_75 = arith.constant 720 : i32
    %dma_start3A_76 = tpu.memref_slice %arg2[%dma_start3A_71, %add3A, %dma_start3A_75] : memref<2x32x10000xi32, #tpu.memory_space<hbm>> -> memref<1x1x80xi32, #tpu.memory_space<hbm>>
    %dma_start3A_77 = tpu.memref_squeeze %dma_start3A_76 : memref<1x1x80xi32, #tpu.memory_space<hbm>> -> memref<80xi32, #tpu.memory_space<hbm>>
    tpu.enqueue_dma source(%dma_start3A_77 : memref<80xi32, #tpu.memory_space<hbm>>) target(%arg17 : memref<80xi32, #tpu.memory_space<vmem>>) target_semaphore(%arg29 : memref<!tpu.dma_semaphore, #tpu.memory_space<semaphore_mem>>)
    %dma_wait3A = arith.constant 0 : i32
    %dma_wait3A_78 = arith.constant 0 : i32
    %dma_wait3A_79 = tpu.memref_slice %arg2[%dma_wait3A, %add3A, %dma_wait3A_78] : memref<2x32x10000xi32, #tpu.memory_space<hbm>> -> memref<1x1x80xi32, #tpu.memory_space<hbm>>
    %dma_wait3A_80 = tpu.memref_squeeze %dma_wait3A_79 : memref<1x1x80xi32, #tpu.memory_space<hbm>> -> memref<80xi32, #tpu.memory_space<hbm>>
    %dma_wait3A_81 = arith.constant 0 : i32
    %dma_wait3A_82 = tpu.memref_slice %arg2[%dma_wait3A, %add3A, %dma_wait3A_81] : memref<2x32x10000xi32, #tpu.memory_space<hbm>> -> memref<1x1x80xi32, #tpu.memory_space<hbm>>
    %dma_wait3A_83 = tpu.memref_squeeze %dma_wait3A_82 : memref<1x1x80xi32, #tpu.memory_space<hbm>> -> memref<80xi32, #tpu.memory_space<hbm>>
    tpu.wait_dma2 semaphore(%arg20 : memref<!tpu.dma_semaphore, #tpu.memory_space<semaphore_mem>>) src(%dma_wait3A_83 : memref<80xi32, #tpu.memory_space<hbm>>) dst(%arg8 : memref<80xi32, #tpu.memory_space<vmem>>)
    %dma_start3A_84 = arith.constant 0 : i32
    %dma_start3A_85 = arith.constant 0 : i32
    %dma_start3A_86 = tpu.memref_slice %arg7[%dma_start3A_84, %dma_start3A_85] : memref<10000x8xf32, #tpu.memory_space<vmem_shared>> -> memref<10000x8xf32, #tpu.memory_space<vmem_shared>>
    tpu.enqueue_indirect_dma source(%arg6 : memref<80x8xf32, #tpu.memory_space<vmem>>) target(%dma_start3A_86 : memref<10000x8xf32, #tpu.memory_space<vmem_shared>>) offsets(%arg8 : memref<80xi32, #tpu.memory_space<vmem>>) semaphore(%arg32 : memref<!tpu.dma_semaphore, #tpu.memory_space<semaphore_mem>>) {add = true}
    %dma_start3A_87 = arith.constant 0 : i32
    %dma_start3A_88 = arith.constant 800 : i32
    %dma_start3A_89 = tpu.memref_slice %arg2[%dma_start3A_87, %add3A, %dma_start3A_88] : memref<2x32x10000xi32, #tpu.memory_space<hbm>> -> memref<1x1x80xi32, #tpu.memory_space<hbm>>
    %dma_start3A_90 = tpu.memref_squeeze %dma_start3A_89 : memref<1x1x80xi32, #tpu.memory_space<hbm>> -> memref<80xi32, #tpu.memory_space<hbm>>
    %dma_start3A_91 = arith.constant 800 : i32
    %dma_start3A_92 = tpu.memref_slice %arg2[%dma_start3A_87, %add3A, %dma_start3A_91] : memref<2x32x10000xi32, #tpu.memory_space<hbm>> -> memref<1x1x80xi32, #tpu.memory_space<hbm>>
    %dma_start3A_93 = tpu.memref_squeeze %dma_start3A_92 : memref<1x1x80xi32, #tpu.memory_space<hbm>> -> memref<80xi32, #tpu.memory_space<hbm>>
    tpu.enqueue_dma source(%dma_start3A_93 : memref<80xi32, #tpu.memory_space<hbm>>) target(%arg18 : memref<80xi32, #tpu.memory_space<vmem>>) target_semaphore(%arg30 : memref<!tpu.dma_semaphore, #tpu.memory_space<semaphore_mem>>)
    %dma_wait3A_94 = arith.constant 0 : i32
    %dma_wait3A_95 = arith.constant 80 : i32
    %dma_wait3A_96 = tpu.memref_slice %arg2[%dma_wait3A_94, %add3A, %dma_wait3A_95] : memref<2x32x10000xi32, #tpu.memory_space<hbm>> -> memref<1x1x80xi32, #tpu.memory_space<hbm>>
    %dma_wait3A_97 = tpu.memref_squeeze %dma_wait3A_96 : memref<1x1x80xi32, #tpu.memory_space<hbm>> -> memref<80xi32, #tpu.memory_space<hbm>>
    %dma_wait3A_98 = arith.constant 80 : i32
    %dma_wait3A_99 = tpu.memref_slice %arg2[%dma_wait3A_94, %add3A, %dma_wait3A_98] : memref<2x32x10000xi32, #tpu.memory_space<hbm>> -> memref<1x1x80xi32, #tpu.memory_space<hbm>>
    %dma_wait3A_100 = tpu.memref_squeeze %dma_wait3A_99 : memref<1x1x80xi32, #tpu.memory_space<hbm>> -> memref<80xi32, #tpu.memory_space<hbm>>
    tpu.wait_dma2 semaphore(%arg21 : memref<!tpu.dma_semaphore, #tpu.memory_space<semaphore_mem>>) src(%dma_wait3A_100 : memref<80xi32, #tpu.memory_space<hbm>>) dst(%arg9 : memref<80xi32, #tpu.memory_space<vmem>>)
    %dma_start3A_101 = arith.constant 0 : i32
    %dma_start3A_102 = arith.constant 0 : i32
    %dma_start3A_103 = tpu.memref_slice %arg7[%dma_start3A_101, %dma_start3A_102] : memref<10000x8xf32, #tpu.memory_space<vmem_shared>> -> memref<10000x8xf32, #tpu.memory_space<vmem_shared>>
    tpu.enqueue_indirect_dma source(%arg6 : memref<80x8xf32, #tpu.memory_space<vmem>>) target(%dma_start3A_103 : memref<10000x8xf32, #tpu.memory_space<vmem_shared>>) offsets(%arg9 : memref<80xi32, #tpu.memory_space<vmem>>) semaphore(%arg33 : memref<!tpu.dma_semaphore, #tpu.memory_space<semaphore_mem>>) {add = true}
    %dma_start3A_104 = arith.constant 0 : i32
    %dma_start3A_105 = arith.constant 880 : i32
    %dma_start3A_106 = tpu.memref_slice %arg2[%dma_start3A_104, %add3A, %dma_start3A_105] : memref<2x32x10000xi32, #tpu.memory_space<hbm>> -> memref<1x1x80xi32, #tpu.memory_space<hbm>>
    %dma_start3A_107 = tpu.memref_squeeze %dma_start3A_106 : memref<1x1x80xi32, #tpu.memory_space<hbm>> -> memref<80xi32, #tpu.memory_space<hbm>>
    %dma_start3A_108 = arith.constant 880 : i32
    %dma_start3A_109 = tpu.memref_slice %arg2[%dma_start3A_104, %add3A, %dma_start3A_108] : memref<2x32x10000xi32, #tpu.memory_space<hbm>> -> memref<1x1x80xi32, #tpu.memory_space<hbm>>
    %dma_start3A_110 = tpu.memref_squeeze %dma_start3A_109 : memref<1x1x80xi32, #tpu.memory_space<hbm>> -> memref<80xi32, #tpu.memory_space<hbm>>
    tpu.enqueue_dma source(%dma_start3A_110 : memref<80xi32, #tpu.memory_space<hbm>>) target(%arg19 : memref<80xi32, #tpu.memory_space<vmem>>) target_semaphore(%arg31 : memref<!tpu.dma_semaphore, #tpu.memory_space<semaphore_mem>>)
    %scan3A = arith.constant 0 : i32
    %scan3A_111 = arith.constant 9 : i32
    %scan3A_112 = arith.addi %scan3A, %scan3A_111 : i32
    %scan3A_113 = arith.constant 1 : i32
    scf.for %scan3A_364 = %scan3A to %scan3A_112 step %scan3A_113  : i32 {
      %mul3A_365 = arith.constant 1 : i32
      %mul3A_366 = arith.muli %scan3A_364, %mul3A_365 : i32
      %add3A_367 = arith.constant 0 : i32
      %add3A_368 = arith.addi %add3A_367, %mul3A_366 : i32
      %mul3A_369 = arith.constant 12 : i32
      %mul3A_370 = arith.muli %mul3A_369, %add3A_368 : i32
      %add3A_371 = arith.constant 2 : i32
      %add3A_372 = arith.addi %mul3A_370, %add3A_371 : i32
      %add3A_373 = arith.constant 0 : i32
      %add3A_374 = arith.addi %add3A_372, %add3A_373 : i32
      %mul3A_375 = arith.constant 80 : i32
      %mul3A_376 = arith.muli %add3A_374, %mul3A_375 : i32
      %dma_wait3A_377 = arith.constant 0 : i32
      %dma_wait3A_378 = tpu.memref_slice %arg2[%dma_wait3A_377, %add3A, %mul3A_376] : memref<2x32x10000xi32, #tpu.memory_space<hbm>> -> memref<1x1x80xi32, #tpu.memory_space<hbm>>
      %dma_wait3A_379 = tpu.memref_squeeze %dma_wait3A_378 : memref<1x1x80xi32, #tpu.memory_space<hbm>> -> memref<80xi32, #tpu.memory_space<hbm>>
      %dma_wait3A_380 = tpu.memref_slice %arg2[%dma_wait3A_377, %add3A, %mul3A_376] : memref<2x32x10000xi32, #tpu.memory_space<hbm>> -> memref<1x1x80xi32, #tpu.memory_space<hbm>>
      %dma_wait3A_381 = tpu.memref_squeeze %dma_wait3A_380 : memref<1x1x80xi32, #tpu.memory_space<hbm>> -> memref<80xi32, #tpu.memory_space<hbm>>
      tpu.wait_dma2 semaphore(%arg22 : memref<!tpu.dma_semaphore, #tpu.memory_space<semaphore_mem>>) src(%dma_wait3A_381 : memref<80xi32, #tpu.memory_space<hbm>>) dst(%arg10 : memref<80xi32, #tpu.memory_space<vmem>>)
      %dma_start3A_382 = arith.constant 0 : i32
      %dma_start3A_383 = arith.constant 0 : i32
      %dma_start3A_384 = tpu.memref_slice %arg7[%dma_start3A_382, %dma_start3A_383] : memref<10000x8xf32, #tpu.memory_space<vmem_shared>> -> memref<10000x8xf32, #tpu.memory_space<vmem_shared>>
      tpu.enqueue_indirect_dma source(%arg6 : memref<80x8xf32, #tpu.memory_space<vmem>>) target(%dma_start3A_384 : memref<10000x8xf32, #tpu.memory_space<vmem_shared>>) offsets(%arg10 : memref<80xi32, #tpu.memory_space<vmem>>) semaphore(%arg34 : memref<!tpu.dma_semaphore, #tpu.memory_space<semaphore_mem>>) {add = true}
      %dma_wait3A_385 = arith.constant 0 : i32
      %dma_wait3A_386 = arith.constant 0 : i32
      %dma_wait3A_387 = tpu.memref_slice %arg7[%dma_wait3A_385, %dma_wait3A_386] : memref<10000x8xf32, #tpu.memory_space<vmem_shared>> -> memref<10000x8xf32, #tpu.memory_space<vmem_shared>>
      tpu.wait_indirect_dma semaphore(%arg32 : memref<!tpu.dma_semaphore, #tpu.memory_space<semaphore_mem>>) src(%arg6 : memref<80x8xf32, #tpu.memory_space<vmem>>) dst(%dma_wait3A_387 : memref<10000x8xf32, #tpu.memory_space<vmem_shared>>)
      %add3A_388 = arith.constant 10 : i32
      %add3A_389 = arith.addi %add3A_374, %add3A_388 : i32
      %mul3A_390 = arith.constant 80 : i32
      %mul3A_391 = arith.muli %add3A_389, %mul3A_390 : i32
      %dma_start3A_392 = arith.constant 0 : i32
      %dma_start3A_393 = tpu.memref_slice %arg2[%dma_start3A_392, %add3A, %mul3A_391] : memref<2x32x10000xi32, #tpu.memory_space<hbm>> -> memref<1x1x80xi32, #tpu.memory_space<hbm>>
      %dma_start3A_394 = tpu.memref_squeeze %dma_start3A_393 : memref<1x1x80xi32, #tpu.memory_space<hbm>> -> memref<80xi32, #tpu.memory_space<hbm>>
      %dma_start3A_395 = tpu.memref_slice %arg2[%dma_start3A_392, %add3A, %mul3A_391] : memref<2x32x10000xi32, #tpu.memory_space<hbm>> -> memref<1x1x80xi32, #tpu.memory_space<hbm>>
      %dma_start3A_396 = tpu.memref_squeeze %dma_start3A_395 : memref<1x1x80xi32, #tpu.memory_space<hbm>> -> memref<80xi32, #tpu.memory_space<hbm>>
      tpu.enqueue_dma source(%dma_start3A_396 : memref<80xi32, #tpu.memory_space<hbm>>) target(%arg8 : memref<80xi32, #tpu.memory_space<vmem>>) target_semaphore(%arg20 : memref<!tpu.dma_semaphore, #tpu.memory_space<semaphore_mem>>)
      %mul3A_397 = arith.constant 12 : i32
      %mul3A_398 = arith.muli %mul3A_397, %add3A_368 : i32
      %add3A_399 = arith.constant 2 : i32
      %add3A_400 = arith.addi %mul3A_398, %add3A_399 : i32
      %add3A_401 = arith.constant 1 : i32
      %add3A_402 = arith.addi %add3A_400, %add3A_401 : i32
      %mul3A_403 = arith.constant 80 : i32
      %mul3A_404 = arith.muli %add3A_402, %mul3A_403 : i32
      %dma_wait3A_405 = arith.constant 0 : i32
      %dma_wait3A_406 = tpu.memref_slice %arg2[%dma_wait3A_405, %add3A, %mul3A_404] : memref<2x32x10000xi32, #tpu.memory_space<hbm>> -> memref<1x1x80xi32, #tpu.memory_space<hbm>>
      %dma_wait3A_407 = tpu.memref_squeeze %dma_wait3A_406 : memref<1x1x80xi32, #tpu.memory_space<hbm>> -> memref<80xi32, #tpu.memory_space<hbm>>
      %dma_wait3A_408 = tpu.memref_slice %arg2[%dma_wait3A_405, %add3A, %mul3A_404] : memref<2x32x10000xi32, #tpu.memory_space<hbm>> -> memref<1x1x80xi32, #tpu.memory_space<hbm>>
      %dma_wait3A_409 = tpu.memref_squeeze %dma_wait3A_408 : memref<1x1x80xi32, #tpu.memory_space<hbm>> -> memref<80xi32, #tpu.memory_space<hbm>>
      tpu.wait_dma2 semaphore(%arg23 : memref<!tpu.dma_semaphore, #tpu.memory_space<semaphore_mem>>) src(%dma_wait3A_409 : memref<80xi32, #tpu.memory_space<hbm>>) dst(%arg11 : memref<80xi32, #tpu.memory_space<vmem>>)
      %dma_start3A_410 = arith.constant 0 : i32
      %dma_start3A_411 = arith.constant 0 : i32
      %dma_start3A_412 = tpu.memref_slice %arg7[%dma_start3A_410, %dma_start3A_411] : memref<10000x8xf32, #tpu.memory_space<vmem_shared>> -> memref<10000x8xf32, #tpu.memory_space<vmem_shared>>
      tpu.enqueue_indirect_dma source(%arg6 : memref<80x8xf32, #tpu.memory_space<vmem>>) target(%dma_start3A_412 : memref<10000x8xf32, #tpu.memory_space<vmem_shared>>) offsets(%arg11 : memref<80xi32, #tpu.memory_space<vmem>>) semaphore(%arg35 : memref<!tpu.dma_semaphore, #tpu.memory_space<semaphore_mem>>) {add = true}
      %dma_wait3A_413 = arith.constant 0 : i32
      %dma_wait3A_414 = arith.constant 0 : i32
      %dma_wait3A_415 = tpu.memref_slice %arg7[%dma_wait3A_413, %dma_wait3A_414] : memref<10000x8xf32, #tpu.memory_space<vmem_shared>> -> memref<10000x8xf32, #tpu.memory_space<vmem_shared>>
      tpu.wait_indirect_dma semaphore(%arg33 : memref<!tpu.dma_semaphore, #tpu.memory_space<semaphore_mem>>) src(%arg6 : memref<80x8xf32, #tpu.memory_space<vmem>>) dst(%dma_wait3A_415 : memref<10000x8xf32, #tpu.memory_space<vmem_shared>>)
      %add3A_416 = arith.constant 10 : i32
      %add3A_417 = arith.addi %add3A_402, %add3A_416 : i32
      %mul3A_418 = arith.constant 80 : i32
      %mul3A_419 = arith.muli %add3A_417, %mul3A_418 : i32
      %dma_start3A_420 = arith.constant 0 : i32
      %dma_start3A_421 = tpu.memref_slice %arg2[%dma_start3A_420, %add3A, %mul3A_419] : memref<2x32x10000xi32, #tpu.memory_space<hbm>> -> memref<1x1x80xi32, #tpu.memory_space<hbm>>
      %dma_start3A_422 = tpu.memref_squeeze %dma_start3A_421 : memref<1x1x80xi32, #tpu.memory_space<hbm>> -> memref<80xi32, #tpu.memory_space<hbm>>
      %dma_start3A_423 = tpu.memref_slice %arg2[%dma_start3A_420, %add3A, %mul3A_419] : memref<2x32x10000xi32, #tpu.memory_space<hbm>> -> memref<1x1x80xi32, #tpu.memory_space<hbm>>
      %dma_start3A_424 = tpu.memref_squeeze %dma_start3A_423 : memref<1x1x80xi32, #tpu.memory_space<hbm>> -> memref<80xi32, #tpu.memory_space<hbm>>
      tpu.enqueue_dma source(%dma_start3A_424 : memref<80xi32, #tpu.memory_space<hbm>>) target(%arg9 : memref<80xi32, #tpu.memory_space<vmem>>) target_semaphore(%arg21 : memref<!tpu.dma_semaphore, #tpu.memory_space<semaphore_mem>>)
      %mul3A_425 = arith.constant 12 : i32
      %mul3A_426 = arith.muli %mul3A_425, %add3A_368 : i32
      %add3A_427 = arith.constant 2 : i32
      %add3A_428 = arith.addi %mul3A_426, %add3A_427 : i32
      %add3A_429 = arith.constant 2 : i32
      %add3A_430 = arith.addi %add3A_428, %add3A_429 : i32
      %mul3A_431 = arith.constant 80 : i32
      %mul3A_432 = arith.muli %add3A_430, %mul3A_431 : i32
      %dma_wait3A_433 = arith.constant 0 : i32
      %dma_wait3A_434 = tpu.memref_slice %arg2[%dma_wait3A_433, %add3A, %mul3A_432] : memref<2x32x10000xi32, #tpu.memory_space<hbm>> -> memref<1x1x80xi32, #tpu.memory_space<hbm>>
      %dma_wait3A_435 = tpu.memref_squeeze %dma_wait3A_434 : memref<1x1x80xi32, #tpu.memory_space<hbm>> -> memref<80xi32, #tpu.memory_space<hbm>>
      %dma_wait3A_436 = tpu.memref_slice %arg2[%dma_wait3A_433, %add3A, %mul3A_432] : memref<2x32x10000xi32, #tpu.memory_space<hbm>> -> memref<1x1x80xi32, #tpu.memory_space<hbm>>
      %dma_wait3A_437 = tpu.memref_squeeze %dma_wait3A_436 : memref<1x1x80xi32, #tpu.memory_space<hbm>> -> memref<80xi32, #tpu.memory_space<hbm>>
      tpu.wait_dma2 semaphore(%arg24 : memref<!tpu.dma_semaphore, #tpu.memory_space<semaphore_mem>>) src(%dma_wait3A_437 : memref<80xi32, #tpu.memory_space<hbm>>) dst(%arg12 : memref<80xi32, #tpu.memory_space<vmem>>)
      %dma_start3A_438 = arith.constant 0 : i32
      %dma_start3A_439 = arith.constant 0 : i32
      %dma_start3A_440 = tpu.memref_slice %arg7[%dma_start3A_438, %dma_start3A_439] : memref<10000x8xf32, #tpu.memory_space<vmem_shared>> -> memref<10000x8xf32, #tpu.memory_space<vmem_shared>>
      tpu.enqueue_indirect_dma source(%arg6 : memref<80x8xf32, #tpu.memory_space<vmem>>) target(%dma_start3A_440 : memref<10000x8xf32, #tpu.memory_space<vmem_shared>>) offsets(%arg12 : memref<80xi32, #tpu.memory_space<vmem>>) semaphore(%arg36 : memref<!tpu.dma_semaphore, #tpu.memory_space<semaphore_mem>>) {add = true}
      %dma_wait3A_441 = arith.constant 0 : i32
      %dma_wait3A_442 = arith.constant 0 : i32
      %dma_wait3A_443 = tpu.memref_slice %arg7[%dma_wait3A_441, %dma_wait3A_442] : memref<10000x8xf32, #tpu.memory_space<vmem_shared>> -> memref<10000x8xf32, #tpu.memory_space<vmem_shared>>
      tpu.wait_indirect_dma semaphore(%arg34 : memref<!tpu.dma_semaphore, #tpu.memory_space<semaphore_mem>>) src(%arg6 : memref<80x8xf32, #tpu.memory_space<vmem>>) dst(%dma_wait3A_443 : memref<10000x8xf32, #tpu.memory_space<vmem_shared>>)
      %add3A_444 = arith.constant 10 : i32
      %add3A_445 = arith.addi %add3A_430, %add3A_444 : i32
      %mul3A_446 = arith.constant 80 : i32
      %mul3A_447 = arith.muli %add3A_445, %mul3A_446 : i32
      %dma_start3A_448 = arith.constant 0 : i32
      %dma_start3A_449 = tpu.memref_slice %arg2[%dma_start3A_448, %add3A, %mul3A_447] : memref<2x32x10000xi32, #tpu.memory_space<hbm>> -> memref<1x1x80xi32, #tpu.memory_space<hbm>>
      %dma_start3A_450 = tpu.memref_squeeze %dma_start3A_449 : memref<1x1x80xi32, #tpu.memory_space<hbm>> -> memref<80xi32, #tpu.memory_space<hbm>>
      %dma_start3A_451 = tpu.memref_slice %arg2[%dma_start3A_448, %add3A, %mul3A_447] : memref<2x32x10000xi32, #tpu.memory_space<hbm>> -> memref<1x1x80xi32, #tpu.memory_space<hbm>>
      %dma_start3A_452 = tpu.memref_squeeze %dma_start3A_451 : memref<1x1x80xi32, #tpu.memory_space<hbm>> -> memref<80xi32, #tpu.memory_space<hbm>>
      tpu.enqueue_dma source(%dma_start3A_452 : memref<80xi32, #tpu.memory_space<hbm>>) target(%arg10 : memref<80xi32, #tpu.memory_space<vmem>>) target_semaphore(%arg22 : memref<!tpu.dma_semaphore, #tpu.memory_space<semaphore_mem>>)
      %mul3A_453 = arith.constant 12 : i32
      %mul3A_454 = arith.muli %mul3A_453, %add3A_368 : i32
      %add3A_455 = arith.constant 2 : i32
      %add3A_456 = arith.addi %mul3A_454, %add3A_455 : i32
      %add3A_457 = arith.constant 3 : i32
      %add3A_458 = arith.addi %add3A_456, %add3A_457 : i32
      %mul3A_459 = arith.constant 80 : i32
      %mul3A_460 = arith.muli %add3A_458, %mul3A_459 : i32
      %dma_wait3A_461 = arith.constant 0 : i32
      %dma_wait3A_462 = tpu.memref_slice %arg2[%dma_wait3A_461, %add3A, %mul3A_460] : memref<2x32x10000xi32, #tpu.memory_space<hbm>> -> memref<1x1x80xi32, #tpu.memory_space<hbm>>
      %dma_wait3A_463 = tpu.memref_squeeze %dma_wait3A_462 : memref<1x1x80xi32, #tpu.memory_space<hbm>> -> memref<80xi32, #tpu.memory_space<hbm>>
      %dma_wait3A_464 = tpu.memref_slice %arg2[%dma_wait3A_461, %add3A, %mul3A_460] : memref<2x32x10000xi32, #tpu.memory_space<hbm>> -> memref<1x1x80xi32, #tpu.memory_space<hbm>>
      %dma_wait3A_465 = tpu.memref_squeeze %dma_wait3A_464 : memref<1x1x80xi32, #tpu.memory_space<hbm>> -> memref<80xi32, #tpu.memory_space<hbm>>
      tpu.wait_dma2 semaphore(%arg25 : memref<!tpu.dma_semaphore, #tpu.memory_space<semaphore_mem>>) src(%dma_wait3A_465 : memref<80xi32, #tpu.memory_space<hbm>>) dst(%arg13 : memref<80xi32, #tpu.memory_space<vmem>>)
      %dma_start3A_466 = arith.constant 0 : i32
      %dma_start3A_467 = arith.constant 0 : i32
      %dma_start3A_468 = tpu.memref_slice %arg7[%dma_start3A_466, %dma_start3A_467] : memref<10000x8xf32, #tpu.memory_space<vmem_shared>> -> memref<10000x8xf32, #tpu.memory_space<vmem_shared>>
      tpu.enqueue_indirect_dma source(%arg6 : memref<80x8xf32, #tpu.memory_space<vmem>>) target(%dma_start3A_468 : memref<10000x8xf32, #tpu.memory_space<vmem_shared>>) offsets(%arg13 : memref<80xi32, #tpu.memory_space<vmem>>) semaphore(%arg37 : memref<!tpu.dma_semaphore, #tpu.memory_space<semaphore_mem>>) {add = true}
      %dma_wait3A_469 = arith.constant 0 : i32
      %dma_wait3A_470 = arith.constant 0 : i32
      %dma_wait3A_471 = tpu.memref_slice %arg7[%dma_wait3A_469, %dma_wait3A_470] : memref<10000x8xf32, #tpu.memory_space<vmem_shared>> -> memref<10000x8xf32, #tpu.memory_space<vmem_shared>>
      tpu.wait_indirect_dma semaphore(%arg35 : memref<!tpu.dma_semaphore, #tpu.memory_space<semaphore_mem>>) src(%arg6 : memref<80x8xf32, #tpu.memory_space<vmem>>) dst(%dma_wait3A_471 : memref<10000x8xf32, #tpu.memory_space<vmem_shared>>)
      %add3A_472 = arith.constant 10 : i32
      %add3A_473 = arith.addi %add3A_458, %add3A_472 : i32
      %mul3A_474 = arith.constant 80 : i32
      %mul3A_475 = arith.muli %add3A_473, %mul3A_474 : i32
      %dma_start3A_476 = arith.constant 0 : i32
      %dma_start3A_477 = tpu.memref_slice %arg2[%dma_start3A_476, %add3A, %mul3A_475] : memref<2x32x10000xi32, #tpu.memory_space<hbm>> -> memref<1x1x80xi32, #tpu.memory_space<hbm>>
      %dma_start3A_478 = tpu.memref_squeeze %dma_start3A_477 : memref<1x1x80xi32, #tpu.memory_space<hbm>> -> memref<80xi32, #tpu.memory_space<hbm>>
      %dma_start3A_479 = tpu.memref_slice %arg2[%dma_start3A_476, %add3A, %mul3A_475] : memref<2x32x10000xi32, #tpu.memory_space<hbm>> -> memref<1x1x80xi32, #tpu.memory_space<hbm>>
      %dma_start3A_480 = tpu.memref_squeeze %dma_start3A_479 : memref<1x1x80xi32, #tpu.memory_space<hbm>> -> memref<80xi32, #tpu.memory_space<hbm>>
      tpu.enqueue_dma source(%dma_start3A_480 : memref<80xi32, #tpu.memory_space<hbm>>) target(%arg11 : memref<80xi32, #tpu.memory_space<vmem>>) target_semaphore(%arg23 : memref<!tpu.dma_semaphore, #tpu.memory_space<semaphore_mem>>)
      %mul3A_481 = arith.constant 12 : i32
      %mul3A_482 = arith.muli %mul3A_481, %add3A_368 : i32
      %add3A_483 = arith.constant 2 : i32
      %add3A_484 = arith.addi %mul3A_482, %add3A_483 : i32
      %add3A_485 = arith.constant 4 : i32
      %add3A_486 = arith.addi %add3A_484, %add3A_485 : i32
      %mul3A_487 = arith.constant 80 : i32
      %mul3A_488 = arith.muli %add3A_486, %mul3A_487 : i32
      %dma_wait3A_489 = arith.constant 0 : i32
      %dma_wait3A_490 = tpu.memref_slice %arg2[%dma_wait3A_489, %add3A, %mul3A_488] : memref<2x32x10000xi32, #tpu.memory_space<hbm>> -> memref<1x1x80xi32, #tpu.memory_space<hbm>>
      %dma_wait3A_491 = tpu.memref_squeeze %dma_wait3A_490 : memref<1x1x80xi32, #tpu.memory_space<hbm>> -> memref<80xi32, #tpu.memory_space<hbm>>
      %dma_wait3A_492 = tpu.memref_slice %arg2[%dma_wait3A_489, %add3A, %mul3A_488] : memref<2x32x10000xi32, #tpu.memory_space<hbm>> -> memref<1x1x80xi32, #tpu.memory_space<hbm>>
      %dma_wait3A_493 = tpu.memref_squeeze %dma_wait3A_492 : memref<1x1x80xi32, #tpu.memory_space<hbm>> -> memref<80xi32, #tpu.memory_space<hbm>>
      tpu.wait_dma2 semaphore(%arg26 : memref<!tpu.dma_semaphore, #tpu.memory_space<semaphore_mem>>) src(%dma_wait3A_493 : memref<80xi32, #tpu.memory_space<hbm>>) dst(%arg14 : memref<80xi32, #tpu.memory_space<vmem>>)
      %dma_start3A_494 = arith.constant 0 : i32
      %dma_start3A_495 = arith.constant 0 : i32
      %dma_start3A_496 = tpu.memref_slice %arg7[%dma_start3A_494, %dma_start3A_495] : memref<10000x8xf32, #tpu.memory_space<vmem_shared>> -> memref<10000x8xf32, #tpu.memory_space<vmem_shared>>
      tpu.enqueue_indirect_dma source(%arg6 : memref<80x8xf32, #tpu.memory_space<vmem>>) target(%dma_start3A_496 : memref<10000x8xf32, #tpu.memory_space<vmem_shared>>) offsets(%arg14 : memref<80xi32, #tpu.memory_space<vmem>>) semaphore(%arg38 : memref<!tpu.dma_semaphore, #tpu.memory_space<semaphore_mem>>) {add = true}
      %dma_wait3A_497 = arith.constant 0 : i32
      %dma_wait3A_498 = arith.constant 0 : i32
      %dma_wait3A_499 = tpu.memref_slice %arg7[%dma_wait3A_497, %dma_wait3A_498] : memref<10000x8xf32, #tpu.memory_space<vmem_shared>> -> memref<10000x8xf32, #tpu.memory_space<vmem_shared>>
      tpu.wait_indirect_dma semaphore(%arg36 : memref<!tpu.dma_semaphore, #tpu.memory_space<semaphore_mem>>) src(%arg6 : memref<80x8xf32, #tpu.memory_space<vmem>>) dst(%dma_wait3A_499 : memref<10000x8xf32, #tpu.memory_space<vmem_shared>>)
      %add3A_500 = arith.constant 10 : i32
      %add3A_501 = arith.addi %add3A_486, %add3A_500 : i32
      %mul3A_502 = arith.constant 80 : i32
      %mul3A_503 = arith.muli %add3A_501, %mul3A_502 : i32
      %dma_start3A_504 = arith.constant 0 : i32
      %dma_start3A_505 = tpu.memref_slice %arg2[%dma_start3A_504, %add3A, %mul3A_503] : memref<2x32x10000xi32, #tpu.memory_space<hbm>> -> memref<1x1x80xi32, #tpu.memory_space<hbm>>
      %dma_start3A_506 = tpu.memref_squeeze %dma_start3A_505 : memref<1x1x80xi32, #tpu.memory_space<hbm>> -> memref<80xi32, #tpu.memory_space<hbm>>
      %dma_start3A_507 = tpu.memref_slice %arg2[%dma_start3A_504, %add3A, %mul3A_503] : memref<2x32x10000xi32, #tpu.memory_space<hbm>> -> memref<1x1x80xi32, #tpu.memory_space<hbm>>
      %dma_start3A_508 = tpu.memref_squeeze %dma_start3A_507 : memref<1x1x80xi32, #tpu.memory_space<hbm>> -> memref<80xi32, #tpu.memory_space<hbm>>
      tpu.enqueue_dma source(%dma_start3A_508 : memref<80xi32, #tpu.memory_space<hbm>>) target(%arg12 : memref<80xi32, #tpu.memory_space<vmem>>) target_semaphore(%arg24 : memref<!tpu.dma_semaphore, #tpu.memory_space<semaphore_mem>>)
      %mul3A_509 = arith.constant 12 : i32
      %mul3A_510 = arith.muli %mul3A_509, %add3A_368 : i32
      %add3A_511 = arith.constant 2 : i32
      %add3A_512 = arith.addi %mul3A_510, %add3A_511 : i32
      %add3A_513 = arith.constant 5 : i32
      %add3A_514 = arith.addi %add3A_512, %add3A_513 : i32
      %mul3A_515 = arith.constant 80 : i32
      %mul3A_516 = arith.muli %add3A_514, %mul3A_515 : i32
      %dma_wait3A_517 = arith.constant 0 : i32
      %dma_wait3A_518 = tpu.memref_slice %arg2[%dma_wait3A_517, %add3A, %mul3A_516] : memref<2x32x10000xi32, #tpu.memory_space<hbm>> -> memref<1x1x80xi32, #tpu.memory_space<hbm>>
      %dma_wait3A_519 = tpu.memref_squeeze %dma_wait3A_518 : memref<1x1x80xi32, #tpu.memory_space<hbm>> -> memref<80xi32, #tpu.memory_space<hbm>>
      %dma_wait3A_520 = tpu.memref_slice %arg2[%dma_wait3A_517, %add3A, %mul3A_516] : memref<2x32x10000xi32, #tpu.memory_space<hbm>> -> memref<1x1x80xi32, #tpu.memory_space<hbm>>
      %dma_wait3A_521 = tpu.memref_squeeze %dma_wait3A_520 : memref<1x1x80xi32, #tpu.memory_space<hbm>> -> memref<80xi32, #tpu.memory_space<hbm>>
      tpu.wait_dma2 semaphore(%arg27 : memref<!tpu.dma_semaphore, #tpu.memory_space<semaphore_mem>>) src(%dma_wait3A_521 : memref<80xi32, #tpu.memory_space<hbm>>) dst(%arg15 : memref<80xi32, #tpu.memory_space<vmem>>)
      %dma_start3A_522 = arith.constant 0 : i32
      %dma_start3A_523 = arith.constant 0 : i32
      %dma_start3A_524 = tpu.memref_slice %arg7[%dma_start3A_522, %dma_start3A_523] : memref<10000x8xf32, #tpu.memory_space<vmem_shared>> -> memref<10000x8xf32, #tpu.memory_space<vmem_shared>>
      tpu.enqueue_indirect_dma source(%arg6 : memref<80x8xf32, #tpu.memory_space<vmem>>) target(%dma_start3A_524 : memref<10000x8xf32, #tpu.memory_space<vmem_shared>>) offsets(%arg15 : memref<80xi32, #tpu.memory_space<vmem>>) semaphore(%arg39 : memref<!tpu.dma_semaphore, #tpu.memory_space<semaphore_mem>>) {add = true}
      %dma_wait3A_525 = arith.constant 0 : i32
      %dma_wait3A_526 = arith.constant 0 : i32
      %dma_wait3A_527 = tpu.memref_slice %arg7[%dma_wait3A_525, %dma_wait3A_526] : memref<10000x8xf32, #tpu.memory_space<vmem_shared>> -> memref<10000x8xf32, #tpu.memory_space<vmem_shared>>
      tpu.wait_indirect_dma semaphore(%arg37 : memref<!tpu.dma_semaphore, #tpu.memory_space<semaphore_mem>>) src(%arg6 : memref<80x8xf32, #tpu.memory_space<vmem>>) dst(%dma_wait3A_527 : memref<10000x8xf32, #tpu.memory_space<vmem_shared>>)
      %add3A_528 = arith.constant 10 : i32
      %add3A_529 = arith.addi %add3A_514, %add3A_528 : i32
      %mul3A_530 = arith.constant 80 : i32
      %mul3A_531 = arith.muli %add3A_529, %mul3A_530 : i32
      %dma_start3A_532 = arith.constant 0 : i32
      %dma_start3A_533 = tpu.memref_slice %arg2[%dma_start3A_532, %add3A, %mul3A_531] : memref<2x32x10000xi32, #tpu.memory_space<hbm>> -> memref<1x1x80xi32, #tpu.memory_space<hbm>>
      %dma_start3A_534 = tpu.memref_squeeze %dma_start3A_533 : memref<1x1x80xi32, #tpu.memory_space<hbm>> -> memref<80xi32, #tpu.memory_space<hbm>>
      %dma_start3A_535 = tpu.memref_slice %arg2[%dma_start3A_532, %add3A, %mul3A_531] : memref<2x32x10000xi32, #tpu.memory_space<hbm>> -> memref<1x1x80xi32, #tpu.memory_space<hbm>>
      %dma_start3A_536 = tpu.memref_squeeze %dma_start3A_535 : memref<1x1x80xi32, #tpu.memory_space<hbm>> -> memref<80xi32, #tpu.memory_space<hbm>>
      tpu.enqueue_dma source(%dma_start3A_536 : memref<80xi32, #tpu.memory_space<hbm>>) target(%arg13 : memref<80xi32, #tpu.memory_space<vmem>>) target_semaphore(%arg25 : memref<!tpu.dma_semaphore, #tpu.memory_space<semaphore_mem>>)
      %mul3A_537 = arith.constant 12 : i32
      %mul3A_538 = arith.muli %mul3A_537, %add3A_368 : i32
      %add3A_539 = arith.constant 2 : i32
      %add3A_540 = arith.addi %mul3A_538, %add3A_539 : i32
      %add3A_541 = arith.constant 6 : i32
      %add3A_542 = arith.addi %add3A_540, %add3A_541 : i32
      %mul3A_543 = arith.constant 80 : i32
      %mul3A_544 = arith.muli %add3A_542, %mul3A_543 : i32
      %dma_wait3A_545 = arith.constant 0 : i32
      %dma_wait3A_546 = tpu.memref_slice %arg2[%dma_wait3A_545, %add3A, %mul3A_544] : memref<2x32x10000xi32, #tpu.memory_space<hbm>> -> memref<1x1x80xi32, #tpu.memory_space<hbm>>
      %dma_wait3A_547 = tpu.memref_squeeze %dma_wait3A_546 : memref<1x1x80xi32, #tpu.memory_space<hbm>> -> memref<80xi32, #tpu.memory_space<hbm>>
      %dma_wait3A_548 = tpu.memref_slice %arg2[%dma_wait3A_545, %add3A, %mul3A_544] : memref<2x32x10000xi32, #tpu.memory_space<hbm>> -> memref<1x1x80xi32, #tpu.memory_space<hbm>>
      %dma_wait3A_549 = tpu.memref_squeeze %dma_wait3A_548 : memref<1x1x80xi32, #tpu.memory_space<hbm>> -> memref<80xi32, #tpu.memory_space<hbm>>
      tpu.wait_dma2 semaphore(%arg28 : memref<!tpu.dma_semaphore, #tpu.memory_space<semaphore_mem>>) src(%dma_wait3A_549 : memref<80xi32, #tpu.memory_space<hbm>>) dst(%arg16 : memref<80xi32, #tpu.memory_space<vmem>>)
      %dma_start3A_550 = arith.constant 0 : i32
      %dma_start3A_551 = arith.constant 0 : i32
      %dma_start3A_552 = tpu.memref_slice %arg7[%dma_start3A_550, %dma_start3A_551] : memref<10000x8xf32, #tpu.memory_space<vmem_shared>> -> memref<10000x8xf32, #tpu.memory_space<vmem_shared>>
      tpu.enqueue_indirect_dma source(%arg6 : memref<80x8xf32, #tpu.memory_space<vmem>>) target(%dma_start3A_552 : memref<10000x8xf32, #tpu.memory_space<vmem_shared>>) offsets(%arg16 : memref<80xi32, #tpu.memory_space<vmem>>) semaphore(%arg40 : memref<!tpu.dma_semaphore, #tpu.memory_space<semaphore_mem>>) {add = true}
      %dma_wait3A_553 = arith.constant 0 : i32
      %dma_wait3A_554 = arith.constant 0 : i32
      %dma_wait3A_555 = tpu.memref_slice %arg7[%dma_wait3A_553, %dma_wait3A_554] : memref<10000x8xf32, #tpu.memory_space<vmem_shared>> -> memref<10000x8xf32, #tpu.memory_space<vmem_shared>>
      tpu.wait_indirect_dma semaphore(%arg38 : memref<!tpu.dma_semaphore, #tpu.memory_space<semaphore_mem>>) src(%arg6 : memref<80x8xf32, #tpu.memory_space<vmem>>) dst(%dma_wait3A_555 : memref<10000x8xf32, #tpu.memory_space<vmem_shared>>)
      %add3A_556 = arith.constant 10 : i32
      %add3A_557 = arith.addi %add3A_542, %add3A_556 : i32
      %mul3A_558 = arith.constant 80 : i32
      %mul3A_559 = arith.muli %add3A_557, %mul3A_558 : i32
      %dma_start3A_560 = arith.constant 0 : i32
      %dma_start3A_561 = tpu.memref_slice %arg2[%dma_start3A_560, %add3A, %mul3A_559] : memref<2x32x10000xi32, #tpu.memory_space<hbm>> -> memref<1x1x80xi32, #tpu.memory_space<hbm>>
      %dma_start3A_562 = tpu.memref_squeeze %dma_start3A_561 : memref<1x1x80xi32, #tpu.memory_space<hbm>> -> memref<80xi32, #tpu.memory_space<hbm>>
      %dma_start3A_563 = tpu.memref_slice %arg2[%dma_start3A_560, %add3A, %mul3A_559] : memref<2x32x10000xi32, #tpu.memory_space<hbm>> -> memref<1x1x80xi32, #tpu.memory_space<hbm>>
      %dma_start3A_564 = tpu.memref_squeeze %dma_start3A_563 : memref<1x1x80xi32, #tpu.memory_space<hbm>> -> memref<80xi32, #tpu.memory_space<hbm>>
      tpu.enqueue_dma source(%dma_start3A_564 : memref<80xi32, #tpu.memory_space<hbm>>) target(%arg14 : memref<80xi32, #tpu.memory_space<vmem>>) target_semaphore(%arg26 : memref<!tpu.dma_semaphore, #tpu.memory_space<semaphore_mem>>)
      %mul3A_565 = arith.constant 12 : i32
      %mul3A_566 = arith.muli %mul3A_565, %add3A_368 : i32
      %add3A_567 = arith.constant 2 : i32
      %add3A_568 = arith.addi %mul3A_566, %add3A_567 : i32
      %add3A_569 = arith.constant 7 : i32
      %add3A_570 = arith.addi %add3A_568, %add3A_569 : i32
      %mul3A_571 = arith.constant 80 : i32
      %mul3A_572 = arith.muli %add3A_570, %mul3A_571 : i32
      %dma_wait3A_573 = arith.constant 0 : i32
      %dma_wait3A_574 = tpu.memref_slice %arg2[%dma_wait3A_573, %add3A, %mul3A_572] : memref<2x32x10000xi32, #tpu.memory_space<hbm>> -> memref<1x1x80xi32, #tpu.memory_space<hbm>>
      %dma_wait3A_575 = tpu.memref_squeeze %dma_wait3A_574 : memref<1x1x80xi32, #tpu.memory_space<hbm>> -> memref<80xi32, #tpu.memory_space<hbm>>
      %dma_wait3A_576 = tpu.memref_slice %arg2[%dma_wait3A_573, %add3A, %mul3A_572] : memref<2x32x10000xi32, #tpu.memory_space<hbm>> -> memref<1x1x80xi32, #tpu.memory_space<hbm>>
      %dma_wait3A_577 = tpu.memref_squeeze %dma_wait3A_576 : memref<1x1x80xi32, #tpu.memory_space<hbm>> -> memref<80xi32, #tpu.memory_space<hbm>>
      tpu.wait_dma2 semaphore(%arg29 : memref<!tpu.dma_semaphore, #tpu.memory_space<semaphore_mem>>) src(%dma_wait3A_577 : memref<80xi32, #tpu.memory_space<hbm>>) dst(%arg17 : memref<80xi32, #tpu.memory_space<vmem>>)
      %dma_start3A_578 = arith.constant 0 : i32
      %dma_start3A_579 = arith.constant 0 : i32
      %dma_start3A_580 = tpu.memref_slice %arg7[%dma_start3A_578, %dma_start3A_579] : memref<10000x8xf32, #tpu.memory_space<vmem_shared>> -> memref<10000x8xf32, #tpu.memory_space<vmem_shared>>
      tpu.enqueue_indirect_dma source(%arg6 : memref<80x8xf32, #tpu.memory_space<vmem>>) target(%dma_start3A_580 : memref<10000x8xf32, #tpu.memory_space<vmem_shared>>) offsets(%arg17 : memref<80xi32, #tpu.memory_space<vmem>>) semaphore(%arg41 : memref<!tpu.dma_semaphore, #tpu.memory_space<semaphore_mem>>) {add = true}
      %dma_wait3A_581 = arith.constant 0 : i32
      %dma_wait3A_582 = arith.constant 0 : i32
      %dma_wait3A_583 = tpu.memref_slice %arg7[%dma_wait3A_581, %dma_wait3A_582] : memref<10000x8xf32, #tpu.memory_space<vmem_shared>> -> memref<10000x8xf32, #tpu.memory_space<vmem_shared>>
      tpu.wait_indirect_dma semaphore(%arg39 : memref<!tpu.dma_semaphore, #tpu.memory_space<semaphore_mem>>) src(%arg6 : memref<80x8xf32, #tpu.memory_space<vmem>>) dst(%dma_wait3A_583 : memref<10000x8xf32, #tpu.memory_space<vmem_shared>>)
      %add3A_584 = arith.constant 10 : i32
      %add3A_585 = arith.addi %add3A_570, %add3A_584 : i32
      %mul3A_586 = arith.constant 80 : i32
      %mul3A_587 = arith.muli %add3A_585, %mul3A_586 : i32
      %dma_start3A_588 = arith.constant 0 : i32
      %dma_start3A_589 = tpu.memref_slice %arg2[%dma_start3A_588, %add3A, %mul3A_587] : memref<2x32x10000xi32, #tpu.memory_space<hbm>> -> memref<1x1x80xi32, #tpu.memory_space<hbm>>
      %dma_start3A_590 = tpu.memref_squeeze %dma_start3A_589 : memref<1x1x80xi32, #tpu.memory_space<hbm>> -> memref<80xi32, #tpu.memory_space<hbm>>
      %dma_start3A_591 = tpu.memref_slice %arg2[%dma_start3A_588, %add3A, %mul3A_587] : memref<2x32x10000xi32, #tpu.memory_space<hbm>> -> memref<1x1x80xi32, #tpu.memory_space<hbm>>
      %dma_start3A_592 = tpu.memref_squeeze %dma_start3A_591 : memref<1x1x80xi32, #tpu.memory_space<hbm>> -> memref<80xi32, #tpu.memory_space<hbm>>
      tpu.enqueue_dma source(%dma_start3A_592 : memref<80xi32, #tpu.memory_space<hbm>>) target(%arg15 : memref<80xi32, #tpu.memory_space<vmem>>) target_semaphore(%arg27 : memref<!tpu.dma_semaphore, #tpu.memory_space<semaphore_mem>>)
      %mul3A_593 = arith.constant 12 : i32
      %mul3A_594 = arith.muli %mul3A_593, %add3A_368 : i32
      %add3A_595 = arith.constant 2 : i32
      %add3A_596 = arith.addi %mul3A_594, %add3A_595 : i32
      %add3A_597 = arith.constant 8 : i32
      %add3A_598 = arith.addi %add3A_596, %add3A_597 : i32
      %mul3A_599 = arith.constant 80 : i32
      %mul3A_600 = arith.muli %add3A_598, %mul3A_599 : i32
      %dma_wait3A_601 = arith.constant 0 : i32
      %dma_wait3A_602 = tpu.memref_slice %arg2[%dma_wait3A_601, %add3A, %mul3A_600] : memref<2x32x10000xi32, #tpu.memory_space<hbm>> -> memref<1x1x80xi32, #tpu.memory_space<hbm>>
      %dma_wait3A_603 = tpu.memref_squeeze %dma_wait3A_602 : memref<1x1x80xi32, #tpu.memory_space<hbm>> -> memref<80xi32, #tpu.memory_space<hbm>>
      %dma_wait3A_604 = tpu.memref_slice %arg2[%dma_wait3A_601, %add3A, %mul3A_600] : memref<2x32x10000xi32, #tpu.memory_space<hbm>> -> memref<1x1x80xi32, #tpu.memory_space<hbm>>
      %dma_wait3A_605 = tpu.memref_squeeze %dma_wait3A_604 : memref<1x1x80xi32, #tpu.memory_space<hbm>> -> memref<80xi32, #tpu.memory_space<hbm>>
      tpu.wait_dma2 semaphore(%arg30 : memref<!tpu.dma_semaphore, #tpu.memory_space<semaphore_mem>>) src(%dma_wait3A_605 : memref<80xi32, #tpu.memory_space<hbm>>) dst(%arg18 : memref<80xi32, #tpu.memory_space<vmem>>)
      %dma_start3A_606 = arith.constant 0 : i32
      %dma_start3A_607 = arith.constant 0 : i32
      %dma_start3A_608 = tpu.memref_slice %arg7[%dma_start3A_606, %dma_start3A_607] : memref<10000x8xf32, #tpu.memory_space<vmem_shared>> -> memref<10000x8xf32, #tpu.memory_space<vmem_shared>>
      tpu.enqueue_indirect_dma source(%arg6 : memref<80x8xf32, #tpu.memory_space<vmem>>) target(%dma_start3A_608 : memref<10000x8xf32, #tpu.memory_space<vmem_shared>>) offsets(%arg18 : memref<80xi32, #tpu.memory_space<vmem>>) semaphore(%arg42 : memref<!tpu.dma_semaphore, #tpu.memory_space<semaphore_mem>>) {add = true}
      %dma_wait3A_609 = arith.constant 0 : i32
      %dma_wait3A_610 = arith.constant 0 : i32
      %dma_wait3A_611 = tpu.memref_slice %arg7[%dma_wait3A_609, %dma_wait3A_610] : memref<10000x8xf32, #tpu.memory_space<vmem_shared>> -> memref<10000x8xf32, #tpu.memory_space<vmem_shared>>
      tpu.wait_indirect_dma semaphore(%arg40 : memref<!tpu.dma_semaphore, #tpu.memory_space<semaphore_mem>>) src(%arg6 : memref<80x8xf32, #tpu.memory_space<vmem>>) dst(%dma_wait3A_611 : memref<10000x8xf32, #tpu.memory_space<vmem_shared>>)
      %add3A_612 = arith.constant 10 : i32
      %add3A_613 = arith.addi %add3A_598, %add3A_612 : i32
      %mul3A_614 = arith.constant 80 : i32
      %mul3A_615 = arith.muli %add3A_613, %mul3A_614 : i32
      %dma_start3A_616 = arith.constant 0 : i32
      %dma_start3A_617 = tpu.memref_slice %arg2[%dma_start3A_616, %add3A, %mul3A_615] : memref<2x32x10000xi32, #tpu.memory_space<hbm>> -> memref<1x1x80xi32, #tpu.memory_space<hbm>>
      %dma_start3A_618 = tpu.memref_squeeze %dma_start3A_617 : memref<1x1x80xi32, #tpu.memory_space<hbm>> -> memref<80xi32, #tpu.memory_space<hbm>>
      %dma_start3A_619 = tpu.memref_slice %arg2[%dma_start3A_616, %add3A, %mul3A_615] : memref<2x32x10000xi32, #tpu.memory_space<hbm>> -> memref<1x1x80xi32, #tpu.memory_space<hbm>>
      %dma_start3A_620 = tpu.memref_squeeze %dma_start3A_619 : memref<1x1x80xi32, #tpu.memory_space<hbm>> -> memref<80xi32, #tpu.memory_space<hbm>>
      tpu.enqueue_dma source(%dma_start3A_620 : memref<80xi32, #tpu.memory_space<hbm>>) target(%arg16 : memref<80xi32, #tpu.memory_space<vmem>>) target_semaphore(%arg28 : memref<!tpu.dma_semaphore, #tpu.memory_space<semaphore_mem>>)
      %mul3A_621 = arith.constant 12 : i32
      %mul3A_622 = arith.muli %mul3A_621, %add3A_368 : i32
      %add3A_623 = arith.constant 2 : i32
      %add3A_624 = arith.addi %mul3A_622, %add3A_623 : i32
      %add3A_625 = arith.constant 9 : i32
      %add3A_626 = arith.addi %add3A_624, %add3A_625 : i32
      %mul3A_627 = arith.constant 80 : i32
      %mul3A_628 = arith.muli %add3A_626, %mul3A_627 : i32
      %dma_wait3A_629 = arith.constant 0 : i32
      %dma_wait3A_630 = tpu.memref_slice %arg2[%dma_wait3A_629, %add3A, %mul3A_628] : memref<2x32x10000xi32, #tpu.memory_space<hbm>> -> memref<1x1x80xi32, #tpu.memory_space<hbm>>
      %dma_wait3A_631 = tpu.memref_squeeze %dma_wait3A_630 : memref<1x1x80xi32, #tpu.memory_space<hbm>> -> memref<80xi32, #tpu.memory_space<hbm>>
      %dma_wait3A_632 = tpu.memref_slice %arg2[%dma_wait3A_629, %add3A, %mul3A_628] : memref<2x32x10000xi32, #tpu.memory_space<hbm>> -> memref<1x1x80xi32, #tpu.memory_space<hbm>>
      %dma_wait3A_633 = tpu.memref_squeeze %dma_wait3A_632 : memref<1x1x80xi32, #tpu.memory_space<hbm>> -> memref<80xi32, #tpu.memory_space<hbm>>
      tpu.wait_dma2 semaphore(%arg31 : memref<!tpu.dma_semaphore, #tpu.memory_space<semaphore_mem>>) src(%dma_wait3A_633 : memref<80xi32, #tpu.memory_space<hbm>>) dst(%arg19 : memref<80xi32, #tpu.memory_space<vmem>>)
      %dma_start3A_634 = arith.constant 0 : i32
      %dma_start3A_635 = arith.constant 0 : i32
      %dma_start3A_636 = tpu.memref_slice %arg7[%dma_start3A_634, %dma_start3A_635] : memref<10000x8xf32, #tpu.memory_space<vmem_shared>> -> memref<10000x8xf32, #tpu.memory_space<vmem_shared>>
      tpu.enqueue_indirect_dma source(%arg6 : memref<80x8xf32, #tpu.memory_space<vmem>>) target(%dma_start3A_636 : memref<10000x8xf32, #tpu.memory_space<vmem_shared>>) offsets(%arg19 : memref<80xi32, #tpu.memory_space<vmem>>) semaphore(%arg43 : memref<!tpu.dma_semaphore, #tpu.memory_space<semaphore_mem>>) {add = true}
      %dma_wait3A_637 = arith.constant 0 : i32
      %dma_wait3A_638 = arith.constant 0 : i32
      %dma_wait3A_639 = tpu.memref_slice %arg7[%dma_wait3A_637, %dma_wait3A_638] : memref<10000x8xf32, #tpu.memory_space<vmem_shared>> -> memref<10000x8xf32, #tpu.memory_space<vmem_shared>>
      tpu.wait_indirect_dma semaphore(%arg41 : memref<!tpu.dma_semaphore, #tpu.memory_space<semaphore_mem>>) src(%arg6 : memref<80x8xf32, #tpu.memory_space<vmem>>) dst(%dma_wait3A_639 : memref<10000x8xf32, #tpu.memory_space<vmem_shared>>)
      %add3A_640 = arith.constant 10 : i32
      %add3A_641 = arith.addi %add3A_626, %add3A_640 : i32
      %mul3A_642 = arith.constant 80 : i32
      %mul3A_643 = arith.muli %add3A_641, %mul3A_642 : i32
      %dma_start3A_644 = arith.constant 0 : i32
      %dma_start3A_645 = tpu.memref_slice %arg2[%dma_start3A_644, %add3A, %mul3A_643] : memref<2x32x10000xi32, #tpu.memory_space<hbm>> -> memref<1x1x80xi32, #tpu.memory_space<hbm>>
      %dma_start3A_646 = tpu.memref_squeeze %dma_start3A_645 : memref<1x1x80xi32, #tpu.memory_space<hbm>> -> memref<80xi32, #tpu.memory_space<hbm>>
      %dma_start3A_647 = tpu.memref_slice %arg2[%dma_start3A_644, %add3A, %mul3A_643] : memref<2x32x10000xi32, #tpu.memory_space<hbm>> -> memref<1x1x80xi32, #tpu.memory_space<hbm>>
      %dma_start3A_648 = tpu.memref_squeeze %dma_start3A_647 : memref<1x1x80xi32, #tpu.memory_space<hbm>> -> memref<80xi32, #tpu.memory_space<hbm>>
      tpu.enqueue_dma source(%dma_start3A_648 : memref<80xi32, #tpu.memory_space<hbm>>) target(%arg17 : memref<80xi32, #tpu.memory_space<vmem>>) target_semaphore(%arg29 : memref<!tpu.dma_semaphore, #tpu.memory_space<semaphore_mem>>)
      %mul3A_649 = arith.constant 12 : i32
      %mul3A_650 = arith.muli %mul3A_649, %add3A_368 : i32
      %add3A_651 = arith.constant 2 : i32
      %add3A_652 = arith.addi %mul3A_650, %add3A_651 : i32
      %add3A_653 = arith.constant 10 : i32
      %add3A_654 = arith.addi %add3A_652, %add3A_653 : i32
      %mul3A_655 = arith.constant 80 : i32
      %mul3A_656 = arith.muli %add3A_654, %mul3A_655 : i32
      %dma_wait3A_657 = arith.constant 0 : i32
      %dma_wait3A_658 = tpu.memref_slice %arg2[%dma_wait3A_657, %add3A, %mul3A_656] : memref<2x32x10000xi32, #tpu.memory_space<hbm>> -> memref<1x1x80xi32, #tpu.memory_space<hbm>>
      %dma_wait3A_659 = tpu.memref_squeeze %dma_wait3A_658 : memref<1x1x80xi32, #tpu.memory_space<hbm>> -> memref<80xi32, #tpu.memory_space<hbm>>
      %dma_wait3A_660 = tpu.memref_slice %arg2[%dma_wait3A_657, %add3A, %mul3A_656] : memref<2x32x10000xi32, #tpu.memory_space<hbm>> -> memref<1x1x80xi32, #tpu.memory_space<hbm>>
      %dma_wait3A_661 = tpu.memref_squeeze %dma_wait3A_660 : memref<1x1x80xi32, #tpu.memory_space<hbm>> -> memref<80xi32, #tpu.memory_space<hbm>>
      tpu.wait_dma2 semaphore(%arg20 : memref<!tpu.dma_semaphore, #tpu.memory_space<semaphore_mem>>) src(%dma_wait3A_661 : memref<80xi32, #tpu.memory_space<hbm>>) dst(%arg8 : memref<80xi32, #tpu.memory_space<vmem>>)
      %dma_start3A_662 = arith.constant 0 : i32
      %dma_start3A_663 = arith.constant 0 : i32
      %dma_start3A_664 = tpu.memref_slice %arg7[%dma_start3A_662, %dma_start3A_663] : memref<10000x8xf32, #tpu.memory_space<vmem_shared>> -> memref<10000x8xf32, #tpu.memory_space<vmem_shared>>
      tpu.enqueue_indirect_dma source(%arg6 : memref<80x8xf32, #tpu.memory_space<vmem>>) target(%dma_start3A_664 : memref<10000x8xf32, #tpu.memory_space<vmem_shared>>) offsets(%arg8 : memref<80xi32, #tpu.memory_space<vmem>>) semaphore(%arg32 : memref<!tpu.dma_semaphore, #tpu.memory_space<semaphore_mem>>) {add = true}
      %dma_wait3A_665 = arith.constant 0 : i32
      %dma_wait3A_666 = arith.constant 0 : i32
      %dma_wait3A_667 = tpu.memref_slice %arg7[%dma_wait3A_665, %dma_wait3A_666] : memref<10000x8xf32, #tpu.memory_space<vmem_shared>> -> memref<10000x8xf32, #tpu.memory_space<vmem_shared>>
      tpu.wait_indirect_dma semaphore(%arg42 : memref<!tpu.dma_semaphore, #tpu.memory_space<semaphore_mem>>) src(%arg6 : memref<80x8xf32, #tpu.memory_space<vmem>>) dst(%dma_wait3A_667 : memref<10000x8xf32, #tpu.memory_space<vmem_shared>>)
      %add3A_668 = arith.constant 10 : i32
      %add3A_669 = arith.addi %add3A_654, %add3A_668 : i32
      %mul3A_670 = arith.constant 80 : i32
      %mul3A_671 = arith.muli %add3A_669, %mul3A_670 : i32
      %dma_start3A_672 = arith.constant 0 : i32
      %dma_start3A_673 = tpu.memref_slice %arg2[%dma_start3A_672, %add3A, %mul3A_671] : memref<2x32x10000xi32, #tpu.memory_space<hbm>> -> memref<1x1x80xi32, #tpu.memory_space<hbm>>
      %dma_start3A_674 = tpu.memref_squeeze %dma_start3A_673 : memref<1x1x80xi32, #tpu.memory_space<hbm>> -> memref<80xi32, #tpu.memory_space<hbm>>
      %dma_start3A_675 = tpu.memref_slice %arg2[%dma_start3A_672, %add3A, %mul3A_671] : memref<2x32x10000xi32, #tpu.memory_space<hbm>> -> memref<1x1x80xi32, #tpu.memory_space<hbm>>
      %dma_start3A_676 = tpu.memref_squeeze %dma_start3A_675 : memref<1x1x80xi32, #tpu.memory_space<hbm>> -> memref<80xi32, #tpu.memory_space<hbm>>
      tpu.enqueue_dma source(%dma_start3A_676 : memref<80xi32, #tpu.memory_space<hbm>>) target(%arg18 : memref<80xi32, #tpu.memory_space<vmem>>) target_semaphore(%arg30 : memref<!tpu.dma_semaphore, #tpu.memory_space<semaphore_mem>>)
      %mul3A_677 = arith.constant 12 : i32
      %mul3A_678 = arith.muli %mul3A_677, %add3A_368 : i32
      %add3A_679 = arith.constant 2 : i32
      %add3A_680 = arith.addi %mul3A_678, %add3A_679 : i32
      %add3A_681 = arith.constant 11 : i32
      %add3A_682 = arith.addi %add3A_680, %add3A_681 : i32
      %mul3A_683 = arith.constant 80 : i32
      %mul3A_684 = arith.muli %add3A_682, %mul3A_683 : i32
      %dma_wait3A_685 = arith.constant 0 : i32
      %dma_wait3A_686 = tpu.memref_slice %arg2[%dma_wait3A_685, %add3A, %mul3A_684] : memref<2x32x10000xi32, #tpu.memory_space<hbm>> -> memref<1x1x80xi32, #tpu.memory_space<hbm>>
      %dma_wait3A_687 = tpu.memref_squeeze %dma_wait3A_686 : memref<1x1x80xi32, #tpu.memory_space<hbm>> -> memref<80xi32, #tpu.memory_space<hbm>>
      %dma_wait3A_688 = tpu.memref_slice %arg2[%dma_wait3A_685, %add3A, %mul3A_684] : memref<2x32x10000xi32, #tpu.memory_space<hbm>> -> memref<1x1x80xi32, #tpu.memory_space<hbm>>
      %dma_wait3A_689 = tpu.memref_squeeze %dma_wait3A_688 : memref<1x1x80xi32, #tpu.memory_space<hbm>> -> memref<80xi32, #tpu.memory_space<hbm>>
      tpu.wait_dma2 semaphore(%arg21 : memref<!tpu.dma_semaphore, #tpu.memory_space<semaphore_mem>>) src(%dma_wait3A_689 : memref<80xi32, #tpu.memory_space<hbm>>) dst(%arg9 : memref<80xi32, #tpu.memory_space<vmem>>)
      %dma_start3A_690 = arith.constant 0 : i32
      %dma_start3A_691 = arith.constant 0 : i32
      %dma_start3A_692 = tpu.memref_slice %arg7[%dma_start3A_690, %dma_start3A_691] : memref<10000x8xf32, #tpu.memory_space<vmem_shared>> -> memref<10000x8xf32, #tpu.memory_space<vmem_shared>>
      tpu.enqueue_indirect_dma source(%arg6 : memref<80x8xf32, #tpu.memory_space<vmem>>) target(%dma_start3A_692 : memref<10000x8xf32, #tpu.memory_space<vmem_shared>>) offsets(%arg9 : memref<80xi32, #tpu.memory_space<vmem>>) semaphore(%arg33 : memref<!tpu.dma_semaphore, #tpu.memory_space<semaphore_mem>>) {add = true}
      %dma_wait3A_693 = arith.constant 0 : i32
      %dma_wait3A_694 = arith.constant 0 : i32
      %dma_wait3A_695 = tpu.memref_slice %arg7[%dma_wait3A_693, %dma_wait3A_694] : memref<10000x8xf32, #tpu.memory_space<vmem_shared>> -> memref<10000x8xf32, #tpu.memory_space<vmem_shared>>
      tpu.wait_indirect_dma semaphore(%arg43 : memref<!tpu.dma_semaphore, #tpu.memory_space<semaphore_mem>>) src(%arg6 : memref<80x8xf32, #tpu.memory_space<vmem>>) dst(%dma_wait3A_695 : memref<10000x8xf32, #tpu.memory_space<vmem_shared>>)
      %add3A_696 = arith.constant 10 : i32
      %add3A_697 = arith.addi %add3A_682, %add3A_696 : i32
      %mul3A_698 = arith.constant 80 : i32
      %mul3A_699 = arith.muli %add3A_697, %mul3A_698 : i32
      %dma_start3A_700 = arith.constant 0 : i32
      %dma_start3A_701 = tpu.memref_slice %arg2[%dma_start3A_700, %add3A, %mul3A_699] : memref<2x32x10000xi32, #tpu.memory_space<hbm>> -> memref<1x1x80xi32, #tpu.memory_space<hbm>>
      %dma_start3A_702 = tpu.memref_squeeze %dma_start3A_701 : memref<1x1x80xi32, #tpu.memory_space<hbm>> -> memref<80xi32, #tpu.memory_space<hbm>>
      %dma_start3A_703 = tpu.memref_slice %arg2[%dma_start3A_700, %add3A, %mul3A_699] : memref<2x32x10000xi32, #tpu.memory_space<hbm>> -> memref<1x1x80xi32, #tpu.memory_space<hbm>>
      %dma_start3A_704 = tpu.memref_squeeze %dma_start3A_703 : memref<1x1x80xi32, #tpu.memory_space<hbm>> -> memref<80xi32, #tpu.memory_space<hbm>>
      tpu.enqueue_dma source(%dma_start3A_704 : memref<80xi32, #tpu.memory_space<hbm>>) target(%arg19 : memref<80xi32, #tpu.memory_space<vmem>>) target_semaphore(%arg31 : memref<!tpu.dma_semaphore, #tpu.memory_space<semaphore_mem>>)
    }
    %scan3A_114 = arith.constant 9 : i32
    %dma_wait3A_115 = arith.constant 0 : i32
    %dma_wait3A_116 = arith.constant 8800 : i32
    %dma_wait3A_117 = tpu.memref_slice %arg2[%dma_wait3A_115, %add3A, %dma_wait3A_116] : memref<2x32x10000xi32, #tpu.memory_space<hbm>> -> memref<1x1x80xi32, #tpu.memory_space<hbm>>
    %dma_wait3A_118 = tpu.memref_squeeze %dma_wait3A_117 : memref<1x1x80xi32, #tpu.memory_space<hbm>> -> memref<80xi32, #tpu.memory_space<hbm>>
    %dma_wait3A_119 = arith.constant 8800 : i32
    %dma_wait3A_120 = tpu.memref_slice %arg2[%dma_wait3A_115, %add3A, %dma_wait3A_119] : memref<2x32x10000xi32, #tpu.memory_space<hbm>> -> memref<1x1x80xi32, #tpu.memory_space<hbm>>
    %dma_wait3A_121 = tpu.memref_squeeze %dma_wait3A_120 : memref<1x1x80xi32, #tpu.memory_space<hbm>> -> memref<80xi32, #tpu.memory_space<hbm>>
    tpu.wait_dma2 semaphore(%arg22 : memref<!tpu.dma_semaphore, #tpu.memory_space<semaphore_mem>>) src(%dma_wait3A_121 : memref<80xi32, #tpu.memory_space<hbm>>) dst(%arg10 : memref<80xi32, #tpu.memory_space<vmem>>)
    %dma_start3A_122 = arith.constant 0 : i32
    %dma_start3A_123 = arith.constant 0 : i32
    %dma_start3A_124 = tpu.memref_slice %arg7[%dma_start3A_122, %dma_start3A_123] : memref<10000x8xf32, #tpu.memory_space<vmem_shared>> -> memref<10000x8xf32, #tpu.memory_space<vmem_shared>>
    tpu.enqueue_indirect_dma source(%arg6 : memref<80x8xf32, #tpu.memory_space<vmem>>) target(%dma_start3A_124 : memref<10000x8xf32, #tpu.memory_space<vmem_shared>>) offsets(%arg10 : memref<80xi32, #tpu.memory_space<vmem>>) semaphore(%arg34 : memref<!tpu.dma_semaphore, #tpu.memory_space<semaphore_mem>>) {add = true}
    %dma_wait3A_125 = arith.constant 0 : i32
    %dma_wait3A_126 = arith.constant 0 : i32
    %dma_wait3A_127 = tpu.memref_slice %arg7[%dma_wait3A_125, %dma_wait3A_126] : memref<10000x8xf32, #tpu.memory_space<vmem_shared>> -> memref<10000x8xf32, #tpu.memory_space<vmem_shared>>
    tpu.wait_indirect_dma semaphore(%arg32 : memref<!tpu.dma_semaphore, #tpu.memory_space<semaphore_mem>>) src(%arg6 : memref<80x8xf32, #tpu.memory_space<vmem>>) dst(%dma_wait3A_127 : memref<10000x8xf32, #tpu.memory_space<vmem_shared>>)
    %dma_start3A_128 = arith.constant 0 : i32
    %dma_start3A_129 = arith.constant 9600 : i32
    %dma_start3A_130 = tpu.memref_slice %arg2[%dma_start3A_128, %add3A, %dma_start3A_129] : memref<2x32x10000xi32, #tpu.memory_space<hbm>> -> memref<1x1x80xi32, #tpu.memory_space<hbm>>
    %dma_start3A_131 = tpu.memref_squeeze %dma_start3A_130 : memref<1x1x80xi32, #tpu.memory_space<hbm>> -> memref<80xi32, #tpu.memory_space<hbm>>
    %dma_start3A_132 = arith.constant 9600 : i32
    %dma_start3A_133 = tpu.memref_slice %arg2[%dma_start3A_128, %add3A, %dma_start3A_132] : memref<2x32x10000xi32, #tpu.memory_space<hbm>> -> memref<1x1x80xi32, #tpu.memory_space<hbm>>
    %dma_start3A_134 = tpu.memref_squeeze %dma_start3A_133 : memref<1x1x80xi32, #tpu.memory_space<hbm>> -> memref<80xi32, #tpu.memory_space<hbm>>
    tpu.enqueue_dma source(%dma_start3A_134 : memref<80xi32, #tpu.memory_space<hbm>>) target(%arg8 : memref<80xi32, #tpu.memory_space<vmem>>) target_semaphore(%arg20 : memref<!tpu.dma_semaphore, #tpu.memory_space<semaphore_mem>>)
    %dma_wait3A_135 = arith.constant 0 : i32
    %dma_wait3A_136 = arith.constant 8880 : i32
    %dma_wait3A_137 = tpu.memref_slice %arg2[%dma_wait3A_135, %add3A, %dma_wait3A_136] : memref<2x32x10000xi32, #tpu.memory_space<hbm>> -> memref<1x1x80xi32, #tpu.memory_space<hbm>>
    %dma_wait3A_138 = tpu.memref_squeeze %dma_wait3A_137 : memref<1x1x80xi32, #tpu.memory_space<hbm>> -> memref<80xi32, #tpu.memory_space<hbm>>
    %dma_wait3A_139 = arith.constant 8880 : i32
    %dma_wait3A_140 = tpu.memref_slice %arg2[%dma_wait3A_135, %add3A, %dma_wait3A_139] : memref<2x32x10000xi32, #tpu.memory_space<hbm>> -> memref<1x1x80xi32, #tpu.memory_space<hbm>>
    %dma_wait3A_141 = tpu.memref_squeeze %dma_wait3A_140 : memref<1x1x80xi32, #tpu.memory_space<hbm>> -> memref<80xi32, #tpu.memory_space<hbm>>
    tpu.wait_dma2 semaphore(%arg23 : memref<!tpu.dma_semaphore, #tpu.memory_space<semaphore_mem>>) src(%dma_wait3A_141 : memref<80xi32, #tpu.memory_space<hbm>>) dst(%arg11 : memref<80xi32, #tpu.memory_space<vmem>>)
    %dma_start3A_142 = arith.constant 0 : i32
    %dma_start3A_143 = arith.constant 0 : i32
    %dma_start3A_144 = tpu.memref_slice %arg7[%dma_start3A_142, %dma_start3A_143] : memref<10000x8xf32, #tpu.memory_space<vmem_shared>> -> memref<10000x8xf32, #tpu.memory_space<vmem_shared>>
    tpu.enqueue_indirect_dma source(%arg6 : memref<80x8xf32, #tpu.memory_space<vmem>>) target(%dma_start3A_144 : memref<10000x8xf32, #tpu.memory_space<vmem_shared>>) offsets(%arg11 : memref<80xi32, #tpu.memory_space<vmem>>) semaphore(%arg35 : memref<!tpu.dma_semaphore, #tpu.memory_space<semaphore_mem>>) {add = true}
    %dma_wait3A_145 = arith.constant 0 : i32
    %dma_wait3A_146 = arith.constant 0 : i32
    %dma_wait3A_147 = tpu.memref_slice %arg7[%dma_wait3A_145, %dma_wait3A_146] : memref<10000x8xf32, #tpu.memory_space<vmem_shared>> -> memref<10000x8xf32, #tpu.memory_space<vmem_shared>>
    tpu.wait_indirect_dma semaphore(%arg33 : memref<!tpu.dma_semaphore, #tpu.memory_space<semaphore_mem>>) src(%arg6 : memref<80x8xf32, #tpu.memory_space<vmem>>) dst(%dma_wait3A_147 : memref<10000x8xf32, #tpu.memory_space<vmem_shared>>)
    %dma_start3A_148 = arith.constant 0 : i32
    %dma_start3A_149 = arith.constant 9680 : i32
    %dma_start3A_150 = tpu.memref_slice %arg2[%dma_start3A_148, %add3A, %dma_start3A_149] : memref<2x32x10000xi32, #tpu.memory_space<hbm>> -> memref<1x1x80xi32, #tpu.memory_space<hbm>>
    %dma_start3A_151 = tpu.memref_squeeze %dma_start3A_150 : memref<1x1x80xi32, #tpu.memory_space<hbm>> -> memref<80xi32, #tpu.memory_space<hbm>>
    %dma_start3A_152 = arith.constant 9680 : i32
    %dma_start3A_153 = tpu.memref_slice %arg2[%dma_start3A_148, %add3A, %dma_start3A_152] : memref<2x32x10000xi32, #tpu.memory_space<hbm>> -> memref<1x1x80xi32, #tpu.memory_space<hbm>>
    %dma_start3A_154 = tpu.memref_squeeze %dma_start3A_153 : memref<1x1x80xi32, #tpu.memory_space<hbm>> -> memref<80xi32, #tpu.memory_space<hbm>>
    tpu.enqueue_dma source(%dma_start3A_154 : memref<80xi32, #tpu.memory_space<hbm>>) target(%arg9 : memref<80xi32, #tpu.memory_space<vmem>>) target_semaphore(%arg21 : memref<!tpu.dma_semaphore, #tpu.memory_space<semaphore_mem>>)
    %dma_wait3A_155 = arith.constant 0 : i32
    %dma_wait3A_156 = arith.constant 8960 : i32
    %dma_wait3A_157 = tpu.memref_slice %arg2[%dma_wait3A_155, %add3A, %dma_wait3A_156] : memref<2x32x10000xi32, #tpu.memory_space<hbm>> -> memref<1x1x80xi32, #tpu.memory_space<hbm>>
    %dma_wait3A_158 = tpu.memref_squeeze %dma_wait3A_157 : memref<1x1x80xi32, #tpu.memory_space<hbm>> -> memref<80xi32, #tpu.memory_space<hbm>>
    %dma_wait3A_159 = arith.constant 8960 : i32
    %dma_wait3A_160 = tpu.memref_slice %arg2[%dma_wait3A_155, %add3A, %dma_wait3A_159] : memref<2x32x10000xi32, #tpu.memory_space<hbm>> -> memref<1x1x80xi32, #tpu.memory_space<hbm>>
    %dma_wait3A_161 = tpu.memref_squeeze %dma_wait3A_160 : memref<1x1x80xi32, #tpu.memory_space<hbm>> -> memref<80xi32, #tpu.memory_space<hbm>>
    tpu.wait_dma2 semaphore(%arg24 : memref<!tpu.dma_semaphore, #tpu.memory_space<semaphore_mem>>) src(%dma_wait3A_161 : memref<80xi32, #tpu.memory_space<hbm>>) dst(%arg12 : memref<80xi32, #tpu.memory_space<vmem>>)
    %dma_start3A_162 = arith.constant 0 : i32
    %dma_start3A_163 = arith.constant 0 : i32
    %dma_start3A_164 = tpu.memref_slice %arg7[%dma_start3A_162, %dma_start3A_163] : memref<10000x8xf32, #tpu.memory_space<vmem_shared>> -> memref<10000x8xf32, #tpu.memory_space<vmem_shared>>
    tpu.enqueue_indirect_dma source(%arg6 : memref<80x8xf32, #tpu.memory_space<vmem>>) target(%dma_start3A_164 : memref<10000x8xf32, #tpu.memory_space<vmem_shared>>) offsets(%arg12 : memref<80xi32, #tpu.memory_space<vmem>>) semaphore(%arg36 : memref<!tpu.dma_semaphore, #tpu.memory_space<semaphore_mem>>) {add = true}
    %dma_wait3A_165 = arith.constant 0 : i32
    %dma_wait3A_166 = arith.constant 0 : i32
    %dma_wait3A_167 = tpu.memref_slice %arg7[%dma_wait3A_165, %dma_wait3A_166] : memref<10000x8xf32, #tpu.memory_space<vmem_shared>> -> memref<10000x8xf32, #tpu.memory_space<vmem_shared>>
    tpu.wait_indirect_dma semaphore(%arg34 : memref<!tpu.dma_semaphore, #tpu.memory_space<semaphore_mem>>) src(%arg6 : memref<80x8xf32, #tpu.memory_space<vmem>>) dst(%dma_wait3A_167 : memref<10000x8xf32, #tpu.memory_space<vmem_shared>>)
    %dma_start3A_168 = arith.constant 0 : i32
    %dma_start3A_169 = arith.constant 9760 : i32
    %dma_start3A_170 = tpu.memref_slice %arg2[%dma_start3A_168, %add3A, %dma_start3A_169] : memref<2x32x10000xi32, #tpu.memory_space<hbm>> -> memref<1x1x80xi32, #tpu.memory_space<hbm>>
    %dma_start3A_171 = tpu.memref_squeeze %dma_start3A_170 : memref<1x1x80xi32, #tpu.memory_space<hbm>> -> memref<80xi32, #tpu.memory_space<hbm>>
    %dma_start3A_172 = arith.constant 9760 : i32
    %dma_start3A_173 = tpu.memref_slice %arg2[%dma_start3A_168, %add3A, %dma_start3A_172] : memref<2x32x10000xi32, #tpu.memory_space<hbm>> -> memref<1x1x80xi32, #tpu.memory_space<hbm>>
    %dma_start3A_174 = tpu.memref_squeeze %dma_start3A_173 : memref<1x1x80xi32, #tpu.memory_space<hbm>> -> memref<80xi32, #tpu.memory_space<hbm>>
    tpu.enqueue_dma source(%dma_start3A_174 : memref<80xi32, #tpu.memory_space<hbm>>) target(%arg10 : memref<80xi32, #tpu.memory_space<vmem>>) target_semaphore(%arg22 : memref<!tpu.dma_semaphore, #tpu.memory_space<semaphore_mem>>)
    %dma_wait3A_175 = arith.constant 0 : i32
    %dma_wait3A_176 = arith.constant 9040 : i32
    %dma_wait3A_177 = tpu.memref_slice %arg2[%dma_wait3A_175, %add3A, %dma_wait3A_176] : memref<2x32x10000xi32, #tpu.memory_space<hbm>> -> memref<1x1x80xi32, #tpu.memory_space<hbm>>
    %dma_wait3A_178 = tpu.memref_squeeze %dma_wait3A_177 : memref<1x1x80xi32, #tpu.memory_space<hbm>> -> memref<80xi32, #tpu.memory_space<hbm>>
    %dma_wait3A_179 = arith.constant 9040 : i32
    %dma_wait3A_180 = tpu.memref_slice %arg2[%dma_wait3A_175, %add3A, %dma_wait3A_179] : memref<2x32x10000xi32, #tpu.memory_space<hbm>> -> memref<1x1x80xi32, #tpu.memory_space<hbm>>
    %dma_wait3A_181 = tpu.memref_squeeze %dma_wait3A_180 : memref<1x1x80xi32, #tpu.memory_space<hbm>> -> memref<80xi32, #tpu.memory_space<hbm>>
    tpu.wait_dma2 semaphore(%arg25 : memref<!tpu.dma_semaphore, #tpu.memory_space<semaphore_mem>>) src(%dma_wait3A_181 : memref<80xi32, #tpu.memory_space<hbm>>) dst(%arg13 : memref<80xi32, #tpu.memory_space<vmem>>)
    %dma_start3A_182 = arith.constant 0 : i32
    %dma_start3A_183 = arith.constant 0 : i32
    %dma_start3A_184 = tpu.memref_slice %arg7[%dma_start3A_182, %dma_start3A_183] : memref<10000x8xf32, #tpu.memory_space<vmem_shared>> -> memref<10000x8xf32, #tpu.memory_space<vmem_shared>>
    tpu.enqueue_indirect_dma source(%arg6 : memref<80x8xf32, #tpu.memory_space<vmem>>) target(%dma_start3A_184 : memref<10000x8xf32, #tpu.memory_space<vmem_shared>>) offsets(%arg13 : memref<80xi32, #tpu.memory_space<vmem>>) semaphore(%arg37 : memref<!tpu.dma_semaphore, #tpu.memory_space<semaphore_mem>>) {add = true}
    %dma_wait3A_185 = arith.constant 0 : i32
    %dma_wait3A_186 = arith.constant 0 : i32
    %dma_wait3A_187 = tpu.memref_slice %arg7[%dma_wait3A_185, %dma_wait3A_186] : memref<10000x8xf32, #tpu.memory_space<vmem_shared>> -> memref<10000x8xf32, #tpu.memory_space<vmem_shared>>
    tpu.wait_indirect_dma semaphore(%arg35 : memref<!tpu.dma_semaphore, #tpu.memory_space<semaphore_mem>>) src(%arg6 : memref<80x8xf32, #tpu.memory_space<vmem>>) dst(%dma_wait3A_187 : memref<10000x8xf32, #tpu.memory_space<vmem_shared>>)
    %dma_start3A_188 = arith.constant 0 : i32
    %dma_start3A_189 = arith.constant 9840 : i32
    %dma_start3A_190 = tpu.memref_slice %arg2[%dma_start3A_188, %add3A, %dma_start3A_189] : memref<2x32x10000xi32, #tpu.memory_space<hbm>> -> memref<1x1x80xi32, #tpu.memory_space<hbm>>
    %dma_start3A_191 = tpu.memref_squeeze %dma_start3A_190 : memref<1x1x80xi32, #tpu.memory_space<hbm>> -> memref<80xi32, #tpu.memory_space<hbm>>
    %dma_start3A_192 = arith.constant 9840 : i32
    %dma_start3A_193 = tpu.memref_slice %arg2[%dma_start3A_188, %add3A, %dma_start3A_192] : memref<2x32x10000xi32, #tpu.memory_space<hbm>> -> memref<1x1x80xi32, #tpu.memory_space<hbm>>
    %dma_start3A_194 = tpu.memref_squeeze %dma_start3A_193 : memref<1x1x80xi32, #tpu.memory_space<hbm>> -> memref<80xi32, #tpu.memory_space<hbm>>
    tpu.enqueue_dma source(%dma_start3A_194 : memref<80xi32, #tpu.memory_space<hbm>>) target(%arg11 : memref<80xi32, #tpu.memory_space<vmem>>) target_semaphore(%arg23 : memref<!tpu.dma_semaphore, #tpu.memory_space<semaphore_mem>>)
    %dma_wait3A_195 = arith.constant 0 : i32
    %dma_wait3A_196 = arith.constant 9120 : i32
    %dma_wait3A_197 = tpu.memref_slice %arg2[%dma_wait3A_195, %add3A, %dma_wait3A_196] : memref<2x32x10000xi32, #tpu.memory_space<hbm>> -> memref<1x1x80xi32, #tpu.memory_space<hbm>>
    %dma_wait3A_198 = tpu.memref_squeeze %dma_wait3A_197 : memref<1x1x80xi32, #tpu.memory_space<hbm>> -> memref<80xi32, #tpu.memory_space<hbm>>
    %dma_wait3A_199 = arith.constant 9120 : i32
    %dma_wait3A_200 = tpu.memref_slice %arg2[%dma_wait3A_195, %add3A, %dma_wait3A_199] : memref<2x32x10000xi32, #tpu.memory_space<hbm>> -> memref<1x1x80xi32, #tpu.memory_space<hbm>>
    %dma_wait3A_201 = tpu.memref_squeeze %dma_wait3A_200 : memref<1x1x80xi32, #tpu.memory_space<hbm>> -> memref<80xi32, #tpu.memory_space<hbm>>
    tpu.wait_dma2 semaphore(%arg26 : memref<!tpu.dma_semaphore, #tpu.memory_space<semaphore_mem>>) src(%dma_wait3A_201 : memref<80xi32, #tpu.memory_space<hbm>>) dst(%arg14 : memref<80xi32, #tpu.memory_space<vmem>>)
    %dma_start3A_202 = arith.constant 0 : i32
    %dma_start3A_203 = arith.constant 0 : i32
    %dma_start3A_204 = tpu.memref_slice %arg7[%dma_start3A_202, %dma_start3A_203] : memref<10000x8xf32, #tpu.memory_space<vmem_shared>> -> memref<10000x8xf32, #tpu.memory_space<vmem_shared>>
    tpu.enqueue_indirect_dma source(%arg6 : memref<80x8xf32, #tpu.memory_space<vmem>>) target(%dma_start3A_204 : memref<10000x8xf32, #tpu.memory_space<vmem_shared>>) offsets(%arg14 : memref<80xi32, #tpu.memory_space<vmem>>) semaphore(%arg38 : memref<!tpu.dma_semaphore, #tpu.memory_space<semaphore_mem>>) {add = true}
    %dma_wait3A_205 = arith.constant 0 : i32
    %dma_wait3A_206 = arith.constant 0 : i32
    %dma_wait3A_207 = tpu.memref_slice %arg7[%dma_wait3A_205, %dma_wait3A_206] : memref<10000x8xf32, #tpu.memory_space<vmem_shared>> -> memref<10000x8xf32, #tpu.memory_space<vmem_shared>>
    tpu.wait_indirect_dma semaphore(%arg36 : memref<!tpu.dma_semaphore, #tpu.memory_space<semaphore_mem>>) src(%arg6 : memref<80x8xf32, #tpu.memory_space<vmem>>) dst(%dma_wait3A_207 : memref<10000x8xf32, #tpu.memory_space<vmem_shared>>)
    %dma_start3A_208 = arith.constant 0 : i32
    %dma_start3A_209 = arith.constant 9920 : i32
    %dma_start3A_210 = tpu.memref_slice %arg2[%dma_start3A_208, %add3A, %dma_start3A_209] : memref<2x32x10000xi32, #tpu.memory_space<hbm>> -> memref<1x1x80xi32, #tpu.memory_space<hbm>>
    %dma_start3A_211 = tpu.memref_squeeze %dma_start3A_210 : memref<1x1x80xi32, #tpu.memory_space<hbm>> -> memref<80xi32, #tpu.memory_space<hbm>>
    %dma_start3A_212 = arith.constant 9920 : i32
    %dma_start3A_213 = tpu.memref_slice %arg2[%dma_start3A_208, %add3A, %dma_start3A_212] : memref<2x32x10000xi32, #tpu.memory_space<hbm>> -> memref<1x1x80xi32, #tpu.memory_space<hbm>>
    %dma_start3A_214 = tpu.memref_squeeze %dma_start3A_213 : memref<1x1x80xi32, #tpu.memory_space<hbm>> -> memref<80xi32, #tpu.memory_space<hbm>>
    tpu.enqueue_dma source(%dma_start3A_214 : memref<80xi32, #tpu.memory_space<hbm>>) target(%arg12 : memref<80xi32, #tpu.memory_space<vmem>>) target_semaphore(%arg24 : memref<!tpu.dma_semaphore, #tpu.memory_space<semaphore_mem>>)
    %dma_wait3A_215 = arith.constant 0 : i32
    %dma_wait3A_216 = arith.constant 9200 : i32
    %dma_wait3A_217 = tpu.memref_slice %arg2[%dma_wait3A_215, %add3A, %dma_wait3A_216] : memref<2x32x10000xi32, #tpu.memory_space<hbm>> -> memref<1x1x80xi32, #tpu.memory_space<hbm>>
    %dma_wait3A_218 = tpu.memref_squeeze %dma_wait3A_217 : memref<1x1x80xi32, #tpu.memory_space<hbm>> -> memref<80xi32, #tpu.memory_space<hbm>>
    %dma_wait3A_219 = arith.constant 9200 : i32
    %dma_wait3A_220 = tpu.memref_slice %arg2[%dma_wait3A_215, %add3A, %dma_wait3A_219] : memref<2x32x10000xi32, #tpu.memory_space<hbm>> -> memref<1x1x80xi32, #tpu.memory_space<hbm>>
    %dma_wait3A_221 = tpu.memref_squeeze %dma_wait3A_220 : memref<1x1x80xi32, #tpu.memory_space<hbm>> -> memref<80xi32, #tpu.memory_space<hbm>>
    tpu.wait_dma2 semaphore(%arg27 : memref<!tpu.dma_semaphore, #tpu.memory_space<semaphore_mem>>) src(%dma_wait3A_221 : memref<80xi32, #tpu.memory_space<hbm>>) dst(%arg15 : memref<80xi32, #tpu.memory_space<vmem>>)
    %dma_start3A_222 = arith.constant 0 : i32
    %dma_start3A_223 = arith.constant 0 : i32
    %dma_start3A_224 = tpu.memref_slice %arg7[%dma_start3A_222, %dma_start3A_223] : memref<10000x8xf32, #tpu.memory_space<vmem_shared>> -> memref<10000x8xf32, #tpu.memory_space<vmem_shared>>
    tpu.enqueue_indirect_dma source(%arg6 : memref<80x8xf32, #tpu.memory_space<vmem>>) target(%dma_start3A_224 : memref<10000x8xf32, #tpu.memory_space<vmem_shared>>) offsets(%arg15 : memref<80xi32, #tpu.memory_space<vmem>>) semaphore(%arg39 : memref<!tpu.dma_semaphore, #tpu.memory_space<semaphore_mem>>) {add = true}
    %dma_wait3A_225 = arith.constant 0 : i32
    %dma_wait3A_226 = arith.constant 0 : i32
    %dma_wait3A_227 = tpu.memref_slice %arg7[%dma_wait3A_225, %dma_wait3A_226] : memref<10000x8xf32, #tpu.memory_space<vmem_shared>> -> memref<10000x8xf32, #tpu.memory_space<vmem_shared>>
    tpu.wait_indirect_dma semaphore(%arg37 : memref<!tpu.dma_semaphore, #tpu.memory_space<semaphore_mem>>) src(%arg6 : memref<80x8xf32, #tpu.memory_space<vmem>>) dst(%dma_wait3A_227 : memref<10000x8xf32, #tpu.memory_space<vmem_shared>>)
    %dma_wait3A_228 = arith.constant 0 : i32
    %dma_wait3A_229 = arith.constant 9280 : i32
    %dma_wait3A_230 = tpu.memref_slice %arg2[%dma_wait3A_228, %add3A, %dma_wait3A_229] : memref<2x32x10000xi32, #tpu.memory_space<hbm>> -> memref<1x1x80xi32, #tpu.memory_space<hbm>>
    %dma_wait3A_231 = tpu.memref_squeeze %dma_wait3A_230 : memref<1x1x80xi32, #tpu.memory_space<hbm>> -> memref<80xi32, #tpu.memory_space<hbm>>
    %dma_wait3A_232 = arith.constant 9280 : i32
    %dma_wait3A_233 = tpu.memref_slice %arg2[%dma_wait3A_228, %add3A, %dma_wait3A_232] : memref<2x32x10000xi32, #tpu.memory_space<hbm>> -> memref<1x1x80xi32, #tpu.memory_space<hbm>>
    %dma_wait3A_234 = tpu.memref_squeeze %dma_wait3A_233 : memref<1x1x80xi32, #tpu.memory_space<hbm>> -> memref<80xi32, #tpu.memory_space<hbm>>
    tpu.wait_dma2 semaphore(%arg28 : memref<!tpu.dma_semaphore, #tpu.memory_space<semaphore_mem>>) src(%dma_wait3A_234 : memref<80xi32, #tpu.memory_space<hbm>>) dst(%arg16 : memref<80xi32, #tpu.memory_space<vmem>>)
    %dma_start3A_235 = arith.constant 0 : i32
    %dma_start3A_236 = arith.constant 0 : i32
    %dma_start3A_237 = tpu.memref_slice %arg7[%dma_start3A_235, %dma_start3A_236] : memref<10000x8xf32, #tpu.memory_space<vmem_shared>> -> memref<10000x8xf32, #tpu.memory_space<vmem_shared>>
    tpu.enqueue_indirect_dma source(%arg6 : memref<80x8xf32, #tpu.memory_space<vmem>>) target(%dma_start3A_237 : memref<10000x8xf32, #tpu.memory_space<vmem_shared>>) offsets(%arg16 : memref<80xi32, #tpu.memory_space<vmem>>) semaphore(%arg40 : memref<!tpu.dma_semaphore, #tpu.memory_space<semaphore_mem>>) {add = true}
    %dma_wait3A_238 = arith.constant 0 : i32
    %dma_wait3A_239 = arith.constant 0 : i32
    %dma_wait3A_240 = tpu.memref_slice %arg7[%dma_wait3A_238, %dma_wait3A_239] : memref<10000x8xf32, #tpu.memory_space<vmem_shared>> -> memref<10000x8xf32, #tpu.memory_space<vmem_shared>>
    tpu.wait_indirect_dma semaphore(%arg38 : memref<!tpu.dma_semaphore, #tpu.memory_space<semaphore_mem>>) src(%arg6 : memref<80x8xf32, #tpu.memory_space<vmem>>) dst(%dma_wait3A_240 : memref<10000x8xf32, #tpu.memory_space<vmem_shared>>)
    %dma_wait3A_241 = arith.constant 0 : i32
    %dma_wait3A_242 = arith.constant 9360 : i32
    %dma_wait3A_243 = tpu.memref_slice %arg2[%dma_wait3A_241, %add3A, %dma_wait3A_242] : memref<2x32x10000xi32, #tpu.memory_space<hbm>> -> memref<1x1x80xi32, #tpu.memory_space<hbm>>
    %dma_wait3A_244 = tpu.memref_squeeze %dma_wait3A_243 : memref<1x1x80xi32, #tpu.memory_space<hbm>> -> memref<80xi32, #tpu.memory_space<hbm>>
    %dma_wait3A_245 = arith.constant 9360 : i32
    %dma_wait3A_246 = tpu.memref_slice %arg2[%dma_wait3A_241, %add3A, %dma_wait3A_245] : memref<2x32x10000xi32, #tpu.memory_space<hbm>> -> memref<1x1x80xi32, #tpu.memory_space<hbm>>
    %dma_wait3A_247 = tpu.memref_squeeze %dma_wait3A_246 : memref<1x1x80xi32, #tpu.memory_space<hbm>> -> memref<80xi32, #tpu.memory_space<hbm>>
    tpu.wait_dma2 semaphore(%arg29 : memref<!tpu.dma_semaphore, #tpu.memory_space<semaphore_mem>>) src(%dma_wait3A_247 : memref<80xi32, #tpu.memory_space<hbm>>) dst(%arg17 : memref<80xi32, #tpu.memory_space<vmem>>)
    %dma_start3A_248 = arith.constant 0 : i32
    %dma_start3A_249 = arith.constant 0 : i32
    %dma_start3A_250 = tpu.memref_slice %arg7[%dma_start3A_248, %dma_start3A_249] : memref<10000x8xf32, #tpu.memory_space<vmem_shared>> -> memref<10000x8xf32, #tpu.memory_space<vmem_shared>>
    tpu.enqueue_indirect_dma source(%arg6 : memref<80x8xf32, #tpu.memory_space<vmem>>) target(%dma_start3A_250 : memref<10000x8xf32, #tpu.memory_space<vmem_shared>>) offsets(%arg17 : memref<80xi32, #tpu.memory_space<vmem>>) semaphore(%arg41 : memref<!tpu.dma_semaphore, #tpu.memory_space<semaphore_mem>>) {add = true}
    %dma_wait3A_251 = arith.constant 0 : i32
    %dma_wait3A_252 = arith.constant 0 : i32
    %dma_wait3A_253 = tpu.memref_slice %arg7[%dma_wait3A_251, %dma_wait3A_252] : memref<10000x8xf32, #tpu.memory_space<vmem_shared>> -> memref<10000x8xf32, #tpu.memory_space<vmem_shared>>
    tpu.wait_indirect_dma semaphore(%arg39 : memref<!tpu.dma_semaphore, #tpu.memory_space<semaphore_mem>>) src(%arg6 : memref<80x8xf32, #tpu.memory_space<vmem>>) dst(%dma_wait3A_253 : memref<10000x8xf32, #tpu.memory_space<vmem_shared>>)
    %dma_wait3A_254 = arith.constant 0 : i32
    %dma_wait3A_255 = arith.constant 9440 : i32
    %dma_wait3A_256 = tpu.memref_slice %arg2[%dma_wait3A_254, %add3A, %dma_wait3A_255] : memref<2x32x10000xi32, #tpu.memory_space<hbm>> -> memref<1x1x80xi32, #tpu.memory_space<hbm>>
    %dma_wait3A_257 = tpu.memref_squeeze %dma_wait3A_256 : memref<1x1x80xi32, #tpu.memory_space<hbm>> -> memref<80xi32, #tpu.memory_space<hbm>>
    %dma_wait3A_258 = arith.constant 9440 : i32
    %dma_wait3A_259 = tpu.memref_slice %arg2[%dma_wait3A_254, %add3A, %dma_wait3A_258] : memref<2x32x10000xi32, #tpu.memory_space<hbm>> -> memref<1x1x80xi32, #tpu.memory_space<hbm>>
    %dma_wait3A_260 = tpu.memref_squeeze %dma_wait3A_259 : memref<1x1x80xi32, #tpu.memory_space<hbm>> -> memref<80xi32, #tpu.memory_space<hbm>>
    tpu.wait_dma2 semaphore(%arg30 : memref<!tpu.dma_semaphore, #tpu.memory_space<semaphore_mem>>) src(%dma_wait3A_260 : memref<80xi32, #tpu.memory_space<hbm>>) dst(%arg18 : memref<80xi32, #tpu.memory_space<vmem>>)
    %dma_start3A_261 = arith.constant 0 : i32
    %dma_start3A_262 = arith.constant 0 : i32
    %dma_start3A_263 = tpu.memref_slice %arg7[%dma_start3A_261, %dma_start3A_262] : memref<10000x8xf32, #tpu.memory_space<vmem_shared>> -> memref<10000x8xf32, #tpu.memory_space<vmem_shared>>
    tpu.enqueue_indirect_dma source(%arg6 : memref<80x8xf32, #tpu.memory_space<vmem>>) target(%dma_start3A_263 : memref<10000x8xf32, #tpu.memory_space<vmem_shared>>) offsets(%arg18 : memref<80xi32, #tpu.memory_space<vmem>>) semaphore(%arg42 : memref<!tpu.dma_semaphore, #tpu.memory_space<semaphore_mem>>) {add = true}
    %dma_wait3A_264 = arith.constant 0 : i32
    %dma_wait3A_265 = arith.constant 0 : i32
    %dma_wait3A_266 = tpu.memref_slice %arg7[%dma_wait3A_264, %dma_wait3A_265] : memref<10000x8xf32, #tpu.memory_space<vmem_shared>> -> memref<10000x8xf32, #tpu.memory_space<vmem_shared>>
    tpu.wait_indirect_dma semaphore(%arg40 : memref<!tpu.dma_semaphore, #tpu.memory_space<semaphore_mem>>) src(%arg6 : memref<80x8xf32, #tpu.memory_space<vmem>>) dst(%dma_wait3A_266 : memref<10000x8xf32, #tpu.memory_space<vmem_shared>>)
    %dma_wait3A_267 = arith.constant 0 : i32
    %dma_wait3A_268 = arith.constant 9520 : i32
    %dma_wait3A_269 = tpu.memref_slice %arg2[%dma_wait3A_267, %add3A, %dma_wait3A_268] : memref<2x32x10000xi32, #tpu.memory_space<hbm>> -> memref<1x1x80xi32, #tpu.memory_space<hbm>>
    %dma_wait3A_270 = tpu.memref_squeeze %dma_wait3A_269 : memref<1x1x80xi32, #tpu.memory_space<hbm>> -> memref<80xi32, #tpu.memory_space<hbm>>
    %dma_wait3A_271 = arith.constant 9520 : i32
    %dma_wait3A_272 = tpu.memref_slice %arg2[%dma_wait3A_267, %add3A, %dma_wait3A_271] : memref<2x32x10000xi32, #tpu.memory_space<hbm>> -> memref<1x1x80xi32, #tpu.memory_space<hbm>>
    %dma_wait3A_273 = tpu.memref_squeeze %dma_wait3A_272 : memref<1x1x80xi32, #tpu.memory_space<hbm>> -> memref<80xi32, #tpu.memory_space<hbm>>
    tpu.wait_dma2 semaphore(%arg31 : memref<!tpu.dma_semaphore, #tpu.memory_space<semaphore_mem>>) src(%dma_wait3A_273 : memref<80xi32, #tpu.memory_space<hbm>>) dst(%arg19 : memref<80xi32, #tpu.memory_space<vmem>>)
    %dma_start3A_274 = arith.constant 0 : i32
    %dma_start3A_275 = arith.constant 0 : i32
    %dma_start3A_276 = tpu.memref_slice %arg7[%dma_start3A_274, %dma_start3A_275] : memref<10000x8xf32, #tpu.memory_space<vmem_shared>> -> memref<10000x8xf32, #tpu.memory_space<vmem_shared>>
    tpu.enqueue_indirect_dma source(%arg6 : memref<80x8xf32, #tpu.memory_space<vmem>>) target(%dma_start3A_276 : memref<10000x8xf32, #tpu.memory_space<vmem_shared>>) offsets(%arg19 : memref<80xi32, #tpu.memory_space<vmem>>) semaphore(%arg43 : memref<!tpu.dma_semaphore, #tpu.memory_space<semaphore_mem>>) {add = true}
    %dma_wait3A_277 = arith.constant 0 : i32
    %dma_wait3A_278 = arith.constant 0 : i32
    %dma_wait3A_279 = tpu.memref_slice %arg7[%dma_wait3A_277, %dma_wait3A_278] : memref<10000x8xf32, #tpu.memory_space<vmem_shared>> -> memref<10000x8xf32, #tpu.memory_space<vmem_shared>>
    tpu.wait_indirect_dma semaphore(%arg41 : memref<!tpu.dma_semaphore, #tpu.memory_space<semaphore_mem>>) src(%arg6 : memref<80x8xf32, #tpu.memory_space<vmem>>) dst(%dma_wait3A_279 : memref<10000x8xf32, #tpu.memory_space<vmem_shared>>)
    %dma_wait3A_280 = arith.constant 0 : i32
    %dma_wait3A_281 = arith.constant 9600 : i32
    %dma_wait3A_282 = tpu.memref_slice %arg2[%dma_wait3A_280, %add3A, %dma_wait3A_281] : memref<2x32x10000xi32, #tpu.memory_space<hbm>> -> memref<1x1x80xi32, #tpu.memory_space<hbm>>
    %dma_wait3A_283 = tpu.memref_squeeze %dma_wait3A_282 : memref<1x1x80xi32, #tpu.memory_space<hbm>> -> memref<80xi32, #tpu.memory_space<hbm>>
    %dma_wait3A_284 = arith.constant 9600 : i32
    %dma_wait3A_285 = tpu.memref_slice %arg2[%dma_wait3A_280, %add3A, %dma_wait3A_284] : memref<2x32x10000xi32, #tpu.memory_space<hbm>> -> memref<1x1x80xi32, #tpu.memory_space<hbm>>
    %dma_wait3A_286 = tpu.memref_squeeze %dma_wait3A_285 : memref<1x1x80xi32, #tpu.memory_space<hbm>> -> memref<80xi32, #tpu.memory_space<hbm>>
    tpu.wait_dma2 semaphore(%arg20 : memref<!tpu.dma_semaphore, #tpu.memory_space<semaphore_mem>>) src(%dma_wait3A_286 : memref<80xi32, #tpu.memory_space<hbm>>) dst(%arg8 : memref<80xi32, #tpu.memory_space<vmem>>)
    %dma_start3A_287 = arith.constant 0 : i32
    %dma_start3A_288 = arith.constant 0 : i32
    %dma_start3A_289 = tpu.memref_slice %arg7[%dma_start3A_287, %dma_start3A_288] : memref<10000x8xf32, #tpu.memory_space<vmem_shared>> -> memref<10000x8xf32, #tpu.memory_space<vmem_shared>>
    tpu.enqueue_indirect_dma source(%arg6 : memref<80x8xf32, #tpu.memory_space<vmem>>) target(%dma_start3A_289 : memref<10000x8xf32, #tpu.memory_space<vmem_shared>>) offsets(%arg8 : memref<80xi32, #tpu.memory_space<vmem>>) semaphore(%arg32 : memref<!tpu.dma_semaphore, #tpu.memory_space<semaphore_mem>>) {add = true}
    %dma_wait3A_290 = arith.constant 0 : i32
    %dma_wait3A_291 = arith.constant 0 : i32
    %dma_wait3A_292 = tpu.memref_slice %arg7[%dma_wait3A_290, %dma_wait3A_291] : memref<10000x8xf32, #tpu.memory_space<vmem_shared>> -> memref<10000x8xf32, #tpu.memory_space<vmem_shared>>
    tpu.wait_indirect_dma semaphore(%arg42 : memref<!tpu.dma_semaphore, #tpu.memory_space<semaphore_mem>>) src(%arg6 : memref<80x8xf32, #tpu.memory_space<vmem>>) dst(%dma_wait3A_292 : memref<10000x8xf32, #tpu.memory_space<vmem_shared>>)
    %dma_wait3A_293 = arith.constant 0 : i32
    %dma_wait3A_294 = arith.constant 9680 : i32
    %dma_wait3A_295 = tpu.memref_slice %arg2[%dma_wait3A_293, %add3A, %dma_wait3A_294] : memref<2x32x10000xi32, #tpu.memory_space<hbm>> -> memref<1x1x80xi32, #tpu.memory_space<hbm>>
    %dma_wait3A_296 = tpu.memref_squeeze %dma_wait3A_295 : memref<1x1x80xi32, #tpu.memory_space<hbm>> -> memref<80xi32, #tpu.memory_space<hbm>>
    %dma_wait3A_297 = arith.constant 9680 : i32
    %dma_wait3A_298 = tpu.memref_slice %arg2[%dma_wait3A_293, %add3A, %dma_wait3A_297] : memref<2x32x10000xi32, #tpu.memory_space<hbm>> -> memref<1x1x80xi32, #tpu.memory_space<hbm>>
    %dma_wait3A_299 = tpu.memref_squeeze %dma_wait3A_298 : memref<1x1x80xi32, #tpu.memory_space<hbm>> -> memref<80xi32, #tpu.memory_space<hbm>>
    tpu.wait_dma2 semaphore(%arg21 : memref<!tpu.dma_semaphore, #tpu.memory_space<semaphore_mem>>) src(%dma_wait3A_299 : memref<80xi32, #tpu.memory_space<hbm>>) dst(%arg9 : memref<80xi32, #tpu.memory_space<vmem>>)
    %dma_start3A_300 = arith.constant 0 : i32
    %dma_start3A_301 = arith.constant 0 : i32
    %dma_start3A_302 = tpu.memref_slice %arg7[%dma_start3A_300, %dma_start3A_301] : memref<10000x8xf32, #tpu.memory_space<vmem_shared>> -> memref<10000x8xf32, #tpu.memory_space<vmem_shared>>
    tpu.enqueue_indirect_dma source(%arg6 : memref<80x8xf32, #tpu.memory_space<vmem>>) target(%dma_start3A_302 : memref<10000x8xf32, #tpu.memory_space<vmem_shared>>) offsets(%arg9 : memref<80xi32, #tpu.memory_space<vmem>>) semaphore(%arg33 : memref<!tpu.dma_semaphore, #tpu.memory_space<semaphore_mem>>) {add = true}
    %dma_wait3A_303 = arith.constant 0 : i32
    %dma_wait3A_304 = arith.constant 0 : i32
    %dma_wait3A_305 = tpu.memref_slice %arg7[%dma_wait3A_303, %dma_wait3A_304] : memref<10000x8xf32, #tpu.memory_space<vmem_shared>> -> memref<10000x8xf32, #tpu.memory_space<vmem_shared>>
    tpu.wait_indirect_dma semaphore(%arg43 : memref<!tpu.dma_semaphore, #tpu.memory_space<semaphore_mem>>) src(%arg6 : memref<80x8xf32, #tpu.memory_space<vmem>>) dst(%dma_wait3A_305 : memref<10000x8xf32, #tpu.memory_space<vmem_shared>>)
    %dma_wait3A_306 = arith.constant 0 : i32
    %dma_wait3A_307 = arith.constant 9760 : i32
    %dma_wait3A_308 = tpu.memref_slice %arg2[%dma_wait3A_306, %add3A, %dma_wait3A_307] : memref<2x32x10000xi32, #tpu.memory_space<hbm>> -> memref<1x1x80xi32, #tpu.memory_space<hbm>>
    %dma_wait3A_309 = tpu.memref_squeeze %dma_wait3A_308 : memref<1x1x80xi32, #tpu.memory_space<hbm>> -> memref<80xi32, #tpu.memory_space<hbm>>
    %dma_wait3A_310 = arith.constant 9760 : i32
    %dma_wait3A_311 = tpu.memref_slice %arg2[%dma_wait3A_306, %add3A, %dma_wait3A_310] : memref<2x32x10000xi32, #tpu.memory_space<hbm>> -> memref<1x1x80xi32, #tpu.memory_space<hbm>>
    %dma_wait3A_312 = tpu.memref_squeeze %dma_wait3A_311 : memref<1x1x80xi32, #tpu.memory_space<hbm>> -> memref<80xi32, #tpu.memory_space<hbm>>
    tpu.wait_dma2 semaphore(%arg22 : memref<!tpu.dma_semaphore, #tpu.memory_space<semaphore_mem>>) src(%dma_wait3A_312 : memref<80xi32, #tpu.memory_space<hbm>>) dst(%arg10 : memref<80xi32, #tpu.memory_space<vmem>>)
    %dma_start3A_313 = arith.constant 0 : i32
    %dma_start3A_314 = arith.constant 0 : i32
    %dma_start3A_315 = tpu.memref_slice %arg7[%dma_start3A_313, %dma_start3A_314] : memref<10000x8xf32, #tpu.memory_space<vmem_shared>> -> memref<10000x8xf32, #tpu.memory_space<vmem_shared>>
    tpu.enqueue_indirect_dma source(%arg6 : memref<80x8xf32, #tpu.memory_space<vmem>>) target(%dma_start3A_315 : memref<10000x8xf32, #tpu.memory_space<vmem_shared>>) offsets(%arg10 : memref<80xi32, #tpu.memory_space<vmem>>) semaphore(%arg34 : memref<!tpu.dma_semaphore, #tpu.memory_space<semaphore_mem>>) {add = true}
    %dma_wait3A_316 = arith.constant 0 : i32
    %dma_wait3A_317 = arith.constant 0 : i32
    %dma_wait3A_318 = tpu.memref_slice %arg7[%dma_wait3A_316, %dma_wait3A_317] : memref<10000x8xf32, #tpu.memory_space<vmem_shared>> -> memref<10000x8xf32, #tpu.memory_space<vmem_shared>>
    tpu.wait_indirect_dma semaphore(%arg32 : memref<!tpu.dma_semaphore, #tpu.memory_space<semaphore_mem>>) src(%arg6 : memref<80x8xf32, #tpu.memory_space<vmem>>) dst(%dma_wait3A_318 : memref<10000x8xf32, #tpu.memory_space<vmem_shared>>)
    %dma_wait3A_319 = arith.constant 0 : i32
    %dma_wait3A_320 = arith.constant 9840 : i32
    %dma_wait3A_321 = tpu.memref_slice %arg2[%dma_wait3A_319, %add3A, %dma_wait3A_320] : memref<2x32x10000xi32, #tpu.memory_space<hbm>> -> memref<1x1x80xi32, #tpu.memory_space<hbm>>
    %dma_wait3A_322 = tpu.memref_squeeze %dma_wait3A_321 : memref<1x1x80xi32, #tpu.memory_space<hbm>> -> memref<80xi32, #tpu.memory_space<hbm>>
    %dma_wait3A_323 = arith.constant 9840 : i32
    %dma_wait3A_324 = tpu.memref_slice %arg2[%dma_wait3A_319, %add3A, %dma_wait3A_323] : memref<2x32x10000xi32, #tpu.memory_space<hbm>> -> memref<1x1x80xi32, #tpu.memory_space<hbm>>
    %dma_wait3A_325 = tpu.memref_squeeze %dma_wait3A_324 : memref<1x1x80xi32, #tpu.memory_space<hbm>> -> memref<80xi32, #tpu.memory_space<hbm>>
    tpu.wait_dma2 semaphore(%arg23 : memref<!tpu.dma_semaphore, #tpu.memory_space<semaphore_mem>>) src(%dma_wait3A_325 : memref<80xi32, #tpu.memory_space<hbm>>) dst(%arg11 : memref<80xi32, #tpu.memory_space<vmem>>)
    %dma_start3A_326 = arith.constant 0 : i32
    %dma_start3A_327 = arith.constant 0 : i32
    %dma_start3A_328 = tpu.memref_slice %arg7[%dma_start3A_326, %dma_start3A_327] : memref<10000x8xf32, #tpu.memory_space<vmem_shared>> -> memref<10000x8xf32, #tpu.memory_space<vmem_shared>>
    tpu.enqueue_indirect_dma source(%arg6 : memref<80x8xf32, #tpu.memory_space<vmem>>) target(%dma_start3A_328 : memref<10000x8xf32, #tpu.memory_space<vmem_shared>>) offsets(%arg11 : memref<80xi32, #tpu.memory_space<vmem>>) semaphore(%arg35 : memref<!tpu.dma_semaphore, #tpu.memory_space<semaphore_mem>>) {add = true}
    %dma_wait3A_329 = arith.constant 0 : i32
    %dma_wait3A_330 = arith.constant 0 : i32
    %dma_wait3A_331 = tpu.memref_slice %arg7[%dma_wait3A_329, %dma_wait3A_330] : memref<10000x8xf32, #tpu.memory_space<vmem_shared>> -> memref<10000x8xf32, #tpu.memory_space<vmem_shared>>
    tpu.wait_indirect_dma semaphore(%arg33 : memref<!tpu.dma_semaphore, #tpu.memory_space<semaphore_mem>>) src(%arg6 : memref<80x8xf32, #tpu.memory_space<vmem>>) dst(%dma_wait3A_331 : memref<10000x8xf32, #tpu.memory_space<vmem_shared>>)
    %dma_wait3A_332 = arith.constant 0 : i32
    %dma_wait3A_333 = arith.constant 9920 : i32
    %dma_wait3A_334 = tpu.memref_slice %arg2[%dma_wait3A_332, %add3A, %dma_wait3A_333] : memref<2x32x10000xi32, #tpu.memory_space<hbm>> -> memref<1x1x80xi32, #tpu.memory_space<hbm>>
    %dma_wait3A_335 = tpu.memref_squeeze %dma_wait3A_334 : memref<1x1x80xi32, #tpu.memory_space<hbm>> -> memref<80xi32, #tpu.memory_space<hbm>>
    %dma_wait3A_336 = arith.constant 9920 : i32
    %dma_wait3A_337 = tpu.memref_slice %arg2[%dma_wait3A_332, %add3A, %dma_wait3A_336] : memref<2x32x10000xi32, #tpu.memory_space<hbm>> -> memref<1x1x80xi32, #tpu.memory_space<hbm>>
    %dma_wait3A_338 = tpu.memref_squeeze %dma_wait3A_337 : memref<1x1x80xi32, #tpu.memory_space<hbm>> -> memref<80xi32, #tpu.memory_space<hbm>>
    tpu.wait_dma2 semaphore(%arg24 : memref<!tpu.dma_semaphore, #tpu.memory_space<semaphore_mem>>) src(%dma_wait3A_338 : memref<80xi32, #tpu.memory_space<hbm>>) dst(%arg12 : memref<80xi32, #tpu.memory_space<vmem>>)
    %dma_start3A_339 = arith.constant 0 : i32
    %dma_start3A_340 = arith.constant 0 : i32
    %dma_start3A_341 = tpu.memref_slice %arg7[%dma_start3A_339, %dma_start3A_340] : memref<10000x8xf32, #tpu.memory_space<vmem_shared>> -> memref<10000x8xf32, #tpu.memory_space<vmem_shared>>
    tpu.enqueue_indirect_dma source(%arg6 : memref<80x8xf32, #tpu.memory_space<vmem>>) target(%dma_start3A_341 : memref<10000x8xf32, #tpu.memory_space<vmem_shared>>) offsets(%arg12 : memref<80xi32, #tpu.memory_space<vmem>>) semaphore(%arg36 : memref<!tpu.dma_semaphore, #tpu.memory_space<semaphore_mem>>) {add = true}
    %dma_wait3A_342 = arith.constant 0 : i32
    %dma_wait3A_343 = arith.constant 0 : i32
    %dma_wait3A_344 = tpu.memref_slice %arg7[%dma_wait3A_342, %dma_wait3A_343] : memref<10000x8xf32, #tpu.memory_space<vmem_shared>> -> memref<10000x8xf32, #tpu.memory_space<vmem_shared>>
    tpu.wait_indirect_dma semaphore(%arg34 : memref<!tpu.dma_semaphore, #tpu.memory_space<semaphore_mem>>) src(%arg6 : memref<80x8xf32, #tpu.memory_space<vmem>>) dst(%dma_wait3A_344 : memref<10000x8xf32, #tpu.memory_space<vmem_shared>>)
    %dma_wait3A_345 = arith.constant 0 : i32
    %dma_wait3A_346 = arith.constant 0 : i32
    %dma_wait3A_347 = tpu.memref_slice %arg7[%dma_wait3A_345, %dma_wait3A_346] : memref<10000x8xf32, #tpu.memory_space<vmem_shared>> -> memref<10000x8xf32, #tpu.memory_space<vmem_shared>>
    tpu.wait_indirect_dma semaphore(%arg35 : memref<!tpu.dma_semaphore, #tpu.memory_space<semaphore_mem>>) src(%arg6 : memref<80x8xf32, #tpu.memory_space<vmem>>) dst(%dma_wait3A_347 : memref<10000x8xf32, #tpu.memory_space<vmem_shared>>)
    %dma_wait3A_348 = arith.constant 0 : i32
    %dma_wait3A_349 = arith.constant 0 : i32
    %dma_wait3A_350 = tpu.memref_slice %arg7[%dma_wait3A_348, %dma_wait3A_349] : memref<10000x8xf32, #tpu.memory_space<vmem_shared>> -> memref<10000x8xf32, #tpu.memory_space<vmem_shared>>
    tpu.wait_indirect_dma semaphore(%arg36 : memref<!tpu.dma_semaphore, #tpu.memory_space<semaphore_mem>>) src(%arg6 : memref<80x8xf32, #tpu.memory_space<vmem>>) dst(%dma_wait3A_350 : memref<10000x8xf32, #tpu.memory_space<vmem_shared>>)
    %barrier3A_351 = arith.constant 0 : index
    tpu.barrier barrier_id(%barrier3A_351)
    %mul3A_352 = arith.constant 640 : i32
    %mul3A_353 = arith.muli %arg1, %mul3A_352 : i32
    %lt3A_354 = arith.constant 15 : i32
    %lt3A_355 = arith.cmpi slt, %arg1, %lt3A_354 : i32
    %convert_element_type3A_356 = arith.extui %lt3A_355 : i1 to i32
    %cond3A_357 = arith.constant 0 : i32
    %cond3A_358 = arith.cmpi ne, %convert_element_type3A_356, %cond3A_357 : i32
    scf.if %cond3A_358 {
      "tpu.region"() ({
        %run_scoped3A = tpu.sem_alloc : memref<!tpu.dma_semaphore, #tpu.memory_space<semaphore_mem>>
        %dma_start3A_364 = arith.constant 0 : i32
        %dma_start3A_365 = arith.constant 0 : i32
        %dma_start3A_366 = tpu.memref_slice %arg5[%arg0, %dma_start3A_364, %dma_start3A_365] : memref<2x10000x8xf32, #tpu.memory_space<hbm>> -> memref<1x10000x8xf32, #tpu.memory_space<hbm>>
        %dma_start3A_367 = tpu.memref_squeeze %dma_start3A_366 : memref<1x10000x8xf32, #tpu.memory_space<hbm>> -> memref<10000x8xf32, #tpu.memory_space<hbm>>
        %dma_start3A_368 = arith.constant 0 : i32
        %dma_start3A_369 = tpu.memref_slice %dma_start3A_367[%mul3A_353, %dma_start3A_368] : memref<10000x8xf32, #tpu.memory_space<hbm>> -> memref<640x8xf32, #tpu.memory_space<hbm>>
        %dma_start3A_370 = arith.constant 0 : i32
        %dma_start3A_371 = tpu.memref_slice %arg7[%mul3A_353, %dma_start3A_370] : memref<10000x8xf32, #tpu.memory_space<vmem_shared>> -> memref<640x8xf32, #tpu.memory_space<vmem_shared>>
        tpu.enqueue_dma source(%dma_start3A_371 : memref<640x8xf32, #tpu.memory_space<vmem_shared>>) target(%dma_start3A_369 : memref<640x8xf32, #tpu.memory_space<hbm>>) target_semaphore(%run_scoped3A : memref<!tpu.dma_semaphore, #tpu.memory_space<semaphore_mem>>)
        %dma_wait3A_372 = arith.constant 0 : i32
        %dma_wait3A_373 = arith.constant 0 : i32
        %dma_wait3A_374 = tpu.memref_slice %arg5[%arg0, %dma_wait3A_372, %dma_wait3A_373] : memref<2x10000x8xf32, #tpu.memory_space<hbm>> -> memref<1x10000x8xf32, #tpu.memory_space<hbm>>
        %dma_wait3A_375 = tpu.memref_squeeze %dma_wait3A_374 : memref<1x10000x8xf32, #tpu.memory_space<hbm>> -> memref<10000x8xf32, #tpu.memory_space<hbm>>
        %dma_wait3A_376 = arith.constant 0 : i32
        %dma_wait3A_377 = tpu.memref_slice %dma_wait3A_375[%mul3A_353, %dma_wait3A_376] : memref<10000x8xf32, #tpu.memory_space<hbm>> -> memref<640x8xf32, #tpu.memory_space<hbm>>
        %dma_wait3A_378 = arith.constant 0 : i32
        %dma_wait3A_379 = tpu.memref_slice %arg7[%mul3A_353, %dma_wait3A_378] : memref<10000x8xf32, #tpu.memory_space<vmem_shared>> -> memref<640x8xf32, #tpu.memory_space<vmem_shared>>
        tpu.wait_dma2 semaphore(%run_scoped3A : memref<!tpu.dma_semaphore, #tpu.memory_space<semaphore_mem>>) src(%dma_wait3A_379 : memref<640x8xf32, #tpu.memory_space<vmem_shared>>) dst(%dma_wait3A_377 : memref<640x8xf32, #tpu.memory_space<hbm>>)
        tpu.yield
      }) : () -> ()
    } else {
    }
    %eq3A_359 = arith.constant 15 : i32
    %eq3A_360 = arith.cmpi eq, %arg1, %eq3A_359 : i32
    %convert_element_type3A_361 = arith.extui %eq3A_360 : i1 to i32
    %cond3A_362 = arith.constant 0 : i32
    %cond3A_363 = arith.cmpi ne, %convert_element_type3A_361, %cond3A_362 : i32
    scf.if %cond3A_363 {
      "tpu.region"() ({
        %run_scoped3A = tpu.sem_alloc : memref<!tpu.dma_semaphore, #tpu.memory_space<semaphore_mem>>
        %dma_start3A_364 = arith.constant 0 : i32
        %dma_start3A_365 = arith.constant 0 : i32
        %dma_start3A_366 = tpu.memref_slice %arg5[%arg0, %dma_start3A_364, %dma_start3A_365] : memref<2x10000x8xf32, #tpu.memory_space<hbm>> -> memref<1x10000x8xf32, #tpu.memory_space<hbm>>
        %dma_start3A_367 = tpu.memref_squeeze %dma_start3A_366 : memref<1x10000x8xf32, #tpu.memory_space<hbm>> -> memref<10000x8xf32, #tpu.memory_space<hbm>>
        %dma_start3A_368 = arith.constant 0 : i32
        %dma_start3A_369 = tpu.memref_slice %dma_start3A_367[%mul3A_353, %dma_start3A_368] : memref<10000x8xf32, #tpu.memory_space<hbm>> -> memref<400x8xf32, #tpu.memory_space<hbm>>
        %dma_start3A_370 = arith.constant 0 : i32
        %dma_start3A_371 = tpu.memref_slice %arg7[%mul3A_353, %dma_start3A_370] : memref<10000x8xf32, #tpu.memory_space<vmem_shared>> -> memref<400x8xf32, #tpu.memory_space<vmem_shared>>
        tpu.enqueue_dma source(%dma_start3A_371 : memref<400x8xf32, #tpu.memory_space<vmem_shared>>) target(%dma_start3A_369 : memref<400x8xf32, #tpu.memory_space<hbm>>) target_semaphore(%run_scoped3A : memref<!tpu.dma_semaphore, #tpu.memory_space<semaphore_mem>>)
        %dma_wait3A_372 = arith.constant 0 : i32
        %dma_wait3A_373 = arith.constant 0 : i32
        %dma_wait3A_374 = tpu.memref_slice %arg5[%arg0, %dma_wait3A_372, %dma_wait3A_373] : memref<2x10000x8xf32, #tpu.memory_space<hbm>> -> memref<1x10000x8xf32, #tpu.memory_space<hbm>>
        %dma_wait3A_375 = tpu.memref_squeeze %dma_wait3A_374 : memref<1x10000x8xf32, #tpu.memory_space<hbm>> -> memref<10000x8xf32, #tpu.memory_space<hbm>>
        %dma_wait3A_376 = arith.constant 0 : i32
        %dma_wait3A_377 = tpu.memref_slice %dma_wait3A_375[%mul3A_353, %dma_wait3A_376] : memref<10000x8xf32, #tpu.memory_space<hbm>> -> memref<400x8xf32, #tpu.memory_space<hbm>>
        %dma_wait3A_378 = arith.constant 0 : i32
        %dma_wait3A_379 = tpu.memref_slice %arg7[%mul3A_353, %dma_wait3A_378] : memref<10000x8xf32, #tpu.memory_space<vmem_shared>> -> memref<400x8xf32, #tpu.memory_space<vmem_shared>>
        tpu.wait_dma2 semaphore(%run_scoped3A : memref<!tpu.dma_semaphore, #tpu.memory_space<semaphore_mem>>) src(%dma_wait3A_379 : memref<400x8xf32, #tpu.memory_space<vmem_shared>>) dst(%dma_wait3A_377 : memref<400x8xf32, #tpu.memory_space<hbm>>)
        tpu.yield
      }) : () -> ()
    } else {
    }
    return
  }
}

#map = affine_map<(d0, d1) -> (0, 0)>
#map1 = affine_map<(d0, d1) -> (0, 0, 0)>
module attributes {stable_mosaic.version = 14 : i64} {
  func.func @spmm_kernel(%arg0: i32, %arg1: i32, %arg2: memref<10000x64xf32, #tpu.memory_space<hbm>>, %arg3: memref<2x32x10000xi32, #tpu.memory_space<hbm>>, %arg4: memref<10000x64xf32, #tpu.memory_space<hbm>>, %arg5: memref<2x10000x64xf32, #tpu.memory_space<hbm>>, %arg6: memref<10000x64xf32, #tpu.memory_space<vmem_shared>>, %arg7: memref<128xi32, #tpu.memory_space<vmem>>, %arg8: memref<128xi32, #tpu.memory_space<vmem>>, %arg9: memref<128xi32, #tpu.memory_space<vmem>>, %arg10: memref<128xi32, #tpu.memory_space<vmem>>, %arg11: memref<128xi32, #tpu.memory_space<vmem>>, %arg12: memref<128xi32, #tpu.memory_space<vmem>>, %arg13: memref<128xi32, #tpu.memory_space<vmem>>, %arg14: memref<128xi32, #tpu.memory_space<vmem>>, %arg15: memref<128xi32, #tpu.memory_space<vmem>>, %arg16: memref<128xi32, #tpu.memory_space<vmem>>, %arg17: memref<128xi32, #tpu.memory_space<vmem>>, %arg18: memref<128xi32, #tpu.memory_space<vmem>>, %arg19: memref<128x64xf32, #tpu.memory_space<vmem>>, %arg20: memref<128x64xf32, #tpu.memory_space<vmem>>, %arg21: memref<128x64xf32, #tpu.memory_space<vmem>>, %arg22: memref<16xi32, #tpu.memory_space<vmem>>, %arg23: memref<16xi32, #tpu.memory_space<vmem>>, %arg24: memref<!tpu.dma_semaphore, #tpu.memory_space<semaphore_mem>>, %arg25: memref<!tpu.dma_semaphore, #tpu.memory_space<semaphore_mem>>, %arg26: memref<!tpu.dma_semaphore, #tpu.memory_space<semaphore_mem>>, %arg27: memref<!tpu.dma_semaphore, #tpu.memory_space<semaphore_mem>>, %arg28: memref<!tpu.dma_semaphore, #tpu.memory_space<semaphore_mem>>, %arg29: memref<!tpu.dma_semaphore, #tpu.memory_space<semaphore_mem>>, %arg30: memref<!tpu.dma_semaphore, #tpu.memory_space<semaphore_mem>>, %arg31: memref<!tpu.dma_semaphore, #tpu.memory_space<semaphore_mem>>, %arg32: memref<!tpu.dma_semaphore, #tpu.memory_space<semaphore_mem>>, %arg33: memref<!tpu.dma_semaphore, #tpu.memory_space<semaphore_mem>>, %arg34: memref<!tpu.dma_semaphore, #tpu.memory_space<semaphore_mem>>, %arg35: memref<!tpu.dma_semaphore, #tpu.memory_space<semaphore_mem>>, %arg36: memref<!tpu.dma_semaphore, #tpu.memory_space<semaphore_mem>>, %arg37: memref<!tpu.dma_semaphore, #tpu.memory_space<semaphore_mem>>, %arg38: memref<!tpu.dma_semaphore, #tpu.memory_space<semaphore_mem>>, %arg39: memref<!tpu.dma_semaphore, #tpu.memory_space<semaphore_mem>>, %arg40: memref<!tpu.dma_semaphore, #tpu.memory_space<semaphore_mem>>, %arg41: memref<!tpu.dma_semaphore, #tpu.memory_space<semaphore_mem>>) attributes {dimension_semantics = [#tpu.dimension_semantics<core_parallel>, #tpu.dimension_semantics<subcore_parallel>], iteration_bounds = array<i64: 2, 16>, scalar_prefetch = 0 : i64, scratch_operands = 36 : i64, tpu.core_type = #tpu.core_type<sc_vector_subcore>, window_params = [{transform_indices = #map}, {transform_indices = #map1}, {transform_indices = #map}, {transform_indices = #map1}]} {
    %mul3A = arith.constant 16 : i32
    %mul3A_0 = arith.muli %arg0, %mul3A : i32
    %add3A = arith.addi %mul3A_0, %arg1 : i32
    %mul3A_1 = arith.constant 640 : i32
    %mul3A_2 = arith.muli %arg1, %mul3A_1 : i32
    %lt3A = arith.constant 15 : i32
    %lt3A_3 = arith.cmpi slt, %arg1, %lt3A : i32
    %convert_element_type3A = arith.extui %lt3A_3 : i1 to i32
    %cond3A = arith.constant 0 : i32
    %cond3A_4 = arith.cmpi ne, %convert_element_type3A, %cond3A : i32
    scf.if %cond3A_4 {
      "tpu.region"() ({
        %run_scoped3A_265 = tpu.sem_alloc : memref<!tpu.dma_semaphore, #tpu.memory_space<semaphore_mem>>
        %dma_start3A_266 = arith.constant 0 : i32
        %dma_start3A_267 = tpu.memref_slice %arg6[%mul3A_2, %dma_start3A_266] : memref<10000x64xf32, #tpu.memory_space<vmem_shared>> -> memref<640x64xf32, #tpu.memory_space<vmem_shared>>
        %dma_start3A_268 = arith.constant 0 : i32
        %dma_start3A_269 = tpu.memref_slice %arg4[%mul3A_2, %dma_start3A_268] : memref<10000x64xf32, #tpu.memory_space<hbm>> -> memref<640x64xf32, #tpu.memory_space<hbm>>
        tpu.enqueue_dma source(%dma_start3A_269 : memref<640x64xf32, #tpu.memory_space<hbm>>) target(%dma_start3A_267 : memref<640x64xf32, #tpu.memory_space<vmem_shared>>) target_semaphore(%run_scoped3A_265 : memref<!tpu.dma_semaphore, #tpu.memory_space<semaphore_mem>>)
        %dma_wait3A_270 = arith.constant 0 : i32
        %dma_wait3A_271 = tpu.memref_slice %arg6[%mul3A_2, %dma_wait3A_270] : memref<10000x64xf32, #tpu.memory_space<vmem_shared>> -> memref<640x64xf32, #tpu.memory_space<vmem_shared>>
        %dma_wait3A_272 = arith.constant 0 : i32
        %dma_wait3A_273 = tpu.memref_slice %arg4[%mul3A_2, %dma_wait3A_272] : memref<10000x64xf32, #tpu.memory_space<hbm>> -> memref<640x64xf32, #tpu.memory_space<hbm>>
        tpu.wait_dma2 semaphore(%run_scoped3A_265 : memref<!tpu.dma_semaphore, #tpu.memory_space<semaphore_mem>>) src(%dma_wait3A_273 : memref<640x64xf32, #tpu.memory_space<hbm>>) dst(%dma_wait3A_271 : memref<640x64xf32, #tpu.memory_space<vmem_shared>>)
        tpu.yield
      }) : () -> ()
    } else {
    }
    %eq3A = arith.constant 15 : i32
    %eq3A_5 = arith.cmpi eq, %arg1, %eq3A : i32
    %convert_element_type3A_6 = arith.extui %eq3A_5 : i1 to i32
    %cond3A_7 = arith.constant 0 : i32
    %cond3A_8 = arith.cmpi ne, %convert_element_type3A_6, %cond3A_7 : i32
    scf.if %cond3A_8 {
      "tpu.region"() ({
        %run_scoped3A_265 = tpu.sem_alloc : memref<!tpu.dma_semaphore, #tpu.memory_space<semaphore_mem>>
        %dma_start3A_266 = arith.constant 0 : i32
        %dma_start3A_267 = tpu.memref_slice %arg6[%mul3A_2, %dma_start3A_266] : memref<10000x64xf32, #tpu.memory_space<vmem_shared>> -> memref<400x64xf32, #tpu.memory_space<vmem_shared>>
        %dma_start3A_268 = arith.constant 0 : i32
        %dma_start3A_269 = tpu.memref_slice %arg4[%mul3A_2, %dma_start3A_268] : memref<10000x64xf32, #tpu.memory_space<hbm>> -> memref<400x64xf32, #tpu.memory_space<hbm>>
        tpu.enqueue_dma source(%dma_start3A_269 : memref<400x64xf32, #tpu.memory_space<hbm>>) target(%dma_start3A_267 : memref<400x64xf32, #tpu.memory_space<vmem_shared>>) target_semaphore(%run_scoped3A_265 : memref<!tpu.dma_semaphore, #tpu.memory_space<semaphore_mem>>)
        %dma_wait3A_270 = arith.constant 0 : i32
        %dma_wait3A_271 = tpu.memref_slice %arg6[%mul3A_2, %dma_wait3A_270] : memref<10000x64xf32, #tpu.memory_space<vmem_shared>> -> memref<400x64xf32, #tpu.memory_space<vmem_shared>>
        %dma_wait3A_272 = arith.constant 0 : i32
        %dma_wait3A_273 = tpu.memref_slice %arg4[%mul3A_2, %dma_wait3A_272] : memref<10000x64xf32, #tpu.memory_space<hbm>> -> memref<400x64xf32, #tpu.memory_space<hbm>>
        tpu.wait_dma2 semaphore(%run_scoped3A_265 : memref<!tpu.dma_semaphore, #tpu.memory_space<semaphore_mem>>) src(%dma_wait3A_273 : memref<400x64xf32, #tpu.memory_space<hbm>>) dst(%dma_wait3A_271 : memref<400x64xf32, #tpu.memory_space<vmem_shared>>)
        tpu.yield
      }) : () -> ()
    } else {
    }
    %barrier3A = arith.constant 0 : index
    tpu.barrier barrier_id(%barrier3A)
    %dma_start3A = arith.constant 0 : i32
    %dma_start3A_9 = arith.constant 0 : i32
    %dma_start3A_10 = tpu.memref_slice %arg3[%dma_start3A, %add3A, %dma_start3A_9] : memref<2x32x10000xi32, #tpu.memory_space<hbm>> -> memref<1x1x128xi32, #tpu.memory_space<hbm>>
    %dma_start3A_11 = tpu.memref_squeeze %dma_start3A_10 : memref<1x1x128xi32, #tpu.memory_space<hbm>> -> memref<128xi32, #tpu.memory_space<hbm>>
    %dma_start3A_12 = arith.constant 0 : i32
    %dma_start3A_13 = tpu.memref_slice %arg3[%dma_start3A, %add3A, %dma_start3A_12] : memref<2x32x10000xi32, #tpu.memory_space<hbm>> -> memref<1x1x128xi32, #tpu.memory_space<hbm>>
    %dma_start3A_14 = tpu.memref_squeeze %dma_start3A_13 : memref<1x1x128xi32, #tpu.memory_space<hbm>> -> memref<128xi32, #tpu.memory_space<hbm>>
    tpu.enqueue_dma source(%dma_start3A_14 : memref<128xi32, #tpu.memory_space<hbm>>) target(%arg7 : memref<128xi32, #tpu.memory_space<vmem>>) target_semaphore(%arg24 : memref<!tpu.dma_semaphore, #tpu.memory_space<semaphore_mem>>)
    %dma_start3A_15 = arith.constant 1 : i32
    %dma_start3A_16 = arith.constant 0 : i32
    %dma_start3A_17 = tpu.memref_slice %arg3[%dma_start3A_15, %add3A, %dma_start3A_16] : memref<2x32x10000xi32, #tpu.memory_space<hbm>> -> memref<1x1x128xi32, #tpu.memory_space<hbm>>
    %dma_start3A_18 = tpu.memref_squeeze %dma_start3A_17 : memref<1x1x128xi32, #tpu.memory_space<hbm>> -> memref<128xi32, #tpu.memory_space<hbm>>
    %dma_start3A_19 = arith.constant 0 : i32
    %dma_start3A_20 = tpu.memref_slice %arg3[%dma_start3A_15, %add3A, %dma_start3A_19] : memref<2x32x10000xi32, #tpu.memory_space<hbm>> -> memref<1x1x128xi32, #tpu.memory_space<hbm>>
    %dma_start3A_21 = tpu.memref_squeeze %dma_start3A_20 : memref<1x1x128xi32, #tpu.memory_space<hbm>> -> memref<128xi32, #tpu.memory_space<hbm>>
    tpu.enqueue_dma source(%dma_start3A_21 : memref<128xi32, #tpu.memory_space<hbm>>) target(%arg13 : memref<128xi32, #tpu.memory_space<vmem>>) target_semaphore(%arg30 : memref<!tpu.dma_semaphore, #tpu.memory_space<semaphore_mem>>)
    %dma_start3A_22 = arith.constant 0 : i32
    %dma_start3A_23 = arith.constant 128 : i32
    %dma_start3A_24 = tpu.memref_slice %arg3[%dma_start3A_22, %add3A, %dma_start3A_23] : memref<2x32x10000xi32, #tpu.memory_space<hbm>> -> memref<1x1x128xi32, #tpu.memory_space<hbm>>
    %dma_start3A_25 = tpu.memref_squeeze %dma_start3A_24 : memref<1x1x128xi32, #tpu.memory_space<hbm>> -> memref<128xi32, #tpu.memory_space<hbm>>
    %dma_start3A_26 = arith.constant 128 : i32
    %dma_start3A_27 = tpu.memref_slice %arg3[%dma_start3A_22, %add3A, %dma_start3A_26] : memref<2x32x10000xi32, #tpu.memory_space<hbm>> -> memref<1x1x128xi32, #tpu.memory_space<hbm>>
    %dma_start3A_28 = tpu.memref_squeeze %dma_start3A_27 : memref<1x1x128xi32, #tpu.memory_space<hbm>> -> memref<128xi32, #tpu.memory_space<hbm>>
    tpu.enqueue_dma source(%dma_start3A_28 : memref<128xi32, #tpu.memory_space<hbm>>) target(%arg8 : memref<128xi32, #tpu.memory_space<vmem>>) target_semaphore(%arg25 : memref<!tpu.dma_semaphore, #tpu.memory_space<semaphore_mem>>)
    %dma_start3A_29 = arith.constant 1 : i32
    %dma_start3A_30 = arith.constant 128 : i32
    %dma_start3A_31 = tpu.memref_slice %arg3[%dma_start3A_29, %add3A, %dma_start3A_30] : memref<2x32x10000xi32, #tpu.memory_space<hbm>> -> memref<1x1x128xi32, #tpu.memory_space<hbm>>
    %dma_start3A_32 = tpu.memref_squeeze %dma_start3A_31 : memref<1x1x128xi32, #tpu.memory_space<hbm>> -> memref<128xi32, #tpu.memory_space<hbm>>
    %dma_start3A_33 = arith.constant 128 : i32
    %dma_start3A_34 = tpu.memref_slice %arg3[%dma_start3A_29, %add3A, %dma_start3A_33] : memref<2x32x10000xi32, #tpu.memory_space<hbm>> -> memref<1x1x128xi32, #tpu.memory_space<hbm>>
    %dma_start3A_35 = tpu.memref_squeeze %dma_start3A_34 : memref<1x1x128xi32, #tpu.memory_space<hbm>> -> memref<128xi32, #tpu.memory_space<hbm>>
    tpu.enqueue_dma source(%dma_start3A_35 : memref<128xi32, #tpu.memory_space<hbm>>) target(%arg14 : memref<128xi32, #tpu.memory_space<vmem>>) target_semaphore(%arg31 : memref<!tpu.dma_semaphore, #tpu.memory_space<semaphore_mem>>)
    %dma_start3A_36 = arith.constant 0 : i32
    %dma_start3A_37 = arith.constant 256 : i32
    %dma_start3A_38 = tpu.memref_slice %arg3[%dma_start3A_36, %add3A, %dma_start3A_37] : memref<2x32x10000xi32, #tpu.memory_space<hbm>> -> memref<1x1x128xi32, #tpu.memory_space<hbm>>
    %dma_start3A_39 = tpu.memref_squeeze %dma_start3A_38 : memref<1x1x128xi32, #tpu.memory_space<hbm>> -> memref<128xi32, #tpu.memory_space<hbm>>
    %dma_start3A_40 = arith.constant 256 : i32
    %dma_start3A_41 = tpu.memref_slice %arg3[%dma_start3A_36, %add3A, %dma_start3A_40] : memref<2x32x10000xi32, #tpu.memory_space<hbm>> -> memref<1x1x128xi32, #tpu.memory_space<hbm>>
    %dma_start3A_42 = tpu.memref_squeeze %dma_start3A_41 : memref<1x1x128xi32, #tpu.memory_space<hbm>> -> memref<128xi32, #tpu.memory_space<hbm>>
    tpu.enqueue_dma source(%dma_start3A_42 : memref<128xi32, #tpu.memory_space<hbm>>) target(%arg9 : memref<128xi32, #tpu.memory_space<vmem>>) target_semaphore(%arg26 : memref<!tpu.dma_semaphore, #tpu.memory_space<semaphore_mem>>)
    %dma_start3A_43 = arith.constant 1 : i32
    %dma_start3A_44 = arith.constant 256 : i32
    %dma_start3A_45 = tpu.memref_slice %arg3[%dma_start3A_43, %add3A, %dma_start3A_44] : memref<2x32x10000xi32, #tpu.memory_space<hbm>> -> memref<1x1x128xi32, #tpu.memory_space<hbm>>
    %dma_start3A_46 = tpu.memref_squeeze %dma_start3A_45 : memref<1x1x128xi32, #tpu.memory_space<hbm>> -> memref<128xi32, #tpu.memory_space<hbm>>
    %dma_start3A_47 = arith.constant 256 : i32
    %dma_start3A_48 = tpu.memref_slice %arg3[%dma_start3A_43, %add3A, %dma_start3A_47] : memref<2x32x10000xi32, #tpu.memory_space<hbm>> -> memref<1x1x128xi32, #tpu.memory_space<hbm>>
    %dma_start3A_49 = tpu.memref_squeeze %dma_start3A_48 : memref<1x1x128xi32, #tpu.memory_space<hbm>> -> memref<128xi32, #tpu.memory_space<hbm>>
    tpu.enqueue_dma source(%dma_start3A_49 : memref<128xi32, #tpu.memory_space<hbm>>) target(%arg15 : memref<128xi32, #tpu.memory_space<vmem>>) target_semaphore(%arg32 : memref<!tpu.dma_semaphore, #tpu.memory_space<semaphore_mem>>)
    %dma_start3A_50 = arith.constant 0 : i32
    %dma_start3A_51 = arith.constant 384 : i32
    %dma_start3A_52 = tpu.memref_slice %arg3[%dma_start3A_50, %add3A, %dma_start3A_51] : memref<2x32x10000xi32, #tpu.memory_space<hbm>> -> memref<1x1x128xi32, #tpu.memory_space<hbm>>
    %dma_start3A_53 = tpu.memref_squeeze %dma_start3A_52 : memref<1x1x128xi32, #tpu.memory_space<hbm>> -> memref<128xi32, #tpu.memory_space<hbm>>
    %dma_start3A_54 = arith.constant 384 : i32
    %dma_start3A_55 = tpu.memref_slice %arg3[%dma_start3A_50, %add3A, %dma_start3A_54] : memref<2x32x10000xi32, #tpu.memory_space<hbm>> -> memref<1x1x128xi32, #tpu.memory_space<hbm>>
    %dma_start3A_56 = tpu.memref_squeeze %dma_start3A_55 : memref<1x1x128xi32, #tpu.memory_space<hbm>> -> memref<128xi32, #tpu.memory_space<hbm>>
    tpu.enqueue_dma source(%dma_start3A_56 : memref<128xi32, #tpu.memory_space<hbm>>) target(%arg10 : memref<128xi32, #tpu.memory_space<vmem>>) target_semaphore(%arg27 : memref<!tpu.dma_semaphore, #tpu.memory_space<semaphore_mem>>)
    %dma_start3A_57 = arith.constant 1 : i32
    %dma_start3A_58 = arith.constant 384 : i32
    %dma_start3A_59 = tpu.memref_slice %arg3[%dma_start3A_57, %add3A, %dma_start3A_58] : memref<2x32x10000xi32, #tpu.memory_space<hbm>> -> memref<1x1x128xi32, #tpu.memory_space<hbm>>
    %dma_start3A_60 = tpu.memref_squeeze %dma_start3A_59 : memref<1x1x128xi32, #tpu.memory_space<hbm>> -> memref<128xi32, #tpu.memory_space<hbm>>
    %dma_start3A_61 = arith.constant 384 : i32
    %dma_start3A_62 = tpu.memref_slice %arg3[%dma_start3A_57, %add3A, %dma_start3A_61] : memref<2x32x10000xi32, #tpu.memory_space<hbm>> -> memref<1x1x128xi32, #tpu.memory_space<hbm>>
    %dma_start3A_63 = tpu.memref_squeeze %dma_start3A_62 : memref<1x1x128xi32, #tpu.memory_space<hbm>> -> memref<128xi32, #tpu.memory_space<hbm>>
    tpu.enqueue_dma source(%dma_start3A_63 : memref<128xi32, #tpu.memory_space<hbm>>) target(%arg16 : memref<128xi32, #tpu.memory_space<vmem>>) target_semaphore(%arg33 : memref<!tpu.dma_semaphore, #tpu.memory_space<semaphore_mem>>)
    %dma_wait3A = arith.constant 0 : i32
    %dma_wait3A_64 = arith.constant 0 : i32
    %dma_wait3A_65 = tpu.memref_slice %arg3[%dma_wait3A, %add3A, %dma_wait3A_64] : memref<2x32x10000xi32, #tpu.memory_space<hbm>> -> memref<1x1x128xi32, #tpu.memory_space<hbm>>
    %dma_wait3A_66 = tpu.memref_squeeze %dma_wait3A_65 : memref<1x1x128xi32, #tpu.memory_space<hbm>> -> memref<128xi32, #tpu.memory_space<hbm>>
    %dma_wait3A_67 = arith.constant 0 : i32
    %dma_wait3A_68 = tpu.memref_slice %arg3[%dma_wait3A, %add3A, %dma_wait3A_67] : memref<2x32x10000xi32, #tpu.memory_space<hbm>> -> memref<1x1x128xi32, #tpu.memory_space<hbm>>
    %dma_wait3A_69 = tpu.memref_squeeze %dma_wait3A_68 : memref<1x1x128xi32, #tpu.memory_space<hbm>> -> memref<128xi32, #tpu.memory_space<hbm>>
    tpu.wait_dma2 semaphore(%arg24 : memref<!tpu.dma_semaphore, #tpu.memory_space<semaphore_mem>>) src(%dma_wait3A_69 : memref<128xi32, #tpu.memory_space<hbm>>) dst(%arg7 : memref<128xi32, #tpu.memory_space<vmem>>)
    %dma_wait3A_70 = arith.constant 1 : i32
    %dma_wait3A_71 = arith.constant 0 : i32
    %dma_wait3A_72 = tpu.memref_slice %arg3[%dma_wait3A_70, %add3A, %dma_wait3A_71] : memref<2x32x10000xi32, #tpu.memory_space<hbm>> -> memref<1x1x128xi32, #tpu.memory_space<hbm>>
    %dma_wait3A_73 = tpu.memref_squeeze %dma_wait3A_72 : memref<1x1x128xi32, #tpu.memory_space<hbm>> -> memref<128xi32, #tpu.memory_space<hbm>>
    %dma_wait3A_74 = arith.constant 0 : i32
    %dma_wait3A_75 = tpu.memref_slice %arg3[%dma_wait3A_70, %add3A, %dma_wait3A_74] : memref<2x32x10000xi32, #tpu.memory_space<hbm>> -> memref<1x1x128xi32, #tpu.memory_space<hbm>>
    %dma_wait3A_76 = tpu.memref_squeeze %dma_wait3A_75 : memref<1x1x128xi32, #tpu.memory_space<hbm>> -> memref<128xi32, #tpu.memory_space<hbm>>
    tpu.wait_dma2 semaphore(%arg30 : memref<!tpu.dma_semaphore, #tpu.memory_space<semaphore_mem>>) src(%dma_wait3A_76 : memref<128xi32, #tpu.memory_space<hbm>>) dst(%arg13 : memref<128xi32, #tpu.memory_space<vmem>>)
    %dma_start3A_77 = arith.constant 0 : i32
    %dma_start3A_78 = arith.constant 0 : i32
    %dma_start3A_79 = tpu.memref_slice %arg2[%dma_start3A_77, %dma_start3A_78] : memref<10000x64xf32, #tpu.memory_space<hbm>> -> memref<10000x64xf32, #tpu.memory_space<hbm>>
    tpu.enqueue_indirect_dma source(%dma_start3A_79 : memref<10000x64xf32, #tpu.memory_space<hbm>>) target(%arg19 : memref<128x64xf32, #tpu.memory_space<vmem>>) offsets(%arg7 : memref<128xi32, #tpu.memory_space<vmem>>) semaphore(%arg36 : memref<!tpu.dma_semaphore, #tpu.memory_space<semaphore_mem>>)
    %dma_wait3A_80 = arith.constant 0 : i32
    %dma_wait3A_81 = arith.constant 128 : i32
    %dma_wait3A_82 = tpu.memref_slice %arg3[%dma_wait3A_80, %add3A, %dma_wait3A_81] : memref<2x32x10000xi32, #tpu.memory_space<hbm>> -> memref<1x1x128xi32, #tpu.memory_space<hbm>>
    %dma_wait3A_83 = tpu.memref_squeeze %dma_wait3A_82 : memref<1x1x128xi32, #tpu.memory_space<hbm>> -> memref<128xi32, #tpu.memory_space<hbm>>
    %dma_wait3A_84 = arith.constant 128 : i32
    %dma_wait3A_85 = tpu.memref_slice %arg3[%dma_wait3A_80, %add3A, %dma_wait3A_84] : memref<2x32x10000xi32, #tpu.memory_space<hbm>> -> memref<1x1x128xi32, #tpu.memory_space<hbm>>
    %dma_wait3A_86 = tpu.memref_squeeze %dma_wait3A_85 : memref<1x1x128xi32, #tpu.memory_space<hbm>> -> memref<128xi32, #tpu.memory_space<hbm>>
    tpu.wait_dma2 semaphore(%arg25 : memref<!tpu.dma_semaphore, #tpu.memory_space<semaphore_mem>>) src(%dma_wait3A_86 : memref<128xi32, #tpu.memory_space<hbm>>) dst(%arg8 : memref<128xi32, #tpu.memory_space<vmem>>)
    %dma_wait3A_87 = arith.constant 1 : i32
    %dma_wait3A_88 = arith.constant 128 : i32
    %dma_wait3A_89 = tpu.memref_slice %arg3[%dma_wait3A_87, %add3A, %dma_wait3A_88] : memref<2x32x10000xi32, #tpu.memory_space<hbm>> -> memref<1x1x128xi32, #tpu.memory_space<hbm>>
    %dma_wait3A_90 = tpu.memref_squeeze %dma_wait3A_89 : memref<1x1x128xi32, #tpu.memory_space<hbm>> -> memref<128xi32, #tpu.memory_space<hbm>>
    %dma_wait3A_91 = arith.constant 128 : i32
    %dma_wait3A_92 = tpu.memref_slice %arg3[%dma_wait3A_87, %add3A, %dma_wait3A_91] : memref<2x32x10000xi32, #tpu.memory_space<hbm>> -> memref<1x1x128xi32, #tpu.memory_space<hbm>>
    %dma_wait3A_93 = tpu.memref_squeeze %dma_wait3A_92 : memref<1x1x128xi32, #tpu.memory_space<hbm>> -> memref<128xi32, #tpu.memory_space<hbm>>
    tpu.wait_dma2 semaphore(%arg31 : memref<!tpu.dma_semaphore, #tpu.memory_space<semaphore_mem>>) src(%dma_wait3A_93 : memref<128xi32, #tpu.memory_space<hbm>>) dst(%arg14 : memref<128xi32, #tpu.memory_space<vmem>>)
    %dma_start3A_94 = arith.constant 0 : i32
    %dma_start3A_95 = arith.constant 0 : i32
    %dma_start3A_96 = tpu.memref_slice %arg2[%dma_start3A_94, %dma_start3A_95] : memref<10000x64xf32, #tpu.memory_space<hbm>> -> memref<10000x64xf32, #tpu.memory_space<hbm>>
    tpu.enqueue_indirect_dma source(%dma_start3A_96 : memref<10000x64xf32, #tpu.memory_space<hbm>>) target(%arg20 : memref<128x64xf32, #tpu.memory_space<vmem>>) offsets(%arg8 : memref<128xi32, #tpu.memory_space<vmem>>) semaphore(%arg37 : memref<!tpu.dma_semaphore, #tpu.memory_space<semaphore_mem>>)
    %dma_wait3A_97 = arith.constant 0 : i32
    %dma_wait3A_98 = arith.constant 0 : i32
    %dma_wait3A_99 = tpu.memref_slice %arg2[%dma_wait3A_97, %dma_wait3A_98] : memref<10000x64xf32, #tpu.memory_space<hbm>> -> memref<10000x64xf32, #tpu.memory_space<hbm>>
    tpu.wait_indirect_dma semaphore(%arg36 : memref<!tpu.dma_semaphore, #tpu.memory_space<semaphore_mem>>) src(%dma_wait3A_99 : memref<10000x64xf32, #tpu.memory_space<hbm>>) dst(%arg19 : memref<128x64xf32, #tpu.memory_space<vmem>>)
    %dma_start3A_100 = arith.constant 0 : i32
    %dma_start3A_101 = arith.constant 0 : i32
    %dma_start3A_102 = tpu.memref_slice %arg6[%dma_start3A_100, %dma_start3A_101] : memref<10000x64xf32, #tpu.memory_space<vmem_shared>> -> memref<10000x64xf32, #tpu.memory_space<vmem_shared>>
    tpu.enqueue_indirect_dma source(%arg19 : memref<128x64xf32, #tpu.memory_space<vmem>>) target(%dma_start3A_102 : memref<10000x64xf32, #tpu.memory_space<vmem_shared>>) offsets(%arg13 : memref<128xi32, #tpu.memory_space<vmem>>) semaphore(%arg39 : memref<!tpu.dma_semaphore, #tpu.memory_space<semaphore_mem>>) {add = true}
    %dma_wait3A_103 = arith.constant 0 : i32
    %dma_wait3A_104 = arith.constant 256 : i32
    %dma_wait3A_105 = tpu.memref_slice %arg3[%dma_wait3A_103, %add3A, %dma_wait3A_104] : memref<2x32x10000xi32, #tpu.memory_space<hbm>> -> memref<1x1x128xi32, #tpu.memory_space<hbm>>
    %dma_wait3A_106 = tpu.memref_squeeze %dma_wait3A_105 : memref<1x1x128xi32, #tpu.memory_space<hbm>> -> memref<128xi32, #tpu.memory_space<hbm>>
    %dma_wait3A_107 = arith.constant 256 : i32
    %dma_wait3A_108 = tpu.memref_slice %arg3[%dma_wait3A_103, %add3A, %dma_wait3A_107] : memref<2x32x10000xi32, #tpu.memory_space<hbm>> -> memref<1x1x128xi32, #tpu.memory_space<hbm>>
    %dma_wait3A_109 = tpu.memref_squeeze %dma_wait3A_108 : memref<1x1x128xi32, #tpu.memory_space<hbm>> -> memref<128xi32, #tpu.memory_space<hbm>>
    tpu.wait_dma2 semaphore(%arg26 : memref<!tpu.dma_semaphore, #tpu.memory_space<semaphore_mem>>) src(%dma_wait3A_109 : memref<128xi32, #tpu.memory_space<hbm>>) dst(%arg9 : memref<128xi32, #tpu.memory_space<vmem>>)
    %dma_wait3A_110 = arith.constant 1 : i32
    %dma_wait3A_111 = arith.constant 256 : i32
    %dma_wait3A_112 = tpu.memref_slice %arg3[%dma_wait3A_110, %add3A, %dma_wait3A_111] : memref<2x32x10000xi32, #tpu.memory_space<hbm>> -> memref<1x1x128xi32, #tpu.memory_space<hbm>>
    %dma_wait3A_113 = tpu.memref_squeeze %dma_wait3A_112 : memref<1x1x128xi32, #tpu.memory_space<hbm>> -> memref<128xi32, #tpu.memory_space<hbm>>
    %dma_wait3A_114 = arith.constant 256 : i32
    %dma_wait3A_115 = tpu.memref_slice %arg3[%dma_wait3A_110, %add3A, %dma_wait3A_114] : memref<2x32x10000xi32, #tpu.memory_space<hbm>> -> memref<1x1x128xi32, #tpu.memory_space<hbm>>
    %dma_wait3A_116 = tpu.memref_squeeze %dma_wait3A_115 : memref<1x1x128xi32, #tpu.memory_space<hbm>> -> memref<128xi32, #tpu.memory_space<hbm>>
    tpu.wait_dma2 semaphore(%arg32 : memref<!tpu.dma_semaphore, #tpu.memory_space<semaphore_mem>>) src(%dma_wait3A_116 : memref<128xi32, #tpu.memory_space<hbm>>) dst(%arg15 : memref<128xi32, #tpu.memory_space<vmem>>)
    %dma_start3A_117 = arith.constant 0 : i32
    %dma_start3A_118 = arith.constant 0 : i32
    %dma_start3A_119 = tpu.memref_slice %arg2[%dma_start3A_117, %dma_start3A_118] : memref<10000x64xf32, #tpu.memory_space<hbm>> -> memref<10000x64xf32, #tpu.memory_space<hbm>>
    tpu.enqueue_indirect_dma source(%dma_start3A_119 : memref<10000x64xf32, #tpu.memory_space<hbm>>) target(%arg21 : memref<128x64xf32, #tpu.memory_space<vmem>>) offsets(%arg9 : memref<128xi32, #tpu.memory_space<vmem>>) semaphore(%arg38 : memref<!tpu.dma_semaphore, #tpu.memory_space<semaphore_mem>>)
    %dma_start3A_120 = arith.constant 0 : i32
    %dma_start3A_121 = arith.constant 512 : i32
    %dma_start3A_122 = tpu.memref_slice %arg3[%dma_start3A_120, %add3A, %dma_start3A_121] : memref<2x32x10000xi32, #tpu.memory_space<hbm>> -> memref<1x1x128xi32, #tpu.memory_space<hbm>>
    %dma_start3A_123 = tpu.memref_squeeze %dma_start3A_122 : memref<1x1x128xi32, #tpu.memory_space<hbm>> -> memref<128xi32, #tpu.memory_space<hbm>>
    %dma_start3A_124 = arith.constant 512 : i32
    %dma_start3A_125 = tpu.memref_slice %arg3[%dma_start3A_120, %add3A, %dma_start3A_124] : memref<2x32x10000xi32, #tpu.memory_space<hbm>> -> memref<1x1x128xi32, #tpu.memory_space<hbm>>
    %dma_start3A_126 = tpu.memref_squeeze %dma_start3A_125 : memref<1x1x128xi32, #tpu.memory_space<hbm>> -> memref<128xi32, #tpu.memory_space<hbm>>
    tpu.enqueue_dma source(%dma_start3A_126 : memref<128xi32, #tpu.memory_space<hbm>>) target(%arg11 : memref<128xi32, #tpu.memory_space<vmem>>) target_semaphore(%arg28 : memref<!tpu.dma_semaphore, #tpu.memory_space<semaphore_mem>>)
    %dma_start3A_127 = arith.constant 1 : i32
    %dma_start3A_128 = arith.constant 512 : i32
    %dma_start3A_129 = tpu.memref_slice %arg3[%dma_start3A_127, %add3A, %dma_start3A_128] : memref<2x32x10000xi32, #tpu.memory_space<hbm>> -> memref<1x1x128xi32, #tpu.memory_space<hbm>>
    %dma_start3A_130 = tpu.memref_squeeze %dma_start3A_129 : memref<1x1x128xi32, #tpu.memory_space<hbm>> -> memref<128xi32, #tpu.memory_space<hbm>>
    %dma_start3A_131 = arith.constant 512 : i32
    %dma_start3A_132 = tpu.memref_slice %arg3[%dma_start3A_127, %add3A, %dma_start3A_131] : memref<2x32x10000xi32, #tpu.memory_space<hbm>> -> memref<1x1x128xi32, #tpu.memory_space<hbm>>
    %dma_start3A_133 = tpu.memref_squeeze %dma_start3A_132 : memref<1x1x128xi32, #tpu.memory_space<hbm>> -> memref<128xi32, #tpu.memory_space<hbm>>
    tpu.enqueue_dma source(%dma_start3A_133 : memref<128xi32, #tpu.memory_space<hbm>>) target(%arg17 : memref<128xi32, #tpu.memory_space<vmem>>) target_semaphore(%arg34 : memref<!tpu.dma_semaphore, #tpu.memory_space<semaphore_mem>>)
    %scan3A = arith.constant 0 : i32
    %scan3A_134 = arith.constant 12 : i32
    %scan3A_135 = arith.addi %scan3A, %scan3A_134 : i32
    %scan3A_136 = arith.constant 1 : i32
    scf.for %scan3A_265 = %scan3A to %scan3A_135 step %scan3A_136  : i32 {
      %mul3A_266 = arith.constant 1 : i32
      %mul3A_267 = arith.muli %scan3A_265, %mul3A_266 : i32
      %add3A_268 = arith.constant 0 : i32
      %add3A_269 = arith.addi %add3A_268, %mul3A_267 : i32
      %mul3A_270 = arith.constant 6 : i32
      %mul3A_271 = arith.muli %mul3A_270, %add3A_269 : i32
      %add3A_272 = arith.constant 1 : i32
      %add3A_273 = arith.addi %mul3A_271, %add3A_272 : i32
      %add3A_274 = arith.constant 0 : i32
      %add3A_275 = arith.addi %add3A_273, %add3A_274 : i32
      %dma_wait3A_276 = arith.constant 0 : i32
      %dma_wait3A_277 = arith.constant 0 : i32
      %dma_wait3A_278 = tpu.memref_slice %arg2[%dma_wait3A_276, %dma_wait3A_277] : memref<10000x64xf32, #tpu.memory_space<hbm>> -> memref<10000x64xf32, #tpu.memory_space<hbm>>
      tpu.wait_indirect_dma semaphore(%arg37 : memref<!tpu.dma_semaphore, #tpu.memory_space<semaphore_mem>>) src(%dma_wait3A_278 : memref<10000x64xf32, #tpu.memory_space<hbm>>) dst(%arg20 : memref<128x64xf32, #tpu.memory_space<vmem>>)
      %dma_start3A_279 = arith.constant 0 : i32
      %dma_start3A_280 = arith.constant 0 : i32
      %dma_start3A_281 = tpu.memref_slice %arg6[%dma_start3A_279, %dma_start3A_280] : memref<10000x64xf32, #tpu.memory_space<vmem_shared>> -> memref<10000x64xf32, #tpu.memory_space<vmem_shared>>
      tpu.enqueue_indirect_dma source(%arg20 : memref<128x64xf32, #tpu.memory_space<vmem>>) target(%dma_start3A_281 : memref<10000x64xf32, #tpu.memory_space<vmem_shared>>) offsets(%arg14 : memref<128xi32, #tpu.memory_space<vmem>>) semaphore(%arg40 : memref<!tpu.dma_semaphore, #tpu.memory_space<semaphore_mem>>) {add = true}
      %dma_wait3A_282 = arith.constant 0 : i32
      %dma_wait3A_283 = arith.constant 0 : i32
      %dma_wait3A_284 = tpu.memref_slice %arg6[%dma_wait3A_282, %dma_wait3A_283] : memref<10000x64xf32, #tpu.memory_space<vmem_shared>> -> memref<10000x64xf32, #tpu.memory_space<vmem_shared>>
      tpu.wait_indirect_dma semaphore(%arg39 : memref<!tpu.dma_semaphore, #tpu.memory_space<semaphore_mem>>) src(%arg19 : memref<128x64xf32, #tpu.memory_space<vmem>>) dst(%dma_wait3A_284 : memref<10000x64xf32, #tpu.memory_space<vmem_shared>>)
      %add3A_285 = arith.constant 2 : i32
      %add3A_286 = arith.addi %add3A_275, %add3A_285 : i32
      %mul3A_287 = arith.constant 128 : i32
      %mul3A_288 = arith.muli %add3A_286, %mul3A_287 : i32
      %dma_wait3A_289 = arith.constant 0 : i32
      %dma_wait3A_290 = tpu.memref_slice %arg3[%dma_wait3A_289, %add3A, %mul3A_288] : memref<2x32x10000xi32, #tpu.memory_space<hbm>> -> memref<1x1x128xi32, #tpu.memory_space<hbm>>
      %dma_wait3A_291 = tpu.memref_squeeze %dma_wait3A_290 : memref<1x1x128xi32, #tpu.memory_space<hbm>> -> memref<128xi32, #tpu.memory_space<hbm>>
      %dma_wait3A_292 = tpu.memref_slice %arg3[%dma_wait3A_289, %add3A, %mul3A_288] : memref<2x32x10000xi32, #tpu.memory_space<hbm>> -> memref<1x1x128xi32, #tpu.memory_space<hbm>>
      %dma_wait3A_293 = tpu.memref_squeeze %dma_wait3A_292 : memref<1x1x128xi32, #tpu.memory_space<hbm>> -> memref<128xi32, #tpu.memory_space<hbm>>
      tpu.wait_dma2 semaphore(%arg27 : memref<!tpu.dma_semaphore, #tpu.memory_space<semaphore_mem>>) src(%dma_wait3A_293 : memref<128xi32, #tpu.memory_space<hbm>>) dst(%arg10 : memref<128xi32, #tpu.memory_space<vmem>>)
      %mul3A_294 = arith.constant 128 : i32
      %mul3A_295 = arith.muli %add3A_286, %mul3A_294 : i32
      %dma_wait3A_296 = arith.constant 1 : i32
      %dma_wait3A_297 = tpu.memref_slice %arg3[%dma_wait3A_296, %add3A, %mul3A_295] : memref<2x32x10000xi32, #tpu.memory_space<hbm>> -> memref<1x1x128xi32, #tpu.memory_space<hbm>>
      %dma_wait3A_298 = tpu.memref_squeeze %dma_wait3A_297 : memref<1x1x128xi32, #tpu.memory_space<hbm>> -> memref<128xi32, #tpu.memory_space<hbm>>
      %dma_wait3A_299 = tpu.memref_slice %arg3[%dma_wait3A_296, %add3A, %mul3A_295] : memref<2x32x10000xi32, #tpu.memory_space<hbm>> -> memref<1x1x128xi32, #tpu.memory_space<hbm>>
      %dma_wait3A_300 = tpu.memref_squeeze %dma_wait3A_299 : memref<1x1x128xi32, #tpu.memory_space<hbm>> -> memref<128xi32, #tpu.memory_space<hbm>>
      tpu.wait_dma2 semaphore(%arg33 : memref<!tpu.dma_semaphore, #tpu.memory_space<semaphore_mem>>) src(%dma_wait3A_300 : memref<128xi32, #tpu.memory_space<hbm>>) dst(%arg16 : memref<128xi32, #tpu.memory_space<vmem>>)
      %dma_start3A_301 = arith.constant 0 : i32
      %dma_start3A_302 = arith.constant 0 : i32
      %dma_start3A_303 = tpu.memref_slice %arg2[%dma_start3A_301, %dma_start3A_302] : memref<10000x64xf32, #tpu.memory_space<hbm>> -> memref<10000x64xf32, #tpu.memory_space<hbm>>
      tpu.enqueue_indirect_dma source(%dma_start3A_303 : memref<10000x64xf32, #tpu.memory_space<hbm>>) target(%arg19 : memref<128x64xf32, #tpu.memory_space<vmem>>) offsets(%arg10 : memref<128xi32, #tpu.memory_space<vmem>>) semaphore(%arg36 : memref<!tpu.dma_semaphore, #tpu.memory_space<semaphore_mem>>)
      %add3A_304 = arith.constant 4 : i32
      %add3A_305 = arith.addi %add3A_275, %add3A_304 : i32
      %mul3A_306 = arith.constant 128 : i32
      %mul3A_307 = arith.muli %add3A_305, %mul3A_306 : i32
      %dma_start3A_308 = arith.constant 0 : i32
      %dma_start3A_309 = tpu.memref_slice %arg3[%dma_start3A_308, %add3A, %mul3A_307] : memref<2x32x10000xi32, #tpu.memory_space<hbm>> -> memref<1x1x128xi32, #tpu.memory_space<hbm>>
      %dma_start3A_310 = tpu.memref_squeeze %dma_start3A_309 : memref<1x1x128xi32, #tpu.memory_space<hbm>> -> memref<128xi32, #tpu.memory_space<hbm>>
      %dma_start3A_311 = tpu.memref_slice %arg3[%dma_start3A_308, %add3A, %mul3A_307] : memref<2x32x10000xi32, #tpu.memory_space<hbm>> -> memref<1x1x128xi32, #tpu.memory_space<hbm>>
      %dma_start3A_312 = tpu.memref_squeeze %dma_start3A_311 : memref<1x1x128xi32, #tpu.memory_space<hbm>> -> memref<128xi32, #tpu.memory_space<hbm>>
      tpu.enqueue_dma source(%dma_start3A_312 : memref<128xi32, #tpu.memory_space<hbm>>) target(%arg12 : memref<128xi32, #tpu.memory_space<vmem>>) target_semaphore(%arg29 : memref<!tpu.dma_semaphore, #tpu.memory_space<semaphore_mem>>)
      %mul3A_313 = arith.constant 128 : i32
      %mul3A_314 = arith.muli %add3A_305, %mul3A_313 : i32
      %dma_start3A_315 = arith.constant 1 : i32
      %dma_start3A_316 = tpu.memref_slice %arg3[%dma_start3A_315, %add3A, %mul3A_314] : memref<2x32x10000xi32, #tpu.memory_space<hbm>> -> memref<1x1x128xi32, #tpu.memory_space<hbm>>
      %dma_start3A_317 = tpu.memref_squeeze %dma_start3A_316 : memref<1x1x128xi32, #tpu.memory_space<hbm>> -> memref<128xi32, #tpu.memory_space<hbm>>
      %dma_start3A_318 = tpu.memref_slice %arg3[%dma_start3A_315, %add3A, %mul3A_314] : memref<2x32x10000xi32, #tpu.memory_space<hbm>> -> memref<1x1x128xi32, #tpu.memory_space<hbm>>
      %dma_start3A_319 = tpu.memref_squeeze %dma_start3A_318 : memref<1x1x128xi32, #tpu.memory_space<hbm>> -> memref<128xi32, #tpu.memory_space<hbm>>
      tpu.enqueue_dma source(%dma_start3A_319 : memref<128xi32, #tpu.memory_space<hbm>>) target(%arg18 : memref<128xi32, #tpu.memory_space<vmem>>) target_semaphore(%arg35 : memref<!tpu.dma_semaphore, #tpu.memory_space<semaphore_mem>>)
      %mul3A_320 = arith.constant 6 : i32
      %mul3A_321 = arith.muli %mul3A_320, %add3A_269 : i32
      %add3A_322 = arith.constant 1 : i32
      %add3A_323 = arith.addi %mul3A_321, %add3A_322 : i32
      %add3A_324 = arith.constant 1 : i32
      %add3A_325 = arith.addi %add3A_323, %add3A_324 : i32
      %dma_wait3A_326 = arith.constant 0 : i32
      %dma_wait3A_327 = arith.constant 0 : i32
      %dma_wait3A_328 = tpu.memref_slice %arg2[%dma_wait3A_326, %dma_wait3A_327] : memref<10000x64xf32, #tpu.memory_space<hbm>> -> memref<10000x64xf32, #tpu.memory_space<hbm>>
      tpu.wait_indirect_dma semaphore(%arg38 : memref<!tpu.dma_semaphore, #tpu.memory_space<semaphore_mem>>) src(%dma_wait3A_328 : memref<10000x64xf32, #tpu.memory_space<hbm>>) dst(%arg21 : memref<128x64xf32, #tpu.memory_space<vmem>>)
      %dma_start3A_329 = arith.constant 0 : i32
      %dma_start3A_330 = arith.constant 0 : i32
      %dma_start3A_331 = tpu.memref_slice %arg6[%dma_start3A_329, %dma_start3A_330] : memref<10000x64xf32, #tpu.memory_space<vmem_shared>> -> memref<10000x64xf32, #tpu.memory_space<vmem_shared>>
      tpu.enqueue_indirect_dma source(%arg21 : memref<128x64xf32, #tpu.memory_space<vmem>>) target(%dma_start3A_331 : memref<10000x64xf32, #tpu.memory_space<vmem_shared>>) offsets(%arg15 : memref<128xi32, #tpu.memory_space<vmem>>) semaphore(%arg41 : memref<!tpu.dma_semaphore, #tpu.memory_space<semaphore_mem>>) {add = true}
      %dma_wait3A_332 = arith.constant 0 : i32
      %dma_wait3A_333 = arith.constant 0 : i32
      %dma_wait3A_334 = tpu.memref_slice %arg6[%dma_wait3A_332, %dma_wait3A_333] : memref<10000x64xf32, #tpu.memory_space<vmem_shared>> -> memref<10000x64xf32, #tpu.memory_space<vmem_shared>>
      tpu.wait_indirect_dma semaphore(%arg40 : memref<!tpu.dma_semaphore, #tpu.memory_space<semaphore_mem>>) src(%arg20 : memref<128x64xf32, #tpu.memory_space<vmem>>) dst(%dma_wait3A_334 : memref<10000x64xf32, #tpu.memory_space<vmem_shared>>)
      %add3A_335 = arith.constant 2 : i32
      %add3A_336 = arith.addi %add3A_325, %add3A_335 : i32
      %mul3A_337 = arith.constant 128 : i32
      %mul3A_338 = arith.muli %add3A_336, %mul3A_337 : i32
      %dma_wait3A_339 = arith.constant 0 : i32
      %dma_wait3A_340 = tpu.memref_slice %arg3[%dma_wait3A_339, %add3A, %mul3A_338] : memref<2x32x10000xi32, #tpu.memory_space<hbm>> -> memref<1x1x128xi32, #tpu.memory_space<hbm>>
      %dma_wait3A_341 = tpu.memref_squeeze %dma_wait3A_340 : memref<1x1x128xi32, #tpu.memory_space<hbm>> -> memref<128xi32, #tpu.memory_space<hbm>>
      %dma_wait3A_342 = tpu.memref_slice %arg3[%dma_wait3A_339, %add3A, %mul3A_338] : memref<2x32x10000xi32, #tpu.memory_space<hbm>> -> memref<1x1x128xi32, #tpu.memory_space<hbm>>
      %dma_wait3A_343 = tpu.memref_squeeze %dma_wait3A_342 : memref<1x1x128xi32, #tpu.memory_space<hbm>> -> memref<128xi32, #tpu.memory_space<hbm>>
      tpu.wait_dma2 semaphore(%arg28 : memref<!tpu.dma_semaphore, #tpu.memory_space<semaphore_mem>>) src(%dma_wait3A_343 : memref<128xi32, #tpu.memory_space<hbm>>) dst(%arg11 : memref<128xi32, #tpu.memory_space<vmem>>)
      %mul3A_344 = arith.constant 128 : i32
      %mul3A_345 = arith.muli %add3A_336, %mul3A_344 : i32
      %dma_wait3A_346 = arith.constant 1 : i32
      %dma_wait3A_347 = tpu.memref_slice %arg3[%dma_wait3A_346, %add3A, %mul3A_345] : memref<2x32x10000xi32, #tpu.memory_space<hbm>> -> memref<1x1x128xi32, #tpu.memory_space<hbm>>
      %dma_wait3A_348 = tpu.memref_squeeze %dma_wait3A_347 : memref<1x1x128xi32, #tpu.memory_space<hbm>> -> memref<128xi32, #tpu.memory_space<hbm>>
      %dma_wait3A_349 = tpu.memref_slice %arg3[%dma_wait3A_346, %add3A, %mul3A_345] : memref<2x32x10000xi32, #tpu.memory_space<hbm>> -> memref<1x1x128xi32, #tpu.memory_space<hbm>>
      %dma_wait3A_350 = tpu.memref_squeeze %dma_wait3A_349 : memref<1x1x128xi32, #tpu.memory_space<hbm>> -> memref<128xi32, #tpu.memory_space<hbm>>
      tpu.wait_dma2 semaphore(%arg34 : memref<!tpu.dma_semaphore, #tpu.memory_space<semaphore_mem>>) src(%dma_wait3A_350 : memref<128xi32, #tpu.memory_space<hbm>>) dst(%arg17 : memref<128xi32, #tpu.memory_space<vmem>>)
      %dma_start3A_351 = arith.constant 0 : i32
      %dma_start3A_352 = arith.constant 0 : i32
      %dma_start3A_353 = tpu.memref_slice %arg2[%dma_start3A_351, %dma_start3A_352] : memref<10000x64xf32, #tpu.memory_space<hbm>> -> memref<10000x64xf32, #tpu.memory_space<hbm>>
      tpu.enqueue_indirect_dma source(%dma_start3A_353 : memref<10000x64xf32, #tpu.memory_space<hbm>>) target(%arg20 : memref<128x64xf32, #tpu.memory_space<vmem>>) offsets(%arg11 : memref<128xi32, #tpu.memory_space<vmem>>) semaphore(%arg37 : memref<!tpu.dma_semaphore, #tpu.memory_space<semaphore_mem>>)
      %add3A_354 = arith.constant 4 : i32
      %add3A_355 = arith.addi %add3A_325, %add3A_354 : i32
      %mul3A_356 = arith.constant 128 : i32
      %mul3A_357 = arith.muli %add3A_355, %mul3A_356 : i32
      %dma_start3A_358 = arith.constant 0 : i32
      %dma_start3A_359 = tpu.memref_slice %arg3[%dma_start3A_358, %add3A, %mul3A_357] : memref<2x32x10000xi32, #tpu.memory_space<hbm>> -> memref<1x1x128xi32, #tpu.memory_space<hbm>>
      %dma_start3A_360 = tpu.memref_squeeze %dma_start3A_359 : memref<1x1x128xi32, #tpu.memory_space<hbm>> -> memref<128xi32, #tpu.memory_space<hbm>>
      %dma_start3A_361 = tpu.memref_slice %arg3[%dma_start3A_358, %add3A, %mul3A_357] : memref<2x32x10000xi32, #tpu.memory_space<hbm>> -> memref<1x1x128xi32, #tpu.memory_space<hbm>>
      %dma_start3A_362 = tpu.memref_squeeze %dma_start3A_361 : memref<1x1x128xi32, #tpu.memory_space<hbm>> -> memref<128xi32, #tpu.memory_space<hbm>>
      tpu.enqueue_dma source(%dma_start3A_362 : memref<128xi32, #tpu.memory_space<hbm>>) target(%arg7 : memref<128xi32, #tpu.memory_space<vmem>>) target_semaphore(%arg24 : memref<!tpu.dma_semaphore, #tpu.memory_space<semaphore_mem>>)
      %mul3A_363 = arith.constant 128 : i32
      %mul3A_364 = arith.muli %add3A_355, %mul3A_363 : i32
      %dma_start3A_365 = arith.constant 1 : i32
      %dma_start3A_366 = tpu.memref_slice %arg3[%dma_start3A_365, %add3A, %mul3A_364] : memref<2x32x10000xi32, #tpu.memory_space<hbm>> -> memref<1x1x128xi32, #tpu.memory_space<hbm>>
      %dma_start3A_367 = tpu.memref_squeeze %dma_start3A_366 : memref<1x1x128xi32, #tpu.memory_space<hbm>> -> memref<128xi32, #tpu.memory_space<hbm>>
      %dma_start3A_368 = tpu.memref_slice %arg3[%dma_start3A_365, %add3A, %mul3A_364] : memref<2x32x10000xi32, #tpu.memory_space<hbm>> -> memref<1x1x128xi32, #tpu.memory_space<hbm>>
      %dma_start3A_369 = tpu.memref_squeeze %dma_start3A_368 : memref<1x1x128xi32, #tpu.memory_space<hbm>> -> memref<128xi32, #tpu.memory_space<hbm>>
      tpu.enqueue_dma source(%dma_start3A_369 : memref<128xi32, #tpu.memory_space<hbm>>) target(%arg13 : memref<128xi32, #tpu.memory_space<vmem>>) target_semaphore(%arg30 : memref<!tpu.dma_semaphore, #tpu.memory_space<semaphore_mem>>)
      %mul3A_370 = arith.constant 6 : i32
      %mul3A_371 = arith.muli %mul3A_370, %add3A_269 : i32
      %add3A_372 = arith.constant 1 : i32
      %add3A_373 = arith.addi %mul3A_371, %add3A_372 : i32
      %add3A_374 = arith.constant 2 : i32
      %add3A_375 = arith.addi %add3A_373, %add3A_374 : i32
      %dma_wait3A_376 = arith.constant 0 : i32
      %dma_wait3A_377 = arith.constant 0 : i32
      %dma_wait3A_378 = tpu.memref_slice %arg2[%dma_wait3A_376, %dma_wait3A_377] : memref<10000x64xf32, #tpu.memory_space<hbm>> -> memref<10000x64xf32, #tpu.memory_space<hbm>>
      tpu.wait_indirect_dma semaphore(%arg36 : memref<!tpu.dma_semaphore, #tpu.memory_space<semaphore_mem>>) src(%dma_wait3A_378 : memref<10000x64xf32, #tpu.memory_space<hbm>>) dst(%arg19 : memref<128x64xf32, #tpu.memory_space<vmem>>)
      %dma_start3A_379 = arith.constant 0 : i32
      %dma_start3A_380 = arith.constant 0 : i32
      %dma_start3A_381 = tpu.memref_slice %arg6[%dma_start3A_379, %dma_start3A_380] : memref<10000x64xf32, #tpu.memory_space<vmem_shared>> -> memref<10000x64xf32, #tpu.memory_space<vmem_shared>>
      tpu.enqueue_indirect_dma source(%arg19 : memref<128x64xf32, #tpu.memory_space<vmem>>) target(%dma_start3A_381 : memref<10000x64xf32, #tpu.memory_space<vmem_shared>>) offsets(%arg16 : memref<128xi32, #tpu.memory_space<vmem>>) semaphore(%arg39 : memref<!tpu.dma_semaphore, #tpu.memory_space<semaphore_mem>>) {add = true}
      %dma_wait3A_382 = arith.constant 0 : i32
      %dma_wait3A_383 = arith.constant 0 : i32
      %dma_wait3A_384 = tpu.memref_slice %arg6[%dma_wait3A_382, %dma_wait3A_383] : memref<10000x64xf32, #tpu.memory_space<vmem_shared>> -> memref<10000x64xf32, #tpu.memory_space<vmem_shared>>
      tpu.wait_indirect_dma semaphore(%arg41 : memref<!tpu.dma_semaphore, #tpu.memory_space<semaphore_mem>>) src(%arg21 : memref<128x64xf32, #tpu.memory_space<vmem>>) dst(%dma_wait3A_384 : memref<10000x64xf32, #tpu.memory_space<vmem_shared>>)
      %add3A_385 = arith.constant 2 : i32
      %add3A_386 = arith.addi %add3A_375, %add3A_385 : i32
      %mul3A_387 = arith.constant 128 : i32
      %mul3A_388 = arith.muli %add3A_386, %mul3A_387 : i32
      %dma_wait3A_389 = arith.constant 0 : i32
      %dma_wait3A_390 = tpu.memref_slice %arg3[%dma_wait3A_389, %add3A, %mul3A_388] : memref<2x32x10000xi32, #tpu.memory_space<hbm>> -> memref<1x1x128xi32, #tpu.memory_space<hbm>>
      %dma_wait3A_391 = tpu.memref_squeeze %dma_wait3A_390 : memref<1x1x128xi32, #tpu.memory_space<hbm>> -> memref<128xi32, #tpu.memory_space<hbm>>
      %dma_wait3A_392 = tpu.memref_slice %arg3[%dma_wait3A_389, %add3A, %mul3A_388] : memref<2x32x10000xi32, #tpu.memory_space<hbm>> -> memref<1x1x128xi32, #tpu.memory_space<hbm>>
      %dma_wait3A_393 = tpu.memref_squeeze %dma_wait3A_392 : memref<1x1x128xi32, #tpu.memory_space<hbm>> -> memref<128xi32, #tpu.memory_space<hbm>>
      tpu.wait_dma2 semaphore(%arg29 : memref<!tpu.dma_semaphore, #tpu.memory_space<semaphore_mem>>) src(%dma_wait3A_393 : memref<128xi32, #tpu.memory_space<hbm>>) dst(%arg12 : memref<128xi32, #tpu.memory_space<vmem>>)
      %mul3A_394 = arith.constant 128 : i32
      %mul3A_395 = arith.muli %add3A_386, %mul3A_394 : i32
      %dma_wait3A_396 = arith.constant 1 : i32
      %dma_wait3A_397 = tpu.memref_slice %arg3[%dma_wait3A_396, %add3A, %mul3A_395] : memref<2x32x10000xi32, #tpu.memory_space<hbm>> -> memref<1x1x128xi32, #tpu.memory_space<hbm>>
      %dma_wait3A_398 = tpu.memref_squeeze %dma_wait3A_397 : memref<1x1x128xi32, #tpu.memory_space<hbm>> -> memref<128xi32, #tpu.memory_space<hbm>>
      %dma_wait3A_399 = tpu.memref_slice %arg3[%dma_wait3A_396, %add3A, %mul3A_395] : memref<2x32x10000xi32, #tpu.memory_space<hbm>> -> memref<1x1x128xi32, #tpu.memory_space<hbm>>
      %dma_wait3A_400 = tpu.memref_squeeze %dma_wait3A_399 : memref<1x1x128xi32, #tpu.memory_space<hbm>> -> memref<128xi32, #tpu.memory_space<hbm>>
      tpu.wait_dma2 semaphore(%arg35 : memref<!tpu.dma_semaphore, #tpu.memory_space<semaphore_mem>>) src(%dma_wait3A_400 : memref<128xi32, #tpu.memory_space<hbm>>) dst(%arg18 : memref<128xi32, #tpu.memory_space<vmem>>)
      %dma_start3A_401 = arith.constant 0 : i32
      %dma_start3A_402 = arith.constant 0 : i32
      %dma_start3A_403 = tpu.memref_slice %arg2[%dma_start3A_401, %dma_start3A_402] : memref<10000x64xf32, #tpu.memory_space<hbm>> -> memref<10000x64xf32, #tpu.memory_space<hbm>>
      tpu.enqueue_indirect_dma source(%dma_start3A_403 : memref<10000x64xf32, #tpu.memory_space<hbm>>) target(%arg21 : memref<128x64xf32, #tpu.memory_space<vmem>>) offsets(%arg12 : memref<128xi32, #tpu.memory_space<vmem>>) semaphore(%arg38 : memref<!tpu.dma_semaphore, #tpu.memory_space<semaphore_mem>>)
      %add3A_404 = arith.constant 4 : i32
      %add3A_405 = arith.addi %add3A_375, %add3A_404 : i32
      %mul3A_406 = arith.constant 128 : i32
      %mul3A_407 = arith.muli %add3A_405, %mul3A_406 : i32
      %dma_start3A_408 = arith.constant 0 : i32
      %dma_start3A_409 = tpu.memref_slice %arg3[%dma_start3A_408, %add3A, %mul3A_407] : memref<2x32x10000xi32, #tpu.memory_space<hbm>> -> memref<1x1x128xi32, #tpu.memory_space<hbm>>
      %dma_start3A_410 = tpu.memref_squeeze %dma_start3A_409 : memref<1x1x128xi32, #tpu.memory_space<hbm>> -> memref<128xi32, #tpu.memory_space<hbm>>
      %dma_start3A_411 = tpu.memref_slice %arg3[%dma_start3A_408, %add3A, %mul3A_407] : memref<2x32x10000xi32, #tpu.memory_space<hbm>> -> memref<1x1x128xi32, #tpu.memory_space<hbm>>
      %dma_start3A_412 = tpu.memref_squeeze %dma_start3A_411 : memref<1x1x128xi32, #tpu.memory_space<hbm>> -> memref<128xi32, #tpu.memory_space<hbm>>
      tpu.enqueue_dma source(%dma_start3A_412 : memref<128xi32, #tpu.memory_space<hbm>>) target(%arg8 : memref<128xi32, #tpu.memory_space<vmem>>) target_semaphore(%arg25 : memref<!tpu.dma_semaphore, #tpu.memory_space<semaphore_mem>>)
      %mul3A_413 = arith.constant 128 : i32
      %mul3A_414 = arith.muli %add3A_405, %mul3A_413 : i32
      %dma_start3A_415 = arith.constant 1 : i32
      %dma_start3A_416 = tpu.memref_slice %arg3[%dma_start3A_415, %add3A, %mul3A_414] : memref<2x32x10000xi32, #tpu.memory_space<hbm>> -> memref<1x1x128xi32, #tpu.memory_space<hbm>>
      %dma_start3A_417 = tpu.memref_squeeze %dma_start3A_416 : memref<1x1x128xi32, #tpu.memory_space<hbm>> -> memref<128xi32, #tpu.memory_space<hbm>>
      %dma_start3A_418 = tpu.memref_slice %arg3[%dma_start3A_415, %add3A, %mul3A_414] : memref<2x32x10000xi32, #tpu.memory_space<hbm>> -> memref<1x1x128xi32, #tpu.memory_space<hbm>>
      %dma_start3A_419 = tpu.memref_squeeze %dma_start3A_418 : memref<1x1x128xi32, #tpu.memory_space<hbm>> -> memref<128xi32, #tpu.memory_space<hbm>>
      tpu.enqueue_dma source(%dma_start3A_419 : memref<128xi32, #tpu.memory_space<hbm>>) target(%arg14 : memref<128xi32, #tpu.memory_space<vmem>>) target_semaphore(%arg31 : memref<!tpu.dma_semaphore, #tpu.memory_space<semaphore_mem>>)
      %mul3A_420 = arith.constant 6 : i32
      %mul3A_421 = arith.muli %mul3A_420, %add3A_269 : i32
      %add3A_422 = arith.constant 1 : i32
      %add3A_423 = arith.addi %mul3A_421, %add3A_422 : i32
      %add3A_424 = arith.constant 3 : i32
      %add3A_425 = arith.addi %add3A_423, %add3A_424 : i32
      %dma_wait3A_426 = arith.constant 0 : i32
      %dma_wait3A_427 = arith.constant 0 : i32
      %dma_wait3A_428 = tpu.memref_slice %arg2[%dma_wait3A_426, %dma_wait3A_427] : memref<10000x64xf32, #tpu.memory_space<hbm>> -> memref<10000x64xf32, #tpu.memory_space<hbm>>
      tpu.wait_indirect_dma semaphore(%arg37 : memref<!tpu.dma_semaphore, #tpu.memory_space<semaphore_mem>>) src(%dma_wait3A_428 : memref<10000x64xf32, #tpu.memory_space<hbm>>) dst(%arg20 : memref<128x64xf32, #tpu.memory_space<vmem>>)
      %dma_start3A_429 = arith.constant 0 : i32
      %dma_start3A_430 = arith.constant 0 : i32
      %dma_start3A_431 = tpu.memref_slice %arg6[%dma_start3A_429, %dma_start3A_430] : memref<10000x64xf32, #tpu.memory_space<vmem_shared>> -> memref<10000x64xf32, #tpu.memory_space<vmem_shared>>
      tpu.enqueue_indirect_dma source(%arg20 : memref<128x64xf32, #tpu.memory_space<vmem>>) target(%dma_start3A_431 : memref<10000x64xf32, #tpu.memory_space<vmem_shared>>) offsets(%arg17 : memref<128xi32, #tpu.memory_space<vmem>>) semaphore(%arg40 : memref<!tpu.dma_semaphore, #tpu.memory_space<semaphore_mem>>) {add = true}
      %dma_wait3A_432 = arith.constant 0 : i32
      %dma_wait3A_433 = arith.constant 0 : i32
      %dma_wait3A_434 = tpu.memref_slice %arg6[%dma_wait3A_432, %dma_wait3A_433] : memref<10000x64xf32, #tpu.memory_space<vmem_shared>> -> memref<10000x64xf32, #tpu.memory_space<vmem_shared>>
      tpu.wait_indirect_dma semaphore(%arg39 : memref<!tpu.dma_semaphore, #tpu.memory_space<semaphore_mem>>) src(%arg19 : memref<128x64xf32, #tpu.memory_space<vmem>>) dst(%dma_wait3A_434 : memref<10000x64xf32, #tpu.memory_space<vmem_shared>>)
      %add3A_435 = arith.constant 2 : i32
      %add3A_436 = arith.addi %add3A_425, %add3A_435 : i32
      %mul3A_437 = arith.constant 128 : i32
      %mul3A_438 = arith.muli %add3A_436, %mul3A_437 : i32
      %dma_wait3A_439 = arith.constant 0 : i32
      %dma_wait3A_440 = tpu.memref_slice %arg3[%dma_wait3A_439, %add3A, %mul3A_438] : memref<2x32x10000xi32, #tpu.memory_space<hbm>> -> memref<1x1x128xi32, #tpu.memory_space<hbm>>
      %dma_wait3A_441 = tpu.memref_squeeze %dma_wait3A_440 : memref<1x1x128xi32, #tpu.memory_space<hbm>> -> memref<128xi32, #tpu.memory_space<hbm>>
      %dma_wait3A_442 = tpu.memref_slice %arg3[%dma_wait3A_439, %add3A, %mul3A_438] : memref<2x32x10000xi32, #tpu.memory_space<hbm>> -> memref<1x1x128xi32, #tpu.memory_space<hbm>>
      %dma_wait3A_443 = tpu.memref_squeeze %dma_wait3A_442 : memref<1x1x128xi32, #tpu.memory_space<hbm>> -> memref<128xi32, #tpu.memory_space<hbm>>
      tpu.wait_dma2 semaphore(%arg24 : memref<!tpu.dma_semaphore, #tpu.memory_space<semaphore_mem>>) src(%dma_wait3A_443 : memref<128xi32, #tpu.memory_space<hbm>>) dst(%arg7 : memref<128xi32, #tpu.memory_space<vmem>>)
      %mul3A_444 = arith.constant 128 : i32
      %mul3A_445 = arith.muli %add3A_436, %mul3A_444 : i32
      %dma_wait3A_446 = arith.constant 1 : i32
      %dma_wait3A_447 = tpu.memref_slice %arg3[%dma_wait3A_446, %add3A, %mul3A_445] : memref<2x32x10000xi32, #tpu.memory_space<hbm>> -> memref<1x1x128xi32, #tpu.memory_space<hbm>>
      %dma_wait3A_448 = tpu.memref_squeeze %dma_wait3A_447 : memref<1x1x128xi32, #tpu.memory_space<hbm>> -> memref<128xi32, #tpu.memory_space<hbm>>
      %dma_wait3A_449 = tpu.memref_slice %arg3[%dma_wait3A_446, %add3A, %mul3A_445] : memref<2x32x10000xi32, #tpu.memory_space<hbm>> -> memref<1x1x128xi32, #tpu.memory_space<hbm>>
      %dma_wait3A_450 = tpu.memref_squeeze %dma_wait3A_449 : memref<1x1x128xi32, #tpu.memory_space<hbm>> -> memref<128xi32, #tpu.memory_space<hbm>>
      tpu.wait_dma2 semaphore(%arg30 : memref<!tpu.dma_semaphore, #tpu.memory_space<semaphore_mem>>) src(%dma_wait3A_450 : memref<128xi32, #tpu.memory_space<hbm>>) dst(%arg13 : memref<128xi32, #tpu.memory_space<vmem>>)
      %dma_start3A_451 = arith.constant 0 : i32
      %dma_start3A_452 = arith.constant 0 : i32
      %dma_start3A_453 = tpu.memref_slice %arg2[%dma_start3A_451, %dma_start3A_452] : memref<10000x64xf32, #tpu.memory_space<hbm>> -> memref<10000x64xf32, #tpu.memory_space<hbm>>
      tpu.enqueue_indirect_dma source(%dma_start3A_453 : memref<10000x64xf32, #tpu.memory_space<hbm>>) target(%arg19 : memref<128x64xf32, #tpu.memory_space<vmem>>) offsets(%arg7 : memref<128xi32, #tpu.memory_space<vmem>>) semaphore(%arg36 : memref<!tpu.dma_semaphore, #tpu.memory_space<semaphore_mem>>)
      %add3A_454 = arith.constant 4 : i32
      %add3A_455 = arith.addi %add3A_425, %add3A_454 : i32
      %mul3A_456 = arith.constant 128 : i32
      %mul3A_457 = arith.muli %add3A_455, %mul3A_456 : i32
      %dma_start3A_458 = arith.constant 0 : i32
      %dma_start3A_459 = tpu.memref_slice %arg3[%dma_start3A_458, %add3A, %mul3A_457] : memref<2x32x10000xi32, #tpu.memory_space<hbm>> -> memref<1x1x128xi32, #tpu.memory_space<hbm>>
      %dma_start3A_460 = tpu.memref_squeeze %dma_start3A_459 : memref<1x1x128xi32, #tpu.memory_space<hbm>> -> memref<128xi32, #tpu.memory_space<hbm>>
      %dma_start3A_461 = tpu.memref_slice %arg3[%dma_start3A_458, %add3A, %mul3A_457] : memref<2x32x10000xi32, #tpu.memory_space<hbm>> -> memref<1x1x128xi32, #tpu.memory_space<hbm>>
      %dma_start3A_462 = tpu.memref_squeeze %dma_start3A_461 : memref<1x1x128xi32, #tpu.memory_space<hbm>> -> memref<128xi32, #tpu.memory_space<hbm>>
      tpu.enqueue_dma source(%dma_start3A_462 : memref<128xi32, #tpu.memory_space<hbm>>) target(%arg9 : memref<128xi32, #tpu.memory_space<vmem>>) target_semaphore(%arg26 : memref<!tpu.dma_semaphore, #tpu.memory_space<semaphore_mem>>)
      %mul3A_463 = arith.constant 128 : i32
      %mul3A_464 = arith.muli %add3A_455, %mul3A_463 : i32
      %dma_start3A_465 = arith.constant 1 : i32
      %dma_start3A_466 = tpu.memref_slice %arg3[%dma_start3A_465, %add3A, %mul3A_464] : memref<2x32x10000xi32, #tpu.memory_space<hbm>> -> memref<1x1x128xi32, #tpu.memory_space<hbm>>
      %dma_start3A_467 = tpu.memref_squeeze %dma_start3A_466 : memref<1x1x128xi32, #tpu.memory_space<hbm>> -> memref<128xi32, #tpu.memory_space<hbm>>
      %dma_start3A_468 = tpu.memref_slice %arg3[%dma_start3A_465, %add3A, %mul3A_464] : memref<2x32x10000xi32, #tpu.memory_space<hbm>> -> memref<1x1x128xi32, #tpu.memory_space<hbm>>
      %dma_start3A_469 = tpu.memref_squeeze %dma_start3A_468 : memref<1x1x128xi32, #tpu.memory_space<hbm>> -> memref<128xi32, #tpu.memory_space<hbm>>
      tpu.enqueue_dma source(%dma_start3A_469 : memref<128xi32, #tpu.memory_space<hbm>>) target(%arg15 : memref<128xi32, #tpu.memory_space<vmem>>) target_semaphore(%arg32 : memref<!tpu.dma_semaphore, #tpu.memory_space<semaphore_mem>>)
      %mul3A_470 = arith.constant 6 : i32
      %mul3A_471 = arith.muli %mul3A_470, %add3A_269 : i32
      %add3A_472 = arith.constant 1 : i32
      %add3A_473 = arith.addi %mul3A_471, %add3A_472 : i32
      %add3A_474 = arith.constant 4 : i32
      %add3A_475 = arith.addi %add3A_473, %add3A_474 : i32
      %dma_wait3A_476 = arith.constant 0 : i32
      %dma_wait3A_477 = arith.constant 0 : i32
      %dma_wait3A_478 = tpu.memref_slice %arg2[%dma_wait3A_476, %dma_wait3A_477] : memref<10000x64xf32, #tpu.memory_space<hbm>> -> memref<10000x64xf32, #tpu.memory_space<hbm>>
      tpu.wait_indirect_dma semaphore(%arg38 : memref<!tpu.dma_semaphore, #tpu.memory_space<semaphore_mem>>) src(%dma_wait3A_478 : memref<10000x64xf32, #tpu.memory_space<hbm>>) dst(%arg21 : memref<128x64xf32, #tpu.memory_space<vmem>>)
      %dma_start3A_479 = arith.constant 0 : i32
      %dma_start3A_480 = arith.constant 0 : i32
      %dma_start3A_481 = tpu.memref_slice %arg6[%dma_start3A_479, %dma_start3A_480] : memref<10000x64xf32, #tpu.memory_space<vmem_shared>> -> memref<10000x64xf32, #tpu.memory_space<vmem_shared>>
      tpu.enqueue_indirect_dma source(%arg21 : memref<128x64xf32, #tpu.memory_space<vmem>>) target(%dma_start3A_481 : memref<10000x64xf32, #tpu.memory_space<vmem_shared>>) offsets(%arg18 : memref<128xi32, #tpu.memory_space<vmem>>) semaphore(%arg41 : memref<!tpu.dma_semaphore, #tpu.memory_space<semaphore_mem>>) {add = true}
      %dma_wait3A_482 = arith.constant 0 : i32
      %dma_wait3A_483 = arith.constant 0 : i32
      %dma_wait3A_484 = tpu.memref_slice %arg6[%dma_wait3A_482, %dma_wait3A_483] : memref<10000x64xf32, #tpu.memory_space<vmem_shared>> -> memref<10000x64xf32, #tpu.memory_space<vmem_shared>>
      tpu.wait_indirect_dma semaphore(%arg40 : memref<!tpu.dma_semaphore, #tpu.memory_space<semaphore_mem>>) src(%arg20 : memref<128x64xf32, #tpu.memory_space<vmem>>) dst(%dma_wait3A_484 : memref<10000x64xf32, #tpu.memory_space<vmem_shared>>)
      %add3A_485 = arith.constant 2 : i32
      %add3A_486 = arith.addi %add3A_475, %add3A_485 : i32
      %mul3A_487 = arith.constant 128 : i32
      %mul3A_488 = arith.muli %add3A_486, %mul3A_487 : i32
      %dma_wait3A_489 = arith.constant 0 : i32
      %dma_wait3A_490 = tpu.memref_slice %arg3[%dma_wait3A_489, %add3A, %mul3A_488] : memref<2x32x10000xi32, #tpu.memory_space<hbm>> -> memref<1x1x128xi32, #tpu.memory_space<hbm>>
      %dma_wait3A_491 = tpu.memref_squeeze %dma_wait3A_490 : memref<1x1x128xi32, #tpu.memory_space<hbm>> -> memref<128xi32, #tpu.memory_space<hbm>>
      %dma_wait3A_492 = tpu.memref_slice %arg3[%dma_wait3A_489, %add3A, %mul3A_488] : memref<2x32x10000xi32, #tpu.memory_space<hbm>> -> memref<1x1x128xi32, #tpu.memory_space<hbm>>
      %dma_wait3A_493 = tpu.memref_squeeze %dma_wait3A_492 : memref<1x1x128xi32, #tpu.memory_space<hbm>> -> memref<128xi32, #tpu.memory_space<hbm>>
      tpu.wait_dma2 semaphore(%arg25 : memref<!tpu.dma_semaphore, #tpu.memory_space<semaphore_mem>>) src(%dma_wait3A_493 : memref<128xi32, #tpu.memory_space<hbm>>) dst(%arg8 : memref<128xi32, #tpu.memory_space<vmem>>)
      %mul3A_494 = arith.constant 128 : i32
      %mul3A_495 = arith.muli %add3A_486, %mul3A_494 : i32
      %dma_wait3A_496 = arith.constant 1 : i32
      %dma_wait3A_497 = tpu.memref_slice %arg3[%dma_wait3A_496, %add3A, %mul3A_495] : memref<2x32x10000xi32, #tpu.memory_space<hbm>> -> memref<1x1x128xi32, #tpu.memory_space<hbm>>
      %dma_wait3A_498 = tpu.memref_squeeze %dma_wait3A_497 : memref<1x1x128xi32, #tpu.memory_space<hbm>> -> memref<128xi32, #tpu.memory_space<hbm>>
      %dma_wait3A_499 = tpu.memref_slice %arg3[%dma_wait3A_496, %add3A, %mul3A_495] : memref<2x32x10000xi32, #tpu.memory_space<hbm>> -> memref<1x1x128xi32, #tpu.memory_space<hbm>>
      %dma_wait3A_500 = tpu.memref_squeeze %dma_wait3A_499 : memref<1x1x128xi32, #tpu.memory_space<hbm>> -> memref<128xi32, #tpu.memory_space<hbm>>
      tpu.wait_dma2 semaphore(%arg31 : memref<!tpu.dma_semaphore, #tpu.memory_space<semaphore_mem>>) src(%dma_wait3A_500 : memref<128xi32, #tpu.memory_space<hbm>>) dst(%arg14 : memref<128xi32, #tpu.memory_space<vmem>>)
      %dma_start3A_501 = arith.constant 0 : i32
      %dma_start3A_502 = arith.constant 0 : i32
      %dma_start3A_503 = tpu.memref_slice %arg2[%dma_start3A_501, %dma_start3A_502] : memref<10000x64xf32, #tpu.memory_space<hbm>> -> memref<10000x64xf32, #tpu.memory_space<hbm>>
      tpu.enqueue_indirect_dma source(%dma_start3A_503 : memref<10000x64xf32, #tpu.memory_space<hbm>>) target(%arg20 : memref<128x64xf32, #tpu.memory_space<vmem>>) offsets(%arg8 : memref<128xi32, #tpu.memory_space<vmem>>) semaphore(%arg37 : memref<!tpu.dma_semaphore, #tpu.memory_space<semaphore_mem>>)
      %add3A_504 = arith.constant 4 : i32
      %add3A_505 = arith.addi %add3A_475, %add3A_504 : i32
      %mul3A_506 = arith.constant 128 : i32
      %mul3A_507 = arith.muli %add3A_505, %mul3A_506 : i32
      %dma_start3A_508 = arith.constant 0 : i32
      %dma_start3A_509 = tpu.memref_slice %arg3[%dma_start3A_508, %add3A, %mul3A_507] : memref<2x32x10000xi32, #tpu.memory_space<hbm>> -> memref<1x1x128xi32, #tpu.memory_space<hbm>>
      %dma_start3A_510 = tpu.memref_squeeze %dma_start3A_509 : memref<1x1x128xi32, #tpu.memory_space<hbm>> -> memref<128xi32, #tpu.memory_space<hbm>>
      %dma_start3A_511 = tpu.memref_slice %arg3[%dma_start3A_508, %add3A, %mul3A_507] : memref<2x32x10000xi32, #tpu.memory_space<hbm>> -> memref<1x1x128xi32, #tpu.memory_space<hbm>>
      %dma_start3A_512 = tpu.memref_squeeze %dma_start3A_511 : memref<1x1x128xi32, #tpu.memory_space<hbm>> -> memref<128xi32, #tpu.memory_space<hbm>>
      tpu.enqueue_dma source(%dma_start3A_512 : memref<128xi32, #tpu.memory_space<hbm>>) target(%arg10 : memref<128xi32, #tpu.memory_space<vmem>>) target_semaphore(%arg27 : memref<!tpu.dma_semaphore, #tpu.memory_space<semaphore_mem>>)
      %mul3A_513 = arith.constant 128 : i32
      %mul3A_514 = arith.muli %add3A_505, %mul3A_513 : i32
      %dma_start3A_515 = arith.constant 1 : i32
      %dma_start3A_516 = tpu.memref_slice %arg3[%dma_start3A_515, %add3A, %mul3A_514] : memref<2x32x10000xi32, #tpu.memory_space<hbm>> -> memref<1x1x128xi32, #tpu.memory_space<hbm>>
      %dma_start3A_517 = tpu.memref_squeeze %dma_start3A_516 : memref<1x1x128xi32, #tpu.memory_space<hbm>> -> memref<128xi32, #tpu.memory_space<hbm>>
      %dma_start3A_518 = tpu.memref_slice %arg3[%dma_start3A_515, %add3A, %mul3A_514] : memref<2x32x10000xi32, #tpu.memory_space<hbm>> -> memref<1x1x128xi32, #tpu.memory_space<hbm>>
      %dma_start3A_519 = tpu.memref_squeeze %dma_start3A_518 : memref<1x1x128xi32, #tpu.memory_space<hbm>> -> memref<128xi32, #tpu.memory_space<hbm>>
      tpu.enqueue_dma source(%dma_start3A_519 : memref<128xi32, #tpu.memory_space<hbm>>) target(%arg16 : memref<128xi32, #tpu.memory_space<vmem>>) target_semaphore(%arg33 : memref<!tpu.dma_semaphore, #tpu.memory_space<semaphore_mem>>)
      %mul3A_520 = arith.constant 6 : i32
      %mul3A_521 = arith.muli %mul3A_520, %add3A_269 : i32
      %add3A_522 = arith.constant 1 : i32
      %add3A_523 = arith.addi %mul3A_521, %add3A_522 : i32
      %add3A_524 = arith.constant 5 : i32
      %add3A_525 = arith.addi %add3A_523, %add3A_524 : i32
      %dma_wait3A_526 = arith.constant 0 : i32
      %dma_wait3A_527 = arith.constant 0 : i32
      %dma_wait3A_528 = tpu.memref_slice %arg2[%dma_wait3A_526, %dma_wait3A_527] : memref<10000x64xf32, #tpu.memory_space<hbm>> -> memref<10000x64xf32, #tpu.memory_space<hbm>>
      tpu.wait_indirect_dma semaphore(%arg36 : memref<!tpu.dma_semaphore, #tpu.memory_space<semaphore_mem>>) src(%dma_wait3A_528 : memref<10000x64xf32, #tpu.memory_space<hbm>>) dst(%arg19 : memref<128x64xf32, #tpu.memory_space<vmem>>)
      %dma_start3A_529 = arith.constant 0 : i32
      %dma_start3A_530 = arith.constant 0 : i32
      %dma_start3A_531 = tpu.memref_slice %arg6[%dma_start3A_529, %dma_start3A_530] : memref<10000x64xf32, #tpu.memory_space<vmem_shared>> -> memref<10000x64xf32, #tpu.memory_space<vmem_shared>>
      tpu.enqueue_indirect_dma source(%arg19 : memref<128x64xf32, #tpu.memory_space<vmem>>) target(%dma_start3A_531 : memref<10000x64xf32, #tpu.memory_space<vmem_shared>>) offsets(%arg13 : memref<128xi32, #tpu.memory_space<vmem>>) semaphore(%arg39 : memref<!tpu.dma_semaphore, #tpu.memory_space<semaphore_mem>>) {add = true}
      %dma_wait3A_532 = arith.constant 0 : i32
      %dma_wait3A_533 = arith.constant 0 : i32
      %dma_wait3A_534 = tpu.memref_slice %arg6[%dma_wait3A_532, %dma_wait3A_533] : memref<10000x64xf32, #tpu.memory_space<vmem_shared>> -> memref<10000x64xf32, #tpu.memory_space<vmem_shared>>
      tpu.wait_indirect_dma semaphore(%arg41 : memref<!tpu.dma_semaphore, #tpu.memory_space<semaphore_mem>>) src(%arg21 : memref<128x64xf32, #tpu.memory_space<vmem>>) dst(%dma_wait3A_534 : memref<10000x64xf32, #tpu.memory_space<vmem_shared>>)
      %add3A_535 = arith.constant 2 : i32
      %add3A_536 = arith.addi %add3A_525, %add3A_535 : i32
      %mul3A_537 = arith.constant 128 : i32
      %mul3A_538 = arith.muli %add3A_536, %mul3A_537 : i32
      %dma_wait3A_539 = arith.constant 0 : i32
      %dma_wait3A_540 = tpu.memref_slice %arg3[%dma_wait3A_539, %add3A, %mul3A_538] : memref<2x32x10000xi32, #tpu.memory_space<hbm>> -> memref<1x1x128xi32, #tpu.memory_space<hbm>>
      %dma_wait3A_541 = tpu.memref_squeeze %dma_wait3A_540 : memref<1x1x128xi32, #tpu.memory_space<hbm>> -> memref<128xi32, #tpu.memory_space<hbm>>
      %dma_wait3A_542 = tpu.memref_slice %arg3[%dma_wait3A_539, %add3A, %mul3A_538] : memref<2x32x10000xi32, #tpu.memory_space<hbm>> -> memref<1x1x128xi32, #tpu.memory_space<hbm>>
      %dma_wait3A_543 = tpu.memref_squeeze %dma_wait3A_542 : memref<1x1x128xi32, #tpu.memory_space<hbm>> -> memref<128xi32, #tpu.memory_space<hbm>>
      tpu.wait_dma2 semaphore(%arg26 : memref<!tpu.dma_semaphore, #tpu.memory_space<semaphore_mem>>) src(%dma_wait3A_543 : memref<128xi32, #tpu.memory_space<hbm>>) dst(%arg9 : memref<128xi32, #tpu.memory_space<vmem>>)
      %mul3A_544 = arith.constant 128 : i32
      %mul3A_545 = arith.muli %add3A_536, %mul3A_544 : i32
      %dma_wait3A_546 = arith.constant 1 : i32
      %dma_wait3A_547 = tpu.memref_slice %arg3[%dma_wait3A_546, %add3A, %mul3A_545] : memref<2x32x10000xi32, #tpu.memory_space<hbm>> -> memref<1x1x128xi32, #tpu.memory_space<hbm>>
      %dma_wait3A_548 = tpu.memref_squeeze %dma_wait3A_547 : memref<1x1x128xi32, #tpu.memory_space<hbm>> -> memref<128xi32, #tpu.memory_space<hbm>>
      %dma_wait3A_549 = tpu.memref_slice %arg3[%dma_wait3A_546, %add3A, %mul3A_545] : memref<2x32x10000xi32, #tpu.memory_space<hbm>> -> memref<1x1x128xi32, #tpu.memory_space<hbm>>
      %dma_wait3A_550 = tpu.memref_squeeze %dma_wait3A_549 : memref<1x1x128xi32, #tpu.memory_space<hbm>> -> memref<128xi32, #tpu.memory_space<hbm>>
      tpu.wait_dma2 semaphore(%arg32 : memref<!tpu.dma_semaphore, #tpu.memory_space<semaphore_mem>>) src(%dma_wait3A_550 : memref<128xi32, #tpu.memory_space<hbm>>) dst(%arg15 : memref<128xi32, #tpu.memory_space<vmem>>)
      %dma_start3A_551 = arith.constant 0 : i32
      %dma_start3A_552 = arith.constant 0 : i32
      %dma_start3A_553 = tpu.memref_slice %arg2[%dma_start3A_551, %dma_start3A_552] : memref<10000x64xf32, #tpu.memory_space<hbm>> -> memref<10000x64xf32, #tpu.memory_space<hbm>>
      tpu.enqueue_indirect_dma source(%dma_start3A_553 : memref<10000x64xf32, #tpu.memory_space<hbm>>) target(%arg21 : memref<128x64xf32, #tpu.memory_space<vmem>>) offsets(%arg9 : memref<128xi32, #tpu.memory_space<vmem>>) semaphore(%arg38 : memref<!tpu.dma_semaphore, #tpu.memory_space<semaphore_mem>>)
      %add3A_554 = arith.constant 4 : i32
      %add3A_555 = arith.addi %add3A_525, %add3A_554 : i32
      %mul3A_556 = arith.constant 128 : i32
      %mul3A_557 = arith.muli %add3A_555, %mul3A_556 : i32
      %dma_start3A_558 = arith.constant 0 : i32
      %dma_start3A_559 = tpu.memref_slice %arg3[%dma_start3A_558, %add3A, %mul3A_557] : memref<2x32x10000xi32, #tpu.memory_space<hbm>> -> memref<1x1x128xi32, #tpu.memory_space<hbm>>
      %dma_start3A_560 = tpu.memref_squeeze %dma_start3A_559 : memref<1x1x128xi32, #tpu.memory_space<hbm>> -> memref<128xi32, #tpu.memory_space<hbm>>
      %dma_start3A_561 = tpu.memref_slice %arg3[%dma_start3A_558, %add3A, %mul3A_557] : memref<2x32x10000xi32, #tpu.memory_space<hbm>> -> memref<1x1x128xi32, #tpu.memory_space<hbm>>
      %dma_start3A_562 = tpu.memref_squeeze %dma_start3A_561 : memref<1x1x128xi32, #tpu.memory_space<hbm>> -> memref<128xi32, #tpu.memory_space<hbm>>
      tpu.enqueue_dma source(%dma_start3A_562 : memref<128xi32, #tpu.memory_space<hbm>>) target(%arg11 : memref<128xi32, #tpu.memory_space<vmem>>) target_semaphore(%arg28 : memref<!tpu.dma_semaphore, #tpu.memory_space<semaphore_mem>>)
      %mul3A_563 = arith.constant 128 : i32
      %mul3A_564 = arith.muli %add3A_555, %mul3A_563 : i32
      %dma_start3A_565 = arith.constant 1 : i32
      %dma_start3A_566 = tpu.memref_slice %arg3[%dma_start3A_565, %add3A, %mul3A_564] : memref<2x32x10000xi32, #tpu.memory_space<hbm>> -> memref<1x1x128xi32, #tpu.memory_space<hbm>>
      %dma_start3A_567 = tpu.memref_squeeze %dma_start3A_566 : memref<1x1x128xi32, #tpu.memory_space<hbm>> -> memref<128xi32, #tpu.memory_space<hbm>>
      %dma_start3A_568 = tpu.memref_slice %arg3[%dma_start3A_565, %add3A, %mul3A_564] : memref<2x32x10000xi32, #tpu.memory_space<hbm>> -> memref<1x1x128xi32, #tpu.memory_space<hbm>>
      %dma_start3A_569 = tpu.memref_squeeze %dma_start3A_568 : memref<1x1x128xi32, #tpu.memory_space<hbm>> -> memref<128xi32, #tpu.memory_space<hbm>>
      tpu.enqueue_dma source(%dma_start3A_569 : memref<128xi32, #tpu.memory_space<hbm>>) target(%arg17 : memref<128xi32, #tpu.memory_space<vmem>>) target_semaphore(%arg34 : memref<!tpu.dma_semaphore, #tpu.memory_space<semaphore_mem>>)
    }
    %scan3A_137 = arith.constant 12 : i32
    %dma_wait3A_138 = arith.constant 0 : i32
    %dma_wait3A_139 = arith.constant 0 : i32
    %dma_wait3A_140 = tpu.memref_slice %arg2[%dma_wait3A_138, %dma_wait3A_139] : memref<10000x64xf32, #tpu.memory_space<hbm>> -> memref<10000x64xf32, #tpu.memory_space<hbm>>
    tpu.wait_indirect_dma semaphore(%arg37 : memref<!tpu.dma_semaphore, #tpu.memory_space<semaphore_mem>>) src(%dma_wait3A_140 : memref<10000x64xf32, #tpu.memory_space<hbm>>) dst(%arg20 : memref<128x64xf32, #tpu.memory_space<vmem>>)
    %dma_start3A_141 = arith.constant 0 : i32
    %dma_start3A_142 = arith.constant 0 : i32
    %dma_start3A_143 = tpu.memref_slice %arg6[%dma_start3A_141, %dma_start3A_142] : memref<10000x64xf32, #tpu.memory_space<vmem_shared>> -> memref<10000x64xf32, #tpu.memory_space<vmem_shared>>
    tpu.enqueue_indirect_dma source(%arg20 : memref<128x64xf32, #tpu.memory_space<vmem>>) target(%dma_start3A_143 : memref<10000x64xf32, #tpu.memory_space<vmem_shared>>) offsets(%arg14 : memref<128xi32, #tpu.memory_space<vmem>>) semaphore(%arg40 : memref<!tpu.dma_semaphore, #tpu.memory_space<semaphore_mem>>) {add = true}
    %dma_wait3A_144 = arith.constant 0 : i32
    %dma_wait3A_145 = arith.constant 0 : i32
    %dma_wait3A_146 = tpu.memref_slice %arg6[%dma_wait3A_144, %dma_wait3A_145] : memref<10000x64xf32, #tpu.memory_space<vmem_shared>> -> memref<10000x64xf32, #tpu.memory_space<vmem_shared>>
    tpu.wait_indirect_dma semaphore(%arg39 : memref<!tpu.dma_semaphore, #tpu.memory_space<semaphore_mem>>) src(%arg19 : memref<128x64xf32, #tpu.memory_space<vmem>>) dst(%dma_wait3A_146 : memref<10000x64xf32, #tpu.memory_space<vmem_shared>>)
    %dma_wait3A_147 = arith.constant 0 : i32
    %dma_wait3A_148 = arith.constant 9600 : i32
    %dma_wait3A_149 = tpu.memref_slice %arg3[%dma_wait3A_147, %add3A, %dma_wait3A_148] : memref<2x32x10000xi32, #tpu.memory_space<hbm>> -> memref<1x1x128xi32, #tpu.memory_space<hbm>>
    %dma_wait3A_150 = tpu.memref_squeeze %dma_wait3A_149 : memref<1x1x128xi32, #tpu.memory_space<hbm>> -> memref<128xi32, #tpu.memory_space<hbm>>
    %dma_wait3A_151 = arith.constant 9600 : i32
    %dma_wait3A_152 = tpu.memref_slice %arg3[%dma_wait3A_147, %add3A, %dma_wait3A_151] : memref<2x32x10000xi32, #tpu.memory_space<hbm>> -> memref<1x1x128xi32, #tpu.memory_space<hbm>>
    %dma_wait3A_153 = tpu.memref_squeeze %dma_wait3A_152 : memref<1x1x128xi32, #tpu.memory_space<hbm>> -> memref<128xi32, #tpu.memory_space<hbm>>
    tpu.wait_dma2 semaphore(%arg27 : memref<!tpu.dma_semaphore, #tpu.memory_space<semaphore_mem>>) src(%dma_wait3A_153 : memref<128xi32, #tpu.memory_space<hbm>>) dst(%arg10 : memref<128xi32, #tpu.memory_space<vmem>>)
    %dma_wait3A_154 = arith.constant 1 : i32
    %dma_wait3A_155 = arith.constant 9600 : i32
    %dma_wait3A_156 = tpu.memref_slice %arg3[%dma_wait3A_154, %add3A, %dma_wait3A_155] : memref<2x32x10000xi32, #tpu.memory_space<hbm>> -> memref<1x1x128xi32, #tpu.memory_space<hbm>>
    %dma_wait3A_157 = tpu.memref_squeeze %dma_wait3A_156 : memref<1x1x128xi32, #tpu.memory_space<hbm>> -> memref<128xi32, #tpu.memory_space<hbm>>
    %dma_wait3A_158 = arith.constant 9600 : i32
    %dma_wait3A_159 = tpu.memref_slice %arg3[%dma_wait3A_154, %add3A, %dma_wait3A_158] : memref<2x32x10000xi32, #tpu.memory_space<hbm>> -> memref<1x1x128xi32, #tpu.memory_space<hbm>>
    %dma_wait3A_160 = tpu.memref_squeeze %dma_wait3A_159 : memref<1x1x128xi32, #tpu.memory_space<hbm>> -> memref<128xi32, #tpu.memory_space<hbm>>
    tpu.wait_dma2 semaphore(%arg33 : memref<!tpu.dma_semaphore, #tpu.memory_space<semaphore_mem>>) src(%dma_wait3A_160 : memref<128xi32, #tpu.memory_space<hbm>>) dst(%arg16 : memref<128xi32, #tpu.memory_space<vmem>>)
    %dma_start3A_161 = arith.constant 0 : i32
    %dma_start3A_162 = arith.constant 0 : i32
    %dma_start3A_163 = tpu.memref_slice %arg2[%dma_start3A_161, %dma_start3A_162] : memref<10000x64xf32, #tpu.memory_space<hbm>> -> memref<10000x64xf32, #tpu.memory_space<hbm>>
    tpu.enqueue_indirect_dma source(%dma_start3A_163 : memref<10000x64xf32, #tpu.memory_space<hbm>>) target(%arg19 : memref<128x64xf32, #tpu.memory_space<vmem>>) offsets(%arg10 : memref<128xi32, #tpu.memory_space<vmem>>) semaphore(%arg36 : memref<!tpu.dma_semaphore, #tpu.memory_space<semaphore_mem>>)
    %dma_start3A_164 = arith.constant 0 : i32
    %dma_start3A_165 = arith.constant 9856 : i32
    %dma_start3A_166 = tpu.memref_slice %arg3[%dma_start3A_164, %add3A, %dma_start3A_165] : memref<2x32x10000xi32, #tpu.memory_space<hbm>> -> memref<1x1x128xi32, #tpu.memory_space<hbm>>
    %dma_start3A_167 = tpu.memref_squeeze %dma_start3A_166 : memref<1x1x128xi32, #tpu.memory_space<hbm>> -> memref<128xi32, #tpu.memory_space<hbm>>
    %dma_start3A_168 = arith.constant 9856 : i32
    %dma_start3A_169 = tpu.memref_slice %arg3[%dma_start3A_164, %add3A, %dma_start3A_168] : memref<2x32x10000xi32, #tpu.memory_space<hbm>> -> memref<1x1x128xi32, #tpu.memory_space<hbm>>
    %dma_start3A_170 = tpu.memref_squeeze %dma_start3A_169 : memref<1x1x128xi32, #tpu.memory_space<hbm>> -> memref<128xi32, #tpu.memory_space<hbm>>
    tpu.enqueue_dma source(%dma_start3A_170 : memref<128xi32, #tpu.memory_space<hbm>>) target(%arg12 : memref<128xi32, #tpu.memory_space<vmem>>) target_semaphore(%arg29 : memref<!tpu.dma_semaphore, #tpu.memory_space<semaphore_mem>>)
    %dma_start3A_171 = arith.constant 1 : i32
    %dma_start3A_172 = arith.constant 9856 : i32
    %dma_start3A_173 = tpu.memref_slice %arg3[%dma_start3A_171, %add3A, %dma_start3A_172] : memref<2x32x10000xi32, #tpu.memory_space<hbm>> -> memref<1x1x128xi32, #tpu.memory_space<hbm>>
    %dma_start3A_174 = tpu.memref_squeeze %dma_start3A_173 : memref<1x1x128xi32, #tpu.memory_space<hbm>> -> memref<128xi32, #tpu.memory_space<hbm>>
    %dma_start3A_175 = arith.constant 9856 : i32
    %dma_start3A_176 = tpu.memref_slice %arg3[%dma_start3A_171, %add3A, %dma_start3A_175] : memref<2x32x10000xi32, #tpu.memory_space<hbm>> -> memref<1x1x128xi32, #tpu.memory_space<hbm>>
    %dma_start3A_177 = tpu.memref_squeeze %dma_start3A_176 : memref<1x1x128xi32, #tpu.memory_space<hbm>> -> memref<128xi32, #tpu.memory_space<hbm>>
    tpu.enqueue_dma source(%dma_start3A_177 : memref<128xi32, #tpu.memory_space<hbm>>) target(%arg18 : memref<128xi32, #tpu.memory_space<vmem>>) target_semaphore(%arg35 : memref<!tpu.dma_semaphore, #tpu.memory_space<semaphore_mem>>)
    %dma_wait3A_178 = arith.constant 0 : i32
    %dma_wait3A_179 = arith.constant 0 : i32
    %dma_wait3A_180 = tpu.memref_slice %arg2[%dma_wait3A_178, %dma_wait3A_179] : memref<10000x64xf32, #tpu.memory_space<hbm>> -> memref<10000x64xf32, #tpu.memory_space<hbm>>
    tpu.wait_indirect_dma semaphore(%arg38 : memref<!tpu.dma_semaphore, #tpu.memory_space<semaphore_mem>>) src(%dma_wait3A_180 : memref<10000x64xf32, #tpu.memory_space<hbm>>) dst(%arg21 : memref<128x64xf32, #tpu.memory_space<vmem>>)
    %dma_start3A_181 = arith.constant 0 : i32
    %dma_start3A_182 = arith.constant 0 : i32
    %dma_start3A_183 = tpu.memref_slice %arg6[%dma_start3A_181, %dma_start3A_182] : memref<10000x64xf32, #tpu.memory_space<vmem_shared>> -> memref<10000x64xf32, #tpu.memory_space<vmem_shared>>
    tpu.enqueue_indirect_dma source(%arg21 : memref<128x64xf32, #tpu.memory_space<vmem>>) target(%dma_start3A_183 : memref<10000x64xf32, #tpu.memory_space<vmem_shared>>) offsets(%arg15 : memref<128xi32, #tpu.memory_space<vmem>>) semaphore(%arg41 : memref<!tpu.dma_semaphore, #tpu.memory_space<semaphore_mem>>) {add = true}
    %dma_wait3A_184 = arith.constant 0 : i32
    %dma_wait3A_185 = arith.constant 0 : i32
    %dma_wait3A_186 = tpu.memref_slice %arg6[%dma_wait3A_184, %dma_wait3A_185] : memref<10000x64xf32, #tpu.memory_space<vmem_shared>> -> memref<10000x64xf32, #tpu.memory_space<vmem_shared>>
    tpu.wait_indirect_dma semaphore(%arg40 : memref<!tpu.dma_semaphore, #tpu.memory_space<semaphore_mem>>) src(%arg20 : memref<128x64xf32, #tpu.memory_space<vmem>>) dst(%dma_wait3A_186 : memref<10000x64xf32, #tpu.memory_space<vmem_shared>>)
    %dma_wait3A_187 = arith.constant 0 : i32
    %dma_wait3A_188 = arith.constant 9728 : i32
    %dma_wait3A_189 = tpu.memref_slice %arg3[%dma_wait3A_187, %add3A, %dma_wait3A_188] : memref<2x32x10000xi32, #tpu.memory_space<hbm>> -> memref<1x1x128xi32, #tpu.memory_space<hbm>>
    %dma_wait3A_190 = tpu.memref_squeeze %dma_wait3A_189 : memref<1x1x128xi32, #tpu.memory_space<hbm>> -> memref<128xi32, #tpu.memory_space<hbm>>
    %dma_wait3A_191 = arith.constant 9728 : i32
    %dma_wait3A_192 = tpu.memref_slice %arg3[%dma_wait3A_187, %add3A, %dma_wait3A_191] : memref<2x32x10000xi32, #tpu.memory_space<hbm>> -> memref<1x1x128xi32, #tpu.memory_space<hbm>>
    %dma_wait3A_193 = tpu.memref_squeeze %dma_wait3A_192 : memref<1x1x128xi32, #tpu.memory_space<hbm>> -> memref<128xi32, #tpu.memory_space<hbm>>
    tpu.wait_dma2 semaphore(%arg28 : memref<!tpu.dma_semaphore, #tpu.memory_space<semaphore_mem>>) src(%dma_wait3A_193 : memref<128xi32, #tpu.memory_space<hbm>>) dst(%arg11 : memref<128xi32, #tpu.memory_space<vmem>>)
    %dma_wait3A_194 = arith.constant 1 : i32
    %dma_wait3A_195 = arith.constant 9728 : i32
    %dma_wait3A_196 = tpu.memref_slice %arg3[%dma_wait3A_194, %add3A, %dma_wait3A_195] : memref<2x32x10000xi32, #tpu.memory_space<hbm>> -> memref<1x1x128xi32, #tpu.memory_space<hbm>>
    %dma_wait3A_197 = tpu.memref_squeeze %dma_wait3A_196 : memref<1x1x128xi32, #tpu.memory_space<hbm>> -> memref<128xi32, #tpu.memory_space<hbm>>
    %dma_wait3A_198 = arith.constant 9728 : i32
    %dma_wait3A_199 = tpu.memref_slice %arg3[%dma_wait3A_194, %add3A, %dma_wait3A_198] : memref<2x32x10000xi32, #tpu.memory_space<hbm>> -> memref<1x1x128xi32, #tpu.memory_space<hbm>>
    %dma_wait3A_200 = tpu.memref_squeeze %dma_wait3A_199 : memref<1x1x128xi32, #tpu.memory_space<hbm>> -> memref<128xi32, #tpu.memory_space<hbm>>
    tpu.wait_dma2 semaphore(%arg34 : memref<!tpu.dma_semaphore, #tpu.memory_space<semaphore_mem>>) src(%dma_wait3A_200 : memref<128xi32, #tpu.memory_space<hbm>>) dst(%arg17 : memref<128xi32, #tpu.memory_space<vmem>>)
    %dma_start3A_201 = arith.constant 0 : i32
    %dma_start3A_202 = arith.constant 0 : i32
    %dma_start3A_203 = tpu.memref_slice %arg2[%dma_start3A_201, %dma_start3A_202] : memref<10000x64xf32, #tpu.memory_space<hbm>> -> memref<10000x64xf32, #tpu.memory_space<hbm>>
    tpu.enqueue_indirect_dma source(%dma_start3A_203 : memref<10000x64xf32, #tpu.memory_space<hbm>>) target(%arg20 : memref<128x64xf32, #tpu.memory_space<vmem>>) offsets(%arg11 : memref<128xi32, #tpu.memory_space<vmem>>) semaphore(%arg37 : memref<!tpu.dma_semaphore, #tpu.memory_space<semaphore_mem>>)
    %dma_wait3A_204 = arith.constant 0 : i32
    %dma_wait3A_205 = arith.constant 0 : i32
    %dma_wait3A_206 = tpu.memref_slice %arg2[%dma_wait3A_204, %dma_wait3A_205] : memref<10000x64xf32, #tpu.memory_space<hbm>> -> memref<10000x64xf32, #tpu.memory_space<hbm>>
    tpu.wait_indirect_dma semaphore(%arg36 : memref<!tpu.dma_semaphore, #tpu.memory_space<semaphore_mem>>) src(%dma_wait3A_206 : memref<10000x64xf32, #tpu.memory_space<hbm>>) dst(%arg19 : memref<128x64xf32, #tpu.memory_space<vmem>>)
    %dma_start3A_207 = arith.constant 0 : i32
    %dma_start3A_208 = arith.constant 0 : i32
    %dma_start3A_209 = tpu.memref_slice %arg6[%dma_start3A_207, %dma_start3A_208] : memref<10000x64xf32, #tpu.memory_space<vmem_shared>> -> memref<10000x64xf32, #tpu.memory_space<vmem_shared>>
    tpu.enqueue_indirect_dma source(%arg19 : memref<128x64xf32, #tpu.memory_space<vmem>>) target(%dma_start3A_209 : memref<10000x64xf32, #tpu.memory_space<vmem_shared>>) offsets(%arg16 : memref<128xi32, #tpu.memory_space<vmem>>) semaphore(%arg39 : memref<!tpu.dma_semaphore, #tpu.memory_space<semaphore_mem>>) {add = true}
    %dma_wait3A_210 = arith.constant 0 : i32
    %dma_wait3A_211 = arith.constant 0 : i32
    %dma_wait3A_212 = tpu.memref_slice %arg6[%dma_wait3A_210, %dma_wait3A_211] : memref<10000x64xf32, #tpu.memory_space<vmem_shared>> -> memref<10000x64xf32, #tpu.memory_space<vmem_shared>>
    tpu.wait_indirect_dma semaphore(%arg41 : memref<!tpu.dma_semaphore, #tpu.memory_space<semaphore_mem>>) src(%arg21 : memref<128x64xf32, #tpu.memory_space<vmem>>) dst(%dma_wait3A_212 : memref<10000x64xf32, #tpu.memory_space<vmem_shared>>)
    %dma_wait3A_213 = arith.constant 0 : i32
    %dma_wait3A_214 = arith.constant 9856 : i32
    %dma_wait3A_215 = tpu.memref_slice %arg3[%dma_wait3A_213, %add3A, %dma_wait3A_214] : memref<2x32x10000xi32, #tpu.memory_space<hbm>> -> memref<1x1x128xi32, #tpu.memory_space<hbm>>
    %dma_wait3A_216 = tpu.memref_squeeze %dma_wait3A_215 : memref<1x1x128xi32, #tpu.memory_space<hbm>> -> memref<128xi32, #tpu.memory_space<hbm>>
    %dma_wait3A_217 = arith.constant 9856 : i32
    %dma_wait3A_218 = tpu.memref_slice %arg3[%dma_wait3A_213, %add3A, %dma_wait3A_217] : memref<2x32x10000xi32, #tpu.memory_space<hbm>> -> memref<1x1x128xi32, #tpu.memory_space<hbm>>
    %dma_wait3A_219 = tpu.memref_squeeze %dma_wait3A_218 : memref<1x1x128xi32, #tpu.memory_space<hbm>> -> memref<128xi32, #tpu.memory_space<hbm>>
    tpu.wait_dma2 semaphore(%arg29 : memref<!tpu.dma_semaphore, #tpu.memory_space<semaphore_mem>>) src(%dma_wait3A_219 : memref<128xi32, #tpu.memory_space<hbm>>) dst(%arg12 : memref<128xi32, #tpu.memory_space<vmem>>)
    %dma_wait3A_220 = arith.constant 1 : i32
    %dma_wait3A_221 = arith.constant 9856 : i32
    %dma_wait3A_222 = tpu.memref_slice %arg3[%dma_wait3A_220, %add3A, %dma_wait3A_221] : memref<2x32x10000xi32, #tpu.memory_space<hbm>> -> memref<1x1x128xi32, #tpu.memory_space<hbm>>
    %dma_wait3A_223 = tpu.memref_squeeze %dma_wait3A_222 : memref<1x1x128xi32, #tpu.memory_space<hbm>> -> memref<128xi32, #tpu.memory_space<hbm>>
    %dma_wait3A_224 = arith.constant 9856 : i32
    %dma_wait3A_225 = tpu.memref_slice %arg3[%dma_wait3A_220, %add3A, %dma_wait3A_224] : memref<2x32x10000xi32, #tpu.memory_space<hbm>> -> memref<1x1x128xi32, #tpu.memory_space<hbm>>
    %dma_wait3A_226 = tpu.memref_squeeze %dma_wait3A_225 : memref<1x1x128xi32, #tpu.memory_space<hbm>> -> memref<128xi32, #tpu.memory_space<hbm>>
    tpu.wait_dma2 semaphore(%arg35 : memref<!tpu.dma_semaphore, #tpu.memory_space<semaphore_mem>>) src(%dma_wait3A_226 : memref<128xi32, #tpu.memory_space<hbm>>) dst(%arg18 : memref<128xi32, #tpu.memory_space<vmem>>)
    %dma_start3A_227 = arith.constant 0 : i32
    %dma_start3A_228 = arith.constant 0 : i32
    %dma_start3A_229 = tpu.memref_slice %arg2[%dma_start3A_227, %dma_start3A_228] : memref<10000x64xf32, #tpu.memory_space<hbm>> -> memref<10000x64xf32, #tpu.memory_space<hbm>>
    tpu.enqueue_indirect_dma source(%dma_start3A_229 : memref<10000x64xf32, #tpu.memory_space<hbm>>) target(%arg21 : memref<128x64xf32, #tpu.memory_space<vmem>>) offsets(%arg12 : memref<128xi32, #tpu.memory_space<vmem>>) semaphore(%arg38 : memref<!tpu.dma_semaphore, #tpu.memory_space<semaphore_mem>>)
    %dma_wait3A_230 = arith.constant 0 : i32
    %dma_wait3A_231 = arith.constant 0 : i32
    %dma_wait3A_232 = tpu.memref_slice %arg2[%dma_wait3A_230, %dma_wait3A_231] : memref<10000x64xf32, #tpu.memory_space<hbm>> -> memref<10000x64xf32, #tpu.memory_space<hbm>>
    tpu.wait_indirect_dma semaphore(%arg37 : memref<!tpu.dma_semaphore, #tpu.memory_space<semaphore_mem>>) src(%dma_wait3A_232 : memref<10000x64xf32, #tpu.memory_space<hbm>>) dst(%arg20 : memref<128x64xf32, #tpu.memory_space<vmem>>)
    %dma_start3A_233 = arith.constant 0 : i32
    %dma_start3A_234 = arith.constant 0 : i32
    %dma_start3A_235 = tpu.memref_slice %arg6[%dma_start3A_233, %dma_start3A_234] : memref<10000x64xf32, #tpu.memory_space<vmem_shared>> -> memref<10000x64xf32, #tpu.memory_space<vmem_shared>>
    tpu.enqueue_indirect_dma source(%arg20 : memref<128x64xf32, #tpu.memory_space<vmem>>) target(%dma_start3A_235 : memref<10000x64xf32, #tpu.memory_space<vmem_shared>>) offsets(%arg17 : memref<128xi32, #tpu.memory_space<vmem>>) semaphore(%arg40 : memref<!tpu.dma_semaphore, #tpu.memory_space<semaphore_mem>>) {add = true}
    %dma_wait3A_236 = arith.constant 0 : i32
    %dma_wait3A_237 = arith.constant 0 : i32
    %dma_wait3A_238 = tpu.memref_slice %arg6[%dma_wait3A_236, %dma_wait3A_237] : memref<10000x64xf32, #tpu.memory_space<vmem_shared>> -> memref<10000x64xf32, #tpu.memory_space<vmem_shared>>
    tpu.wait_indirect_dma semaphore(%arg39 : memref<!tpu.dma_semaphore, #tpu.memory_space<semaphore_mem>>) src(%arg19 : memref<128x64xf32, #tpu.memory_space<vmem>>) dst(%dma_wait3A_238 : memref<10000x64xf32, #tpu.memory_space<vmem_shared>>)
    %dma_wait3A_239 = arith.constant 0 : i32
    %dma_wait3A_240 = arith.constant 0 : i32
    %dma_wait3A_241 = tpu.memref_slice %arg2[%dma_wait3A_239, %dma_wait3A_240] : memref<10000x64xf32, #tpu.memory_space<hbm>> -> memref<10000x64xf32, #tpu.memory_space<hbm>>
    tpu.wait_indirect_dma semaphore(%arg38 : memref<!tpu.dma_semaphore, #tpu.memory_space<semaphore_mem>>) src(%dma_wait3A_241 : memref<10000x64xf32, #tpu.memory_space<hbm>>) dst(%arg21 : memref<128x64xf32, #tpu.memory_space<vmem>>)
    %dma_start3A_242 = arith.constant 0 : i32
    %dma_start3A_243 = arith.constant 0 : i32
    %dma_start3A_244 = tpu.memref_slice %arg6[%dma_start3A_242, %dma_start3A_243] : memref<10000x64xf32, #tpu.memory_space<vmem_shared>> -> memref<10000x64xf32, #tpu.memory_space<vmem_shared>>
    tpu.enqueue_indirect_dma source(%arg21 : memref<128x64xf32, #tpu.memory_space<vmem>>) target(%dma_start3A_244 : memref<10000x64xf32, #tpu.memory_space<vmem_shared>>) offsets(%arg18 : memref<128xi32, #tpu.memory_space<vmem>>) semaphore(%arg41 : memref<!tpu.dma_semaphore, #tpu.memory_space<semaphore_mem>>) {add = true}
    %dma_wait3A_245 = arith.constant 0 : i32
    %dma_wait3A_246 = arith.constant 0 : i32
    %dma_wait3A_247 = tpu.memref_slice %arg6[%dma_wait3A_245, %dma_wait3A_246] : memref<10000x64xf32, #tpu.memory_space<vmem_shared>> -> memref<10000x64xf32, #tpu.memory_space<vmem_shared>>
    tpu.wait_indirect_dma semaphore(%arg40 : memref<!tpu.dma_semaphore, #tpu.memory_space<semaphore_mem>>) src(%arg20 : memref<128x64xf32, #tpu.memory_space<vmem>>) dst(%dma_wait3A_247 : memref<10000x64xf32, #tpu.memory_space<vmem_shared>>)
    %dma_wait3A_248 = arith.constant 0 : i32
    %dma_wait3A_249 = arith.constant 0 : i32
    %dma_wait3A_250 = tpu.memref_slice %arg6[%dma_wait3A_248, %dma_wait3A_249] : memref<10000x64xf32, #tpu.memory_space<vmem_shared>> -> memref<10000x64xf32, #tpu.memory_space<vmem_shared>>
    tpu.wait_indirect_dma semaphore(%arg41 : memref<!tpu.dma_semaphore, #tpu.memory_space<semaphore_mem>>) src(%arg21 : memref<128x64xf32, #tpu.memory_space<vmem>>) dst(%dma_wait3A_250 : memref<10000x64xf32, #tpu.memory_space<vmem_shared>>)
    %run_scoped3A = arith.constant 0 : i32
    "tpu.region"() ({
      %run_scoped3A_265 = tpu.sem_alloc : memref<!tpu.dma_semaphore, #tpu.memory_space<semaphore_mem>>
      %dma_start3A_266 = arith.constant 9984 : i32
      %dma_start3A_267 = tpu.memref_slice %arg3[%run_scoped3A, %add3A, %dma_start3A_266] : memref<2x32x10000xi32, #tpu.memory_space<hbm>> -> memref<1x1x16xi32, #tpu.memory_space<hbm>>
      %dma_start3A_268 = tpu.memref_squeeze %dma_start3A_267 : memref<1x1x16xi32, #tpu.memory_space<hbm>> -> memref<16xi32, #tpu.memory_space<hbm>>
      %dma_start3A_269 = arith.constant 9984 : i32
      %dma_start3A_270 = tpu.memref_slice %arg3[%run_scoped3A, %add3A, %dma_start3A_269] : memref<2x32x10000xi32, #tpu.memory_space<hbm>> -> memref<1x1x16xi32, #tpu.memory_space<hbm>>
      %dma_start3A_271 = tpu.memref_squeeze %dma_start3A_270 : memref<1x1x16xi32, #tpu.memory_space<hbm>> -> memref<16xi32, #tpu.memory_space<hbm>>
      tpu.enqueue_dma source(%dma_start3A_271 : memref<16xi32, #tpu.memory_space<hbm>>) target(%arg22 : memref<16xi32, #tpu.memory_space<vmem>>) target_semaphore(%run_scoped3A_265 : memref<!tpu.dma_semaphore, #tpu.memory_space<semaphore_mem>>)
      %dma_wait3A_272 = arith.constant 9984 : i32
      %dma_wait3A_273 = tpu.memref_slice %arg3[%run_scoped3A, %add3A, %dma_wait3A_272] : memref<2x32x10000xi32, #tpu.memory_space<hbm>> -> memref<1x1x16xi32, #tpu.memory_space<hbm>>
      %dma_wait3A_274 = tpu.memref_squeeze %dma_wait3A_273 : memref<1x1x16xi32, #tpu.memory_space<hbm>> -> memref<16xi32, #tpu.memory_space<hbm>>
      %dma_wait3A_275 = arith.constant 9984 : i32
      %dma_wait3A_276 = tpu.memref_slice %arg3[%run_scoped3A, %add3A, %dma_wait3A_275] : memref<2x32x10000xi32, #tpu.memory_space<hbm>> -> memref<1x1x16xi32, #tpu.memory_space<hbm>>
      %dma_wait3A_277 = tpu.memref_squeeze %dma_wait3A_276 : memref<1x1x16xi32, #tpu.memory_space<hbm>> -> memref<16xi32, #tpu.memory_space<hbm>>
      tpu.wait_dma2 semaphore(%run_scoped3A_265 : memref<!tpu.dma_semaphore, #tpu.memory_space<semaphore_mem>>) src(%dma_wait3A_277 : memref<16xi32, #tpu.memory_space<hbm>>) dst(%arg22 : memref<16xi32, #tpu.memory_space<vmem>>)
      tpu.yield
    }) : () -> ()
    %run_scoped3A_251 = arith.constant 1 : i32
    "tpu.region"() ({
      %run_scoped3A_265 = tpu.sem_alloc : memref<!tpu.dma_semaphore, #tpu.memory_space<semaphore_mem>>
      %dma_start3A_266 = arith.constant 9984 : i32
      %dma_start3A_267 = tpu.memref_slice %arg3[%run_scoped3A_251, %add3A, %dma_start3A_266] : memref<2x32x10000xi32, #tpu.memory_space<hbm>> -> memref<1x1x16xi32, #tpu.memory_space<hbm>>
      %dma_start3A_268 = tpu.memref_squeeze %dma_start3A_267 : memref<1x1x16xi32, #tpu.memory_space<hbm>> -> memref<16xi32, #tpu.memory_space<hbm>>
      %dma_start3A_269 = arith.constant 9984 : i32
      %dma_start3A_270 = tpu.memref_slice %arg3[%run_scoped3A_251, %add3A, %dma_start3A_269] : memref<2x32x10000xi32, #tpu.memory_space<hbm>> -> memref<1x1x16xi32, #tpu.memory_space<hbm>>
      %dma_start3A_271 = tpu.memref_squeeze %dma_start3A_270 : memref<1x1x16xi32, #tpu.memory_space<hbm>> -> memref<16xi32, #tpu.memory_space<hbm>>
      tpu.enqueue_dma source(%dma_start3A_271 : memref<16xi32, #tpu.memory_space<hbm>>) target(%arg23 : memref<16xi32, #tpu.memory_space<vmem>>) target_semaphore(%run_scoped3A_265 : memref<!tpu.dma_semaphore, #tpu.memory_space<semaphore_mem>>)
      %dma_wait3A_272 = arith.constant 9984 : i32
      %dma_wait3A_273 = tpu.memref_slice %arg3[%run_scoped3A_251, %add3A, %dma_wait3A_272] : memref<2x32x10000xi32, #tpu.memory_space<hbm>> -> memref<1x1x16xi32, #tpu.memory_space<hbm>>
      %dma_wait3A_274 = tpu.memref_squeeze %dma_wait3A_273 : memref<1x1x16xi32, #tpu.memory_space<hbm>> -> memref<16xi32, #tpu.memory_space<hbm>>
      %dma_wait3A_275 = arith.constant 9984 : i32
      %dma_wait3A_276 = tpu.memref_slice %arg3[%run_scoped3A_251, %add3A, %dma_wait3A_275] : memref<2x32x10000xi32, #tpu.memory_space<hbm>> -> memref<1x1x16xi32, #tpu.memory_space<hbm>>
      %dma_wait3A_277 = tpu.memref_squeeze %dma_wait3A_276 : memref<1x1x16xi32, #tpu.memory_space<hbm>> -> memref<16xi32, #tpu.memory_space<hbm>>
      tpu.wait_dma2 semaphore(%run_scoped3A_265 : memref<!tpu.dma_semaphore, #tpu.memory_space<semaphore_mem>>) src(%dma_wait3A_277 : memref<16xi32, #tpu.memory_space<hbm>>) dst(%arg23 : memref<16xi32, #tpu.memory_space<vmem>>)
      tpu.yield
    }) : () -> ()
    "tpu.region"() ({
      %run_scoped3A_265 = tpu.sem_alloc : memref<!tpu.dma_semaphore, #tpu.memory_space<semaphore_mem>>
      %dma_start3A_266 = arith.constant 0 : i32
      %dma_start3A_267 = arith.constant 0 : i32
      %dma_start3A_268 = tpu.memref_slice %arg19[%dma_start3A_266, %dma_start3A_267] : memref<128x64xf32, #tpu.memory_space<vmem>> -> memref<16x64xf32, #tpu.memory_space<vmem>>
      %dma_start3A_269 = arith.constant 0 : i32
      %dma_start3A_270 = arith.constant 0 : i32
      %dma_start3A_271 = tpu.memref_slice %arg2[%dma_start3A_269, %dma_start3A_270] : memref<10000x64xf32, #tpu.memory_space<hbm>> -> memref<10000x64xf32, #tpu.memory_space<hbm>>
      tpu.enqueue_indirect_dma source(%dma_start3A_271 : memref<10000x64xf32, #tpu.memory_space<hbm>>) target(%dma_start3A_268 : memref<16x64xf32, #tpu.memory_space<vmem>>) offsets(%arg22 : memref<16xi32, #tpu.memory_space<vmem>>) semaphore(%run_scoped3A_265 : memref<!tpu.dma_semaphore, #tpu.memory_space<semaphore_mem>>)
      %dma_wait3A_272 = arith.constant 0 : i32
      %dma_wait3A_273 = arith.constant 0 : i32
      %dma_wait3A_274 = tpu.memref_slice %arg19[%dma_wait3A_272, %dma_wait3A_273] : memref<128x64xf32, #tpu.memory_space<vmem>> -> memref<16x64xf32, #tpu.memory_space<vmem>>
      %dma_wait3A_275 = arith.constant 0 : i32
      %dma_wait3A_276 = arith.constant 0 : i32
      %dma_wait3A_277 = tpu.memref_slice %arg2[%dma_wait3A_275, %dma_wait3A_276] : memref<10000x64xf32, #tpu.memory_space<hbm>> -> memref<10000x64xf32, #tpu.memory_space<hbm>>
      tpu.wait_indirect_dma semaphore(%run_scoped3A_265 : memref<!tpu.dma_semaphore, #tpu.memory_space<semaphore_mem>>) src(%dma_wait3A_277 : memref<10000x64xf32, #tpu.memory_space<hbm>>) dst(%dma_wait3A_274 : memref<16x64xf32, #tpu.memory_space<vmem>>)
      tpu.yield
    }) : () -> ()
    "tpu.region"() ({
      %run_scoped3A_265 = tpu.sem_alloc : memref<!tpu.dma_semaphore, #tpu.memory_space<semaphore_mem>>
      %dma_start3A_266 = arith.constant 0 : i32
      %dma_start3A_267 = arith.constant 0 : i32
      %dma_start3A_268 = tpu.memref_slice %arg19[%dma_start3A_266, %dma_start3A_267] : memref<128x64xf32, #tpu.memory_space<vmem>> -> memref<16x64xf32, #tpu.memory_space<vmem>>
      %dma_start3A_269 = arith.constant 0 : i32
      %dma_start3A_270 = arith.constant 0 : i32
      %dma_start3A_271 = tpu.memref_slice %arg6[%dma_start3A_269, %dma_start3A_270] : memref<10000x64xf32, #tpu.memory_space<vmem_shared>> -> memref<10000x64xf32, #tpu.memory_space<vmem_shared>>
      tpu.enqueue_indirect_dma source(%dma_start3A_268 : memref<16x64xf32, #tpu.memory_space<vmem>>) target(%dma_start3A_271 : memref<10000x64xf32, #tpu.memory_space<vmem_shared>>) offsets(%arg23 : memref<16xi32, #tpu.memory_space<vmem>>) semaphore(%run_scoped3A_265 : memref<!tpu.dma_semaphore, #tpu.memory_space<semaphore_mem>>) {add = true}
      %dma_wait3A_272 = arith.constant 0 : i32
      %dma_wait3A_273 = arith.constant 0 : i32
      %dma_wait3A_274 = tpu.memref_slice %arg19[%dma_wait3A_272, %dma_wait3A_273] : memref<128x64xf32, #tpu.memory_space<vmem>> -> memref<16x64xf32, #tpu.memory_space<vmem>>
      %dma_wait3A_275 = arith.constant 0 : i32
      %dma_wait3A_276 = arith.constant 0 : i32
      %dma_wait3A_277 = tpu.memref_slice %arg6[%dma_wait3A_275, %dma_wait3A_276] : memref<10000x64xf32, #tpu.memory_space<vmem_shared>> -> memref<10000x64xf32, #tpu.memory_space<vmem_shared>>
      tpu.wait_indirect_dma semaphore(%run_scoped3A_265 : memref<!tpu.dma_semaphore, #tpu.memory_space<semaphore_mem>>) src(%dma_wait3A_274 : memref<16x64xf32, #tpu.memory_space<vmem>>) dst(%dma_wait3A_277 : memref<10000x64xf32, #tpu.memory_space<vmem_shared>>)
      tpu.yield
    }) : () -> ()
    %barrier3A_252 = arith.constant 0 : index
    tpu.barrier barrier_id(%barrier3A_252)
    %mul3A_253 = arith.constant 640 : i32
    %mul3A_254 = arith.muli %arg1, %mul3A_253 : i32
    %lt3A_255 = arith.constant 15 : i32
    %lt3A_256 = arith.cmpi slt, %arg1, %lt3A_255 : i32
    %convert_element_type3A_257 = arith.extui %lt3A_256 : i1 to i32
    %cond3A_258 = arith.constant 0 : i32
    %cond3A_259 = arith.cmpi ne, %convert_element_type3A_257, %cond3A_258 : i32
    scf.if %cond3A_259 {
      "tpu.region"() ({
        %run_scoped3A_265 = tpu.sem_alloc : memref<!tpu.dma_semaphore, #tpu.memory_space<semaphore_mem>>
        %dma_start3A_266 = arith.constant 0 : i32
        %dma_start3A_267 = arith.constant 0 : i32
        %dma_start3A_268 = tpu.memref_slice %arg5[%arg0, %dma_start3A_266, %dma_start3A_267] : memref<2x10000x64xf32, #tpu.memory_space<hbm>> -> memref<1x10000x64xf32, #tpu.memory_space<hbm>>
        %dma_start3A_269 = tpu.memref_squeeze %dma_start3A_268 : memref<1x10000x64xf32, #tpu.memory_space<hbm>> -> memref<10000x64xf32, #tpu.memory_space<hbm>>
        %dma_start3A_270 = arith.constant 0 : i32
        %dma_start3A_271 = tpu.memref_slice %dma_start3A_269[%mul3A_254, %dma_start3A_270] : memref<10000x64xf32, #tpu.memory_space<hbm>> -> memref<640x64xf32, #tpu.memory_space<hbm>>
        %dma_start3A_272 = arith.constant 0 : i32
        %dma_start3A_273 = tpu.memref_slice %arg6[%mul3A_254, %dma_start3A_272] : memref<10000x64xf32, #tpu.memory_space<vmem_shared>> -> memref<640x64xf32, #tpu.memory_space<vmem_shared>>
        tpu.enqueue_dma source(%dma_start3A_273 : memref<640x64xf32, #tpu.memory_space<vmem_shared>>) target(%dma_start3A_271 : memref<640x64xf32, #tpu.memory_space<hbm>>) target_semaphore(%run_scoped3A_265 : memref<!tpu.dma_semaphore, #tpu.memory_space<semaphore_mem>>)
        %dma_wait3A_274 = arith.constant 0 : i32
        %dma_wait3A_275 = arith.constant 0 : i32
        %dma_wait3A_276 = tpu.memref_slice %arg5[%arg0, %dma_wait3A_274, %dma_wait3A_275] : memref<2x10000x64xf32, #tpu.memory_space<hbm>> -> memref<1x10000x64xf32, #tpu.memory_space<hbm>>
        %dma_wait3A_277 = tpu.memref_squeeze %dma_wait3A_276 : memref<1x10000x64xf32, #tpu.memory_space<hbm>> -> memref<10000x64xf32, #tpu.memory_space<hbm>>
        %dma_wait3A_278 = arith.constant 0 : i32
        %dma_wait3A_279 = tpu.memref_slice %dma_wait3A_277[%mul3A_254, %dma_wait3A_278] : memref<10000x64xf32, #tpu.memory_space<hbm>> -> memref<640x64xf32, #tpu.memory_space<hbm>>
        %dma_wait3A_280 = arith.constant 0 : i32
        %dma_wait3A_281 = tpu.memref_slice %arg6[%mul3A_254, %dma_wait3A_280] : memref<10000x64xf32, #tpu.memory_space<vmem_shared>> -> memref<640x64xf32, #tpu.memory_space<vmem_shared>>
        tpu.wait_dma2 semaphore(%run_scoped3A_265 : memref<!tpu.dma_semaphore, #tpu.memory_space<semaphore_mem>>) src(%dma_wait3A_281 : memref<640x64xf32, #tpu.memory_space<vmem_shared>>) dst(%dma_wait3A_279 : memref<640x64xf32, #tpu.memory_space<hbm>>)
        tpu.yield
      }) : () -> ()
    } else {
    }
    %eq3A_260 = arith.constant 15 : i32
    %eq3A_261 = arith.cmpi eq, %arg1, %eq3A_260 : i32
    %convert_element_type3A_262 = arith.extui %eq3A_261 : i1 to i32
    %cond3A_263 = arith.constant 0 : i32
    %cond3A_264 = arith.cmpi ne, %convert_element_type3A_262, %cond3A_263 : i32
    scf.if %cond3A_264 {
      "tpu.region"() ({
        %run_scoped3A_265 = tpu.sem_alloc : memref<!tpu.dma_semaphore, #tpu.memory_space<semaphore_mem>>
        %dma_start3A_266 = arith.constant 0 : i32
        %dma_start3A_267 = arith.constant 0 : i32
        %dma_start3A_268 = tpu.memref_slice %arg5[%arg0, %dma_start3A_266, %dma_start3A_267] : memref<2x10000x64xf32, #tpu.memory_space<hbm>> -> memref<1x10000x64xf32, #tpu.memory_space<hbm>>
        %dma_start3A_269 = tpu.memref_squeeze %dma_start3A_268 : memref<1x10000x64xf32, #tpu.memory_space<hbm>> -> memref<10000x64xf32, #tpu.memory_space<hbm>>
        %dma_start3A_270 = arith.constant 0 : i32
        %dma_start3A_271 = tpu.memref_slice %dma_start3A_269[%mul3A_254, %dma_start3A_270] : memref<10000x64xf32, #tpu.memory_space<hbm>> -> memref<400x64xf32, #tpu.memory_space<hbm>>
        %dma_start3A_272 = arith.constant 0 : i32
        %dma_start3A_273 = tpu.memref_slice %arg6[%mul3A_254, %dma_start3A_272] : memref<10000x64xf32, #tpu.memory_space<vmem_shared>> -> memref<400x64xf32, #tpu.memory_space<vmem_shared>>
        tpu.enqueue_dma source(%dma_start3A_273 : memref<400x64xf32, #tpu.memory_space<vmem_shared>>) target(%dma_start3A_271 : memref<400x64xf32, #tpu.memory_space<hbm>>) target_semaphore(%run_scoped3A_265 : memref<!tpu.dma_semaphore, #tpu.memory_space<semaphore_mem>>)
        %dma_wait3A_274 = arith.constant 0 : i32
        %dma_wait3A_275 = arith.constant 0 : i32
        %dma_wait3A_276 = tpu.memref_slice %arg5[%arg0, %dma_wait3A_274, %dma_wait3A_275] : memref<2x10000x64xf32, #tpu.memory_space<hbm>> -> memref<1x10000x64xf32, #tpu.memory_space<hbm>>
        %dma_wait3A_277 = tpu.memref_squeeze %dma_wait3A_276 : memref<1x10000x64xf32, #tpu.memory_space<hbm>> -> memref<10000x64xf32, #tpu.memory_space<hbm>>
        %dma_wait3A_278 = arith.constant 0 : i32
        %dma_wait3A_279 = tpu.memref_slice %dma_wait3A_277[%mul3A_254, %dma_wait3A_278] : memref<10000x64xf32, #tpu.memory_space<hbm>> -> memref<400x64xf32, #tpu.memory_space<hbm>>
        %dma_wait3A_280 = arith.constant 0 : i32
        %dma_wait3A_281 = tpu.memref_slice %arg6[%mul3A_254, %dma_wait3A_280] : memref<10000x64xf32, #tpu.memory_space<vmem_shared>> -> memref<400x64xf32, #tpu.memory_space<vmem_shared>>
        tpu.wait_dma2 semaphore(%run_scoped3A_265 : memref<!tpu.dma_semaphore, #tpu.memory_space<semaphore_mem>>) src(%dma_wait3A_281 : memref<400x64xf32, #tpu.memory_space<vmem_shared>>) dst(%dma_wait3A_279 : memref<400x64xf32, #tpu.memory_space<hbm>>)
        tpu.yield
      }) : () -> ()
    } else {
    }
    return
  }
}

#map = affine_map<(d0, d1) -> (0, 0)>
#map1 = affine_map<(d0, d1) -> (0, 0, 0)>
module attributes {stable_mosaic.version = 14 : i64} {
  func.func @spmm_kernel(%arg0: i32, %arg1: i32, %arg2: memref<10000x128xf32, #tpu.memory_space<hbm>>, %arg3: memref<2x32x10000xi32, #tpu.memory_space<hbm>>, %arg4: memref<10000x128xf32, #tpu.memory_space<hbm>>, %arg5: memref<2x10000x128xf32, #tpu.memory_space<hbm>>, %arg6: memref<10000x128xf32, #tpu.memory_space<vmem_shared>>, %arg7: memref<128xi32, #tpu.memory_space<vmem>>, %arg8: memref<128xi32, #tpu.memory_space<vmem>>, %arg9: memref<128xi32, #tpu.memory_space<vmem>>, %arg10: memref<128xi32, #tpu.memory_space<vmem>>, %arg11: memref<128xi32, #tpu.memory_space<vmem>>, %arg12: memref<128xi32, #tpu.memory_space<vmem>>, %arg13: memref<128xi32, #tpu.memory_space<vmem>>, %arg14: memref<128xi32, #tpu.memory_space<vmem>>, %arg15: memref<128xi32, #tpu.memory_space<vmem>>, %arg16: memref<128xi32, #tpu.memory_space<vmem>>, %arg17: memref<128xi32, #tpu.memory_space<vmem>>, %arg18: memref<128xi32, #tpu.memory_space<vmem>>, %arg19: memref<128x128xf32, #tpu.memory_space<vmem>>, %arg20: memref<128x128xf32, #tpu.memory_space<vmem>>, %arg21: memref<128x128xf32, #tpu.memory_space<vmem>>, %arg22: memref<16xi32, #tpu.memory_space<vmem>>, %arg23: memref<16xi32, #tpu.memory_space<vmem>>, %arg24: memref<!tpu.dma_semaphore, #tpu.memory_space<semaphore_mem>>, %arg25: memref<!tpu.dma_semaphore, #tpu.memory_space<semaphore_mem>>, %arg26: memref<!tpu.dma_semaphore, #tpu.memory_space<semaphore_mem>>, %arg27: memref<!tpu.dma_semaphore, #tpu.memory_space<semaphore_mem>>, %arg28: memref<!tpu.dma_semaphore, #tpu.memory_space<semaphore_mem>>, %arg29: memref<!tpu.dma_semaphore, #tpu.memory_space<semaphore_mem>>, %arg30: memref<!tpu.dma_semaphore, #tpu.memory_space<semaphore_mem>>, %arg31: memref<!tpu.dma_semaphore, #tpu.memory_space<semaphore_mem>>, %arg32: memref<!tpu.dma_semaphore, #tpu.memory_space<semaphore_mem>>, %arg33: memref<!tpu.dma_semaphore, #tpu.memory_space<semaphore_mem>>, %arg34: memref<!tpu.dma_semaphore, #tpu.memory_space<semaphore_mem>>, %arg35: memref<!tpu.dma_semaphore, #tpu.memory_space<semaphore_mem>>, %arg36: memref<!tpu.dma_semaphore, #tpu.memory_space<semaphore_mem>>, %arg37: memref<!tpu.dma_semaphore, #tpu.memory_space<semaphore_mem>>, %arg38: memref<!tpu.dma_semaphore, #tpu.memory_space<semaphore_mem>>, %arg39: memref<!tpu.dma_semaphore, #tpu.memory_space<semaphore_mem>>, %arg40: memref<!tpu.dma_semaphore, #tpu.memory_space<semaphore_mem>>, %arg41: memref<!tpu.dma_semaphore, #tpu.memory_space<semaphore_mem>>) attributes {dimension_semantics = [#tpu.dimension_semantics<core_parallel>, #tpu.dimension_semantics<subcore_parallel>], iteration_bounds = array<i64: 2, 16>, scalar_prefetch = 0 : i64, scratch_operands = 36 : i64, tpu.core_type = #tpu.core_type<sc_vector_subcore>, window_params = [{transform_indices = #map}, {transform_indices = #map1}, {transform_indices = #map}, {transform_indices = #map1}]} {
    %mul3A = arith.constant 16 : i32
    %mul3A_0 = arith.muli %arg0, %mul3A : i32
    %add3A = arith.addi %mul3A_0, %arg1 : i32
    %mul3A_1 = arith.constant 640 : i32
    %mul3A_2 = arith.muli %arg1, %mul3A_1 : i32
    %lt3A = arith.constant 15 : i32
    %lt3A_3 = arith.cmpi slt, %arg1, %lt3A : i32
    %convert_element_type3A = arith.extui %lt3A_3 : i1 to i32
    %cond3A = arith.constant 0 : i32
    %cond3A_4 = arith.cmpi ne, %convert_element_type3A, %cond3A : i32
    scf.if %cond3A_4 {
      "tpu.region"() ({
        %run_scoped3A_265 = tpu.sem_alloc : memref<!tpu.dma_semaphore, #tpu.memory_space<semaphore_mem>>
        %dma_start3A_266 = arith.constant 0 : i32
        %dma_start3A_267 = tpu.memref_slice %arg6[%mul3A_2, %dma_start3A_266] : memref<10000x128xf32, #tpu.memory_space<vmem_shared>> -> memref<640x128xf32, #tpu.memory_space<vmem_shared>>
        %dma_start3A_268 = arith.constant 0 : i32
        %dma_start3A_269 = tpu.memref_slice %arg4[%mul3A_2, %dma_start3A_268] : memref<10000x128xf32, #tpu.memory_space<hbm>> -> memref<640x128xf32, #tpu.memory_space<hbm>>
        tpu.enqueue_dma source(%dma_start3A_269 : memref<640x128xf32, #tpu.memory_space<hbm>>) target(%dma_start3A_267 : memref<640x128xf32, #tpu.memory_space<vmem_shared>>) target_semaphore(%run_scoped3A_265 : memref<!tpu.dma_semaphore, #tpu.memory_space<semaphore_mem>>)
        %dma_wait3A_270 = arith.constant 0 : i32
        %dma_wait3A_271 = tpu.memref_slice %arg6[%mul3A_2, %dma_wait3A_270] : memref<10000x128xf32, #tpu.memory_space<vmem_shared>> -> memref<640x128xf32, #tpu.memory_space<vmem_shared>>
        %dma_wait3A_272 = arith.constant 0 : i32
        %dma_wait3A_273 = tpu.memref_slice %arg4[%mul3A_2, %dma_wait3A_272] : memref<10000x128xf32, #tpu.memory_space<hbm>> -> memref<640x128xf32, #tpu.memory_space<hbm>>
        tpu.wait_dma2 semaphore(%run_scoped3A_265 : memref<!tpu.dma_semaphore, #tpu.memory_space<semaphore_mem>>) src(%dma_wait3A_273 : memref<640x128xf32, #tpu.memory_space<hbm>>) dst(%dma_wait3A_271 : memref<640x128xf32, #tpu.memory_space<vmem_shared>>)
        tpu.yield
      }) : () -> ()
    } else {
    }
    %eq3A = arith.constant 15 : i32
    %eq3A_5 = arith.cmpi eq, %arg1, %eq3A : i32
    %convert_element_type3A_6 = arith.extui %eq3A_5 : i1 to i32
    %cond3A_7 = arith.constant 0 : i32
    %cond3A_8 = arith.cmpi ne, %convert_element_type3A_6, %cond3A_7 : i32
    scf.if %cond3A_8 {
      "tpu.region"() ({
        %run_scoped3A_265 = tpu.sem_alloc : memref<!tpu.dma_semaphore, #tpu.memory_space<semaphore_mem>>
        %dma_start3A_266 = arith.constant 0 : i32
        %dma_start3A_267 = tpu.memref_slice %arg6[%mul3A_2, %dma_start3A_266] : memref<10000x128xf32, #tpu.memory_space<vmem_shared>> -> memref<400x128xf32, #tpu.memory_space<vmem_shared>>
        %dma_start3A_268 = arith.constant 0 : i32
        %dma_start3A_269 = tpu.memref_slice %arg4[%mul3A_2, %dma_start3A_268] : memref<10000x128xf32, #tpu.memory_space<hbm>> -> memref<400x128xf32, #tpu.memory_space<hbm>>
        tpu.enqueue_dma source(%dma_start3A_269 : memref<400x128xf32, #tpu.memory_space<hbm>>) target(%dma_start3A_267 : memref<400x128xf32, #tpu.memory_space<vmem_shared>>) target_semaphore(%run_scoped3A_265 : memref<!tpu.dma_semaphore, #tpu.memory_space<semaphore_mem>>)
        %dma_wait3A_270 = arith.constant 0 : i32
        %dma_wait3A_271 = tpu.memref_slice %arg6[%mul3A_2, %dma_wait3A_270] : memref<10000x128xf32, #tpu.memory_space<vmem_shared>> -> memref<400x128xf32, #tpu.memory_space<vmem_shared>>
        %dma_wait3A_272 = arith.constant 0 : i32
        %dma_wait3A_273 = tpu.memref_slice %arg4[%mul3A_2, %dma_wait3A_272] : memref<10000x128xf32, #tpu.memory_space<hbm>> -> memref<400x128xf32, #tpu.memory_space<hbm>>
        tpu.wait_dma2 semaphore(%run_scoped3A_265 : memref<!tpu.dma_semaphore, #tpu.memory_space<semaphore_mem>>) src(%dma_wait3A_273 : memref<400x128xf32, #tpu.memory_space<hbm>>) dst(%dma_wait3A_271 : memref<400x128xf32, #tpu.memory_space<vmem_shared>>)
        tpu.yield
      }) : () -> ()
    } else {
    }
    %barrier3A = arith.constant 0 : index
    tpu.barrier barrier_id(%barrier3A)
    %dma_start3A = arith.constant 0 : i32
    %dma_start3A_9 = arith.constant 0 : i32
    %dma_start3A_10 = tpu.memref_slice %arg3[%dma_start3A, %add3A, %dma_start3A_9] : memref<2x32x10000xi32, #tpu.memory_space<hbm>> -> memref<1x1x128xi32, #tpu.memory_space<hbm>>
    %dma_start3A_11 = tpu.memref_squeeze %dma_start3A_10 : memref<1x1x128xi32, #tpu.memory_space<hbm>> -> memref<128xi32, #tpu.memory_space<hbm>>
    %dma_start3A_12 = arith.constant 0 : i32
    %dma_start3A_13 = tpu.memref_slice %arg3[%dma_start3A, %add3A, %dma_start3A_12] : memref<2x32x10000xi32, #tpu.memory_space<hbm>> -> memref<1x1x128xi32, #tpu.memory_space<hbm>>
    %dma_start3A_14 = tpu.memref_squeeze %dma_start3A_13 : memref<1x1x128xi32, #tpu.memory_space<hbm>> -> memref<128xi32, #tpu.memory_space<hbm>>
    tpu.enqueue_dma source(%dma_start3A_14 : memref<128xi32, #tpu.memory_space<hbm>>) target(%arg7 : memref<128xi32, #tpu.memory_space<vmem>>) target_semaphore(%arg24 : memref<!tpu.dma_semaphore, #tpu.memory_space<semaphore_mem>>)
    %dma_start3A_15 = arith.constant 1 : i32
    %dma_start3A_16 = arith.constant 0 : i32
    %dma_start3A_17 = tpu.memref_slice %arg3[%dma_start3A_15, %add3A, %dma_start3A_16] : memref<2x32x10000xi32, #tpu.memory_space<hbm>> -> memref<1x1x128xi32, #tpu.memory_space<hbm>>
    %dma_start3A_18 = tpu.memref_squeeze %dma_start3A_17 : memref<1x1x128xi32, #tpu.memory_space<hbm>> -> memref<128xi32, #tpu.memory_space<hbm>>
    %dma_start3A_19 = arith.constant 0 : i32
    %dma_start3A_20 = tpu.memref_slice %arg3[%dma_start3A_15, %add3A, %dma_start3A_19] : memref<2x32x10000xi32, #tpu.memory_space<hbm>> -> memref<1x1x128xi32, #tpu.memory_space<hbm>>
    %dma_start3A_21 = tpu.memref_squeeze %dma_start3A_20 : memref<1x1x128xi32, #tpu.memory_space<hbm>> -> memref<128xi32, #tpu.memory_space<hbm>>
    tpu.enqueue_dma source(%dma_start3A_21 : memref<128xi32, #tpu.memory_space<hbm>>) target(%arg13 : memref<128xi32, #tpu.memory_space<vmem>>) target_semaphore(%arg30 : memref<!tpu.dma_semaphore, #tpu.memory_space<semaphore_mem>>)
    %dma_start3A_22 = arith.constant 0 : i32
    %dma_start3A_23 = arith.constant 128 : i32
    %dma_start3A_24 = tpu.memref_slice %arg3[%dma_start3A_22, %add3A, %dma_start3A_23] : memref<2x32x10000xi32, #tpu.memory_space<hbm>> -> memref<1x1x128xi32, #tpu.memory_space<hbm>>
    %dma_start3A_25 = tpu.memref_squeeze %dma_start3A_24 : memref<1x1x128xi32, #tpu.memory_space<hbm>> -> memref<128xi32, #tpu.memory_space<hbm>>
    %dma_start3A_26 = arith.constant 128 : i32
    %dma_start3A_27 = tpu.memref_slice %arg3[%dma_start3A_22, %add3A, %dma_start3A_26] : memref<2x32x10000xi32, #tpu.memory_space<hbm>> -> memref<1x1x128xi32, #tpu.memory_space<hbm>>
    %dma_start3A_28 = tpu.memref_squeeze %dma_start3A_27 : memref<1x1x128xi32, #tpu.memory_space<hbm>> -> memref<128xi32, #tpu.memory_space<hbm>>
    tpu.enqueue_dma source(%dma_start3A_28 : memref<128xi32, #tpu.memory_space<hbm>>) target(%arg8 : memref<128xi32, #tpu.memory_space<vmem>>) target_semaphore(%arg25 : memref<!tpu.dma_semaphore, #tpu.memory_space<semaphore_mem>>)
    %dma_start3A_29 = arith.constant 1 : i32
    %dma_start3A_30 = arith.constant 128 : i32
    %dma_start3A_31 = tpu.memref_slice %arg3[%dma_start3A_29, %add3A, %dma_start3A_30] : memref<2x32x10000xi32, #tpu.memory_space<hbm>> -> memref<1x1x128xi32, #tpu.memory_space<hbm>>
    %dma_start3A_32 = tpu.memref_squeeze %dma_start3A_31 : memref<1x1x128xi32, #tpu.memory_space<hbm>> -> memref<128xi32, #tpu.memory_space<hbm>>
    %dma_start3A_33 = arith.constant 128 : i32
    %dma_start3A_34 = tpu.memref_slice %arg3[%dma_start3A_29, %add3A, %dma_start3A_33] : memref<2x32x10000xi32, #tpu.memory_space<hbm>> -> memref<1x1x128xi32, #tpu.memory_space<hbm>>
    %dma_start3A_35 = tpu.memref_squeeze %dma_start3A_34 : memref<1x1x128xi32, #tpu.memory_space<hbm>> -> memref<128xi32, #tpu.memory_space<hbm>>
    tpu.enqueue_dma source(%dma_start3A_35 : memref<128xi32, #tpu.memory_space<hbm>>) target(%arg14 : memref<128xi32, #tpu.memory_space<vmem>>) target_semaphore(%arg31 : memref<!tpu.dma_semaphore, #tpu.memory_space<semaphore_mem>>)
    %dma_start3A_36 = arith.constant 0 : i32
    %dma_start3A_37 = arith.constant 256 : i32
    %dma_start3A_38 = tpu.memref_slice %arg3[%dma_start3A_36, %add3A, %dma_start3A_37] : memref<2x32x10000xi32, #tpu.memory_space<hbm>> -> memref<1x1x128xi32, #tpu.memory_space<hbm>>
    %dma_start3A_39 = tpu.memref_squeeze %dma_start3A_38 : memref<1x1x128xi32, #tpu.memory_space<hbm>> -> memref<128xi32, #tpu.memory_space<hbm>>
    %dma_start3A_40 = arith.constant 256 : i32
    %dma_start3A_41 = tpu.memref_slice %arg3[%dma_start3A_36, %add3A, %dma_start3A_40] : memref<2x32x10000xi32, #tpu.memory_space<hbm>> -> memref<1x1x128xi32, #tpu.memory_space<hbm>>
    %dma_start3A_42 = tpu.memref_squeeze %dma_start3A_41 : memref<1x1x128xi32, #tpu.memory_space<hbm>> -> memref<128xi32, #tpu.memory_space<hbm>>
    tpu.enqueue_dma source(%dma_start3A_42 : memref<128xi32, #tpu.memory_space<hbm>>) target(%arg9 : memref<128xi32, #tpu.memory_space<vmem>>) target_semaphore(%arg26 : memref<!tpu.dma_semaphore, #tpu.memory_space<semaphore_mem>>)
    %dma_start3A_43 = arith.constant 1 : i32
    %dma_start3A_44 = arith.constant 256 : i32
    %dma_start3A_45 = tpu.memref_slice %arg3[%dma_start3A_43, %add3A, %dma_start3A_44] : memref<2x32x10000xi32, #tpu.memory_space<hbm>> -> memref<1x1x128xi32, #tpu.memory_space<hbm>>
    %dma_start3A_46 = tpu.memref_squeeze %dma_start3A_45 : memref<1x1x128xi32, #tpu.memory_space<hbm>> -> memref<128xi32, #tpu.memory_space<hbm>>
    %dma_start3A_47 = arith.constant 256 : i32
    %dma_start3A_48 = tpu.memref_slice %arg3[%dma_start3A_43, %add3A, %dma_start3A_47] : memref<2x32x10000xi32, #tpu.memory_space<hbm>> -> memref<1x1x128xi32, #tpu.memory_space<hbm>>
    %dma_start3A_49 = tpu.memref_squeeze %dma_start3A_48 : memref<1x1x128xi32, #tpu.memory_space<hbm>> -> memref<128xi32, #tpu.memory_space<hbm>>
    tpu.enqueue_dma source(%dma_start3A_49 : memref<128xi32, #tpu.memory_space<hbm>>) target(%arg15 : memref<128xi32, #tpu.memory_space<vmem>>) target_semaphore(%arg32 : memref<!tpu.dma_semaphore, #tpu.memory_space<semaphore_mem>>)
    %dma_start3A_50 = arith.constant 0 : i32
    %dma_start3A_51 = arith.constant 384 : i32
    %dma_start3A_52 = tpu.memref_slice %arg3[%dma_start3A_50, %add3A, %dma_start3A_51] : memref<2x32x10000xi32, #tpu.memory_space<hbm>> -> memref<1x1x128xi32, #tpu.memory_space<hbm>>
    %dma_start3A_53 = tpu.memref_squeeze %dma_start3A_52 : memref<1x1x128xi32, #tpu.memory_space<hbm>> -> memref<128xi32, #tpu.memory_space<hbm>>
    %dma_start3A_54 = arith.constant 384 : i32
    %dma_start3A_55 = tpu.memref_slice %arg3[%dma_start3A_50, %add3A, %dma_start3A_54] : memref<2x32x10000xi32, #tpu.memory_space<hbm>> -> memref<1x1x128xi32, #tpu.memory_space<hbm>>
    %dma_start3A_56 = tpu.memref_squeeze %dma_start3A_55 : memref<1x1x128xi32, #tpu.memory_space<hbm>> -> memref<128xi32, #tpu.memory_space<hbm>>
    tpu.enqueue_dma source(%dma_start3A_56 : memref<128xi32, #tpu.memory_space<hbm>>) target(%arg10 : memref<128xi32, #tpu.memory_space<vmem>>) target_semaphore(%arg27 : memref<!tpu.dma_semaphore, #tpu.memory_space<semaphore_mem>>)
    %dma_start3A_57 = arith.constant 1 : i32
    %dma_start3A_58 = arith.constant 384 : i32
    %dma_start3A_59 = tpu.memref_slice %arg3[%dma_start3A_57, %add3A, %dma_start3A_58] : memref<2x32x10000xi32, #tpu.memory_space<hbm>> -> memref<1x1x128xi32, #tpu.memory_space<hbm>>
    %dma_start3A_60 = tpu.memref_squeeze %dma_start3A_59 : memref<1x1x128xi32, #tpu.memory_space<hbm>> -> memref<128xi32, #tpu.memory_space<hbm>>
    %dma_start3A_61 = arith.constant 384 : i32
    %dma_start3A_62 = tpu.memref_slice %arg3[%dma_start3A_57, %add3A, %dma_start3A_61] : memref<2x32x10000xi32, #tpu.memory_space<hbm>> -> memref<1x1x128xi32, #tpu.memory_space<hbm>>
    %dma_start3A_63 = tpu.memref_squeeze %dma_start3A_62 : memref<1x1x128xi32, #tpu.memory_space<hbm>> -> memref<128xi32, #tpu.memory_space<hbm>>
    tpu.enqueue_dma source(%dma_start3A_63 : memref<128xi32, #tpu.memory_space<hbm>>) target(%arg16 : memref<128xi32, #tpu.memory_space<vmem>>) target_semaphore(%arg33 : memref<!tpu.dma_semaphore, #tpu.memory_space<semaphore_mem>>)
    %dma_wait3A = arith.constant 0 : i32
    %dma_wait3A_64 = arith.constant 0 : i32
    %dma_wait3A_65 = tpu.memref_slice %arg3[%dma_wait3A, %add3A, %dma_wait3A_64] : memref<2x32x10000xi32, #tpu.memory_space<hbm>> -> memref<1x1x128xi32, #tpu.memory_space<hbm>>
    %dma_wait3A_66 = tpu.memref_squeeze %dma_wait3A_65 : memref<1x1x128xi32, #tpu.memory_space<hbm>> -> memref<128xi32, #tpu.memory_space<hbm>>
    %dma_wait3A_67 = arith.constant 0 : i32
    %dma_wait3A_68 = tpu.memref_slice %arg3[%dma_wait3A, %add3A, %dma_wait3A_67] : memref<2x32x10000xi32, #tpu.memory_space<hbm>> -> memref<1x1x128xi32, #tpu.memory_space<hbm>>
    %dma_wait3A_69 = tpu.memref_squeeze %dma_wait3A_68 : memref<1x1x128xi32, #tpu.memory_space<hbm>> -> memref<128xi32, #tpu.memory_space<hbm>>
    tpu.wait_dma2 semaphore(%arg24 : memref<!tpu.dma_semaphore, #tpu.memory_space<semaphore_mem>>) src(%dma_wait3A_69 : memref<128xi32, #tpu.memory_space<hbm>>) dst(%arg7 : memref<128xi32, #tpu.memory_space<vmem>>)
    %dma_wait3A_70 = arith.constant 1 : i32
    %dma_wait3A_71 = arith.constant 0 : i32
    %dma_wait3A_72 = tpu.memref_slice %arg3[%dma_wait3A_70, %add3A, %dma_wait3A_71] : memref<2x32x10000xi32, #tpu.memory_space<hbm>> -> memref<1x1x128xi32, #tpu.memory_space<hbm>>
    %dma_wait3A_73 = tpu.memref_squeeze %dma_wait3A_72 : memref<1x1x128xi32, #tpu.memory_space<hbm>> -> memref<128xi32, #tpu.memory_space<hbm>>
    %dma_wait3A_74 = arith.constant 0 : i32
    %dma_wait3A_75 = tpu.memref_slice %arg3[%dma_wait3A_70, %add3A, %dma_wait3A_74] : memref<2x32x10000xi32, #tpu.memory_space<hbm>> -> memref<1x1x128xi32, #tpu.memory_space<hbm>>
    %dma_wait3A_76 = tpu.memref_squeeze %dma_wait3A_75 : memref<1x1x128xi32, #tpu.memory_space<hbm>> -> memref<128xi32, #tpu.memory_space<hbm>>
    tpu.wait_dma2 semaphore(%arg30 : memref<!tpu.dma_semaphore, #tpu.memory_space<semaphore_mem>>) src(%dma_wait3A_76 : memref<128xi32, #tpu.memory_space<hbm>>) dst(%arg13 : memref<128xi32, #tpu.memory_space<vmem>>)
    %dma_start3A_77 = arith.constant 0 : i32
    %dma_start3A_78 = arith.constant 0 : i32
    %dma_start3A_79 = tpu.memref_slice %arg2[%dma_start3A_77, %dma_start3A_78] : memref<10000x128xf32, #tpu.memory_space<hbm>> -> memref<10000x128xf32, #tpu.memory_space<hbm>>
    tpu.enqueue_indirect_dma source(%dma_start3A_79 : memref<10000x128xf32, #tpu.memory_space<hbm>>) target(%arg19 : memref<128x128xf32, #tpu.memory_space<vmem>>) offsets(%arg7 : memref<128xi32, #tpu.memory_space<vmem>>) semaphore(%arg36 : memref<!tpu.dma_semaphore, #tpu.memory_space<semaphore_mem>>)
    %dma_wait3A_80 = arith.constant 0 : i32
    %dma_wait3A_81 = arith.constant 128 : i32
    %dma_wait3A_82 = tpu.memref_slice %arg3[%dma_wait3A_80, %add3A, %dma_wait3A_81] : memref<2x32x10000xi32, #tpu.memory_space<hbm>> -> memref<1x1x128xi32, #tpu.memory_space<hbm>>
    %dma_wait3A_83 = tpu.memref_squeeze %dma_wait3A_82 : memref<1x1x128xi32, #tpu.memory_space<hbm>> -> memref<128xi32, #tpu.memory_space<hbm>>
    %dma_wait3A_84 = arith.constant 128 : i32
    %dma_wait3A_85 = tpu.memref_slice %arg3[%dma_wait3A_80, %add3A, %dma_wait3A_84] : memref<2x32x10000xi32, #tpu.memory_space<hbm>> -> memref<1x1x128xi32, #tpu.memory_space<hbm>>
    %dma_wait3A_86 = tpu.memref_squeeze %dma_wait3A_85 : memref<1x1x128xi32, #tpu.memory_space<hbm>> -> memref<128xi32, #tpu.memory_space<hbm>>
    tpu.wait_dma2 semaphore(%arg25 : memref<!tpu.dma_semaphore, #tpu.memory_space<semaphore_mem>>) src(%dma_wait3A_86 : memref<128xi32, #tpu.memory_space<hbm>>) dst(%arg8 : memref<128xi32, #tpu.memory_space<vmem>>)
    %dma_wait3A_87 = arith.constant 1 : i32
    %dma_wait3A_88 = arith.constant 128 : i32
    %dma_wait3A_89 = tpu.memref_slice %arg3[%dma_wait3A_87, %add3A, %dma_wait3A_88] : memref<2x32x10000xi32, #tpu.memory_space<hbm>> -> memref<1x1x128xi32, #tpu.memory_space<hbm>>
    %dma_wait3A_90 = tpu.memref_squeeze %dma_wait3A_89 : memref<1x1x128xi32, #tpu.memory_space<hbm>> -> memref<128xi32, #tpu.memory_space<hbm>>
    %dma_wait3A_91 = arith.constant 128 : i32
    %dma_wait3A_92 = tpu.memref_slice %arg3[%dma_wait3A_87, %add3A, %dma_wait3A_91] : memref<2x32x10000xi32, #tpu.memory_space<hbm>> -> memref<1x1x128xi32, #tpu.memory_space<hbm>>
    %dma_wait3A_93 = tpu.memref_squeeze %dma_wait3A_92 : memref<1x1x128xi32, #tpu.memory_space<hbm>> -> memref<128xi32, #tpu.memory_space<hbm>>
    tpu.wait_dma2 semaphore(%arg31 : memref<!tpu.dma_semaphore, #tpu.memory_space<semaphore_mem>>) src(%dma_wait3A_93 : memref<128xi32, #tpu.memory_space<hbm>>) dst(%arg14 : memref<128xi32, #tpu.memory_space<vmem>>)
    %dma_start3A_94 = arith.constant 0 : i32
    %dma_start3A_95 = arith.constant 0 : i32
    %dma_start3A_96 = tpu.memref_slice %arg2[%dma_start3A_94, %dma_start3A_95] : memref<10000x128xf32, #tpu.memory_space<hbm>> -> memref<10000x128xf32, #tpu.memory_space<hbm>>
    tpu.enqueue_indirect_dma source(%dma_start3A_96 : memref<10000x128xf32, #tpu.memory_space<hbm>>) target(%arg20 : memref<128x128xf32, #tpu.memory_space<vmem>>) offsets(%arg8 : memref<128xi32, #tpu.memory_space<vmem>>) semaphore(%arg37 : memref<!tpu.dma_semaphore, #tpu.memory_space<semaphore_mem>>)
    %dma_wait3A_97 = arith.constant 0 : i32
    %dma_wait3A_98 = arith.constant 0 : i32
    %dma_wait3A_99 = tpu.memref_slice %arg2[%dma_wait3A_97, %dma_wait3A_98] : memref<10000x128xf32, #tpu.memory_space<hbm>> -> memref<10000x128xf32, #tpu.memory_space<hbm>>
    tpu.wait_indirect_dma semaphore(%arg36 : memref<!tpu.dma_semaphore, #tpu.memory_space<semaphore_mem>>) src(%dma_wait3A_99 : memref<10000x128xf32, #tpu.memory_space<hbm>>) dst(%arg19 : memref<128x128xf32, #tpu.memory_space<vmem>>)
    %dma_start3A_100 = arith.constant 0 : i32
    %dma_start3A_101 = arith.constant 0 : i32
    %dma_start3A_102 = tpu.memref_slice %arg6[%dma_start3A_100, %dma_start3A_101] : memref<10000x128xf32, #tpu.memory_space<vmem_shared>> -> memref<10000x128xf32, #tpu.memory_space<vmem_shared>>
    tpu.enqueue_indirect_dma source(%arg19 : memref<128x128xf32, #tpu.memory_space<vmem>>) target(%dma_start3A_102 : memref<10000x128xf32, #tpu.memory_space<vmem_shared>>) offsets(%arg13 : memref<128xi32, #tpu.memory_space<vmem>>) semaphore(%arg39 : memref<!tpu.dma_semaphore, #tpu.memory_space<semaphore_mem>>) {add = true}
    %dma_wait3A_103 = arith.constant 0 : i32
    %dma_wait3A_104 = arith.constant 256 : i32
    %dma_wait3A_105 = tpu.memref_slice %arg3[%dma_wait3A_103, %add3A, %dma_wait3A_104] : memref<2x32x10000xi32, #tpu.memory_space<hbm>> -> memref<1x1x128xi32, #tpu.memory_space<hbm>>
    %dma_wait3A_106 = tpu.memref_squeeze %dma_wait3A_105 : memref<1x1x128xi32, #tpu.memory_space<hbm>> -> memref<128xi32, #tpu.memory_space<hbm>>
    %dma_wait3A_107 = arith.constant 256 : i32
    %dma_wait3A_108 = tpu.memref_slice %arg3[%dma_wait3A_103, %add3A, %dma_wait3A_107] : memref<2x32x10000xi32, #tpu.memory_space<hbm>> -> memref<1x1x128xi32, #tpu.memory_space<hbm>>
    %dma_wait3A_109 = tpu.memref_squeeze %dma_wait3A_108 : memref<1x1x128xi32, #tpu.memory_space<hbm>> -> memref<128xi32, #tpu.memory_space<hbm>>
    tpu.wait_dma2 semaphore(%arg26 : memref<!tpu.dma_semaphore, #tpu.memory_space<semaphore_mem>>) src(%dma_wait3A_109 : memref<128xi32, #tpu.memory_space<hbm>>) dst(%arg9 : memref<128xi32, #tpu.memory_space<vmem>>)
    %dma_wait3A_110 = arith.constant 1 : i32
    %dma_wait3A_111 = arith.constant 256 : i32
    %dma_wait3A_112 = tpu.memref_slice %arg3[%dma_wait3A_110, %add3A, %dma_wait3A_111] : memref<2x32x10000xi32, #tpu.memory_space<hbm>> -> memref<1x1x128xi32, #tpu.memory_space<hbm>>
    %dma_wait3A_113 = tpu.memref_squeeze %dma_wait3A_112 : memref<1x1x128xi32, #tpu.memory_space<hbm>> -> memref<128xi32, #tpu.memory_space<hbm>>
    %dma_wait3A_114 = arith.constant 256 : i32
    %dma_wait3A_115 = tpu.memref_slice %arg3[%dma_wait3A_110, %add3A, %dma_wait3A_114] : memref<2x32x10000xi32, #tpu.memory_space<hbm>> -> memref<1x1x128xi32, #tpu.memory_space<hbm>>
    %dma_wait3A_116 = tpu.memref_squeeze %dma_wait3A_115 : memref<1x1x128xi32, #tpu.memory_space<hbm>> -> memref<128xi32, #tpu.memory_space<hbm>>
    tpu.wait_dma2 semaphore(%arg32 : memref<!tpu.dma_semaphore, #tpu.memory_space<semaphore_mem>>) src(%dma_wait3A_116 : memref<128xi32, #tpu.memory_space<hbm>>) dst(%arg15 : memref<128xi32, #tpu.memory_space<vmem>>)
    %dma_start3A_117 = arith.constant 0 : i32
    %dma_start3A_118 = arith.constant 0 : i32
    %dma_start3A_119 = tpu.memref_slice %arg2[%dma_start3A_117, %dma_start3A_118] : memref<10000x128xf32, #tpu.memory_space<hbm>> -> memref<10000x128xf32, #tpu.memory_space<hbm>>
    tpu.enqueue_indirect_dma source(%dma_start3A_119 : memref<10000x128xf32, #tpu.memory_space<hbm>>) target(%arg21 : memref<128x128xf32, #tpu.memory_space<vmem>>) offsets(%arg9 : memref<128xi32, #tpu.memory_space<vmem>>) semaphore(%arg38 : memref<!tpu.dma_semaphore, #tpu.memory_space<semaphore_mem>>)
    %dma_start3A_120 = arith.constant 0 : i32
    %dma_start3A_121 = arith.constant 512 : i32
    %dma_start3A_122 = tpu.memref_slice %arg3[%dma_start3A_120, %add3A, %dma_start3A_121] : memref<2x32x10000xi32, #tpu.memory_space<hbm>> -> memref<1x1x128xi32, #tpu.memory_space<hbm>>
    %dma_start3A_123 = tpu.memref_squeeze %dma_start3A_122 : memref<1x1x128xi32, #tpu.memory_space<hbm>> -> memref<128xi32, #tpu.memory_space<hbm>>
    %dma_start3A_124 = arith.constant 512 : i32
    %dma_start3A_125 = tpu.memref_slice %arg3[%dma_start3A_120, %add3A, %dma_start3A_124] : memref<2x32x10000xi32, #tpu.memory_space<hbm>> -> memref<1x1x128xi32, #tpu.memory_space<hbm>>
    %dma_start3A_126 = tpu.memref_squeeze %dma_start3A_125 : memref<1x1x128xi32, #tpu.memory_space<hbm>> -> memref<128xi32, #tpu.memory_space<hbm>>
    tpu.enqueue_dma source(%dma_start3A_126 : memref<128xi32, #tpu.memory_space<hbm>>) target(%arg11 : memref<128xi32, #tpu.memory_space<vmem>>) target_semaphore(%arg28 : memref<!tpu.dma_semaphore, #tpu.memory_space<semaphore_mem>>)
    %dma_start3A_127 = arith.constant 1 : i32
    %dma_start3A_128 = arith.constant 512 : i32
    %dma_start3A_129 = tpu.memref_slice %arg3[%dma_start3A_127, %add3A, %dma_start3A_128] : memref<2x32x10000xi32, #tpu.memory_space<hbm>> -> memref<1x1x128xi32, #tpu.memory_space<hbm>>
    %dma_start3A_130 = tpu.memref_squeeze %dma_start3A_129 : memref<1x1x128xi32, #tpu.memory_space<hbm>> -> memref<128xi32, #tpu.memory_space<hbm>>
    %dma_start3A_131 = arith.constant 512 : i32
    %dma_start3A_132 = tpu.memref_slice %arg3[%dma_start3A_127, %add3A, %dma_start3A_131] : memref<2x32x10000xi32, #tpu.memory_space<hbm>> -> memref<1x1x128xi32, #tpu.memory_space<hbm>>
    %dma_start3A_133 = tpu.memref_squeeze %dma_start3A_132 : memref<1x1x128xi32, #tpu.memory_space<hbm>> -> memref<128xi32, #tpu.memory_space<hbm>>
    tpu.enqueue_dma source(%dma_start3A_133 : memref<128xi32, #tpu.memory_space<hbm>>) target(%arg17 : memref<128xi32, #tpu.memory_space<vmem>>) target_semaphore(%arg34 : memref<!tpu.dma_semaphore, #tpu.memory_space<semaphore_mem>>)
    %scan3A = arith.constant 0 : i32
    %scan3A_134 = arith.constant 12 : i32
    %scan3A_135 = arith.addi %scan3A, %scan3A_134 : i32
    %scan3A_136 = arith.constant 1 : i32
    scf.for %scan3A_265 = %scan3A to %scan3A_135 step %scan3A_136  : i32 {
      %mul3A_266 = arith.constant 1 : i32
      %mul3A_267 = arith.muli %scan3A_265, %mul3A_266 : i32
      %add3A_268 = arith.constant 0 : i32
      %add3A_269 = arith.addi %add3A_268, %mul3A_267 : i32
      %mul3A_270 = arith.constant 6 : i32
      %mul3A_271 = arith.muli %mul3A_270, %add3A_269 : i32
      %add3A_272 = arith.constant 1 : i32
      %add3A_273 = arith.addi %mul3A_271, %add3A_272 : i32
      %add3A_274 = arith.constant 0 : i32
      %add3A_275 = arith.addi %add3A_273, %add3A_274 : i32
      %dma_wait3A_276 = arith.constant 0 : i32
      %dma_wait3A_277 = arith.constant 0 : i32
      %dma_wait3A_278 = tpu.memref_slice %arg2[%dma_wait3A_276, %dma_wait3A_277] : memref<10000x128xf32, #tpu.memory_space<hbm>> -> memref<10000x128xf32, #tpu.memory_space<hbm>>
      tpu.wait_indirect_dma semaphore(%arg37 : memref<!tpu.dma_semaphore, #tpu.memory_space<semaphore_mem>>) src(%dma_wait3A_278 : memref<10000x128xf32, #tpu.memory_space<hbm>>) dst(%arg20 : memref<128x128xf32, #tpu.memory_space<vmem>>)
      %dma_start3A_279 = arith.constant 0 : i32
      %dma_start3A_280 = arith.constant 0 : i32
      %dma_start3A_281 = tpu.memref_slice %arg6[%dma_start3A_279, %dma_start3A_280] : memref<10000x128xf32, #tpu.memory_space<vmem_shared>> -> memref<10000x128xf32, #tpu.memory_space<vmem_shared>>
      tpu.enqueue_indirect_dma source(%arg20 : memref<128x128xf32, #tpu.memory_space<vmem>>) target(%dma_start3A_281 : memref<10000x128xf32, #tpu.memory_space<vmem_shared>>) offsets(%arg14 : memref<128xi32, #tpu.memory_space<vmem>>) semaphore(%arg40 : memref<!tpu.dma_semaphore, #tpu.memory_space<semaphore_mem>>) {add = true}
      %dma_wait3A_282 = arith.constant 0 : i32
      %dma_wait3A_283 = arith.constant 0 : i32
      %dma_wait3A_284 = tpu.memref_slice %arg6[%dma_wait3A_282, %dma_wait3A_283] : memref<10000x128xf32, #tpu.memory_space<vmem_shared>> -> memref<10000x128xf32, #tpu.memory_space<vmem_shared>>
      tpu.wait_indirect_dma semaphore(%arg39 : memref<!tpu.dma_semaphore, #tpu.memory_space<semaphore_mem>>) src(%arg19 : memref<128x128xf32, #tpu.memory_space<vmem>>) dst(%dma_wait3A_284 : memref<10000x128xf32, #tpu.memory_space<vmem_shared>>)
      %add3A_285 = arith.constant 2 : i32
      %add3A_286 = arith.addi %add3A_275, %add3A_285 : i32
      %mul3A_287 = arith.constant 128 : i32
      %mul3A_288 = arith.muli %add3A_286, %mul3A_287 : i32
      %dma_wait3A_289 = arith.constant 0 : i32
      %dma_wait3A_290 = tpu.memref_slice %arg3[%dma_wait3A_289, %add3A, %mul3A_288] : memref<2x32x10000xi32, #tpu.memory_space<hbm>> -> memref<1x1x128xi32, #tpu.memory_space<hbm>>
      %dma_wait3A_291 = tpu.memref_squeeze %dma_wait3A_290 : memref<1x1x128xi32, #tpu.memory_space<hbm>> -> memref<128xi32, #tpu.memory_space<hbm>>
      %dma_wait3A_292 = tpu.memref_slice %arg3[%dma_wait3A_289, %add3A, %mul3A_288] : memref<2x32x10000xi32, #tpu.memory_space<hbm>> -> memref<1x1x128xi32, #tpu.memory_space<hbm>>
      %dma_wait3A_293 = tpu.memref_squeeze %dma_wait3A_292 : memref<1x1x128xi32, #tpu.memory_space<hbm>> -> memref<128xi32, #tpu.memory_space<hbm>>
      tpu.wait_dma2 semaphore(%arg27 : memref<!tpu.dma_semaphore, #tpu.memory_space<semaphore_mem>>) src(%dma_wait3A_293 : memref<128xi32, #tpu.memory_space<hbm>>) dst(%arg10 : memref<128xi32, #tpu.memory_space<vmem>>)
      %mul3A_294 = arith.constant 128 : i32
      %mul3A_295 = arith.muli %add3A_286, %mul3A_294 : i32
      %dma_wait3A_296 = arith.constant 1 : i32
      %dma_wait3A_297 = tpu.memref_slice %arg3[%dma_wait3A_296, %add3A, %mul3A_295] : memref<2x32x10000xi32, #tpu.memory_space<hbm>> -> memref<1x1x128xi32, #tpu.memory_space<hbm>>
      %dma_wait3A_298 = tpu.memref_squeeze %dma_wait3A_297 : memref<1x1x128xi32, #tpu.memory_space<hbm>> -> memref<128xi32, #tpu.memory_space<hbm>>
      %dma_wait3A_299 = tpu.memref_slice %arg3[%dma_wait3A_296, %add3A, %mul3A_295] : memref<2x32x10000xi32, #tpu.memory_space<hbm>> -> memref<1x1x128xi32, #tpu.memory_space<hbm>>
      %dma_wait3A_300 = tpu.memref_squeeze %dma_wait3A_299 : memref<1x1x128xi32, #tpu.memory_space<hbm>> -> memref<128xi32, #tpu.memory_space<hbm>>
      tpu.wait_dma2 semaphore(%arg33 : memref<!tpu.dma_semaphore, #tpu.memory_space<semaphore_mem>>) src(%dma_wait3A_300 : memref<128xi32, #tpu.memory_space<hbm>>) dst(%arg16 : memref<128xi32, #tpu.memory_space<vmem>>)
      %dma_start3A_301 = arith.constant 0 : i32
      %dma_start3A_302 = arith.constant 0 : i32
      %dma_start3A_303 = tpu.memref_slice %arg2[%dma_start3A_301, %dma_start3A_302] : memref<10000x128xf32, #tpu.memory_space<hbm>> -> memref<10000x128xf32, #tpu.memory_space<hbm>>
      tpu.enqueue_indirect_dma source(%dma_start3A_303 : memref<10000x128xf32, #tpu.memory_space<hbm>>) target(%arg19 : memref<128x128xf32, #tpu.memory_space<vmem>>) offsets(%arg10 : memref<128xi32, #tpu.memory_space<vmem>>) semaphore(%arg36 : memref<!tpu.dma_semaphore, #tpu.memory_space<semaphore_mem>>)
      %add3A_304 = arith.constant 4 : i32
      %add3A_305 = arith.addi %add3A_275, %add3A_304 : i32
      %mul3A_306 = arith.constant 128 : i32
      %mul3A_307 = arith.muli %add3A_305, %mul3A_306 : i32
      %dma_start3A_308 = arith.constant 0 : i32
      %dma_start3A_309 = tpu.memref_slice %arg3[%dma_start3A_308, %add3A, %mul3A_307] : memref<2x32x10000xi32, #tpu.memory_space<hbm>> -> memref<1x1x128xi32, #tpu.memory_space<hbm>>
      %dma_start3A_310 = tpu.memref_squeeze %dma_start3A_309 : memref<1x1x128xi32, #tpu.memory_space<hbm>> -> memref<128xi32, #tpu.memory_space<hbm>>
      %dma_start3A_311 = tpu.memref_slice %arg3[%dma_start3A_308, %add3A, %mul3A_307] : memref<2x32x10000xi32, #tpu.memory_space<hbm>> -> memref<1x1x128xi32, #tpu.memory_space<hbm>>
      %dma_start3A_312 = tpu.memref_squeeze %dma_start3A_311 : memref<1x1x128xi32, #tpu.memory_space<hbm>> -> memref<128xi32, #tpu.memory_space<hbm>>
      tpu.enqueue_dma source(%dma_start3A_312 : memref<128xi32, #tpu.memory_space<hbm>>) target(%arg12 : memref<128xi32, #tpu.memory_space<vmem>>) target_semaphore(%arg29 : memref<!tpu.dma_semaphore, #tpu.memory_space<semaphore_mem>>)
      %mul3A_313 = arith.constant 128 : i32
      %mul3A_314 = arith.muli %add3A_305, %mul3A_313 : i32
      %dma_start3A_315 = arith.constant 1 : i32
      %dma_start3A_316 = tpu.memref_slice %arg3[%dma_start3A_315, %add3A, %mul3A_314] : memref<2x32x10000xi32, #tpu.memory_space<hbm>> -> memref<1x1x128xi32, #tpu.memory_space<hbm>>
      %dma_start3A_317 = tpu.memref_squeeze %dma_start3A_316 : memref<1x1x128xi32, #tpu.memory_space<hbm>> -> memref<128xi32, #tpu.memory_space<hbm>>
      %dma_start3A_318 = tpu.memref_slice %arg3[%dma_start3A_315, %add3A, %mul3A_314] : memref<2x32x10000xi32, #tpu.memory_space<hbm>> -> memref<1x1x128xi32, #tpu.memory_space<hbm>>
      %dma_start3A_319 = tpu.memref_squeeze %dma_start3A_318 : memref<1x1x128xi32, #tpu.memory_space<hbm>> -> memref<128xi32, #tpu.memory_space<hbm>>
      tpu.enqueue_dma source(%dma_start3A_319 : memref<128xi32, #tpu.memory_space<hbm>>) target(%arg18 : memref<128xi32, #tpu.memory_space<vmem>>) target_semaphore(%arg35 : memref<!tpu.dma_semaphore, #tpu.memory_space<semaphore_mem>>)
      %mul3A_320 = arith.constant 6 : i32
      %mul3A_321 = arith.muli %mul3A_320, %add3A_269 : i32
      %add3A_322 = arith.constant 1 : i32
      %add3A_323 = arith.addi %mul3A_321, %add3A_322 : i32
      %add3A_324 = arith.constant 1 : i32
      %add3A_325 = arith.addi %add3A_323, %add3A_324 : i32
      %dma_wait3A_326 = arith.constant 0 : i32
      %dma_wait3A_327 = arith.constant 0 : i32
      %dma_wait3A_328 = tpu.memref_slice %arg2[%dma_wait3A_326, %dma_wait3A_327] : memref<10000x128xf32, #tpu.memory_space<hbm>> -> memref<10000x128xf32, #tpu.memory_space<hbm>>
      tpu.wait_indirect_dma semaphore(%arg38 : memref<!tpu.dma_semaphore, #tpu.memory_space<semaphore_mem>>) src(%dma_wait3A_328 : memref<10000x128xf32, #tpu.memory_space<hbm>>) dst(%arg21 : memref<128x128xf32, #tpu.memory_space<vmem>>)
      %dma_start3A_329 = arith.constant 0 : i32
      %dma_start3A_330 = arith.constant 0 : i32
      %dma_start3A_331 = tpu.memref_slice %arg6[%dma_start3A_329, %dma_start3A_330] : memref<10000x128xf32, #tpu.memory_space<vmem_shared>> -> memref<10000x128xf32, #tpu.memory_space<vmem_shared>>
      tpu.enqueue_indirect_dma source(%arg21 : memref<128x128xf32, #tpu.memory_space<vmem>>) target(%dma_start3A_331 : memref<10000x128xf32, #tpu.memory_space<vmem_shared>>) offsets(%arg15 : memref<128xi32, #tpu.memory_space<vmem>>) semaphore(%arg41 : memref<!tpu.dma_semaphore, #tpu.memory_space<semaphore_mem>>) {add = true}
      %dma_wait3A_332 = arith.constant 0 : i32
      %dma_wait3A_333 = arith.constant 0 : i32
      %dma_wait3A_334 = tpu.memref_slice %arg6[%dma_wait3A_332, %dma_wait3A_333] : memref<10000x128xf32, #tpu.memory_space<vmem_shared>> -> memref<10000x128xf32, #tpu.memory_space<vmem_shared>>
      tpu.wait_indirect_dma semaphore(%arg40 : memref<!tpu.dma_semaphore, #tpu.memory_space<semaphore_mem>>) src(%arg20 : memref<128x128xf32, #tpu.memory_space<vmem>>) dst(%dma_wait3A_334 : memref<10000x128xf32, #tpu.memory_space<vmem_shared>>)
      %add3A_335 = arith.constant 2 : i32
      %add3A_336 = arith.addi %add3A_325, %add3A_335 : i32
      %mul3A_337 = arith.constant 128 : i32
      %mul3A_338 = arith.muli %add3A_336, %mul3A_337 : i32
      %dma_wait3A_339 = arith.constant 0 : i32
      %dma_wait3A_340 = tpu.memref_slice %arg3[%dma_wait3A_339, %add3A, %mul3A_338] : memref<2x32x10000xi32, #tpu.memory_space<hbm>> -> memref<1x1x128xi32, #tpu.memory_space<hbm>>
      %dma_wait3A_341 = tpu.memref_squeeze %dma_wait3A_340 : memref<1x1x128xi32, #tpu.memory_space<hbm>> -> memref<128xi32, #tpu.memory_space<hbm>>
      %dma_wait3A_342 = tpu.memref_slice %arg3[%dma_wait3A_339, %add3A, %mul3A_338] : memref<2x32x10000xi32, #tpu.memory_space<hbm>> -> memref<1x1x128xi32, #tpu.memory_space<hbm>>
      %dma_wait3A_343 = tpu.memref_squeeze %dma_wait3A_342 : memref<1x1x128xi32, #tpu.memory_space<hbm>> -> memref<128xi32, #tpu.memory_space<hbm>>
      tpu.wait_dma2 semaphore(%arg28 : memref<!tpu.dma_semaphore, #tpu.memory_space<semaphore_mem>>) src(%dma_wait3A_343 : memref<128xi32, #tpu.memory_space<hbm>>) dst(%arg11 : memref<128xi32, #tpu.memory_space<vmem>>)
      %mul3A_344 = arith.constant 128 : i32
      %mul3A_345 = arith.muli %add3A_336, %mul3A_344 : i32
      %dma_wait3A_346 = arith.constant 1 : i32
      %dma_wait3A_347 = tpu.memref_slice %arg3[%dma_wait3A_346, %add3A, %mul3A_345] : memref<2x32x10000xi32, #tpu.memory_space<hbm>> -> memref<1x1x128xi32, #tpu.memory_space<hbm>>
      %dma_wait3A_348 = tpu.memref_squeeze %dma_wait3A_347 : memref<1x1x128xi32, #tpu.memory_space<hbm>> -> memref<128xi32, #tpu.memory_space<hbm>>
      %dma_wait3A_349 = tpu.memref_slice %arg3[%dma_wait3A_346, %add3A, %mul3A_345] : memref<2x32x10000xi32, #tpu.memory_space<hbm>> -> memref<1x1x128xi32, #tpu.memory_space<hbm>>
      %dma_wait3A_350 = tpu.memref_squeeze %dma_wait3A_349 : memref<1x1x128xi32, #tpu.memory_space<hbm>> -> memref<128xi32, #tpu.memory_space<hbm>>
      tpu.wait_dma2 semaphore(%arg34 : memref<!tpu.dma_semaphore, #tpu.memory_space<semaphore_mem>>) src(%dma_wait3A_350 : memref<128xi32, #tpu.memory_space<hbm>>) dst(%arg17 : memref<128xi32, #tpu.memory_space<vmem>>)
      %dma_start3A_351 = arith.constant 0 : i32
      %dma_start3A_352 = arith.constant 0 : i32
      %dma_start3A_353 = tpu.memref_slice %arg2[%dma_start3A_351, %dma_start3A_352] : memref<10000x128xf32, #tpu.memory_space<hbm>> -> memref<10000x128xf32, #tpu.memory_space<hbm>>
      tpu.enqueue_indirect_dma source(%dma_start3A_353 : memref<10000x128xf32, #tpu.memory_space<hbm>>) target(%arg20 : memref<128x128xf32, #tpu.memory_space<vmem>>) offsets(%arg11 : memref<128xi32, #tpu.memory_space<vmem>>) semaphore(%arg37 : memref<!tpu.dma_semaphore, #tpu.memory_space<semaphore_mem>>)
      %add3A_354 = arith.constant 4 : i32
      %add3A_355 = arith.addi %add3A_325, %add3A_354 : i32
      %mul3A_356 = arith.constant 128 : i32
      %mul3A_357 = arith.muli %add3A_355, %mul3A_356 : i32
      %dma_start3A_358 = arith.constant 0 : i32
      %dma_start3A_359 = tpu.memref_slice %arg3[%dma_start3A_358, %add3A, %mul3A_357] : memref<2x32x10000xi32, #tpu.memory_space<hbm>> -> memref<1x1x128xi32, #tpu.memory_space<hbm>>
      %dma_start3A_360 = tpu.memref_squeeze %dma_start3A_359 : memref<1x1x128xi32, #tpu.memory_space<hbm>> -> memref<128xi32, #tpu.memory_space<hbm>>
      %dma_start3A_361 = tpu.memref_slice %arg3[%dma_start3A_358, %add3A, %mul3A_357] : memref<2x32x10000xi32, #tpu.memory_space<hbm>> -> memref<1x1x128xi32, #tpu.memory_space<hbm>>
      %dma_start3A_362 = tpu.memref_squeeze %dma_start3A_361 : memref<1x1x128xi32, #tpu.memory_space<hbm>> -> memref<128xi32, #tpu.memory_space<hbm>>
      tpu.enqueue_dma source(%dma_start3A_362 : memref<128xi32, #tpu.memory_space<hbm>>) target(%arg7 : memref<128xi32, #tpu.memory_space<vmem>>) target_semaphore(%arg24 : memref<!tpu.dma_semaphore, #tpu.memory_space<semaphore_mem>>)
      %mul3A_363 = arith.constant 128 : i32
      %mul3A_364 = arith.muli %add3A_355, %mul3A_363 : i32
      %dma_start3A_365 = arith.constant 1 : i32
      %dma_start3A_366 = tpu.memref_slice %arg3[%dma_start3A_365, %add3A, %mul3A_364] : memref<2x32x10000xi32, #tpu.memory_space<hbm>> -> memref<1x1x128xi32, #tpu.memory_space<hbm>>
      %dma_start3A_367 = tpu.memref_squeeze %dma_start3A_366 : memref<1x1x128xi32, #tpu.memory_space<hbm>> -> memref<128xi32, #tpu.memory_space<hbm>>
      %dma_start3A_368 = tpu.memref_slice %arg3[%dma_start3A_365, %add3A, %mul3A_364] : memref<2x32x10000xi32, #tpu.memory_space<hbm>> -> memref<1x1x128xi32, #tpu.memory_space<hbm>>
      %dma_start3A_369 = tpu.memref_squeeze %dma_start3A_368 : memref<1x1x128xi32, #tpu.memory_space<hbm>> -> memref<128xi32, #tpu.memory_space<hbm>>
      tpu.enqueue_dma source(%dma_start3A_369 : memref<128xi32, #tpu.memory_space<hbm>>) target(%arg13 : memref<128xi32, #tpu.memory_space<vmem>>) target_semaphore(%arg30 : memref<!tpu.dma_semaphore, #tpu.memory_space<semaphore_mem>>)
      %mul3A_370 = arith.constant 6 : i32
      %mul3A_371 = arith.muli %mul3A_370, %add3A_269 : i32
      %add3A_372 = arith.constant 1 : i32
      %add3A_373 = arith.addi %mul3A_371, %add3A_372 : i32
      %add3A_374 = arith.constant 2 : i32
      %add3A_375 = arith.addi %add3A_373, %add3A_374 : i32
      %dma_wait3A_376 = arith.constant 0 : i32
      %dma_wait3A_377 = arith.constant 0 : i32
      %dma_wait3A_378 = tpu.memref_slice %arg2[%dma_wait3A_376, %dma_wait3A_377] : memref<10000x128xf32, #tpu.memory_space<hbm>> -> memref<10000x128xf32, #tpu.memory_space<hbm>>
      tpu.wait_indirect_dma semaphore(%arg36 : memref<!tpu.dma_semaphore, #tpu.memory_space<semaphore_mem>>) src(%dma_wait3A_378 : memref<10000x128xf32, #tpu.memory_space<hbm>>) dst(%arg19 : memref<128x128xf32, #tpu.memory_space<vmem>>)
      %dma_start3A_379 = arith.constant 0 : i32
      %dma_start3A_380 = arith.constant 0 : i32
      %dma_start3A_381 = tpu.memref_slice %arg6[%dma_start3A_379, %dma_start3A_380] : memref<10000x128xf32, #tpu.memory_space<vmem_shared>> -> memref<10000x128xf32, #tpu.memory_space<vmem_shared>>
      tpu.enqueue_indirect_dma source(%arg19 : memref<128x128xf32, #tpu.memory_space<vmem>>) target(%dma_start3A_381 : memref<10000x128xf32, #tpu.memory_space<vmem_shared>>) offsets(%arg16 : memref<128xi32, #tpu.memory_space<vmem>>) semaphore(%arg39 : memref<!tpu.dma_semaphore, #tpu.memory_space<semaphore_mem>>) {add = true}
      %dma_wait3A_382 = arith.constant 0 : i32
      %dma_wait3A_383 = arith.constant 0 : i32
      %dma_wait3A_384 = tpu.memref_slice %arg6[%dma_wait3A_382, %dma_wait3A_383] : memref<10000x128xf32, #tpu.memory_space<vmem_shared>> -> memref<10000x128xf32, #tpu.memory_space<vmem_shared>>
      tpu.wait_indirect_dma semaphore(%arg41 : memref<!tpu.dma_semaphore, #tpu.memory_space<semaphore_mem>>) src(%arg21 : memref<128x128xf32, #tpu.memory_space<vmem>>) dst(%dma_wait3A_384 : memref<10000x128xf32, #tpu.memory_space<vmem_shared>>)
      %add3A_385 = arith.constant 2 : i32
      %add3A_386 = arith.addi %add3A_375, %add3A_385 : i32
      %mul3A_387 = arith.constant 128 : i32
      %mul3A_388 = arith.muli %add3A_386, %mul3A_387 : i32
      %dma_wait3A_389 = arith.constant 0 : i32
      %dma_wait3A_390 = tpu.memref_slice %arg3[%dma_wait3A_389, %add3A, %mul3A_388] : memref<2x32x10000xi32, #tpu.memory_space<hbm>> -> memref<1x1x128xi32, #tpu.memory_space<hbm>>
      %dma_wait3A_391 = tpu.memref_squeeze %dma_wait3A_390 : memref<1x1x128xi32, #tpu.memory_space<hbm>> -> memref<128xi32, #tpu.memory_space<hbm>>
      %dma_wait3A_392 = tpu.memref_slice %arg3[%dma_wait3A_389, %add3A, %mul3A_388] : memref<2x32x10000xi32, #tpu.memory_space<hbm>> -> memref<1x1x128xi32, #tpu.memory_space<hbm>>
      %dma_wait3A_393 = tpu.memref_squeeze %dma_wait3A_392 : memref<1x1x128xi32, #tpu.memory_space<hbm>> -> memref<128xi32, #tpu.memory_space<hbm>>
      tpu.wait_dma2 semaphore(%arg29 : memref<!tpu.dma_semaphore, #tpu.memory_space<semaphore_mem>>) src(%dma_wait3A_393 : memref<128xi32, #tpu.memory_space<hbm>>) dst(%arg12 : memref<128xi32, #tpu.memory_space<vmem>>)
      %mul3A_394 = arith.constant 128 : i32
      %mul3A_395 = arith.muli %add3A_386, %mul3A_394 : i32
      %dma_wait3A_396 = arith.constant 1 : i32
      %dma_wait3A_397 = tpu.memref_slice %arg3[%dma_wait3A_396, %add3A, %mul3A_395] : memref<2x32x10000xi32, #tpu.memory_space<hbm>> -> memref<1x1x128xi32, #tpu.memory_space<hbm>>
      %dma_wait3A_398 = tpu.memref_squeeze %dma_wait3A_397 : memref<1x1x128xi32, #tpu.memory_space<hbm>> -> memref<128xi32, #tpu.memory_space<hbm>>
      %dma_wait3A_399 = tpu.memref_slice %arg3[%dma_wait3A_396, %add3A, %mul3A_395] : memref<2x32x10000xi32, #tpu.memory_space<hbm>> -> memref<1x1x128xi32, #tpu.memory_space<hbm>>
      %dma_wait3A_400 = tpu.memref_squeeze %dma_wait3A_399 : memref<1x1x128xi32, #tpu.memory_space<hbm>> -> memref<128xi32, #tpu.memory_space<hbm>>
      tpu.wait_dma2 semaphore(%arg35 : memref<!tpu.dma_semaphore, #tpu.memory_space<semaphore_mem>>) src(%dma_wait3A_400 : memref<128xi32, #tpu.memory_space<hbm>>) dst(%arg18 : memref<128xi32, #tpu.memory_space<vmem>>)
      %dma_start3A_401 = arith.constant 0 : i32
      %dma_start3A_402 = arith.constant 0 : i32
      %dma_start3A_403 = tpu.memref_slice %arg2[%dma_start3A_401, %dma_start3A_402] : memref<10000x128xf32, #tpu.memory_space<hbm>> -> memref<10000x128xf32, #tpu.memory_space<hbm>>
      tpu.enqueue_indirect_dma source(%dma_start3A_403 : memref<10000x128xf32, #tpu.memory_space<hbm>>) target(%arg21 : memref<128x128xf32, #tpu.memory_space<vmem>>) offsets(%arg12 : memref<128xi32, #tpu.memory_space<vmem>>) semaphore(%arg38 : memref<!tpu.dma_semaphore, #tpu.memory_space<semaphore_mem>>)
      %add3A_404 = arith.constant 4 : i32
      %add3A_405 = arith.addi %add3A_375, %add3A_404 : i32
      %mul3A_406 = arith.constant 128 : i32
      %mul3A_407 = arith.muli %add3A_405, %mul3A_406 : i32
      %dma_start3A_408 = arith.constant 0 : i32
      %dma_start3A_409 = tpu.memref_slice %arg3[%dma_start3A_408, %add3A, %mul3A_407] : memref<2x32x10000xi32, #tpu.memory_space<hbm>> -> memref<1x1x128xi32, #tpu.memory_space<hbm>>
      %dma_start3A_410 = tpu.memref_squeeze %dma_start3A_409 : memref<1x1x128xi32, #tpu.memory_space<hbm>> -> memref<128xi32, #tpu.memory_space<hbm>>
      %dma_start3A_411 = tpu.memref_slice %arg3[%dma_start3A_408, %add3A, %mul3A_407] : memref<2x32x10000xi32, #tpu.memory_space<hbm>> -> memref<1x1x128xi32, #tpu.memory_space<hbm>>
      %dma_start3A_412 = tpu.memref_squeeze %dma_start3A_411 : memref<1x1x128xi32, #tpu.memory_space<hbm>> -> memref<128xi32, #tpu.memory_space<hbm>>
      tpu.enqueue_dma source(%dma_start3A_412 : memref<128xi32, #tpu.memory_space<hbm>>) target(%arg8 : memref<128xi32, #tpu.memory_space<vmem>>) target_semaphore(%arg25 : memref<!tpu.dma_semaphore, #tpu.memory_space<semaphore_mem>>)
      %mul3A_413 = arith.constant 128 : i32
      %mul3A_414 = arith.muli %add3A_405, %mul3A_413 : i32
      %dma_start3A_415 = arith.constant 1 : i32
      %dma_start3A_416 = tpu.memref_slice %arg3[%dma_start3A_415, %add3A, %mul3A_414] : memref<2x32x10000xi32, #tpu.memory_space<hbm>> -> memref<1x1x128xi32, #tpu.memory_space<hbm>>
      %dma_start3A_417 = tpu.memref_squeeze %dma_start3A_416 : memref<1x1x128xi32, #tpu.memory_space<hbm>> -> memref<128xi32, #tpu.memory_space<hbm>>
      %dma_start3A_418 = tpu.memref_slice %arg3[%dma_start3A_415, %add3A, %mul3A_414] : memref<2x32x10000xi32, #tpu.memory_space<hbm>> -> memref<1x1x128xi32, #tpu.memory_space<hbm>>
      %dma_start3A_419 = tpu.memref_squeeze %dma_start3A_418 : memref<1x1x128xi32, #tpu.memory_space<hbm>> -> memref<128xi32, #tpu.memory_space<hbm>>
      tpu.enqueue_dma source(%dma_start3A_419 : memref<128xi32, #tpu.memory_space<hbm>>) target(%arg14 : memref<128xi32, #tpu.memory_space<vmem>>) target_semaphore(%arg31 : memref<!tpu.dma_semaphore, #tpu.memory_space<semaphore_mem>>)
      %mul3A_420 = arith.constant 6 : i32
      %mul3A_421 = arith.muli %mul3A_420, %add3A_269 : i32
      %add3A_422 = arith.constant 1 : i32
      %add3A_423 = arith.addi %mul3A_421, %add3A_422 : i32
      %add3A_424 = arith.constant 3 : i32
      %add3A_425 = arith.addi %add3A_423, %add3A_424 : i32
      %dma_wait3A_426 = arith.constant 0 : i32
      %dma_wait3A_427 = arith.constant 0 : i32
      %dma_wait3A_428 = tpu.memref_slice %arg2[%dma_wait3A_426, %dma_wait3A_427] : memref<10000x128xf32, #tpu.memory_space<hbm>> -> memref<10000x128xf32, #tpu.memory_space<hbm>>
      tpu.wait_indirect_dma semaphore(%arg37 : memref<!tpu.dma_semaphore, #tpu.memory_space<semaphore_mem>>) src(%dma_wait3A_428 : memref<10000x128xf32, #tpu.memory_space<hbm>>) dst(%arg20 : memref<128x128xf32, #tpu.memory_space<vmem>>)
      %dma_start3A_429 = arith.constant 0 : i32
      %dma_start3A_430 = arith.constant 0 : i32
      %dma_start3A_431 = tpu.memref_slice %arg6[%dma_start3A_429, %dma_start3A_430] : memref<10000x128xf32, #tpu.memory_space<vmem_shared>> -> memref<10000x128xf32, #tpu.memory_space<vmem_shared>>
      tpu.enqueue_indirect_dma source(%arg20 : memref<128x128xf32, #tpu.memory_space<vmem>>) target(%dma_start3A_431 : memref<10000x128xf32, #tpu.memory_space<vmem_shared>>) offsets(%arg17 : memref<128xi32, #tpu.memory_space<vmem>>) semaphore(%arg40 : memref<!tpu.dma_semaphore, #tpu.memory_space<semaphore_mem>>) {add = true}
      %dma_wait3A_432 = arith.constant 0 : i32
      %dma_wait3A_433 = arith.constant 0 : i32
      %dma_wait3A_434 = tpu.memref_slice %arg6[%dma_wait3A_432, %dma_wait3A_433] : memref<10000x128xf32, #tpu.memory_space<vmem_shared>> -> memref<10000x128xf32, #tpu.memory_space<vmem_shared>>
      tpu.wait_indirect_dma semaphore(%arg39 : memref<!tpu.dma_semaphore, #tpu.memory_space<semaphore_mem>>) src(%arg19 : memref<128x128xf32, #tpu.memory_space<vmem>>) dst(%dma_wait3A_434 : memref<10000x128xf32, #tpu.memory_space<vmem_shared>>)
      %add3A_435 = arith.constant 2 : i32
      %add3A_436 = arith.addi %add3A_425, %add3A_435 : i32
      %mul3A_437 = arith.constant 128 : i32
      %mul3A_438 = arith.muli %add3A_436, %mul3A_437 : i32
      %dma_wait3A_439 = arith.constant 0 : i32
      %dma_wait3A_440 = tpu.memref_slice %arg3[%dma_wait3A_439, %add3A, %mul3A_438] : memref<2x32x10000xi32, #tpu.memory_space<hbm>> -> memref<1x1x128xi32, #tpu.memory_space<hbm>>
      %dma_wait3A_441 = tpu.memref_squeeze %dma_wait3A_440 : memref<1x1x128xi32, #tpu.memory_space<hbm>> -> memref<128xi32, #tpu.memory_space<hbm>>
      %dma_wait3A_442 = tpu.memref_slice %arg3[%dma_wait3A_439, %add3A, %mul3A_438] : memref<2x32x10000xi32, #tpu.memory_space<hbm>> -> memref<1x1x128xi32, #tpu.memory_space<hbm>>
      %dma_wait3A_443 = tpu.memref_squeeze %dma_wait3A_442 : memref<1x1x128xi32, #tpu.memory_space<hbm>> -> memref<128xi32, #tpu.memory_space<hbm>>
      tpu.wait_dma2 semaphore(%arg24 : memref<!tpu.dma_semaphore, #tpu.memory_space<semaphore_mem>>) src(%dma_wait3A_443 : memref<128xi32, #tpu.memory_space<hbm>>) dst(%arg7 : memref<128xi32, #tpu.memory_space<vmem>>)
      %mul3A_444 = arith.constant 128 : i32
      %mul3A_445 = arith.muli %add3A_436, %mul3A_444 : i32
      %dma_wait3A_446 = arith.constant 1 : i32
      %dma_wait3A_447 = tpu.memref_slice %arg3[%dma_wait3A_446, %add3A, %mul3A_445] : memref<2x32x10000xi32, #tpu.memory_space<hbm>> -> memref<1x1x128xi32, #tpu.memory_space<hbm>>
      %dma_wait3A_448 = tpu.memref_squeeze %dma_wait3A_447 : memref<1x1x128xi32, #tpu.memory_space<hbm>> -> memref<128xi32, #tpu.memory_space<hbm>>
      %dma_wait3A_449 = tpu.memref_slice %arg3[%dma_wait3A_446, %add3A, %mul3A_445] : memref<2x32x10000xi32, #tpu.memory_space<hbm>> -> memref<1x1x128xi32, #tpu.memory_space<hbm>>
      %dma_wait3A_450 = tpu.memref_squeeze %dma_wait3A_449 : memref<1x1x128xi32, #tpu.memory_space<hbm>> -> memref<128xi32, #tpu.memory_space<hbm>>
      tpu.wait_dma2 semaphore(%arg30 : memref<!tpu.dma_semaphore, #tpu.memory_space<semaphore_mem>>) src(%dma_wait3A_450 : memref<128xi32, #tpu.memory_space<hbm>>) dst(%arg13 : memref<128xi32, #tpu.memory_space<vmem>>)
      %dma_start3A_451 = arith.constant 0 : i32
      %dma_start3A_452 = arith.constant 0 : i32
      %dma_start3A_453 = tpu.memref_slice %arg2[%dma_start3A_451, %dma_start3A_452] : memref<10000x128xf32, #tpu.memory_space<hbm>> -> memref<10000x128xf32, #tpu.memory_space<hbm>>
      tpu.enqueue_indirect_dma source(%dma_start3A_453 : memref<10000x128xf32, #tpu.memory_space<hbm>>) target(%arg19 : memref<128x128xf32, #tpu.memory_space<vmem>>) offsets(%arg7 : memref<128xi32, #tpu.memory_space<vmem>>) semaphore(%arg36 : memref<!tpu.dma_semaphore, #tpu.memory_space<semaphore_mem>>)
      %add3A_454 = arith.constant 4 : i32
      %add3A_455 = arith.addi %add3A_425, %add3A_454 : i32
      %mul3A_456 = arith.constant 128 : i32
      %mul3A_457 = arith.muli %add3A_455, %mul3A_456 : i32
      %dma_start3A_458 = arith.constant 0 : i32
      %dma_start3A_459 = tpu.memref_slice %arg3[%dma_start3A_458, %add3A, %mul3A_457] : memref<2x32x10000xi32, #tpu.memory_space<hbm>> -> memref<1x1x128xi32, #tpu.memory_space<hbm>>
      %dma_start3A_460 = tpu.memref_squeeze %dma_start3A_459 : memref<1x1x128xi32, #tpu.memory_space<hbm>> -> memref<128xi32, #tpu.memory_space<hbm>>
      %dma_start3A_461 = tpu.memref_slice %arg3[%dma_start3A_458, %add3A, %mul3A_457] : memref<2x32x10000xi32, #tpu.memory_space<hbm>> -> memref<1x1x128xi32, #tpu.memory_space<hbm>>
      %dma_start3A_462 = tpu.memref_squeeze %dma_start3A_461 : memref<1x1x128xi32, #tpu.memory_space<hbm>> -> memref<128xi32, #tpu.memory_space<hbm>>
      tpu.enqueue_dma source(%dma_start3A_462 : memref<128xi32, #tpu.memory_space<hbm>>) target(%arg9 : memref<128xi32, #tpu.memory_space<vmem>>) target_semaphore(%arg26 : memref<!tpu.dma_semaphore, #tpu.memory_space<semaphore_mem>>)
      %mul3A_463 = arith.constant 128 : i32
      %mul3A_464 = arith.muli %add3A_455, %mul3A_463 : i32
      %dma_start3A_465 = arith.constant 1 : i32
      %dma_start3A_466 = tpu.memref_slice %arg3[%dma_start3A_465, %add3A, %mul3A_464] : memref<2x32x10000xi32, #tpu.memory_space<hbm>> -> memref<1x1x128xi32, #tpu.memory_space<hbm>>
      %dma_start3A_467 = tpu.memref_squeeze %dma_start3A_466 : memref<1x1x128xi32, #tpu.memory_space<hbm>> -> memref<128xi32, #tpu.memory_space<hbm>>
      %dma_start3A_468 = tpu.memref_slice %arg3[%dma_start3A_465, %add3A, %mul3A_464] : memref<2x32x10000xi32, #tpu.memory_space<hbm>> -> memref<1x1x128xi32, #tpu.memory_space<hbm>>
      %dma_start3A_469 = tpu.memref_squeeze %dma_start3A_468 : memref<1x1x128xi32, #tpu.memory_space<hbm>> -> memref<128xi32, #tpu.memory_space<hbm>>
      tpu.enqueue_dma source(%dma_start3A_469 : memref<128xi32, #tpu.memory_space<hbm>>) target(%arg15 : memref<128xi32, #tpu.memory_space<vmem>>) target_semaphore(%arg32 : memref<!tpu.dma_semaphore, #tpu.memory_space<semaphore_mem>>)
      %mul3A_470 = arith.constant 6 : i32
      %mul3A_471 = arith.muli %mul3A_470, %add3A_269 : i32
      %add3A_472 = arith.constant 1 : i32
      %add3A_473 = arith.addi %mul3A_471, %add3A_472 : i32
      %add3A_474 = arith.constant 4 : i32
      %add3A_475 = arith.addi %add3A_473, %add3A_474 : i32
      %dma_wait3A_476 = arith.constant 0 : i32
      %dma_wait3A_477 = arith.constant 0 : i32
      %dma_wait3A_478 = tpu.memref_slice %arg2[%dma_wait3A_476, %dma_wait3A_477] : memref<10000x128xf32, #tpu.memory_space<hbm>> -> memref<10000x128xf32, #tpu.memory_space<hbm>>
      tpu.wait_indirect_dma semaphore(%arg38 : memref<!tpu.dma_semaphore, #tpu.memory_space<semaphore_mem>>) src(%dma_wait3A_478 : memref<10000x128xf32, #tpu.memory_space<hbm>>) dst(%arg21 : memref<128x128xf32, #tpu.memory_space<vmem>>)
      %dma_start3A_479 = arith.constant 0 : i32
      %dma_start3A_480 = arith.constant 0 : i32
      %dma_start3A_481 = tpu.memref_slice %arg6[%dma_start3A_479, %dma_start3A_480] : memref<10000x128xf32, #tpu.memory_space<vmem_shared>> -> memref<10000x128xf32, #tpu.memory_space<vmem_shared>>
      tpu.enqueue_indirect_dma source(%arg21 : memref<128x128xf32, #tpu.memory_space<vmem>>) target(%dma_start3A_481 : memref<10000x128xf32, #tpu.memory_space<vmem_shared>>) offsets(%arg18 : memref<128xi32, #tpu.memory_space<vmem>>) semaphore(%arg41 : memref<!tpu.dma_semaphore, #tpu.memory_space<semaphore_mem>>) {add = true}
      %dma_wait3A_482 = arith.constant 0 : i32
      %dma_wait3A_483 = arith.constant 0 : i32
      %dma_wait3A_484 = tpu.memref_slice %arg6[%dma_wait3A_482, %dma_wait3A_483] : memref<10000x128xf32, #tpu.memory_space<vmem_shared>> -> memref<10000x128xf32, #tpu.memory_space<vmem_shared>>
      tpu.wait_indirect_dma semaphore(%arg40 : memref<!tpu.dma_semaphore, #tpu.memory_space<semaphore_mem>>) src(%arg20 : memref<128x128xf32, #tpu.memory_space<vmem>>) dst(%dma_wait3A_484 : memref<10000x128xf32, #tpu.memory_space<vmem_shared>>)
      %add3A_485 = arith.constant 2 : i32
      %add3A_486 = arith.addi %add3A_475, %add3A_485 : i32
      %mul3A_487 = arith.constant 128 : i32
      %mul3A_488 = arith.muli %add3A_486, %mul3A_487 : i32
      %dma_wait3A_489 = arith.constant 0 : i32
      %dma_wait3A_490 = tpu.memref_slice %arg3[%dma_wait3A_489, %add3A, %mul3A_488] : memref<2x32x10000xi32, #tpu.memory_space<hbm>> -> memref<1x1x128xi32, #tpu.memory_space<hbm>>
      %dma_wait3A_491 = tpu.memref_squeeze %dma_wait3A_490 : memref<1x1x128xi32, #tpu.memory_space<hbm>> -> memref<128xi32, #tpu.memory_space<hbm>>
      %dma_wait3A_492 = tpu.memref_slice %arg3[%dma_wait3A_489, %add3A, %mul3A_488] : memref<2x32x10000xi32, #tpu.memory_space<hbm>> -> memref<1x1x128xi32, #tpu.memory_space<hbm>>
      %dma_wait3A_493 = tpu.memref_squeeze %dma_wait3A_492 : memref<1x1x128xi32, #tpu.memory_space<hbm>> -> memref<128xi32, #tpu.memory_space<hbm>>
      tpu.wait_dma2 semaphore(%arg25 : memref<!tpu.dma_semaphore, #tpu.memory_space<semaphore_mem>>) src(%dma_wait3A_493 : memref<128xi32, #tpu.memory_space<hbm>>) dst(%arg8 : memref<128xi32, #tpu.memory_space<vmem>>)
      %mul3A_494 = arith.constant 128 : i32
      %mul3A_495 = arith.muli %add3A_486, %mul3A_494 : i32
      %dma_wait3A_496 = arith.constant 1 : i32
      %dma_wait3A_497 = tpu.memref_slice %arg3[%dma_wait3A_496, %add3A, %mul3A_495] : memref<2x32x10000xi32, #tpu.memory_space<hbm>> -> memref<1x1x128xi32, #tpu.memory_space<hbm>>
      %dma_wait3A_498 = tpu.memref_squeeze %dma_wait3A_497 : memref<1x1x128xi32, #tpu.memory_space<hbm>> -> memref<128xi32, #tpu.memory_space<hbm>>
      %dma_wait3A_499 = tpu.memref_slice %arg3[%dma_wait3A_496, %add3A, %mul3A_495] : memref<2x32x10000xi32, #tpu.memory_space<hbm>> -> memref<1x1x128xi32, #tpu.memory_space<hbm>>
      %dma_wait3A_500 = tpu.memref_squeeze %dma_wait3A_499 : memref<1x1x128xi32, #tpu.memory_space<hbm>> -> memref<128xi32, #tpu.memory_space<hbm>>
      tpu.wait_dma2 semaphore(%arg31 : memref<!tpu.dma_semaphore, #tpu.memory_space<semaphore_mem>>) src(%dma_wait3A_500 : memref<128xi32, #tpu.memory_space<hbm>>) dst(%arg14 : memref<128xi32, #tpu.memory_space<vmem>>)
      %dma_start3A_501 = arith.constant 0 : i32
      %dma_start3A_502 = arith.constant 0 : i32
      %dma_start3A_503 = tpu.memref_slice %arg2[%dma_start3A_501, %dma_start3A_502] : memref<10000x128xf32, #tpu.memory_space<hbm>> -> memref<10000x128xf32, #tpu.memory_space<hbm>>
      tpu.enqueue_indirect_dma source(%dma_start3A_503 : memref<10000x128xf32, #tpu.memory_space<hbm>>) target(%arg20 : memref<128x128xf32, #tpu.memory_space<vmem>>) offsets(%arg8 : memref<128xi32, #tpu.memory_space<vmem>>) semaphore(%arg37 : memref<!tpu.dma_semaphore, #tpu.memory_space<semaphore_mem>>)
      %add3A_504 = arith.constant 4 : i32
      %add3A_505 = arith.addi %add3A_475, %add3A_504 : i32
      %mul3A_506 = arith.constant 128 : i32
      %mul3A_507 = arith.muli %add3A_505, %mul3A_506 : i32
      %dma_start3A_508 = arith.constant 0 : i32
      %dma_start3A_509 = tpu.memref_slice %arg3[%dma_start3A_508, %add3A, %mul3A_507] : memref<2x32x10000xi32, #tpu.memory_space<hbm>> -> memref<1x1x128xi32, #tpu.memory_space<hbm>>
      %dma_start3A_510 = tpu.memref_squeeze %dma_start3A_509 : memref<1x1x128xi32, #tpu.memory_space<hbm>> -> memref<128xi32, #tpu.memory_space<hbm>>
      %dma_start3A_511 = tpu.memref_slice %arg3[%dma_start3A_508, %add3A, %mul3A_507] : memref<2x32x10000xi32, #tpu.memory_space<hbm>> -> memref<1x1x128xi32, #tpu.memory_space<hbm>>
      %dma_start3A_512 = tpu.memref_squeeze %dma_start3A_511 : memref<1x1x128xi32, #tpu.memory_space<hbm>> -> memref<128xi32, #tpu.memory_space<hbm>>
      tpu.enqueue_dma source(%dma_start3A_512 : memref<128xi32, #tpu.memory_space<hbm>>) target(%arg10 : memref<128xi32, #tpu.memory_space<vmem>>) target_semaphore(%arg27 : memref<!tpu.dma_semaphore, #tpu.memory_space<semaphore_mem>>)
      %mul3A_513 = arith.constant 128 : i32
      %mul3A_514 = arith.muli %add3A_505, %mul3A_513 : i32
      %dma_start3A_515 = arith.constant 1 : i32
      %dma_start3A_516 = tpu.memref_slice %arg3[%dma_start3A_515, %add3A, %mul3A_514] : memref<2x32x10000xi32, #tpu.memory_space<hbm>> -> memref<1x1x128xi32, #tpu.memory_space<hbm>>
      %dma_start3A_517 = tpu.memref_squeeze %dma_start3A_516 : memref<1x1x128xi32, #tpu.memory_space<hbm>> -> memref<128xi32, #tpu.memory_space<hbm>>
      %dma_start3A_518 = tpu.memref_slice %arg3[%dma_start3A_515, %add3A, %mul3A_514] : memref<2x32x10000xi32, #tpu.memory_space<hbm>> -> memref<1x1x128xi32, #tpu.memory_space<hbm>>
      %dma_start3A_519 = tpu.memref_squeeze %dma_start3A_518 : memref<1x1x128xi32, #tpu.memory_space<hbm>> -> memref<128xi32, #tpu.memory_space<hbm>>
      tpu.enqueue_dma source(%dma_start3A_519 : memref<128xi32, #tpu.memory_space<hbm>>) target(%arg16 : memref<128xi32, #tpu.memory_space<vmem>>) target_semaphore(%arg33 : memref<!tpu.dma_semaphore, #tpu.memory_space<semaphore_mem>>)
      %mul3A_520 = arith.constant 6 : i32
      %mul3A_521 = arith.muli %mul3A_520, %add3A_269 : i32
      %add3A_522 = arith.constant 1 : i32
      %add3A_523 = arith.addi %mul3A_521, %add3A_522 : i32
      %add3A_524 = arith.constant 5 : i32
      %add3A_525 = arith.addi %add3A_523, %add3A_524 : i32
      %dma_wait3A_526 = arith.constant 0 : i32
      %dma_wait3A_527 = arith.constant 0 : i32
      %dma_wait3A_528 = tpu.memref_slice %arg2[%dma_wait3A_526, %dma_wait3A_527] : memref<10000x128xf32, #tpu.memory_space<hbm>> -> memref<10000x128xf32, #tpu.memory_space<hbm>>
      tpu.wait_indirect_dma semaphore(%arg36 : memref<!tpu.dma_semaphore, #tpu.memory_space<semaphore_mem>>) src(%dma_wait3A_528 : memref<10000x128xf32, #tpu.memory_space<hbm>>) dst(%arg19 : memref<128x128xf32, #tpu.memory_space<vmem>>)
      %dma_start3A_529 = arith.constant 0 : i32
      %dma_start3A_530 = arith.constant 0 : i32
      %dma_start3A_531 = tpu.memref_slice %arg6[%dma_start3A_529, %dma_start3A_530] : memref<10000x128xf32, #tpu.memory_space<vmem_shared>> -> memref<10000x128xf32, #tpu.memory_space<vmem_shared>>
      tpu.enqueue_indirect_dma source(%arg19 : memref<128x128xf32, #tpu.memory_space<vmem>>) target(%dma_start3A_531 : memref<10000x128xf32, #tpu.memory_space<vmem_shared>>) offsets(%arg13 : memref<128xi32, #tpu.memory_space<vmem>>) semaphore(%arg39 : memref<!tpu.dma_semaphore, #tpu.memory_space<semaphore_mem>>) {add = true}
      %dma_wait3A_532 = arith.constant 0 : i32
      %dma_wait3A_533 = arith.constant 0 : i32
      %dma_wait3A_534 = tpu.memref_slice %arg6[%dma_wait3A_532, %dma_wait3A_533] : memref<10000x128xf32, #tpu.memory_space<vmem_shared>> -> memref<10000x128xf32, #tpu.memory_space<vmem_shared>>
      tpu.wait_indirect_dma semaphore(%arg41 : memref<!tpu.dma_semaphore, #tpu.memory_space<semaphore_mem>>) src(%arg21 : memref<128x128xf32, #tpu.memory_space<vmem>>) dst(%dma_wait3A_534 : memref<10000x128xf32, #tpu.memory_space<vmem_shared>>)
      %add3A_535 = arith.constant 2 : i32
      %add3A_536 = arith.addi %add3A_525, %add3A_535 : i32
      %mul3A_537 = arith.constant 128 : i32
      %mul3A_538 = arith.muli %add3A_536, %mul3A_537 : i32
      %dma_wait3A_539 = arith.constant 0 : i32
      %dma_wait3A_540 = tpu.memref_slice %arg3[%dma_wait3A_539, %add3A, %mul3A_538] : memref<2x32x10000xi32, #tpu.memory_space<hbm>> -> memref<1x1x128xi32, #tpu.memory_space<hbm>>
      %dma_wait3A_541 = tpu.memref_squeeze %dma_wait3A_540 : memref<1x1x128xi32, #tpu.memory_space<hbm>> -> memref<128xi32, #tpu.memory_space<hbm>>
      %dma_wait3A_542 = tpu.memref_slice %arg3[%dma_wait3A_539, %add3A, %mul3A_538] : memref<2x32x10000xi32, #tpu.memory_space<hbm>> -> memref<1x1x128xi32, #tpu.memory_space<hbm>>
      %dma_wait3A_543 = tpu.memref_squeeze %dma_wait3A_542 : memref<1x1x128xi32, #tpu.memory_space<hbm>> -> memref<128xi32, #tpu.memory_space<hbm>>
      tpu.wait_dma2 semaphore(%arg26 : memref<!tpu.dma_semaphore, #tpu.memory_space<semaphore_mem>>) src(%dma_wait3A_543 : memref<128xi32, #tpu.memory_space<hbm>>) dst(%arg9 : memref<128xi32, #tpu.memory_space<vmem>>)
      %mul3A_544 = arith.constant 128 : i32
      %mul3A_545 = arith.muli %add3A_536, %mul3A_544 : i32
      %dma_wait3A_546 = arith.constant 1 : i32
      %dma_wait3A_547 = tpu.memref_slice %arg3[%dma_wait3A_546, %add3A, %mul3A_545] : memref<2x32x10000xi32, #tpu.memory_space<hbm>> -> memref<1x1x128xi32, #tpu.memory_space<hbm>>
      %dma_wait3A_548 = tpu.memref_squeeze %dma_wait3A_547 : memref<1x1x128xi32, #tpu.memory_space<hbm>> -> memref<128xi32, #tpu.memory_space<hbm>>
      %dma_wait3A_549 = tpu.memref_slice %arg3[%dma_wait3A_546, %add3A, %mul3A_545] : memref<2x32x10000xi32, #tpu.memory_space<hbm>> -> memref<1x1x128xi32, #tpu.memory_space<hbm>>
      %dma_wait3A_550 = tpu.memref_squeeze %dma_wait3A_549 : memref<1x1x128xi32, #tpu.memory_space<hbm>> -> memref<128xi32, #tpu.memory_space<hbm>>
      tpu.wait_dma2 semaphore(%arg32 : memref<!tpu.dma_semaphore, #tpu.memory_space<semaphore_mem>>) src(%dma_wait3A_550 : memref<128xi32, #tpu.memory_space<hbm>>) dst(%arg15 : memref<128xi32, #tpu.memory_space<vmem>>)
      %dma_start3A_551 = arith.constant 0 : i32
      %dma_start3A_552 = arith.constant 0 : i32
      %dma_start3A_553 = tpu.memref_slice %arg2[%dma_start3A_551, %dma_start3A_552] : memref<10000x128xf32, #tpu.memory_space<hbm>> -> memref<10000x128xf32, #tpu.memory_space<hbm>>
      tpu.enqueue_indirect_dma source(%dma_start3A_553 : memref<10000x128xf32, #tpu.memory_space<hbm>>) target(%arg21 : memref<128x128xf32, #tpu.memory_space<vmem>>) offsets(%arg9 : memref<128xi32, #tpu.memory_space<vmem>>) semaphore(%arg38 : memref<!tpu.dma_semaphore, #tpu.memory_space<semaphore_mem>>)
      %add3A_554 = arith.constant 4 : i32
      %add3A_555 = arith.addi %add3A_525, %add3A_554 : i32
      %mul3A_556 = arith.constant 128 : i32
      %mul3A_557 = arith.muli %add3A_555, %mul3A_556 : i32
      %dma_start3A_558 = arith.constant 0 : i32
      %dma_start3A_559 = tpu.memref_slice %arg3[%dma_start3A_558, %add3A, %mul3A_557] : memref<2x32x10000xi32, #tpu.memory_space<hbm>> -> memref<1x1x128xi32, #tpu.memory_space<hbm>>
      %dma_start3A_560 = tpu.memref_squeeze %dma_start3A_559 : memref<1x1x128xi32, #tpu.memory_space<hbm>> -> memref<128xi32, #tpu.memory_space<hbm>>
      %dma_start3A_561 = tpu.memref_slice %arg3[%dma_start3A_558, %add3A, %mul3A_557] : memref<2x32x10000xi32, #tpu.memory_space<hbm>> -> memref<1x1x128xi32, #tpu.memory_space<hbm>>
      %dma_start3A_562 = tpu.memref_squeeze %dma_start3A_561 : memref<1x1x128xi32, #tpu.memory_space<hbm>> -> memref<128xi32, #tpu.memory_space<hbm>>
      tpu.enqueue_dma source(%dma_start3A_562 : memref<128xi32, #tpu.memory_space<hbm>>) target(%arg11 : memref<128xi32, #tpu.memory_space<vmem>>) target_semaphore(%arg28 : memref<!tpu.dma_semaphore, #tpu.memory_space<semaphore_mem>>)
      %mul3A_563 = arith.constant 128 : i32
      %mul3A_564 = arith.muli %add3A_555, %mul3A_563 : i32
      %dma_start3A_565 = arith.constant 1 : i32
      %dma_start3A_566 = tpu.memref_slice %arg3[%dma_start3A_565, %add3A, %mul3A_564] : memref<2x32x10000xi32, #tpu.memory_space<hbm>> -> memref<1x1x128xi32, #tpu.memory_space<hbm>>
      %dma_start3A_567 = tpu.memref_squeeze %dma_start3A_566 : memref<1x1x128xi32, #tpu.memory_space<hbm>> -> memref<128xi32, #tpu.memory_space<hbm>>
      %dma_start3A_568 = tpu.memref_slice %arg3[%dma_start3A_565, %add3A, %mul3A_564] : memref<2x32x10000xi32, #tpu.memory_space<hbm>> -> memref<1x1x128xi32, #tpu.memory_space<hbm>>
      %dma_start3A_569 = tpu.memref_squeeze %dma_start3A_568 : memref<1x1x128xi32, #tpu.memory_space<hbm>> -> memref<128xi32, #tpu.memory_space<hbm>>
      tpu.enqueue_dma source(%dma_start3A_569 : memref<128xi32, #tpu.memory_space<hbm>>) target(%arg17 : memref<128xi32, #tpu.memory_space<vmem>>) target_semaphore(%arg34 : memref<!tpu.dma_semaphore, #tpu.memory_space<semaphore_mem>>)
    }
    %scan3A_137 = arith.constant 12 : i32
    %dma_wait3A_138 = arith.constant 0 : i32
    %dma_wait3A_139 = arith.constant 0 : i32
    %dma_wait3A_140 = tpu.memref_slice %arg2[%dma_wait3A_138, %dma_wait3A_139] : memref<10000x128xf32, #tpu.memory_space<hbm>> -> memref<10000x128xf32, #tpu.memory_space<hbm>>
    tpu.wait_indirect_dma semaphore(%arg37 : memref<!tpu.dma_semaphore, #tpu.memory_space<semaphore_mem>>) src(%dma_wait3A_140 : memref<10000x128xf32, #tpu.memory_space<hbm>>) dst(%arg20 : memref<128x128xf32, #tpu.memory_space<vmem>>)
    %dma_start3A_141 = arith.constant 0 : i32
    %dma_start3A_142 = arith.constant 0 : i32
    %dma_start3A_143 = tpu.memref_slice %arg6[%dma_start3A_141, %dma_start3A_142] : memref<10000x128xf32, #tpu.memory_space<vmem_shared>> -> memref<10000x128xf32, #tpu.memory_space<vmem_shared>>
    tpu.enqueue_indirect_dma source(%arg20 : memref<128x128xf32, #tpu.memory_space<vmem>>) target(%dma_start3A_143 : memref<10000x128xf32, #tpu.memory_space<vmem_shared>>) offsets(%arg14 : memref<128xi32, #tpu.memory_space<vmem>>) semaphore(%arg40 : memref<!tpu.dma_semaphore, #tpu.memory_space<semaphore_mem>>) {add = true}
    %dma_wait3A_144 = arith.constant 0 : i32
    %dma_wait3A_145 = arith.constant 0 : i32
    %dma_wait3A_146 = tpu.memref_slice %arg6[%dma_wait3A_144, %dma_wait3A_145] : memref<10000x128xf32, #tpu.memory_space<vmem_shared>> -> memref<10000x128xf32, #tpu.memory_space<vmem_shared>>
    tpu.wait_indirect_dma semaphore(%arg39 : memref<!tpu.dma_semaphore, #tpu.memory_space<semaphore_mem>>) src(%arg19 : memref<128x128xf32, #tpu.memory_space<vmem>>) dst(%dma_wait3A_146 : memref<10000x128xf32, #tpu.memory_space<vmem_shared>>)
    %dma_wait3A_147 = arith.constant 0 : i32
    %dma_wait3A_148 = arith.constant 9600 : i32
    %dma_wait3A_149 = tpu.memref_slice %arg3[%dma_wait3A_147, %add3A, %dma_wait3A_148] : memref<2x32x10000xi32, #tpu.memory_space<hbm>> -> memref<1x1x128xi32, #tpu.memory_space<hbm>>
    %dma_wait3A_150 = tpu.memref_squeeze %dma_wait3A_149 : memref<1x1x128xi32, #tpu.memory_space<hbm>> -> memref<128xi32, #tpu.memory_space<hbm>>
    %dma_wait3A_151 = arith.constant 9600 : i32
    %dma_wait3A_152 = tpu.memref_slice %arg3[%dma_wait3A_147, %add3A, %dma_wait3A_151] : memref<2x32x10000xi32, #tpu.memory_space<hbm>> -> memref<1x1x128xi32, #tpu.memory_space<hbm>>
    %dma_wait3A_153 = tpu.memref_squeeze %dma_wait3A_152 : memref<1x1x128xi32, #tpu.memory_space<hbm>> -> memref<128xi32, #tpu.memory_space<hbm>>
    tpu.wait_dma2 semaphore(%arg27 : memref<!tpu.dma_semaphore, #tpu.memory_space<semaphore_mem>>) src(%dma_wait3A_153 : memref<128xi32, #tpu.memory_space<hbm>>) dst(%arg10 : memref<128xi32, #tpu.memory_space<vmem>>)
    %dma_wait3A_154 = arith.constant 1 : i32
    %dma_wait3A_155 = arith.constant 9600 : i32
    %dma_wait3A_156 = tpu.memref_slice %arg3[%dma_wait3A_154, %add3A, %dma_wait3A_155] : memref<2x32x10000xi32, #tpu.memory_space<hbm>> -> memref<1x1x128xi32, #tpu.memory_space<hbm>>
    %dma_wait3A_157 = tpu.memref_squeeze %dma_wait3A_156 : memref<1x1x128xi32, #tpu.memory_space<hbm>> -> memref<128xi32, #tpu.memory_space<hbm>>
    %dma_wait3A_158 = arith.constant 9600 : i32
    %dma_wait3A_159 = tpu.memref_slice %arg3[%dma_wait3A_154, %add3A, %dma_wait3A_158] : memref<2x32x10000xi32, #tpu.memory_space<hbm>> -> memref<1x1x128xi32, #tpu.memory_space<hbm>>
    %dma_wait3A_160 = tpu.memref_squeeze %dma_wait3A_159 : memref<1x1x128xi32, #tpu.memory_space<hbm>> -> memref<128xi32, #tpu.memory_space<hbm>>
    tpu.wait_dma2 semaphore(%arg33 : memref<!tpu.dma_semaphore, #tpu.memory_space<semaphore_mem>>) src(%dma_wait3A_160 : memref<128xi32, #tpu.memory_space<hbm>>) dst(%arg16 : memref<128xi32, #tpu.memory_space<vmem>>)
    %dma_start3A_161 = arith.constant 0 : i32
    %dma_start3A_162 = arith.constant 0 : i32
    %dma_start3A_163 = tpu.memref_slice %arg2[%dma_start3A_161, %dma_start3A_162] : memref<10000x128xf32, #tpu.memory_space<hbm>> -> memref<10000x128xf32, #tpu.memory_space<hbm>>
    tpu.enqueue_indirect_dma source(%dma_start3A_163 : memref<10000x128xf32, #tpu.memory_space<hbm>>) target(%arg19 : memref<128x128xf32, #tpu.memory_space<vmem>>) offsets(%arg10 : memref<128xi32, #tpu.memory_space<vmem>>) semaphore(%arg36 : memref<!tpu.dma_semaphore, #tpu.memory_space<semaphore_mem>>)
    %dma_start3A_164 = arith.constant 0 : i32
    %dma_start3A_165 = arith.constant 9856 : i32
    %dma_start3A_166 = tpu.memref_slice %arg3[%dma_start3A_164, %add3A, %dma_start3A_165] : memref<2x32x10000xi32, #tpu.memory_space<hbm>> -> memref<1x1x128xi32, #tpu.memory_space<hbm>>
    %dma_start3A_167 = tpu.memref_squeeze %dma_start3A_166 : memref<1x1x128xi32, #tpu.memory_space<hbm>> -> memref<128xi32, #tpu.memory_space<hbm>>
    %dma_start3A_168 = arith.constant 9856 : i32
    %dma_start3A_169 = tpu.memref_slice %arg3[%dma_start3A_164, %add3A, %dma_start3A_168] : memref<2x32x10000xi32, #tpu.memory_space<hbm>> -> memref<1x1x128xi32, #tpu.memory_space<hbm>>
    %dma_start3A_170 = tpu.memref_squeeze %dma_start3A_169 : memref<1x1x128xi32, #tpu.memory_space<hbm>> -> memref<128xi32, #tpu.memory_space<hbm>>
    tpu.enqueue_dma source(%dma_start3A_170 : memref<128xi32, #tpu.memory_space<hbm>>) target(%arg12 : memref<128xi32, #tpu.memory_space<vmem>>) target_semaphore(%arg29 : memref<!tpu.dma_semaphore, #tpu.memory_space<semaphore_mem>>)
    %dma_start3A_171 = arith.constant 1 : i32
    %dma_start3A_172 = arith.constant 9856 : i32
    %dma_start3A_173 = tpu.memref_slice %arg3[%dma_start3A_171, %add3A, %dma_start3A_172] : memref<2x32x10000xi32, #tpu.memory_space<hbm>> -> memref<1x1x128xi32, #tpu.memory_space<hbm>>
    %dma_start3A_174 = tpu.memref_squeeze %dma_start3A_173 : memref<1x1x128xi32, #tpu.memory_space<hbm>> -> memref<128xi32, #tpu.memory_space<hbm>>
    %dma_start3A_175 = arith.constant 9856 : i32
    %dma_start3A_176 = tpu.memref_slice %arg3[%dma_start3A_171, %add3A, %dma_start3A_175] : memref<2x32x10000xi32, #tpu.memory_space<hbm>> -> memref<1x1x128xi32, #tpu.memory_space<hbm>>
    %dma_start3A_177 = tpu.memref_squeeze %dma_start3A_176 : memref<1x1x128xi32, #tpu.memory_space<hbm>> -> memref<128xi32, #tpu.memory_space<hbm>>
    tpu.enqueue_dma source(%dma_start3A_177 : memref<128xi32, #tpu.memory_space<hbm>>) target(%arg18 : memref<128xi32, #tpu.memory_space<vmem>>) target_semaphore(%arg35 : memref<!tpu.dma_semaphore, #tpu.memory_space<semaphore_mem>>)
    %dma_wait3A_178 = arith.constant 0 : i32
    %dma_wait3A_179 = arith.constant 0 : i32
    %dma_wait3A_180 = tpu.memref_slice %arg2[%dma_wait3A_178, %dma_wait3A_179] : memref<10000x128xf32, #tpu.memory_space<hbm>> -> memref<10000x128xf32, #tpu.memory_space<hbm>>
    tpu.wait_indirect_dma semaphore(%arg38 : memref<!tpu.dma_semaphore, #tpu.memory_space<semaphore_mem>>) src(%dma_wait3A_180 : memref<10000x128xf32, #tpu.memory_space<hbm>>) dst(%arg21 : memref<128x128xf32, #tpu.memory_space<vmem>>)
    %dma_start3A_181 = arith.constant 0 : i32
    %dma_start3A_182 = arith.constant 0 : i32
    %dma_start3A_183 = tpu.memref_slice %arg6[%dma_start3A_181, %dma_start3A_182] : memref<10000x128xf32, #tpu.memory_space<vmem_shared>> -> memref<10000x128xf32, #tpu.memory_space<vmem_shared>>
    tpu.enqueue_indirect_dma source(%arg21 : memref<128x128xf32, #tpu.memory_space<vmem>>) target(%dma_start3A_183 : memref<10000x128xf32, #tpu.memory_space<vmem_shared>>) offsets(%arg15 : memref<128xi32, #tpu.memory_space<vmem>>) semaphore(%arg41 : memref<!tpu.dma_semaphore, #tpu.memory_space<semaphore_mem>>) {add = true}
    %dma_wait3A_184 = arith.constant 0 : i32
    %dma_wait3A_185 = arith.constant 0 : i32
    %dma_wait3A_186 = tpu.memref_slice %arg6[%dma_wait3A_184, %dma_wait3A_185] : memref<10000x128xf32, #tpu.memory_space<vmem_shared>> -> memref<10000x128xf32, #tpu.memory_space<vmem_shared>>
    tpu.wait_indirect_dma semaphore(%arg40 : memref<!tpu.dma_semaphore, #tpu.memory_space<semaphore_mem>>) src(%arg20 : memref<128x128xf32, #tpu.memory_space<vmem>>) dst(%dma_wait3A_186 : memref<10000x128xf32, #tpu.memory_space<vmem_shared>>)
    %dma_wait3A_187 = arith.constant 0 : i32
    %dma_wait3A_188 = arith.constant 9728 : i32
    %dma_wait3A_189 = tpu.memref_slice %arg3[%dma_wait3A_187, %add3A, %dma_wait3A_188] : memref<2x32x10000xi32, #tpu.memory_space<hbm>> -> memref<1x1x128xi32, #tpu.memory_space<hbm>>
    %dma_wait3A_190 = tpu.memref_squeeze %dma_wait3A_189 : memref<1x1x128xi32, #tpu.memory_space<hbm>> -> memref<128xi32, #tpu.memory_space<hbm>>
    %dma_wait3A_191 = arith.constant 9728 : i32
    %dma_wait3A_192 = tpu.memref_slice %arg3[%dma_wait3A_187, %add3A, %dma_wait3A_191] : memref<2x32x10000xi32, #tpu.memory_space<hbm>> -> memref<1x1x128xi32, #tpu.memory_space<hbm>>
    %dma_wait3A_193 = tpu.memref_squeeze %dma_wait3A_192 : memref<1x1x128xi32, #tpu.memory_space<hbm>> -> memref<128xi32, #tpu.memory_space<hbm>>
    tpu.wait_dma2 semaphore(%arg28 : memref<!tpu.dma_semaphore, #tpu.memory_space<semaphore_mem>>) src(%dma_wait3A_193 : memref<128xi32, #tpu.memory_space<hbm>>) dst(%arg11 : memref<128xi32, #tpu.memory_space<vmem>>)
    %dma_wait3A_194 = arith.constant 1 : i32
    %dma_wait3A_195 = arith.constant 9728 : i32
    %dma_wait3A_196 = tpu.memref_slice %arg3[%dma_wait3A_194, %add3A, %dma_wait3A_195] : memref<2x32x10000xi32, #tpu.memory_space<hbm>> -> memref<1x1x128xi32, #tpu.memory_space<hbm>>
    %dma_wait3A_197 = tpu.memref_squeeze %dma_wait3A_196 : memref<1x1x128xi32, #tpu.memory_space<hbm>> -> memref<128xi32, #tpu.memory_space<hbm>>
    %dma_wait3A_198 = arith.constant 9728 : i32
    %dma_wait3A_199 = tpu.memref_slice %arg3[%dma_wait3A_194, %add3A, %dma_wait3A_198] : memref<2x32x10000xi32, #tpu.memory_space<hbm>> -> memref<1x1x128xi32, #tpu.memory_space<hbm>>
    %dma_wait3A_200 = tpu.memref_squeeze %dma_wait3A_199 : memref<1x1x128xi32, #tpu.memory_space<hbm>> -> memref<128xi32, #tpu.memory_space<hbm>>
    tpu.wait_dma2 semaphore(%arg34 : memref<!tpu.dma_semaphore, #tpu.memory_space<semaphore_mem>>) src(%dma_wait3A_200 : memref<128xi32, #tpu.memory_space<hbm>>) dst(%arg17 : memref<128xi32, #tpu.memory_space<vmem>>)
    %dma_start3A_201 = arith.constant 0 : i32
    %dma_start3A_202 = arith.constant 0 : i32
    %dma_start3A_203 = tpu.memref_slice %arg2[%dma_start3A_201, %dma_start3A_202] : memref<10000x128xf32, #tpu.memory_space<hbm>> -> memref<10000x128xf32, #tpu.memory_space<hbm>>
    tpu.enqueue_indirect_dma source(%dma_start3A_203 : memref<10000x128xf32, #tpu.memory_space<hbm>>) target(%arg20 : memref<128x128xf32, #tpu.memory_space<vmem>>) offsets(%arg11 : memref<128xi32, #tpu.memory_space<vmem>>) semaphore(%arg37 : memref<!tpu.dma_semaphore, #tpu.memory_space<semaphore_mem>>)
    %dma_wait3A_204 = arith.constant 0 : i32
    %dma_wait3A_205 = arith.constant 0 : i32
    %dma_wait3A_206 = tpu.memref_slice %arg2[%dma_wait3A_204, %dma_wait3A_205] : memref<10000x128xf32, #tpu.memory_space<hbm>> -> memref<10000x128xf32, #tpu.memory_space<hbm>>
    tpu.wait_indirect_dma semaphore(%arg36 : memref<!tpu.dma_semaphore, #tpu.memory_space<semaphore_mem>>) src(%dma_wait3A_206 : memref<10000x128xf32, #tpu.memory_space<hbm>>) dst(%arg19 : memref<128x128xf32, #tpu.memory_space<vmem>>)
    %dma_start3A_207 = arith.constant 0 : i32
    %dma_start3A_208 = arith.constant 0 : i32
    %dma_start3A_209 = tpu.memref_slice %arg6[%dma_start3A_207, %dma_start3A_208] : memref<10000x128xf32, #tpu.memory_space<vmem_shared>> -> memref<10000x128xf32, #tpu.memory_space<vmem_shared>>
    tpu.enqueue_indirect_dma source(%arg19 : memref<128x128xf32, #tpu.memory_space<vmem>>) target(%dma_start3A_209 : memref<10000x128xf32, #tpu.memory_space<vmem_shared>>) offsets(%arg16 : memref<128xi32, #tpu.memory_space<vmem>>) semaphore(%arg39 : memref<!tpu.dma_semaphore, #tpu.memory_space<semaphore_mem>>) {add = true}
    %dma_wait3A_210 = arith.constant 0 : i32
    %dma_wait3A_211 = arith.constant 0 : i32
    %dma_wait3A_212 = tpu.memref_slice %arg6[%dma_wait3A_210, %dma_wait3A_211] : memref<10000x128xf32, #tpu.memory_space<vmem_shared>> -> memref<10000x128xf32, #tpu.memory_space<vmem_shared>>
    tpu.wait_indirect_dma semaphore(%arg41 : memref<!tpu.dma_semaphore, #tpu.memory_space<semaphore_mem>>) src(%arg21 : memref<128x128xf32, #tpu.memory_space<vmem>>) dst(%dma_wait3A_212 : memref<10000x128xf32, #tpu.memory_space<vmem_shared>>)
    %dma_wait3A_213 = arith.constant 0 : i32
    %dma_wait3A_214 = arith.constant 9856 : i32
    %dma_wait3A_215 = tpu.memref_slice %arg3[%dma_wait3A_213, %add3A, %dma_wait3A_214] : memref<2x32x10000xi32, #tpu.memory_space<hbm>> -> memref<1x1x128xi32, #tpu.memory_space<hbm>>
    %dma_wait3A_216 = tpu.memref_squeeze %dma_wait3A_215 : memref<1x1x128xi32, #tpu.memory_space<hbm>> -> memref<128xi32, #tpu.memory_space<hbm>>
    %dma_wait3A_217 = arith.constant 9856 : i32
    %dma_wait3A_218 = tpu.memref_slice %arg3[%dma_wait3A_213, %add3A, %dma_wait3A_217] : memref<2x32x10000xi32, #tpu.memory_space<hbm>> -> memref<1x1x128xi32, #tpu.memory_space<hbm>>
    %dma_wait3A_219 = tpu.memref_squeeze %dma_wait3A_218 : memref<1x1x128xi32, #tpu.memory_space<hbm>> -> memref<128xi32, #tpu.memory_space<hbm>>
    tpu.wait_dma2 semaphore(%arg29 : memref<!tpu.dma_semaphore, #tpu.memory_space<semaphore_mem>>) src(%dma_wait3A_219 : memref<128xi32, #tpu.memory_space<hbm>>) dst(%arg12 : memref<128xi32, #tpu.memory_space<vmem>>)
    %dma_wait3A_220 = arith.constant 1 : i32
    %dma_wait3A_221 = arith.constant 9856 : i32
    %dma_wait3A_222 = tpu.memref_slice %arg3[%dma_wait3A_220, %add3A, %dma_wait3A_221] : memref<2x32x10000xi32, #tpu.memory_space<hbm>> -> memref<1x1x128xi32, #tpu.memory_space<hbm>>
    %dma_wait3A_223 = tpu.memref_squeeze %dma_wait3A_222 : memref<1x1x128xi32, #tpu.memory_space<hbm>> -> memref<128xi32, #tpu.memory_space<hbm>>
    %dma_wait3A_224 = arith.constant 9856 : i32
    %dma_wait3A_225 = tpu.memref_slice %arg3[%dma_wait3A_220, %add3A, %dma_wait3A_224] : memref<2x32x10000xi32, #tpu.memory_space<hbm>> -> memref<1x1x128xi32, #tpu.memory_space<hbm>>
    %dma_wait3A_226 = tpu.memref_squeeze %dma_wait3A_225 : memref<1x1x128xi32, #tpu.memory_space<hbm>> -> memref<128xi32, #tpu.memory_space<hbm>>
    tpu.wait_dma2 semaphore(%arg35 : memref<!tpu.dma_semaphore, #tpu.memory_space<semaphore_mem>>) src(%dma_wait3A_226 : memref<128xi32, #tpu.memory_space<hbm>>) dst(%arg18 : memref<128xi32, #tpu.memory_space<vmem>>)
    %dma_start3A_227 = arith.constant 0 : i32
    %dma_start3A_228 = arith.constant 0 : i32
    %dma_start3A_229 = tpu.memref_slice %arg2[%dma_start3A_227, %dma_start3A_228] : memref<10000x128xf32, #tpu.memory_space<hbm>> -> memref<10000x128xf32, #tpu.memory_space<hbm>>
    tpu.enqueue_indirect_dma source(%dma_start3A_229 : memref<10000x128xf32, #tpu.memory_space<hbm>>) target(%arg21 : memref<128x128xf32, #tpu.memory_space<vmem>>) offsets(%arg12 : memref<128xi32, #tpu.memory_space<vmem>>) semaphore(%arg38 : memref<!tpu.dma_semaphore, #tpu.memory_space<semaphore_mem>>)
    %dma_wait3A_230 = arith.constant 0 : i32
    %dma_wait3A_231 = arith.constant 0 : i32
    %dma_wait3A_232 = tpu.memref_slice %arg2[%dma_wait3A_230, %dma_wait3A_231] : memref<10000x128xf32, #tpu.memory_space<hbm>> -> memref<10000x128xf32, #tpu.memory_space<hbm>>
    tpu.wait_indirect_dma semaphore(%arg37 : memref<!tpu.dma_semaphore, #tpu.memory_space<semaphore_mem>>) src(%dma_wait3A_232 : memref<10000x128xf32, #tpu.memory_space<hbm>>) dst(%arg20 : memref<128x128xf32, #tpu.memory_space<vmem>>)
    %dma_start3A_233 = arith.constant 0 : i32
    %dma_start3A_234 = arith.constant 0 : i32
    %dma_start3A_235 = tpu.memref_slice %arg6[%dma_start3A_233, %dma_start3A_234] : memref<10000x128xf32, #tpu.memory_space<vmem_shared>> -> memref<10000x128xf32, #tpu.memory_space<vmem_shared>>
    tpu.enqueue_indirect_dma source(%arg20 : memref<128x128xf32, #tpu.memory_space<vmem>>) target(%dma_start3A_235 : memref<10000x128xf32, #tpu.memory_space<vmem_shared>>) offsets(%arg17 : memref<128xi32, #tpu.memory_space<vmem>>) semaphore(%arg40 : memref<!tpu.dma_semaphore, #tpu.memory_space<semaphore_mem>>) {add = true}
    %dma_wait3A_236 = arith.constant 0 : i32
    %dma_wait3A_237 = arith.constant 0 : i32
    %dma_wait3A_238 = tpu.memref_slice %arg6[%dma_wait3A_236, %dma_wait3A_237] : memref<10000x128xf32, #tpu.memory_space<vmem_shared>> -> memref<10000x128xf32, #tpu.memory_space<vmem_shared>>
    tpu.wait_indirect_dma semaphore(%arg39 : memref<!tpu.dma_semaphore, #tpu.memory_space<semaphore_mem>>) src(%arg19 : memref<128x128xf32, #tpu.memory_space<vmem>>) dst(%dma_wait3A_238 : memref<10000x128xf32, #tpu.memory_space<vmem_shared>>)
    %dma_wait3A_239 = arith.constant 0 : i32
    %dma_wait3A_240 = arith.constant 0 : i32
    %dma_wait3A_241 = tpu.memref_slice %arg2[%dma_wait3A_239, %dma_wait3A_240] : memref<10000x128xf32, #tpu.memory_space<hbm>> -> memref<10000x128xf32, #tpu.memory_space<hbm>>
    tpu.wait_indirect_dma semaphore(%arg38 : memref<!tpu.dma_semaphore, #tpu.memory_space<semaphore_mem>>) src(%dma_wait3A_241 : memref<10000x128xf32, #tpu.memory_space<hbm>>) dst(%arg21 : memref<128x128xf32, #tpu.memory_space<vmem>>)
    %dma_start3A_242 = arith.constant 0 : i32
    %dma_start3A_243 = arith.constant 0 : i32
    %dma_start3A_244 = tpu.memref_slice %arg6[%dma_start3A_242, %dma_start3A_243] : memref<10000x128xf32, #tpu.memory_space<vmem_shared>> -> memref<10000x128xf32, #tpu.memory_space<vmem_shared>>
    tpu.enqueue_indirect_dma source(%arg21 : memref<128x128xf32, #tpu.memory_space<vmem>>) target(%dma_start3A_244 : memref<10000x128xf32, #tpu.memory_space<vmem_shared>>) offsets(%arg18 : memref<128xi32, #tpu.memory_space<vmem>>) semaphore(%arg41 : memref<!tpu.dma_semaphore, #tpu.memory_space<semaphore_mem>>) {add = true}
    %dma_wait3A_245 = arith.constant 0 : i32
    %dma_wait3A_246 = arith.constant 0 : i32
    %dma_wait3A_247 = tpu.memref_slice %arg6[%dma_wait3A_245, %dma_wait3A_246] : memref<10000x128xf32, #tpu.memory_space<vmem_shared>> -> memref<10000x128xf32, #tpu.memory_space<vmem_shared>>
    tpu.wait_indirect_dma semaphore(%arg40 : memref<!tpu.dma_semaphore, #tpu.memory_space<semaphore_mem>>) src(%arg20 : memref<128x128xf32, #tpu.memory_space<vmem>>) dst(%dma_wait3A_247 : memref<10000x128xf32, #tpu.memory_space<vmem_shared>>)
    %dma_wait3A_248 = arith.constant 0 : i32
    %dma_wait3A_249 = arith.constant 0 : i32
    %dma_wait3A_250 = tpu.memref_slice %arg6[%dma_wait3A_248, %dma_wait3A_249] : memref<10000x128xf32, #tpu.memory_space<vmem_shared>> -> memref<10000x128xf32, #tpu.memory_space<vmem_shared>>
    tpu.wait_indirect_dma semaphore(%arg41 : memref<!tpu.dma_semaphore, #tpu.memory_space<semaphore_mem>>) src(%arg21 : memref<128x128xf32, #tpu.memory_space<vmem>>) dst(%dma_wait3A_250 : memref<10000x128xf32, #tpu.memory_space<vmem_shared>>)
    %run_scoped3A = arith.constant 0 : i32
    "tpu.region"() ({
      %run_scoped3A_265 = tpu.sem_alloc : memref<!tpu.dma_semaphore, #tpu.memory_space<semaphore_mem>>
      %dma_start3A_266 = arith.constant 9984 : i32
      %dma_start3A_267 = tpu.memref_slice %arg3[%run_scoped3A, %add3A, %dma_start3A_266] : memref<2x32x10000xi32, #tpu.memory_space<hbm>> -> memref<1x1x16xi32, #tpu.memory_space<hbm>>
      %dma_start3A_268 = tpu.memref_squeeze %dma_start3A_267 : memref<1x1x16xi32, #tpu.memory_space<hbm>> -> memref<16xi32, #tpu.memory_space<hbm>>
      %dma_start3A_269 = arith.constant 9984 : i32
      %dma_start3A_270 = tpu.memref_slice %arg3[%run_scoped3A, %add3A, %dma_start3A_269] : memref<2x32x10000xi32, #tpu.memory_space<hbm>> -> memref<1x1x16xi32, #tpu.memory_space<hbm>>
      %dma_start3A_271 = tpu.memref_squeeze %dma_start3A_270 : memref<1x1x16xi32, #tpu.memory_space<hbm>> -> memref<16xi32, #tpu.memory_space<hbm>>
      tpu.enqueue_dma source(%dma_start3A_271 : memref<16xi32, #tpu.memory_space<hbm>>) target(%arg22 : memref<16xi32, #tpu.memory_space<vmem>>) target_semaphore(%run_scoped3A_265 : memref<!tpu.dma_semaphore, #tpu.memory_space<semaphore_mem>>)
      %dma_wait3A_272 = arith.constant 9984 : i32
      %dma_wait3A_273 = tpu.memref_slice %arg3[%run_scoped3A, %add3A, %dma_wait3A_272] : memref<2x32x10000xi32, #tpu.memory_space<hbm>> -> memref<1x1x16xi32, #tpu.memory_space<hbm>>
      %dma_wait3A_274 = tpu.memref_squeeze %dma_wait3A_273 : memref<1x1x16xi32, #tpu.memory_space<hbm>> -> memref<16xi32, #tpu.memory_space<hbm>>
      %dma_wait3A_275 = arith.constant 9984 : i32
      %dma_wait3A_276 = tpu.memref_slice %arg3[%run_scoped3A, %add3A, %dma_wait3A_275] : memref<2x32x10000xi32, #tpu.memory_space<hbm>> -> memref<1x1x16xi32, #tpu.memory_space<hbm>>
      %dma_wait3A_277 = tpu.memref_squeeze %dma_wait3A_276 : memref<1x1x16xi32, #tpu.memory_space<hbm>> -> memref<16xi32, #tpu.memory_space<hbm>>
      tpu.wait_dma2 semaphore(%run_scoped3A_265 : memref<!tpu.dma_semaphore, #tpu.memory_space<semaphore_mem>>) src(%dma_wait3A_277 : memref<16xi32, #tpu.memory_space<hbm>>) dst(%arg22 : memref<16xi32, #tpu.memory_space<vmem>>)
      tpu.yield
    }) : () -> ()
    %run_scoped3A_251 = arith.constant 1 : i32
    "tpu.region"() ({
      %run_scoped3A_265 = tpu.sem_alloc : memref<!tpu.dma_semaphore, #tpu.memory_space<semaphore_mem>>
      %dma_start3A_266 = arith.constant 9984 : i32
      %dma_start3A_267 = tpu.memref_slice %arg3[%run_scoped3A_251, %add3A, %dma_start3A_266] : memref<2x32x10000xi32, #tpu.memory_space<hbm>> -> memref<1x1x16xi32, #tpu.memory_space<hbm>>
      %dma_start3A_268 = tpu.memref_squeeze %dma_start3A_267 : memref<1x1x16xi32, #tpu.memory_space<hbm>> -> memref<16xi32, #tpu.memory_space<hbm>>
      %dma_start3A_269 = arith.constant 9984 : i32
      %dma_start3A_270 = tpu.memref_slice %arg3[%run_scoped3A_251, %add3A, %dma_start3A_269] : memref<2x32x10000xi32, #tpu.memory_space<hbm>> -> memref<1x1x16xi32, #tpu.memory_space<hbm>>
      %dma_start3A_271 = tpu.memref_squeeze %dma_start3A_270 : memref<1x1x16xi32, #tpu.memory_space<hbm>> -> memref<16xi32, #tpu.memory_space<hbm>>
      tpu.enqueue_dma source(%dma_start3A_271 : memref<16xi32, #tpu.memory_space<hbm>>) target(%arg23 : memref<16xi32, #tpu.memory_space<vmem>>) target_semaphore(%run_scoped3A_265 : memref<!tpu.dma_semaphore, #tpu.memory_space<semaphore_mem>>)
      %dma_wait3A_272 = arith.constant 9984 : i32
      %dma_wait3A_273 = tpu.memref_slice %arg3[%run_scoped3A_251, %add3A, %dma_wait3A_272] : memref<2x32x10000xi32, #tpu.memory_space<hbm>> -> memref<1x1x16xi32, #tpu.memory_space<hbm>>
      %dma_wait3A_274 = tpu.memref_squeeze %dma_wait3A_273 : memref<1x1x16xi32, #tpu.memory_space<hbm>> -> memref<16xi32, #tpu.memory_space<hbm>>
      %dma_wait3A_275 = arith.constant 9984 : i32
      %dma_wait3A_276 = tpu.memref_slice %arg3[%run_scoped3A_251, %add3A, %dma_wait3A_275] : memref<2x32x10000xi32, #tpu.memory_space<hbm>> -> memref<1x1x16xi32, #tpu.memory_space<hbm>>
      %dma_wait3A_277 = tpu.memref_squeeze %dma_wait3A_276 : memref<1x1x16xi32, #tpu.memory_space<hbm>> -> memref<16xi32, #tpu.memory_space<hbm>>
      tpu.wait_dma2 semaphore(%run_scoped3A_265 : memref<!tpu.dma_semaphore, #tpu.memory_space<semaphore_mem>>) src(%dma_wait3A_277 : memref<16xi32, #tpu.memory_space<hbm>>) dst(%arg23 : memref<16xi32, #tpu.memory_space<vmem>>)
      tpu.yield
    }) : () -> ()
    "tpu.region"() ({
      %run_scoped3A_265 = tpu.sem_alloc : memref<!tpu.dma_semaphore, #tpu.memory_space<semaphore_mem>>
      %dma_start3A_266 = arith.constant 0 : i32
      %dma_start3A_267 = arith.constant 0 : i32
      %dma_start3A_268 = tpu.memref_slice %arg19[%dma_start3A_266, %dma_start3A_267] : memref<128x128xf32, #tpu.memory_space<vmem>> -> memref<16x128xf32, #tpu.memory_space<vmem>>
      %dma_start3A_269 = arith.constant 0 : i32
      %dma_start3A_270 = arith.constant 0 : i32
      %dma_start3A_271 = tpu.memref_slice %arg2[%dma_start3A_269, %dma_start3A_270] : memref<10000x128xf32, #tpu.memory_space<hbm>> -> memref<10000x128xf32, #tpu.memory_space<hbm>>
      tpu.enqueue_indirect_dma source(%dma_start3A_271 : memref<10000x128xf32, #tpu.memory_space<hbm>>) target(%dma_start3A_268 : memref<16x128xf32, #tpu.memory_space<vmem>>) offsets(%arg22 : memref<16xi32, #tpu.memory_space<vmem>>) semaphore(%run_scoped3A_265 : memref<!tpu.dma_semaphore, #tpu.memory_space<semaphore_mem>>)
      %dma_wait3A_272 = arith.constant 0 : i32
      %dma_wait3A_273 = arith.constant 0 : i32
      %dma_wait3A_274 = tpu.memref_slice %arg19[%dma_wait3A_272, %dma_wait3A_273] : memref<128x128xf32, #tpu.memory_space<vmem>> -> memref<16x128xf32, #tpu.memory_space<vmem>>
      %dma_wait3A_275 = arith.constant 0 : i32
      %dma_wait3A_276 = arith.constant 0 : i32
      %dma_wait3A_277 = tpu.memref_slice %arg2[%dma_wait3A_275, %dma_wait3A_276] : memref<10000x128xf32, #tpu.memory_space<hbm>> -> memref<10000x128xf32, #tpu.memory_space<hbm>>
      tpu.wait_indirect_dma semaphore(%run_scoped3A_265 : memref<!tpu.dma_semaphore, #tpu.memory_space<semaphore_mem>>) src(%dma_wait3A_277 : memref<10000x128xf32, #tpu.memory_space<hbm>>) dst(%dma_wait3A_274 : memref<16x128xf32, #tpu.memory_space<vmem>>)
      tpu.yield
    }) : () -> ()
    "tpu.region"() ({
      %run_scoped3A_265 = tpu.sem_alloc : memref<!tpu.dma_semaphore, #tpu.memory_space<semaphore_mem>>
      %dma_start3A_266 = arith.constant 0 : i32
      %dma_start3A_267 = arith.constant 0 : i32
      %dma_start3A_268 = tpu.memref_slice %arg19[%dma_start3A_266, %dma_start3A_267] : memref<128x128xf32, #tpu.memory_space<vmem>> -> memref<16x128xf32, #tpu.memory_space<vmem>>
      %dma_start3A_269 = arith.constant 0 : i32
      %dma_start3A_270 = arith.constant 0 : i32
      %dma_start3A_271 = tpu.memref_slice %arg6[%dma_start3A_269, %dma_start3A_270] : memref<10000x128xf32, #tpu.memory_space<vmem_shared>> -> memref<10000x128xf32, #tpu.memory_space<vmem_shared>>
      tpu.enqueue_indirect_dma source(%dma_start3A_268 : memref<16x128xf32, #tpu.memory_space<vmem>>) target(%dma_start3A_271 : memref<10000x128xf32, #tpu.memory_space<vmem_shared>>) offsets(%arg23 : memref<16xi32, #tpu.memory_space<vmem>>) semaphore(%run_scoped3A_265 : memref<!tpu.dma_semaphore, #tpu.memory_space<semaphore_mem>>) {add = true}
      %dma_wait3A_272 = arith.constant 0 : i32
      %dma_wait3A_273 = arith.constant 0 : i32
      %dma_wait3A_274 = tpu.memref_slice %arg19[%dma_wait3A_272, %dma_wait3A_273] : memref<128x128xf32, #tpu.memory_space<vmem>> -> memref<16x128xf32, #tpu.memory_space<vmem>>
      %dma_wait3A_275 = arith.constant 0 : i32
      %dma_wait3A_276 = arith.constant 0 : i32
      %dma_wait3A_277 = tpu.memref_slice %arg6[%dma_wait3A_275, %dma_wait3A_276] : memref<10000x128xf32, #tpu.memory_space<vmem_shared>> -> memref<10000x128xf32, #tpu.memory_space<vmem_shared>>
      tpu.wait_indirect_dma semaphore(%run_scoped3A_265 : memref<!tpu.dma_semaphore, #tpu.memory_space<semaphore_mem>>) src(%dma_wait3A_274 : memref<16x128xf32, #tpu.memory_space<vmem>>) dst(%dma_wait3A_277 : memref<10000x128xf32, #tpu.memory_space<vmem_shared>>)
      tpu.yield
    }) : () -> ()
    %barrier3A_252 = arith.constant 0 : index
    tpu.barrier barrier_id(%barrier3A_252)
    %mul3A_253 = arith.constant 640 : i32
    %mul3A_254 = arith.muli %arg1, %mul3A_253 : i32
    %lt3A_255 = arith.constant 15 : i32
    %lt3A_256 = arith.cmpi slt, %arg1, %lt3A_255 : i32
    %convert_element_type3A_257 = arith.extui %lt3A_256 : i1 to i32
    %cond3A_258 = arith.constant 0 : i32
    %cond3A_259 = arith.cmpi ne, %convert_element_type3A_257, %cond3A_258 : i32
    scf.if %cond3A_259 {
      "tpu.region"() ({
        %run_scoped3A_265 = tpu.sem_alloc : memref<!tpu.dma_semaphore, #tpu.memory_space<semaphore_mem>>
        %dma_start3A_266 = arith.constant 0 : i32
        %dma_start3A_267 = arith.constant 0 : i32
        %dma_start3A_268 = tpu.memref_slice %arg5[%arg0, %dma_start3A_266, %dma_start3A_267] : memref<2x10000x128xf32, #tpu.memory_space<hbm>> -> memref<1x10000x128xf32, #tpu.memory_space<hbm>>
        %dma_start3A_269 = tpu.memref_squeeze %dma_start3A_268 : memref<1x10000x128xf32, #tpu.memory_space<hbm>> -> memref<10000x128xf32, #tpu.memory_space<hbm>>
        %dma_start3A_270 = arith.constant 0 : i32
        %dma_start3A_271 = tpu.memref_slice %dma_start3A_269[%mul3A_254, %dma_start3A_270] : memref<10000x128xf32, #tpu.memory_space<hbm>> -> memref<640x128xf32, #tpu.memory_space<hbm>>
        %dma_start3A_272 = arith.constant 0 : i32
        %dma_start3A_273 = tpu.memref_slice %arg6[%mul3A_254, %dma_start3A_272] : memref<10000x128xf32, #tpu.memory_space<vmem_shared>> -> memref<640x128xf32, #tpu.memory_space<vmem_shared>>
        tpu.enqueue_dma source(%dma_start3A_273 : memref<640x128xf32, #tpu.memory_space<vmem_shared>>) target(%dma_start3A_271 : memref<640x128xf32, #tpu.memory_space<hbm>>) target_semaphore(%run_scoped3A_265 : memref<!tpu.dma_semaphore, #tpu.memory_space<semaphore_mem>>)
        %dma_wait3A_274 = arith.constant 0 : i32
        %dma_wait3A_275 = arith.constant 0 : i32
        %dma_wait3A_276 = tpu.memref_slice %arg5[%arg0, %dma_wait3A_274, %dma_wait3A_275] : memref<2x10000x128xf32, #tpu.memory_space<hbm>> -> memref<1x10000x128xf32, #tpu.memory_space<hbm>>
        %dma_wait3A_277 = tpu.memref_squeeze %dma_wait3A_276 : memref<1x10000x128xf32, #tpu.memory_space<hbm>> -> memref<10000x128xf32, #tpu.memory_space<hbm>>
        %dma_wait3A_278 = arith.constant 0 : i32
        %dma_wait3A_279 = tpu.memref_slice %dma_wait3A_277[%mul3A_254, %dma_wait3A_278] : memref<10000x128xf32, #tpu.memory_space<hbm>> -> memref<640x128xf32, #tpu.memory_space<hbm>>
        %dma_wait3A_280 = arith.constant 0 : i32
        %dma_wait3A_281 = tpu.memref_slice %arg6[%mul3A_254, %dma_wait3A_280] : memref<10000x128xf32, #tpu.memory_space<vmem_shared>> -> memref<640x128xf32, #tpu.memory_space<vmem_shared>>
        tpu.wait_dma2 semaphore(%run_scoped3A_265 : memref<!tpu.dma_semaphore, #tpu.memory_space<semaphore_mem>>) src(%dma_wait3A_281 : memref<640x128xf32, #tpu.memory_space<vmem_shared>>) dst(%dma_wait3A_279 : memref<640x128xf32, #tpu.memory_space<hbm>>)
        tpu.yield
      }) : () -> ()
    } else {
    }
    %eq3A_260 = arith.constant 15 : i32
    %eq3A_261 = arith.cmpi eq, %arg1, %eq3A_260 : i32
    %convert_element_type3A_262 = arith.extui %eq3A_261 : i1 to i32
    %cond3A_263 = arith.constant 0 : i32
    %cond3A_264 = arith.cmpi ne, %convert_element_type3A_262, %cond3A_263 : i32
    scf.if %cond3A_264 {
      "tpu.region"() ({
        %run_scoped3A_265 = tpu.sem_alloc : memref<!tpu.dma_semaphore, #tpu.memory_space<semaphore_mem>>
        %dma_start3A_266 = arith.constant 0 : i32
        %dma_start3A_267 = arith.constant 0 : i32
        %dma_start3A_268 = tpu.memref_slice %arg5[%arg0, %dma_start3A_266, %dma_start3A_267] : memref<2x10000x128xf32, #tpu.memory_space<hbm>> -> memref<1x10000x128xf32, #tpu.memory_space<hbm>>
        %dma_start3A_269 = tpu.memref_squeeze %dma_start3A_268 : memref<1x10000x128xf32, #tpu.memory_space<hbm>> -> memref<10000x128xf32, #tpu.memory_space<hbm>>
        %dma_start3A_270 = arith.constant 0 : i32
        %dma_start3A_271 = tpu.memref_slice %dma_start3A_269[%mul3A_254, %dma_start3A_270] : memref<10000x128xf32, #tpu.memory_space<hbm>> -> memref<400x128xf32, #tpu.memory_space<hbm>>
        %dma_start3A_272 = arith.constant 0 : i32
        %dma_start3A_273 = tpu.memref_slice %arg6[%mul3A_254, %dma_start3A_272] : memref<10000x128xf32, #tpu.memory_space<vmem_shared>> -> memref<400x128xf32, #tpu.memory_space<vmem_shared>>
        tpu.enqueue_dma source(%dma_start3A_273 : memref<400x128xf32, #tpu.memory_space<vmem_shared>>) target(%dma_start3A_271 : memref<400x128xf32, #tpu.memory_space<hbm>>) target_semaphore(%run_scoped3A_265 : memref<!tpu.dma_semaphore, #tpu.memory_space<semaphore_mem>>)
        %dma_wait3A_274 = arith.constant 0 : i32
        %dma_wait3A_275 = arith.constant 0 : i32
        %dma_wait3A_276 = tpu.memref_slice %arg5[%arg0, %dma_wait3A_274, %dma_wait3A_275] : memref<2x10000x128xf32, #tpu.memory_space<hbm>> -> memref<1x10000x128xf32, #tpu.memory_space<hbm>>
        %dma_wait3A_277 = tpu.memref_squeeze %dma_wait3A_276 : memref<1x10000x128xf32, #tpu.memory_space<hbm>> -> memref<10000x128xf32, #tpu.memory_space<hbm>>
        %dma_wait3A_278 = arith.constant 0 : i32
        %dma_wait3A_279 = tpu.memref_slice %dma_wait3A_277[%mul3A_254, %dma_wait3A_278] : memref<10000x128xf32, #tpu.memory_space<hbm>> -> memref<400x128xf32, #tpu.memory_space<hbm>>
        %dma_wait3A_280 = arith.constant 0 : i32
        %dma_wait3A_281 = tpu.memref_slice %arg6[%mul3A_254, %dma_wait3A_280] : memref<10000x128xf32, #tpu.memory_space<vmem_shared>> -> memref<400x128xf32, #tpu.memory_space<vmem_shared>>
        tpu.wait_dma2 semaphore(%run_scoped3A_265 : memref<!tpu.dma_semaphore, #tpu.memory_space<semaphore_mem>>) src(%dma_wait3A_281 : memref<400x128xf32, #tpu.memory_space<vmem_shared>>) dst(%dma_wait3A_279 : memref<400x128xf32, #tpu.memory_space<hbm>>)
        tpu.yield
      }) : () -> ()
    } else {
    }
    return
  }
}

module attributes {stable_mosaic.version = 14 : i64} {
  func.func @body(%arg0: i32, %arg1: memref<2000x128xf32, #tpu.memory_space<vmem>>, %arg2: memref<2x2000x8xf32, #tpu.memory_space<vmem>>, %arg3: memref<2000x128xf32, #tpu.memory_space<vmem>>) attributes {dimension_semantics = [#tpu.dimension_semantics<arbitrary>], iteration_bounds = array<i64: 5>, scalar_prefetch = 0 : i64, scratch_operands = 0 : i64, tpu.core_type = #tpu.core_type<tc>, window_params = [{transform_indices = @transform_0, window_bounds = array<i64: 2000, 128>}, {transform_indices = @transform_1, window_bounds = array<i64: 2, 2000, 8>}, {transform_indices = @transform_2, window_bounds = array<i64: 2000, 128>}]} {
    %get3A = arith.constant 0 : index
    %get3A_0 = arith.constant 0 : index
    %get3A_1 = vector.load %arg1[%get3A, %get3A_0] : memref<2000x128xf32, #tpu.memory_space<vmem>>, vector<2000x128xf32>
    %get3A_2 = arith.constant 0 : index
    %get3A_3 = arith.constant 0 : index
    %get3A_4 = arith.constant 0 : index
    %get3A_5 = vector.load %arg2[%get3A_2, %get3A_3, %get3A_4] : memref<2x2000x8xf32, #tpu.memory_space<vmem>>, vector<1x2000x1xf32>
    %get3A_6 = vector.shape_cast %get3A_5 : vector<1x2000x1xf32> to vector<2000x1xf32>
    %get3A_7 = arith.constant 1 : index
    %get3A_8 = arith.constant 0 : index
    %get3A_9 = arith.constant 0 : index
    %get3A_10 = vector.load %arg2[%get3A_7, %get3A_8, %get3A_9] : memref<2x2000x8xf32, #tpu.memory_space<vmem>>, vector<1x2000x1xf32>
    %get3A_11 = vector.shape_cast %get3A_10 : vector<1x2000x1xf32> to vector<2000x1xf32>
    %add3A = arith.addf %get3A_6, %get3A_11 : vector<2000x1xf32>
    %add3A_12 = arith.constant 1.000000e+00 : f32
    %add3A_13 = vector.broadcast %add3A_12 : f32 to vector<2000x1xf32>
    %add3A_14 = arith.addf %add3A, %add3A_13 : vector<2000x1xf32>
    %rsqrt3A = math.rsqrt %add3A_14 : vector<2000x1xf32>
    %mul3A = vector.broadcast %rsqrt3A : vector<2000x1xf32> to vector<2000x128xf32>
    %mul3A_15 = arith.mulf %get3A_1, %mul3A : vector<2000x128xf32>
    %swap3A = arith.constant 0 : index
    %swap3A_16 = arith.constant 0 : index
    %swap3A_17 = vector.load %arg3[%swap3A, %swap3A_16] : memref<2000x128xf32, #tpu.memory_space<vmem>>, vector<2000x128xf32>
    tpu.vector_store %arg3[%swap3A, %swap3A_16], %mul3A_15 {strides = array<i32>} : memref<2000x128xf32, #tpu.memory_space<vmem>>, vector<2000x128xf32>,
    return
  }
  func.func @transform_0(%arg0: i32) -> (i32, i32) {
    %c0_i32 = arith.constant 0 : i32
    %c0_i32_0 = arith.constant 0 : i32
    return %arg0, %c0_i32 : i32, i32
  }
  func.func @transform_1(%arg0: i32) -> (i32, i32, i32) {
    %c0_i32 = arith.constant 0 : i32
    %c0_i32_0 = arith.constant 0 : i32
    %c0_i32_1 = arith.constant 0 : i32
    return %c0_i32, %arg0, %c0_i32_0 : i32, i32, i32
  }
  func.func @transform_2(%arg0: i32) -> (i32, i32) {
    %c0_i32 = arith.constant 0 : i32
    %c0_i32_0 = arith.constant 0 : i32
    return %arg0, %c0_i32 : i32, i32
  }
}

module attributes {stable_mosaic.version = 14 : i64} {
  func.func @body(%arg0: i32, %arg1: memref<2x2000x128xf32, #tpu.memory_space<vmem>>, %arg2: memref<2000x128xf32, #tpu.memory_space<vmem>>, %arg3: memref<2x2000x8xf32, #tpu.memory_space<vmem>>, %arg4: memref<128x128xf32, #tpu.memory_space<vmem>>, %arg5: memref<1x128xf32, #tpu.memory_space<vmem>>, %arg6: memref<64x128xf32, #tpu.memory_space<vmem>>, %arg7: memref<2000x64xf32, #tpu.memory_space<vmem>>) attributes {dimension_semantics = [#tpu.dimension_semantics<arbitrary>], iteration_bounds = array<i64: 5>, scalar_prefetch = 0 : i64, scratch_operands = 0 : i64, tpu.core_type = #tpu.core_type<tc>, window_params = [{transform_indices = @transform_0, window_bounds = array<i64: 2, 2000, 128>}, {transform_indices = @transform_1, window_bounds = array<i64: 2000, 128>}, {transform_indices = @transform_2, window_bounds = array<i64: 2, 2000, 8>}, {pipeline_mode = #tpu.pipeline_mode<synchronous>, transform_indices = @transform_3, window_bounds = array<i64: 128, 128>}, {pipeline_mode = #tpu.pipeline_mode<synchronous>, transform_indices = @transform_4, window_bounds = array<i64: 1, 128>}, {pipeline_mode = #tpu.pipeline_mode<synchronous>, transform_indices = @transform_5, window_bounds = array<i64: 64, 128>}, {transform_indices = @transform_6, window_bounds = array<i64: 2000, 64>}]} {
    %get3A = arith.constant 0 : index
    %get3A_0 = arith.constant 0 : index
    %get3A_1 = arith.constant 0 : index
    %get3A_2 = vector.load %arg3[%get3A, %get3A_0, %get3A_1] : memref<2x2000x8xf32, #tpu.memory_space<vmem>>, vector<1x2000x1xf32>
    %get3A_3 = vector.shape_cast %get3A_2 : vector<1x2000x1xf32> to vector<2000x1xf32>
    %get3A_4 = arith.constant 1 : index
    %get3A_5 = arith.constant 0 : index
    %get3A_6 = arith.constant 0 : index
    %get3A_7 = vector.load %arg3[%get3A_4, %get3A_5, %get3A_6] : memref<2x2000x8xf32, #tpu.memory_space<vmem>>, vector<1x2000x1xf32>
    %get3A_8 = vector.shape_cast %get3A_7 : vector<1x2000x1xf32> to vector<2000x1xf32>
    %add3A = arith.addf %get3A_3, %get3A_8 : vector<2000x1xf32>
    %add3A_9 = arith.constant 1.000000e+00 : f32
    %add3A_10 = vector.broadcast %add3A_9 : f32 to vector<2000x1xf32>
    %add3A_11 = arith.addf %add3A, %add3A_10 : vector<2000x1xf32>
    %rsqrt3A = math.rsqrt %add3A_11 : vector<2000x1xf32>
    %get3A_12 = arith.constant 0 : index
    %get3A_13 = arith.constant 0 : index
    %get3A_14 = arith.constant 0 : index
    %get3A_15 = vector.load %arg1[%get3A_12, %get3A_13, %get3A_14] : memref<2x2000x128xf32, #tpu.memory_space<vmem>>, vector<1x2000x128xf32>
    %get3A_16 = vector.shape_cast %get3A_15 : vector<1x2000x128xf32> to vector<2000x128xf32>
    %get3A_17 = arith.constant 1 : index
    %get3A_18 = arith.constant 0 : index
    %get3A_19 = arith.constant 0 : index
    %get3A_20 = vector.load %arg1[%get3A_17, %get3A_18, %get3A_19] : memref<2x2000x128xf32, #tpu.memory_space<vmem>>, vector<1x2000x128xf32>
    %get3A_21 = vector.shape_cast %get3A_20 : vector<1x2000x128xf32> to vector<2000x128xf32>
    %add3A_22 = arith.addf %get3A_16, %get3A_21 : vector<2000x128xf32>
    %get3A_23 = arith.constant 0 : index
    %get3A_24 = arith.constant 0 : index
    %get3A_25 = vector.load %arg2[%get3A_23, %get3A_24] : memref<2000x128xf32, #tpu.memory_space<vmem>>, vector<2000x128xf32>
    %add3A_26 = arith.addf %add3A_22, %get3A_25 : vector<2000x128xf32>
    %mul3A = vector.broadcast %rsqrt3A : vector<2000x1xf32> to vector<2000x128xf32>
    %mul3A_27 = arith.mulf %add3A_26, %mul3A : vector<2000x128xf32>
    %get3A_28 = arith.constant 0 : index
    %get3A_29 = arith.constant 0 : index
    %get3A_30 = vector.load %arg4[%get3A_28, %get3A_29] : memref<128x128xf32, #tpu.memory_space<vmem>>, vector<128x128xf32>
    %dot_general3A = arith.constant dense<0.000000e+00> : vector<2000x128xf32>
    %dot_general3A_31 = tpu.matmul %mul3A_27, %get3A_30, %dot_general3A {dimension_numbers = #tpu.dot_dimension_numbers<[1], [1], [0], [0], [0, 0, 1, 0], [], []>, transpose_lhs_hint = false} : vector<2000x128xf32>, vector<128x128xf32>, vector<2000x128xf32> -> vector<2000x128xf32>
    %get3A_32 = arith.constant 0 : index
    %get3A_33 = arith.constant 0 : index
    %get3A_34 = vector.load %arg5[%get3A_32, %get3A_33] : memref<1x128xf32, #tpu.memory_space<vmem>>, vector<1x128xf32>
    %add3A_35 = vector.broadcast %get3A_34 : vector<1x128xf32> to vector<2000x128xf32>
    %add3A_36 = arith.addf %dot_general3A_31, %add3A_35 : vector<2000x128xf32>
    %max3A = arith.constant 0.000000e+00 : f32
    %max3A_37 = vector.broadcast %max3A : f32 to vector<2000x128xf32>
    %max3A_38 = arith.maximumf %add3A_36, %max3A_37 : vector<2000x128xf32>
    %get3A_39 = arith.constant 0 : index
    %get3A_40 = arith.constant 0 : index
    %get3A_41 = vector.load %arg6[%get3A_39, %get3A_40] : memref<64x128xf32, #tpu.memory_space<vmem>>, vector<64x128xf32>
    %dot_general3A_42 = arith.constant dense<0.000000e+00> : vector<2000x64xf32>
    %dot_general3A_43 = tpu.matmul %max3A_38, %get3A_41, %dot_general3A_42 {dimension_numbers = #tpu.dot_dimension_numbers<[1], [1], [0], [0], [0, 0, 1, 0], [], []>, transpose_lhs_hint = false} : vector<2000x128xf32>, vector<64x128xf32>, vector<2000x64xf32> -> vector<2000x64xf32>
    %mul3A_44 = vector.broadcast %rsqrt3A : vector<2000x1xf32> to vector<2000x64xf32>
    %mul3A_45 = arith.mulf %dot_general3A_43, %mul3A_44 : vector<2000x64xf32>
    %swap3A = arith.constant 0 : index
    %swap3A_46 = arith.constant 0 : index
    %swap3A_47 = vector.load %arg7[%swap3A, %swap3A_46] : memref<2000x64xf32, #tpu.memory_space<vmem>>, vector<2000x64xf32>
    tpu.vector_store %arg7[%swap3A, %swap3A_46], %mul3A_45 {strides = array<i32>} : memref<2000x64xf32, #tpu.memory_space<vmem>>, vector<2000x64xf32>,
    return
  }
  func.func @transform_0(%arg0: i32) -> (i32, i32, i32) {
    %c0_i32 = arith.constant 0 : i32
    %c0_i32_0 = arith.constant 0 : i32
    %c0_i32_1 = arith.constant 0 : i32
    return %c0_i32, %arg0, %c0_i32_0 : i32, i32, i32
  }
  func.func @transform_1(%arg0: i32) -> (i32, i32) {
    %c0_i32 = arith.constant 0 : i32
    %c0_i32_0 = arith.constant 0 : i32
    return %arg0, %c0_i32 : i32, i32
  }
  func.func @transform_2(%arg0: i32) -> (i32, i32, i32) {
    %c0_i32 = arith.constant 0 : i32
    %c0_i32_0 = arith.constant 0 : i32
    %c0_i32_1 = arith.constant 0 : i32
    return %c0_i32, %arg0, %c0_i32_0 : i32, i32, i32
  }
  func.func @transform_3(%arg0: i32) -> (i32, i32) {
    %c0_i32 = arith.constant 0 : i32
    %c0_i32_0 = arith.constant 0 : i32
    %c0_i32_1 = arith.constant 0 : i32
    return %c0_i32, %c0_i32_0 : i32, i32
  }
  func.func @transform_4(%arg0: i32) -> (i32, i32) {
    %c0_i32 = arith.constant 0 : i32
    %c0_i32_0 = arith.constant 0 : i32
    %c0_i32_1 = arith.constant 0 : i32
    return %c0_i32, %c0_i32_0 : i32, i32
  }
  func.func @transform_5(%arg0: i32) -> (i32, i32) {
    %c0_i32 = arith.constant 0 : i32
    %c0_i32_0 = arith.constant 0 : i32
    %c0_i32_1 = arith.constant 0 : i32
    return %c0_i32, %c0_i32_0 : i32, i32
  }
  func.func @transform_6(%arg0: i32) -> (i32, i32) {
    %c0_i32 = arith.constant 0 : i32
    %c0_i32_0 = arith.constant 0 : i32
    return %arg0, %c0_i32 : i32, i32
  }
}

module attributes {stable_mosaic.version = 14 : i64} {
  func.func @body(%arg0: i32, %arg1: memref<2x2000x64xf32, #tpu.memory_space<vmem>>, %arg2: memref<2000x64xf32, #tpu.memory_space<vmem>>, %arg3: memref<2x2000x8xf32, #tpu.memory_space<vmem>>, %arg4: memref<1x64xf32, #tpu.memory_space<vmem>>, %arg5: memref<2000x64xf32, #tpu.memory_space<vmem>>) attributes {dimension_semantics = [#tpu.dimension_semantics<arbitrary>], iteration_bounds = array<i64: 5>, scalar_prefetch = 0 : i64, scratch_operands = 0 : i64, tpu.core_type = #tpu.core_type<tc>, window_params = [{transform_indices = @transform_0, window_bounds = array<i64: 2, 2000, 64>}, {transform_indices = @transform_1, window_bounds = array<i64: 2000, 64>}, {transform_indices = @transform_2, window_bounds = array<i64: 2, 2000, 8>}, {pipeline_mode = #tpu.pipeline_mode<synchronous>, transform_indices = @transform_3, window_bounds = array<i64: 1, 64>}, {transform_indices = @transform_4, window_bounds = array<i64: 2000, 64>}]} {
    %get3A = arith.constant 0 : index
    %get3A_0 = arith.constant 0 : index
    %get3A_1 = arith.constant 0 : index
    %get3A_2 = vector.load %arg3[%get3A, %get3A_0, %get3A_1] : memref<2x2000x8xf32, #tpu.memory_space<vmem>>, vector<1x2000x1xf32>
    %get3A_3 = vector.shape_cast %get3A_2 : vector<1x2000x1xf32> to vector<2000x1xf32>
    %get3A_4 = arith.constant 1 : index
    %get3A_5 = arith.constant 0 : index
    %get3A_6 = arith.constant 0 : index
    %get3A_7 = vector.load %arg3[%get3A_4, %get3A_5, %get3A_6] : memref<2x2000x8xf32, #tpu.memory_space<vmem>>, vector<1x2000x1xf32>
    %get3A_8 = vector.shape_cast %get3A_7 : vector<1x2000x1xf32> to vector<2000x1xf32>
    %add3A = arith.addf %get3A_3, %get3A_8 : vector<2000x1xf32>
    %add3A_9 = arith.constant 1.000000e+00 : f32
    %add3A_10 = vector.broadcast %add3A_9 : f32 to vector<2000x1xf32>
    %add3A_11 = arith.addf %add3A, %add3A_10 : vector<2000x1xf32>
    %rsqrt3A = math.rsqrt %add3A_11 : vector<2000x1xf32>
    %get3A_12 = arith.constant 0 : index
    %get3A_13 = arith.constant 0 : index
    %get3A_14 = arith.constant 0 : index
    %get3A_15 = vector.load %arg1[%get3A_12, %get3A_13, %get3A_14] : memref<2x2000x64xf32, #tpu.memory_space<vmem>>, vector<1x2000x64xf32>
    %get3A_16 = vector.shape_cast %get3A_15 : vector<1x2000x64xf32> to vector<2000x64xf32>
    %get3A_17 = arith.constant 1 : index
    %get3A_18 = arith.constant 0 : index
    %get3A_19 = arith.constant 0 : index
    %get3A_20 = vector.load %arg1[%get3A_17, %get3A_18, %get3A_19] : memref<2x2000x64xf32, #tpu.memory_space<vmem>>, vector<1x2000x64xf32>
    %get3A_21 = vector.shape_cast %get3A_20 : vector<1x2000x64xf32> to vector<2000x64xf32>
    %add3A_22 = arith.addf %get3A_16, %get3A_21 : vector<2000x64xf32>
    %get3A_23 = arith.constant 0 : index
    %get3A_24 = arith.constant 0 : index
    %get3A_25 = vector.load %arg2[%get3A_23, %get3A_24] : memref<2000x64xf32, #tpu.memory_space<vmem>>, vector<2000x64xf32>
    %add3A_26 = arith.addf %add3A_22, %get3A_25 : vector<2000x64xf32>
    %mul3A = vector.broadcast %rsqrt3A : vector<2000x1xf32> to vector<2000x64xf32>
    %mul3A_27 = arith.mulf %add3A_26, %mul3A : vector<2000x64xf32>
    %get3A_28 = arith.constant 0 : index
    %get3A_29 = arith.constant 0 : index
    %get3A_30 = vector.load %arg4[%get3A_28, %get3A_29] : memref<1x64xf32, #tpu.memory_space<vmem>>, vector<1x64xf32>
    %add3A_31 = vector.broadcast %get3A_30 : vector<1x64xf32> to vector<2000x64xf32>
    %add3A_32 = arith.addf %mul3A_27, %add3A_31 : vector<2000x64xf32>
    %reduce_max3A = arith.constant dense<0xFF800000> : vector<2000xf32>
    %reduce_max3A_33 = vector.multi_reduction <maximumf>, %add3A_32, %reduce_max3A [1] : vector<2000x64xf32> to vector<2000xf32>
    %broadcast_in_dim3A = vector.shape_cast %reduce_max3A_33 : vector<2000xf32> to vector<2000x1xf32>
    %sub3A = vector.broadcast %broadcast_in_dim3A : vector<2000x1xf32> to vector<2000x64xf32>
    %sub3A_34 = arith.subf %add3A_32, %sub3A : vector<2000x64xf32>
    %exp3A = math.exp %sub3A_34 : vector<2000x64xf32>
    %reduce_sum3A = arith.constant dense<0.000000e+00> : vector<2000xf32>
    %reduce_sum3A_35 = vector.multi_reduction <add>, %exp3A, %reduce_sum3A [1] : vector<2000x64xf32> to vector<2000xf32>
    %broadcast_in_dim3A_36 = vector.shape_cast %reduce_sum3A_35 : vector<2000xf32> to vector<2000x1xf32>
    %log3A = math.log %broadcast_in_dim3A_36 : vector<2000x1xf32>
    %add3A_37 = arith.addf %log3A, %broadcast_in_dim3A : vector<2000x1xf32>
    %sub3A_38 = vector.broadcast %add3A_37 : vector<2000x1xf32> to vector<2000x64xf32>
    %sub3A_39 = arith.subf %add3A_32, %sub3A_38 : vector<2000x64xf32>
    %swap3A = arith.constant 0 : index
    %swap3A_40 = arith.constant 0 : index
    %swap3A_41 = vector.load %arg5[%swap3A, %swap3A_40] : memref<2000x64xf32, #tpu.memory_space<vmem>>, vector<2000x64xf32>
    tpu.vector_store %arg5[%swap3A, %swap3A_40], %sub3A_39 {strides = array<i32>} : memref<2000x64xf32, #tpu.memory_space<vmem>>, vector<2000x64xf32>,
    return
  }
  func.func @transform_0(%arg0: i32) -> (i32, i32, i32) {
    %c0_i32 = arith.constant 0 : i32
    %c0_i32_0 = arith.constant 0 : i32
    %c0_i32_1 = arith.constant 0 : i32
    return %c0_i32, %arg0, %c0_i32_0 : i32, i32, i32
  }
  func.func @transform_1(%arg0: i32) -> (i32, i32) {
    %c0_i32 = arith.constant 0 : i32
    %c0_i32_0 = arith.constant 0 : i32
    return %arg0, %c0_i32 : i32, i32
  }
  func.func @transform_2(%arg0: i32) -> (i32, i32, i32) {
    %c0_i32 = arith.constant 0 : i32
    %c0_i32_0 = arith.constant 0 : i32
    %c0_i32_1 = arith.constant 0 : i32
    return %c0_i32, %arg0, %c0_i32_0 : i32, i32, i32
  }
  func.func @transform_3(%arg0: i32) -> (i32, i32) {
    %c0_i32 = arith.constant 0 : i32
    %c0_i32_0 = arith.constant 0 : i32
    %c0_i32_1 = arith.constant 0 : i32
    return %c0_i32, %c0_i32_0 : i32, i32
  }
  func.func @transform_4(%arg0: i32) -> (i32, i32) {
    %c0_i32 = arith.constant 0 : i32
    %c0_i32_0 = arith.constant 0 : i32
    return %arg0, %c0_i32 : i32, i32
  }
}

</mosaic_0001>

<sc_bundles>
// kernel: kernel.11.cloned.1.call-start
scs
__scs_entry_jumppad:
0x0: {  	(pc) =	sbr.rel $0x88, $3  }
0x1: {  	(tag) =	ssettag $0x0;
	lr =	simm.s32 $0x1  }
0x2: {  	[smem:$0x3F9B] =	sst lr;
	_ =	strace $0xD0000000  }
0x3: {  	_ = 	snop  }
0x4: {  	_ = 	snop  }
0x5: {  	_ = 	snop  }
0x6: {  	_ = 	snop  }
0x7: {  	_ = 	snop  }
__scs_overlays_trampoline_lowered:
0x8: {  	[smem:$0x3FAA] =	sst s0  }
0x9: {  	[smem:$0x3FAB] =	sst s1  }
0xa: {  	[smem:$0x3FAC] =	sst s2  }
0xb: {  	[smem:$0x3FAD] =	sst s3  }
0xc: {  	[smem:$0x3FAE] =	sst s4  }
0xd: {  	[smem:$0x3FAF] =	sst s5  }
0xe: {  	[smem:$0x3FB0] =	sst s6  }
0xf: {  	[smem:$0x3FB1] =	sst s7  }
0x10: {  	[smem:$0x3FB2] =	sst s8  }
0x11: {  	[smem:$0x3FB3] =	sst s9;
	s0 =	simm.s32 @!p0 $0x0  }
0x12: {  	s1 =	sld [smem:$0x3F99];
	s0 =	simm.s32 @p0 $0x1  }
0x13: {  	[smem:$0x3FB4] =	sst s0;
	s0 =	simm.s32 @!p1 $0x0  }
0x14: {  	s2 =	sld [smem:$0x3F98];
	s0 =	simm.s32 @p1 $0x1  }
0x15: {  	[smem:$0x3FB5] =	sst s0;
	s0 =	simm.s32 @!p2 $0x0  }
0x16: {  	s3 =	sld [smem:$0x3FDB];
	s0 =	simm.s32 @p2 $0x1  }
0x17: {  	s4 =	simm.s32 $0x1BF5;
	[smem:$0x3FB7] =	sst s0  }
0x18: {  	s0 =	sld [smem:$0x3F9A];
	_ =	swait.ge [sflag:s4], $0x0  }
0x19: {  	s7 =	sld [smem:$0x3F9B]  }
0x1a: {  	s8 =	sadd.s32 $0xFFFFE003, lr  }
0x1b: {  	s9 =	sadd.s32 $0xFFFFFEF7, lr;
	s5 =	simm.s32 $0xFFFFFFFF;
	p2 =	slt.u32 s8, $0xFFFFF086  }
0x1c: {  	p1 =	slt.u32 s9, $0xF7A;
	s5 =	simm.s32 @!p2 $0x0  }
0x1d: {  	s5 =	simm.s32 @p1 $0x1;
	p0 =	seq.s32 s7, s2  }
0x1e: {  	s7 =	smul.u32 @!p0 $0xF7A, s2;
	p2 =	seq.s32 @!p0 s5, $0x0  }
0x1f: {  	s9 =	smul.u32 $0xF7A, s1;
	s8 =	simm.s32 @!p0 $0x1BF5;
	p2 =	por !p2, p0  }
0x20: {  	[sflag:s8] =	ssyncset.s32 @!p0 $0xFFFFF086;
	s6 =	sadd.s32 @!p0 s3, s7;
	s7 =	simm.s32 @!p0 $0x108  }
0x21: {  	s3 =	sadd.s32 s3, s9;
	s6 =	sadd.s32 @!p0 $0x88, s6;
	s7 =	simm.s32 @p2 $0x1082  }
0x22: {  	[simem:s7], [sflag:s8] =	dma.local @!p0 [hbm:s6], $0xF7A  }
0x23: {  	s9 =	sor.u32 $0xD0000000, s2;
	s6 =	simm.s32 $0x108;
	_ =	swait.ge @!p0 [sflag:s8], $0x0  }
0x24: {  	s3 =	sadd.s32 $0x88, s3;
	s6 =	simm.s32 @!p1 $0x1082;
	[sflag:s4] =	ssyncset.s32 $0xFFFFF086  }
0x25: {  	[simem:s6], [sflag:s4] =	dma.local [hbm:s3], $0xF7A  }
0x26: {  	[smem:$0x3F9B] =	sst s1;
	(tag) =	ssettag s2;
	_ =	strace s9  }
0x27: {  	s1 =	sld [smem:$0x3FAB]  }
0x28: {  	s2 =	sld [smem:$0x3FAC]  }
0x29: {  	s4 =	sld [smem:$0x3FAE]  }
0x2a: {  	p0 =	seq.s32 s5, $0x0;
	s5 =	sld [smem:$0x3FAF]  }
0x2b: {  	s6 =	sld [smem:$0x3FB0]  }
0x2c: {  	s7 =	sld [smem:$0x3FB1]  }
0x2d: {  	s3 =	simm.s32 $0x108;
	s8 =	sld [smem:$0x3FB2]  }
0x2e: {  	s3 =	simm.s32 @!p0 $0x1082;
	s9 =	sld [smem:$0x3FB3]  }
0x2f: {  	lr =	sadd.s32 s0, s3;
	s0 =	sld [smem:$0x3FAA]  }
0x30: {  	s3 =	sld [smem:$0x3FAD]  }
0x31: {  	[smem:$0x3FB6] =	sst s10  }
0x32: {  	s10 =	sld [smem:$0x3FB4];
	_ =	sdelay $0x3  }
0x33: {  	p0 =	seq.s32 s10, $0x1;
	s10 =	sld [smem:$0x3FB6];
	_ =	sdelay $0x3  }
0x34: {  	[smem:$0x3FB6] =	sst s10  }
0x35: {  	s10 =	sld [smem:$0x3FB5];
	_ =	sdelay $0x3  }
0x36: {  	p1 =	seq.s32 s10, $0x1;
	s10 =	sld [smem:$0x3FB6];
	_ =	sdelay $0x3  }
0x37: {  	[smem:$0x3FB6] =	sst s10  }
0x38: {  	s10 =	sld [smem:$0x3FB7]  }
0x39: {  	_ = 	snop;
	(pc) =	sbr.ind lr, $3  }
0x3a: {  	_ = 	snop  }
0x3b: {  	_ = 	snop  }
0x3c: {  	p2 =	seq.s32 s10, $0x1;
	s10 =	sld [smem:$0x3FB6]  }
0x3d: {  	_ =	shalt  }
0x3e: {  	_ =	shalt  }
0x3f: {  	_ =	shalt  }
0x40: {  	_ =	shalt  }
0x41: {  	_ =	shalt  }
0x42: {  	_ =	shalt  }
0x43: {  	_ =	shalt  }
0x44: {  	_ =	shalt  }
0x45: {  	_ =	shalt  }
0x46: {  	_ =	shalt  }
0x47: {  	_ =	shalt  }
0x48: {  	_ =	shalt  }
0x49: {  	_ =	shalt  }
0x4a: {  	_ =	shalt  }
0x4b: {  	_ =	shalt  }
0x4c: {  	_ =	shalt  }
0x4d: {  	_ =	shalt  }
0x4e: {  	_ =	shalt  }
0x4f: {  	_ =	shalt  }
0x50: {  	_ =	shalt  }
0x51: {  	_ =	shalt  }
0x52: {  	_ =	shalt  }
0x53: {  	_ =	shalt  }
0x54: {  	_ =	shalt  }
0x55: {  	_ =	shalt  }
0x56: {  	_ =	shalt  }
0x57: {  	_ =	shalt  }
0x58: {  	_ =	shalt  }
0x59: {  	_ =	shalt  }
0x5a: {  	_ =	shalt  }
0x5b: {  	_ =	shalt  }
0x5c: {  	_ =	shalt  }
0x5d: {  	_ =	shalt  }
0x5e: {  	_ =	shalt  }
0x5f: {  	_ =	shalt  }
0x60: {  	_ =	shalt  }
0x61: {  	_ =	shalt  }
0x62: {  	_ =	shalt  }
0x63: {  	_ =	shalt  }
0x64: {  	_ =	shalt  }
0x65: {  	_ =	shalt  }
0x66: {  	_ =	shalt  }
0x67: {  	_ =	shalt  }
0x68: {  	_ =	shalt  }
0x69: {  	_ =	shalt  }
0x6a: {  	_ =	shalt  }
0x6b: {  	_ =	shalt  }
0x6c: {  	_ =	shalt  }
0x6d: {  	_ =	shalt  }
0x6e: {  	_ =	shalt  }
0x6f: {  	_ =	shalt  }
0x70: {  	_ =	shalt  }
0x71: {  	_ =	shalt  }
0x72: {  	_ =	shalt  }
0x73: {  	_ =	shalt  }
0x74: {  	_ =	shalt  }
0x75: {  	_ =	shalt  }
0x76: {  	_ =	shalt  }
0x77: {  	_ =	shalt  }
0x78: {  	_ =	shalt  }
0x79: {  	_ =	shalt  }
0x7a: {  	_ =	shalt  }
0x7b: {  	_ =	shalt  }
0x7c: {  	_ =	shalt  }
0x7d: {  	_ =	shalt  }
0x7e: {  	_ =	shalt  }
0x7f: {  	_ =	shalt  }
0x80: {  	_ =	shalt  }
0x81: {  	_ =	shalt  }
0x82: {  	_ =	shalt  }
0x83: {  	_ =	shalt  }
0x84: {  	_ =	shalt  }
0x85: {  	_ =	shalt  }
0x86: {  	_ =	shalt  }
0x87: {  	_ =	shalt  }
.Lfunc_end0:
.L_simem_size_0:
called_computation.1_lowered:
.L_overlay_start_0:
0x88: {  	s2 =	sld [smem:$0x3FD9]  }
0x89: {  	s3 =	sld [smem:$0x3FFE];
	_ =	sdelay $0x1  }
0x8a: {  	s1 =	srdreg.scid  }
0x8b: {  	s0 =	sand.u32 $0x1, s1  }
0x8c: {  	s17 =	sshll.u32 s0, $0xA;
	s2 =	sadd.s32 s3, s2  }
0x8d: {  	s2 =	sadd.s32 s2, s17  }
0x8e: {  	[smem:$0x3FC2] =	sst s2  }
0x8f: {  	_ = 	snop  }
0x90: {  	s2 =	sld [smem:$0x3FD0];
	(tm) =	ssettm $0x1  }
0x91: {  	s18 =	sld [smem:$0x3FFB];
	_ =	sdelay $0x3  }
0x92: {  	_ =	strace s18  }
0x93: {  	s3 =	sld [smem:$0x3FFC];
	_ =	sdelay $0x3  }
0x94: {  	_ =	strace s3  }
0x95: {  	s3 =	sld [smem:$0x3FFD];
	_ =	sdelay $0x3  }
0x96: {  	_ =	strace s3  }
0x97: {  	_ =	strace $0x8FFFFFFF  }
0x98: {  	s19 =	sld [smem:$0x3FDB];
	_ =	sdelay $0x1  }
0x99: {  	s4 =	simm.s32 $_scs_section_size  }
0x9a: {  	s5 =	simm.s32 $_size__tile_overlayer_lowered;
	s6 =	simm.s32 $_tile_overlayer_lowered  }
0x9b: {  	s22 =	simm.s32 $0x1BFF;
	s21 =	sshll.u32 s6, $0x1;
	s3 =	sadd.s32 s4, s19  }
0x9c: {  	s7 =	simm.s32 $0x0;
	s20 =	sshll.u32 s5, $0x1;
	s5 =	sadd.s32 s21, s3  }
0x9d: {  	[timem:s7], [sflag:s22] =	dma.local [hbm:s5], s20  }
0x9e: {  	_ =	swait.ge [sflag:s22], s20  }
0x9f: {  	s4 =	ssub.s32 $0x0, s20;
	[sflag:s22] =	ssyncset.done $0x0  }
0xa0: {  	[sflag:s22] =	ssyncadd.s32 s4;
	_ =	sdelay $0x1  }
0xa1: {  	s23 =	simm.s32 $0x1B8B  }
0xa2: {  	_ =	swait.ge [sflag:s23], $0x1  }
0xa3: {  	[sflag:s23] =	ssyncset.done $0x0  }
0xa4: {  	s25 =	simm.s32 $0x1B8E;
	s24 =	sld [smem:$0x3FFE];
	[sflag:s23] =	ssyncadd.s32 $0xFFFFFFFF  }
0xa5: {  	s26 =	simm.s32 $execute0_lowered;
	[smem:$0x3FD2] =	sst s25  }
0xa6: {  	s5 =	sshll.u32 s26, $0x1;
	_ =	strace $0x80000049;
	[dreg:$0x1] =	wrdreg $0xFFFFFFFF  }
0xa7: {  	s28 =	simm.s32 $_size_execute0_lowered;
	s3 =	sadd.s32 s3, s5;
	[dreg:$0x0] =	wrdreg $0x0  }
0xa8: {  	s5 =	sshll.u32 s28, $0x1;
	[dreg:$0x2] =	wrdreg s3  }
0xa9: {  	[dreg:$0x3] =	wrdreg s5  }
0xaa: {  	[dreg:$0x4] =	wrdreg $0xC0  }
0xab: {  	_ =	task [dreg:s7], $0x5FFFF  }
0xac: {  	[dreg:$0x1] =	wrdreg $0xFFFFFFFF  }
0xad: {  	[dreg:$0x0] =	wrdreg $0x60  }
0xae: {  	[dreg:$0x2] =	wrdreg s24  }
0xaf: {  	[dreg:$0x3] =	wrdreg s2  }
0xb0: {  	[dreg:$0x4] =	wrdreg $0x0  }
0xb1: {  	[dreg:$0x5] =	wrdreg $0x9  }
0xb2: {  	_ =	task.clear_ibuf [dreg:s7], $0x6FFFF;
	_ =	strace $0x90000049  }
0xb3: {  	s29 =	simm.s32 $0x9;
	_ =	strace $0x8000004B  }
0xb4: {  	_ =	swait.ge [sflag:s29], $0x1  }
0xb5: {  	[sflag:s29] =	ssyncadd.s32 $0xFFFFFFFF  }
0xb6: {  	_ =	strace $0x9000004B  }
0xb7: {  	_ =	sfence  }
0xb8: {  	s30 =	sld [smem:$0x0];
	_ =	sdelay $0x2  }
0xb9: {  	s31 =	sshll.u32 s1, $0xD;
	s1 =	sshrl.u32 s1, $0x2  }
0xba: {  	s3 =	sand.u32 $0x4000, s31;
	s1 =	sadd.s32 s1, s30  }
0xbb: {  	s0 =	sor.u32 s3, s0;
	s1 =	sshll.u32 s1, $0x11  }
0xbc: {  	s0 =	sor.u32 s1, s0  }
0xbd: {  	s0 =	sadd.s32 $0x8F2B, s0  }
0xbe: {  	[sflag:s0] =	ssyncadd.remote.s32 $0x1  }
0xbf: {  	_ =	sfence.sel $0xFFFF  }
0xc0: {  	[dreg:$0x0] =	wrdreg $0xFFFFFFFF;
	(pc) =	sbr.abs _section_cstart, $3  }
0xc1: {  	[dreg:$0x1] =	wrdreg $0xFFFFFFFF  }
0xc2: {  	_ =	task.clear_ibuf [dreg:s7], $0x2FFFF;
	_ =	strace $0x9FFFFFFF  }
0xc3: {  	(tm) =	ssettm $0x7FFFFFFF  }
tec
execute0_lowered:
.L_overlay_start_1:
0x0: {  	(tag) =	ssettag $0x1  }
0x1: {  	s3 =	rddreg [dreg:$0x0]  }
0x2: {  	s21 =	rddreg [dreg:$0x1]  }
0x3: {  	s2 =	rddreg [dreg:$0x2];
	s4 =	simm.s32 $0x0  }
0x4: {  	s0 =	srdreg.scid;
	s11 =	stileid.u32;
	s28 =	simm.s32 $0x8  }
0x5: {  	s30 =	simm.s32 $0x3;
	[smem:$0x7FF] =	sst s4;
	s6 =	smul.u32 $0x14000, s11  }
0x6: {  	s0 =	sand.u32 $0x1, s0;
	s5 =	sadd.s32 $0x50600, s3;
	s26 =	smul.u32 $0x2710, s11  }
0x7: {  	s29 =	sadd.s32 $0x12C000, s2;
	p0 =	seq.s32 s11, $0xF;
	_ =	strace $0x8000004A  }
0x8: {  	s1 =	sshll.u32 s0, $0x4;
	s7 =	smul.u32 $0x27100, s0;
	s8 =	ssub.s32 $0x2, s0  }
0x9: {  	[dreg:$0x13] =	wrdreg s29;
	s1 =	sor.u32 s11, s1;
	s10 =	sshrl.u32 s6, $0x3  }
0xa: {  	s23 =	sshrl.u32 s8, $0x1;
	s6 =	sadd.s32 s6, s2;
	s9 =	smul.u32 $0x2710, s1  }
0xb: {  	[dreg:$0xf] =	wrdreg s10;
	s10 =	sadd.s32 s10, s3;
	s0 =	sadd.s32 s7, s3  }
0xc: {  	[dreg:$0x10] =	wrdreg s6;
	s3 =	sadd.s32 $0x9D000, s3;
	s25 =	sadd.s32 $0x77800, s10  }
0xd: {  	[dreg:$0x14] =	wrdreg s3;
	s3 =	sadd.s32 s26, s7;
	s0 =	sadd.s32 $0x9EA00, s0  }
0xe: {  	s24 =	sshrl.u32 s9, $0x3;
	[dreg:$0x11] =	wrdreg s25;
	s26 =	sadd.s32 $0x4E600, s3  }
0xf: {  	[smem:$0x7F9] =	sst s0;
	s29 =	sshrl.u32 s26, $0x3;
	s26 =	sadd.s32 $0x300, s3  }
0x10: {  	s11 =	simm.s32 $0x13880;
	s9 =	sadd.s32 s21, s24;
	[smem:$0x7FB] =	sst s26  }
0x11: {  	s1 =	ssub.s32 s8, s23;
	s31 =	sadd.s32 $0x9C40, s9;
	[dreg:$0x12] =	wrdreg s9  }
0x12: {  	s13 =	sadd.s32 $0x500, s3;
	s2 =	sadd.s32 $0x10, s9;
	[dreg:$0x15] =	wrdreg s31  }
0x13: {  	s15 =	sadd.s32 $0x4E700, s3;
	s8 =	sadd.s32 $0x9C50, s9;
	[dreg:$0x16] =	wrdreg s2  }
0x14: {  	s18 =	sadd.s32 $0x480, s3;
	s10 =	sadd.s32 $0x20, s9;
	[dreg:$0x17] =	wrdreg s8  }
0x15: {  	s20 =	sadd.s32 $0x4E680, s3;
	s12 =	sadd.s32 $0x9C60, s9;
	[dreg:$0x18] =	wrdreg s10  }
0x16: {  	s22 =	sadd.s32 $0x400, s3;
	s14 =	sadd.s32 $0x30, s9;
	[dreg:$0x19] =	wrdreg s12  }
0x17: {  	s6 =	sshrl.u32 s13, $0x3;
	s16 =	sadd.s32 $0x9C70, s9;
	[dreg:$0x1a] =	wrdreg s14  }
0x18: {  	s7 =	sshrl.u32 s15, $0x3;
	s6 =	sadd.s32 s6, s21;
	[dreg:$0x1b] =	wrdreg s16  }
0x19: {  	s24 =	sshrl.u32 s22, $0x3;
	s17 =	sadd.s32 s7, s21;
	[dreg:$0x4] =	wrdreg s6  }
0x1a: {  	s19 =	sshrl.u32 s18, $0x3;
	s25 =	sadd.s32 s24, s21;
	[dreg:$0x5] =	wrdreg s17  }
0x1b: {  	s13 =	sadd.s32 $0x4E500, s3;
	s22 =	sadd.s32 $0x9C80, s9;
	[dreg:$0x8] =	wrdreg s25  }
0x1c: {  	s15 =	sadd.s32 $0x280, s3;
	s24 =	sadd.s32 $0xA110, s9;
	[dreg:$0x1d] =	wrdreg s22  }
0x1d: {  	s7 =	sshrl.u32 s20, $0x3;
	s6 =	sadd.s32 s19, s21;
	[dreg:$0x1f] =	wrdreg s24  }
0x1e: {  	s23 =	sadd.s32 s7, s21;
	s31 =	sadd.s32 $0x380, s3;
	[dreg:$0x6] =	wrdreg s6  }
0x1f: {  	s2 =	sadd.s32 $0x4E580, s3;
	s19 =	sadd.s32 $0x40, s9;
	[dreg:$0x7] =	wrdreg s23  }
0x20: {  	s14 =	sshrl.u32 s13, $0x3;
	s25 =	smax.u32 s1, $0x1;
	[dreg:$0x1c] =	wrdreg s19  }
0x21: {  	s16 =	sadd.s32 $0x4E480, s3;
	s6 =	sadd.s32 s29, s21;
	[smem:$0x7FA] =	sst s25  }
0x22: {  	s3 =	simm.s32 $0x7;
	s23 =	sadd.s32 $0x4D0, s9;
	[dreg:$0x9] =	wrdreg s6  }
0x23: {  	s13 =	simm.s32 $0x80;
	s29 =	sadd.s32 $0x4E0, s9;
	[dreg:$0x1e] =	wrdreg s23  }
0x24: {  	s7 =	sshrl.u32 s31, $0x3;
	s31 =	sadd.s32 $0xA120, s9;
	[smem:$0x7FC] =	sst s29  }
0x25: {  	s10 =	sshrl.u32 s2, $0x3;
	s7 =	sadd.s32 s7, s21;
	[smem:$0x7FD] =	sst s31  }
0x26: {  	s18 =	sshrl.u32 s16, $0x3;
	s12 =	sadd.s32 s10, s21;
	[dreg:$0xa] =	wrdreg s7  }
0x27: {  	s25 =	simm.s32 $0x9;
	s6 =	sadd.s32 s14, s21;
	[dreg:$0xb] =	wrdreg s12  }
0x28: {  	s20 =	sadd.s32 s18, s21;
	s18 =	simm.s32 $0x13980;
	[dreg:$0xc] =	wrdreg s6  }
0x29: {  	s23 =	simm.s32 $0x1;
	s7 =	sshrl.u32 s15, $0x3;
	[dreg:$0xe] =	wrdreg s20  }
0x2a: {  	s12 =	simm.s32 $0x13B80;
	s15 =	simm.s32 $0x13900;
	s17 =	sadd.s32 s7, s21  }
0x2b: {  	s6 =	simm.s32 $0x0;
	s7 =	simm.s32 $0x2;
	[dreg:$0xd] =	wrdreg s17  }
.LBB2_1:
0x2c: {  	[smem:$0x7F5] =	sst s6  }
0x2d: {  	s8 =	rddreg [dreg:$0x13]  }
0x2e: {  	s10 =	rddreg [dreg:$0x14];
	s6 =	sshrl.u32 @p0 s8, $0x3  }
0x2f: {  	s8 =	simm.s32 @p0 $0x1FD3;
	[smem:$0x7F6] =	sst s6  }
0x30: {  	[spmem:s6], [sflag:s8] =	dma.local @p0 [hbm:s10], $0x1900  }
0x31: {  	s8 =	simm.s32 @p0 $0x13  }
0x32: {  	s10 =	stileid.u32;
	_ =	swait.ge @p0 [sflag:s8], $0x1900  }
0x33: {  	s10 =	sshll.u32 @!p0 s10, $0x6;
	[sflag:s8] =	ssyncset.done @p0 $0x0  }
0x34: {  	s6 =	sor.u32 @!p0 $0x1C13, s10;
	[sflag:s8] =	ssyncadd.s32 @p0 $0xFFFFE700;
	s8 =	rddreg [dreg:$0x10]  }
0x35: {  	[smem:$0x7F7] =	sst s6  }
0x36: {  	s9 =	sshrl.u32 @!p0 s8, $0x3;
	s8 =	rddreg [dreg:$0x11]  }
0x37: {  	[smem:$0x7F8] =	sst s9  }
0x38: {  	[spmem:s9], [sflag:s6] =	dma.local @!p0 [hbm:s8], $0x2800  }
0x39: {  	s8 =	simm.s32 @!p0 $0x13  }
0x3a: {  	_ =	swait.ge @!p0 [sflag:s8], $0x2800  }
0x3b: {  	[sflag:s8] =	ssyncset.done @!p0 $0x0  }
0x3c: {  	[sflag:s8] =	ssyncadd.s32 @!p0 $0xFFFFD800  }
0x3d: {  	[bflag:$0x0] =	sbarrier.arrive $0xFFFF  }
0x3e: {  	s6 =	rddreg [dreg:$0x12]  }
0x3f: {  	[tilespmem:s11], [sflag:$0x1] =	stream.linear.gather [hbm4b:s6+s4], $0x80, $0x38;
	[tilespmem:$0x1FEA0] =	vst v63  }
0x40: {  	s9 =	rddreg [dreg:$0x15]  }
0x41: {  	[tilespmem:s12], [sflag:$0x7] =	stream.linear.gather [hbm4b:s9+s4], $0x80, $0x38;
	[tilespmem:$0x1FEA0] =	vst v63  }
0x42: {  	s10 =	rddreg [dreg:$0x16]  }
0x43: {  	[tilespmem:s15], [sflag:$0x2] =	stream.linear.gather [hbm4b:s10+s4], $0x80, $0x38;
	[tilespmem:$0x1FEA0] =	vst v63  }
0x44: {  	s14 =	rddreg [dreg:$0x17];
	s6 =	simm.s32 $0x13C00  }
0x45: {  	[tilespmem:s6], [sflag:$0x8] =	stream.linear.gather [hbm4b:s14+s4], $0x80, $0x38;
	[tilespmem:$0x1FEA0] =	vst v63  }
0x46: {  	s16 =	rddreg [dreg:$0x18]  }
0x47: {  	[tilespmem:s18], [sflag:$0x3] =	stream.linear.gather [hbm4b:s16+s4], $0x80, $0x38;
	[tilespmem:$0x1FEA0] =	vst v63  }
0x48: {  	s0 =	simm.s32 $0x13C80;
	s17 =	rddreg [dreg:$0x19]  }
0x49: {  	[tilespmem:s0], [sflag:$0x9] =	stream.linear.gather [hbm4b:s17+s4], $0x80, $0x38;
	[tilespmem:$0x1FEA0] =	vst v63  }
0x4a: {  	s20 =	simm.s32 $0x13A00;
	s19 =	rddreg [dreg:$0x1a]  }
0x4b: {  	[tilespmem:s20], [sflag:$0x4] =	stream.linear.gather [hbm4b:s19+s4], $0x80, $0x38;
	[tilespmem:$0x1FEA0] =	vst v63  }
0x4c: {  	s1 =	simm.s32 $0x13D00;
	s24 =	rddreg [dreg:$0x1b]  }
0x4d: {  	[tilespmem:s1], [sflag:$0xA] =	stream.linear.gather [hbm4b:s24+s4], $0x80, $0x38;
	[tilespmem:$0x1FEA0] =	vst v63  }
0x4e: {  	_ =	swait.ge [sflag:s23], $0x80  }
0x4f: {  	[sflag:s23] =	ssyncset.done $0x0  }
0x50: {  	[sflag:s23] =	ssyncadd.s32 $0xFFFFFF80  }
0x51: {  	_ =	swait.ge [sflag:s3], $0x80  }
0x52: {  	[sflag:s3] =	ssyncset.done $0x0  }
0x53: {  	s16 =	simm.s32 $0x13E80;
	[sflag:s3] =	ssyncadd.s32 $0xFFFFFF80  }
0x54: {  	[tilespmem:s16], [sflag:$0xD] =	stream.indirect.gather [hbm4b:s5+s13], $0x80, s11, s13, $0xb8;
	[tilespmem:$0x1FEA0] =	vst v63  }
0x55: {  	_ =	swait.ge [sflag:s7], $0x80  }
0x56: {  	[sflag:s7] =	ssyncset.done $0x0  }
0x57: {  	[sflag:s7] =	ssyncadd.s32 $0xFFFFFF80  }
0x58: {  	_ =	swait.ge [sflag:s28], $0x80  }
0x59: {  	[sflag:s28] =	ssyncset.done $0x0  }
0x5a: {  	s17 =	simm.s32 $0xD;
	s20 =	simm.s32 $0x17E80;
	[sflag:s28] =	ssyncadd.s32 $0xFFFFFF80  }
0x5b: {  	[tilespmem:s20], [sflag:$0xE] =	stream.indirect.gather [hbm4b:s5+s13], $0x80, s15, s13, $0xb8;
	[tilespmem:$0x1FEA0] =	vst v63  }
0x5c: {  	_ =	swait.ge [sflag:s17], $0x4000  }
0x5d: {  	[sflag:s17] =	ssyncset.done $0x0  }
0x5e: {  	[sflag:s17] =	ssyncadd.s32 $0xFFFFC000  }
0x5f: {  	s2 =	rddreg [dreg:$0x2]  }
0x60: {  	[spmem:s2] =	stream.indirect.scatter.add.f32 [tilespmem:s16], [sflag:$0x10], $0x80, s12, s13, $0xb8;
	[tilespmem:$0x1FEA0] =	vst v63  }
0x61: {  	_ =	swait.ge [sflag:s30], $0x80  }
0x62: {  	[sflag:s30] =	ssyncset.done $0x0  }
0x63: {  	[sflag:s30] =	ssyncadd.s32 $0xFFFFFF80  }
0x64: {  	_ =	swait.ge [sflag:s25], $0x80  }
0x65: {  	[sflag:s25] =	ssyncset.done $0x0  }
0x66: {  	s31 =	simm.s32 $0x1BE80;
	[sflag:s25] =	ssyncadd.s32 $0xFFFFFF80  }
0x67: {  	[tilespmem:s31], [sflag:$0xF] =	stream.indirect.gather [hbm4b:s5+s13], $0x80, s18, s13, $0xb8;
	[tilespmem:$0x1FEA0] =	vst v63  }
0x68: {  	s29 =	simm.s32 $0x13A80;
	s26 =	rddreg [dreg:$0x1c]  }
0x69: {  	[tilespmem:s29], [sflag:$0x5] =	stream.linear.gather [hbm4b:s26+s4], $0x80, $0x38;
	[tilespmem:$0x1FEA0] =	vst v63  }
0x6a: {  	s9 =	simm.s32 $0x13D80;
	s24 =	simm.s32 $0xE;
	s1 =	rddreg [dreg:$0x1d]  }
0x6b: {  	[tilespmem:s9], [sflag:$0xB] =	stream.linear.gather [hbm4b:s1+s4], $0x80, $0x38;
	[tilespmem:$0x1FEA0] =	vst v63  }
0x6c: {  	_ =	swait.ge [sflag:s24], $0x4000  }
0x6d: {  	[sflag:s24] =	ssyncset.done $0x0  }
0x6e: {  	s1 =	simm.s32 $0x10;
	[sflag:s24] =	ssyncadd.s32 $0xFFFFC000  }
0x6f: {  	[spmem:s2] =	stream.indirect.scatter.add.f32 [tilespmem:s20], [sflag:$0x11], $0x80, s6, s13, $0xb8;
	[tilespmem:$0x1FEA0] =	vst v63  }
0x70: {  	_ =	swait.ge [sflag:s1], $0x4000  }
0x71: {  	[sflag:s1] =	ssyncset.done $0x0  }
0x72: {  	s10 =	simm.s32 $0x4;
	[sflag:s1] =	ssyncadd.s32 $0xFFFFC000  }
0x73: {  	_ =	swait.ge [sflag:s10], $0x80  }
0x74: {  	[sflag:s10] =	ssyncset.done $0x0  }
0x75: {  	s14 =	simm.s32 $0xA;
	[sflag:s10] =	ssyncadd.s32 $0xFFFFFF80  }
0x76: {  	_ =	swait.ge [sflag:s14], $0x80  }
0x77: {  	[sflag:s14] =	ssyncset.done $0x0  }
0x78: {  	s0 =	simm.s32 $0x13A00;
	s19 =	rddreg [dreg:$0xd];
	[sflag:s14] =	ssyncadd.s32 $0xFFFFFF80  }
0x79: {  	[tilespmem:s16], [sflag:$0xD] =	stream.indirect.gather [hbm4b:s5+s13], $0x80, s0, s13, $0xb8;
	[tilespmem:$0x1FEA0] =	vst v63  }
0x7a: {  	s26 =	rddreg [dreg:$0xe];
	s8 =	sadd.s32 $0x0, s19;
	s14 =	simm.s32 $0x13B00  }
0x7b: {  	[tilespmem:s14], [sflag:$0x6] =	stream.linear.gather [hbm4b:s8+s4], $0x80, $0x38;
	[tilespmem:$0x1FEA0] =	vst v63  }
0x7c: {  	s10 =	sadd.s32 $0x0, s26;
	s19 =	simm.s32 $0x13E00;
	s26 =	simm.s32 $0xF  }
0x7d: {  	[tilespmem:s19], [sflag:$0xC] =	stream.linear.gather [hbm4b:s10+s4], $0x80, $0x38;
	[tilespmem:$0x1FEA0] =	vst v63  }
0x7e: {  	_ =	swait.ge [sflag:s26], $0x4000  }
0x7f: {  	[sflag:s26] =	ssyncset.done $0x0  }
0x80: {  	s22 =	simm.s32 $0x13C80;
	s0 =	simm.s32 $0x11;
	[sflag:s26] =	ssyncadd.s32 $0xFFFFC000  }
0x81: {  	[spmem:s2] =	stream.indirect.scatter.add.f32 [tilespmem:s31], [sflag:$0x12], $0x80, s22, s13, $0xb8;
	[tilespmem:$0x1FEA0] =	vst v63  }
0x82: {  	_ =	swait.ge [sflag:s0], $0x4000  }
0x83: {  	[sflag:s0] =	ssyncset.done $0x0  }
0x84: {  	s22 =	simm.s32 $0x5;
	[sflag:s0] =	ssyncadd.s32 $0xFFFFC000  }
0x85: {  	_ =	swait.ge [sflag:s22], $0x80  }
0x86: {  	[sflag:s22] =	ssyncset.done $0x0  }
0x87: {  	s10 =	simm.s32 $0xB;
	[sflag:s22] =	ssyncadd.s32 $0xFFFFFF80  }
0x88: {  	_ =	swait.ge [sflag:s10], $0x80  }
0x89: {  	[sflag:s10] =	ssyncset.done $0x0;
	s22 =	sld [smem:$0x7FB]  }
0x8a: {  	s29 =	simm.s32 $0x13A80;
	[sflag:s10] =	ssyncadd.s32 $0xFFFFFF80  }
0x8b: {  	[tilespmem:s20], [sflag:$0xE] =	stream.indirect.gather [hbm4b:s5+s13], $0x80, s29, s13, $0xb8;
	[tilespmem:$0x1FEA0] =	vst v63  }
0x8c: {  	s8 =	sshrl.u32 s22, $0x3  }
0x8d: {  	s10 =	rddreg [dreg:$0xc];
	s8 =	sadd.s32 s21, s8  }
0x8e: {  	[tilespmem:s11], [sflag:$0x1] =	stream.linear.gather [hbm4b:s8+s4], $0x80, $0x38;
	[tilespmem:$0x1FEA0] =	vst v63  }
0x8f: {  	s21 =	sadd.s32 $0x0, s10  }
0x90: {  	[tilespmem:s12], [sflag:$0x7] =	stream.linear.gather [hbm4b:s21+s4], $0x80, $0x38;
	[tilespmem:$0x1FEA0] =	vst v63  }
0x91: {  	_ =	swait.ge [sflag:s17], $0x4000  }
0x92: {  	[sflag:s17] =	ssyncset.done $0x0  }
0x93: {  	s29 =	simm.s32 $0x13D00;
	s21 =	simm.s32 $0x12;
	[sflag:s17] =	ssyncadd.s32 $0xFFFFC000  }
0x94: {  	[spmem:s2] =	stream.indirect.scatter.add.f32 [tilespmem:s16], [sflag:$0x10], $0x80, s29, s13, $0xb8;
	[tilespmem:$0x1FEA0] =	vst v63  }
0x95: {  	_ =	swait.ge [sflag:s21], $0x4000  }
0x96: {  	[sflag:s21] =	ssyncset.done $0x0  }
0x97: {  	s10 =	simm.s32 $0x6;
	[sflag:s21] =	ssyncadd.s32 $0xFFFFC000  }
0x98: {  	_ =	swait.ge [sflag:s10], $0x80  }
0x99: {  	[sflag:s10] =	ssyncset.done $0x0  }
0x9a: {  	[sflag:s10] =	ssyncadd.s32 $0xFFFFFF80;
	s10 =	simm.s32 $0xC  }
0x9b: {  	_ =	swait.ge [sflag:s10], $0x80  }
0x9c: {  	[sflag:s10] =	ssyncset.done $0x0  }
0x9d: {  	s8 =	rddreg [dreg:$0xa];
	[sflag:s10] =	ssyncadd.s32 $0xFFFFFF80  }
0x9e: {  	[tilespmem:s31], [sflag:$0xF] =	stream.indirect.gather [hbm4b:s5+s13], $0x80, s14, s13, $0xb8;
	[tilespmem:$0x1FEA0] =	vst v63  }
0x9f: {  	s10 =	rddreg [dreg:$0xb];
	s8 =	sadd.s32 $0x0, s8  }
0xa0: {  	[tilespmem:s15], [sflag:$0x2] =	stream.linear.gather [hbm4b:s8+s4], $0x80, $0x38;
	[tilespmem:$0x1FEA0] =	vst v63  }
0xa1: {  	s14 =	sadd.s32 $0x0, s10  }
0xa2: {  	[tilespmem:s6], [sflag:$0x8] =	stream.linear.gather [hbm4b:s14+s4], $0x80, $0x38;
	[tilespmem:$0x1FEA0] =	vst v63  }
0xa3: {  	_ =	swait.ge [sflag:s24], $0x4000  }
0xa4: {  	[sflag:s24] =	ssyncset.done $0x0  }
0xa5: {  	[sflag:s24] =	ssyncadd.s32 $0xFFFFC000  }
0xa6: {  	[spmem:s2] =	stream.indirect.scatter.add.f32 [tilespmem:s20], [sflag:$0x11], $0x80, s9, s13, $0xb8;
	[tilespmem:$0x1FEA0] =	vst v63  }
0xa7: {  	_ =	swait.ge [sflag:s1], $0x4000  }
0xa8: {  	[sflag:s1] =	ssyncset.done $0x0  }
0xa9: {  	[sflag:s1] =	ssyncadd.s32 $0xFFFFC000  }
0xaa: {  	_ =	swait.ge [sflag:s23], $0x80  }
0xab: {  	[sflag:s23] =	ssyncset.done $0x0  }
0xac: {  	[sflag:s23] =	ssyncadd.s32 $0xFFFFFF80  }
0xad: {  	_ =	swait.ge [sflag:s3], $0x80  }
0xae: {  	[sflag:s3] =	ssyncset.done $0x0  }
0xaf: {  	s6 =	rddreg [dreg:$0x8];
	[sflag:s3] =	ssyncadd.s32 $0xFFFFFF80  }
0xb0: {  	[tilespmem:s16], [sflag:$0xD] =	stream.indirect.gather [hbm4b:s5+s13], $0x80, s11, s13, $0xb8;
	[tilespmem:$0x1FEA0] =	vst v63  }
0xb1: {  	s9 =	rddreg [dreg:$0x9];
	s8 =	sadd.s32 $0x0, s6  }
0xb2: {  	[tilespmem:s18], [sflag:$0x3] =	stream.linear.gather [hbm4b:s8+s4], $0x80, $0x38;
	[tilespmem:$0x1FEA0] =	vst v63  }
0xb3: {  	s14 =	simm.s32 $0x13C80;
	s11 =	sadd.s32 $0x0, s9  }
0xb4: {  	[tilespmem:s14], [sflag:$0x9] =	stream.linear.gather [hbm4b:s11+s4], $0x80, $0x38;
	[tilespmem:$0x1FEA0] =	vst v63  }
0xb5: {  	_ =	swait.ge [sflag:s26], $0x4000  }
0xb6: {  	[sflag:s26] =	ssyncset.done $0x0  }
0xb7: {  	[sflag:s26] =	ssyncadd.s32 $0xFFFFC000  }
0xb8: {  	[spmem:s2] =	stream.indirect.scatter.add.f32 [tilespmem:s31], [sflag:$0x12], $0x80, s19, s13, $0xb8;
	[tilespmem:$0x1FEA0] =	vst v63  }
0xb9: {  	_ =	swait.ge [sflag:s0], $0x4000  }
0xba: {  	[sflag:s0] =	ssyncset.done $0x0  }
0xbb: {  	[sflag:s0] =	ssyncadd.s32 $0xFFFFC000  }
0xbc: {  	_ =	swait.ge [sflag:s7], $0x80  }
0xbd: {  	[sflag:s7] =	ssyncset.done $0x0  }
0xbe: {  	[sflag:s7] =	ssyncadd.s32 $0xFFFFFF80  }
0xbf: {  	_ =	swait.ge [sflag:s28], $0x80  }
0xc0: {  	[sflag:s28] =	ssyncset.done $0x0  }
0xc1: {  	s23 =	rddreg [dreg:$0x6];
	[sflag:s28] =	ssyncadd.s32 $0xFFFFFF80  }
0xc2: {  	[tilespmem:s20], [sflag:$0xE] =	stream.indirect.gather [hbm4b:s5+s13], $0x80, s15, s13, $0xb8;
	[tilespmem:$0x1FEA0] =	vst v63  }
0xc3: {  	s26 =	simm.s32 $0x13A00;
	s24 =	rddreg [dreg:$0x7];
	s8 =	sadd.s32 $0x0, s23  }
0xc4: {  	[tilespmem:s26], [sflag:$0x4] =	stream.linear.gather [hbm4b:s8+s4], $0x80, $0x38;
	[tilespmem:$0x1FEA0] =	vst v63  }
0xc5: {  	s29 =	simm.s32 $0x13D00;
	s28 =	sadd.s32 $0x0, s24  }
0xc6: {  	[tilespmem:s29], [sflag:$0xA] =	stream.linear.gather [hbm4b:s28+s4], $0x80, $0x38;
	[tilespmem:$0x1FEA0] =	vst v63  }
0xc7: {  	_ =	swait.ge [sflag:s17], $0x4000  }
0xc8: {  	[sflag:s17] =	ssyncset.done $0x0  }
0xc9: {  	[sflag:s17] =	ssyncadd.s32 $0xFFFFC000  }
0xca: {  	[spmem:s2] =	stream.indirect.scatter.add.f32 [tilespmem:s16], [sflag:$0x10], $0x80, s12, s13, $0xb8;
	[tilespmem:$0x1FEA0] =	vst v63  }
0xcb: {  	_ =	swait.ge [sflag:s21], $0x4000  }
0xcc: {  	[sflag:s21] =	ssyncset.done $0x0  }
0xcd: {  	[sflag:s21] =	ssyncadd.s32 $0xFFFFC000  }
0xce: {  	_ =	swait.ge [sflag:s30], $0x80  }
0xcf: {  	[sflag:s30] =	ssyncset.done $0x0  }
0xd0: {  	[sflag:s30] =	ssyncadd.s32 $0xFFFFFF80  }
0xd1: {  	_ =	swait.ge [sflag:s25], $0x80  }
0xd2: {  	s10 =	sadd.s32 $0x300, s22;
	[sflag:s25] =	ssyncset.done $0x0  }
0xd3: {  	s14 =	simm.s32 $0x8;
	s29 =	rddreg [dreg:$0x4];
	[sflag:s25] =	ssyncadd.s32 $0xFFFFFF80  }
0xd4: {  	[tilespmem:s31], [sflag:$0xF] =	stream.indirect.gather [hbm4b:s5+s13], $0x80, s18, s13, $0xb8;
	[tilespmem:$0x1FEA0] =	vst v63  }
0xd5: {  	s30 =	rddreg [dreg:$0x5];
	s8 =	sadd.s32 $0x0, s29;
	s31 =	simm.s32 $0x13A80  }
0xd6: {  	[tilespmem:s31], [sflag:$0x5] =	stream.linear.gather [hbm4b:s8+s4], $0x80, $0x38;
	[tilespmem:$0x1FEA0] =	vst v63  }
0xd7: {  	s7 =	simm.s32 $0x2;
	s21 =	sadd.s32 $0x0, s30;
	s8 =	simm.s32 $0x60  }
.LBB2_2:
0xd8: {  	s28 =	simm.s32 $0x13D80;
	s26 =	simm.s32 $0xE  }
0xd9: {  	[tilespmem:s28], [sflag:$0xB] =	stream.linear.gather [hbm4b:s21+s4], $0x80, $0x38;
	[tilespmem:$0x1FEA0] =	vst v63  }
0xda: {  	_ =	swait.ge [sflag:s26], $0x4000  }
0xdb: {  	[sflag:s26] =	ssyncset.done $0x0  }
0xdc: {  	s18 =	simm.s32 $0x13C00;
	[sflag:s26] =	ssyncadd.s32 $0xFFFFC000  }
0xdd: {  	s20 =	simm.s32 $0x17E80;
	s1 =	simm.s32 $0x10;
	s17 =	rddreg [dreg:$0x2]  }
0xde: {  	[spmem:s17] =	stream.indirect.scatter.add.f32 [tilespmem:s20], [sflag:$0x11], $0x80, s18, s13, $0xb8;
	[tilespmem:$0x1FEA0] =	vst v63  }
0xdf: {  	_ =	swait.ge [sflag:s1], $0x4000  }
0xe0: {  	[sflag:s1] =	ssyncset.done $0x0  }
0xe1: {  	s6 =	simm.s32 $0x4;
	[sflag:s1] =	ssyncadd.s32 $0xFFFFC000  }
0xe2: {  	_ =	swait.ge [sflag:s6], $0x80  }
0xe3: {  	[sflag:s6] =	ssyncset.done $0x0  }
0xe4: {  	s16 =	simm.s32 $0xA;
	[sflag:s6] =	ssyncadd.s32 $0xFFFFFF80  }
0xe5: {  	_ =	swait.ge [sflag:s16], $0x80  }
0xe6: {  	s9 =	simm.s32 $0x13A00;
	s21 =	smov.u32 s8;
	[sflag:s16] =	ssyncset.done $0x0  }
0xe7: {  	s22 =	rddreg [dreg:$0xd];
	[sflag:s16] =	ssyncadd.s32 $0xFFFFFF80;
	s16 =	simm.s32 $0x13E80  }
0xe8: {  	[tilespmem:s16], [sflag:$0xD] =	stream.indirect.gather [hbm4b:s5+s13], $0x80, s9, s13, $0xb8;
	[tilespmem:$0x1FEA0] =	vst v63  }
0xe9: {  	s6 =	simm.s32 $0x13B00;
	s23 =	rddreg [dreg:$0xe];
	s22 =	sadd.s32 s21, s22  }
0xea: {  	[tilespmem:s6], [sflag:$0x6] =	stream.linear.gather [hbm4b:s22+s4], $0x80, $0x38;
	[tilespmem:$0x1FEA0] =	vst v63  }
0xeb: {  	s15 =	simm.s32 $0x13E00;
	s29 =	simm.s32 $0xF;
	s19 =	sadd.s32 s21, s23  }
0xec: {  	[tilespmem:s15], [sflag:$0xC] =	stream.linear.gather [hbm4b:s19+s4], $0x80, $0x38;
	[tilespmem:$0x1FEA0] =	vst v63  }
0xed: {  	_ =	swait.ge [sflag:s29], $0x4000  }
0xee: {  	s11 =	simm.s32 $0x1BE80;
	[sflag:s29] =	ssyncset.done $0x0  }
0xef: {  	s0 =	simm.s32 $0x11;
	s19 =	simm.s32 $0x13C80;
	[sflag:s29] =	ssyncadd.s32 $0xFFFFC000  }
0xf0: {  	[spmem:s17] =	stream.indirect.scatter.add.f32 [tilespmem:s11], [sflag:$0x12], $0x80, s19, s13, $0xb8;
	[tilespmem:$0x1FEA0] =	vst v63  }
0xf1: {  	_ =	swait.ge [sflag:s0], $0x4000  }
0xf2: {  	[sflag:s0] =	ssyncset.done $0x0  }
0xf3: {  	s12 =	simm.s32 $0x5;
	[sflag:s0] =	ssyncadd.s32 $0xFFFFC000  }
0xf4: {  	_ =	swait.ge [sflag:s12], $0x80  }
0xf5: {  	[sflag:s12] =	ssyncset.done $0x0  }
0xf6: {  	s22 =	simm.s32 $0xB;
	[sflag:s12] =	ssyncadd.s32 $0xFFFFFF80  }
0xf7: {  	_ =	swait.ge [sflag:s22], $0x80  }
0xf8: {  	[sflag:s22] =	ssyncset.done $0x0  }
0xf9: {  	s12 =	simm.s32 $0x13A80;
	[sflag:s22] =	ssyncadd.s32 $0xFFFFFF80  }
0xfa: {  	[tilespmem:s20], [sflag:$0xE] =	stream.indirect.gather [hbm4b:s5+s13], $0x80, s12, s13, $0xb8;
	[tilespmem:$0x1FEA0] =	vst v63  }
0xfb: {  	s23 =	sshrl.u32 s10, $0x3;
	s30 =	rddreg [dreg:$0x1]  }
0xfc: {  	s2 =	simm.s32 $0x13880;
	s24 =	rddreg [dreg:$0xc];
	s22 =	sadd.s32 s30, s23  }
0xfd: {  	[tilespmem:s2], [sflag:$0x1] =	stream.linear.gather [hbm4b:s22+s4], $0x80, $0x38;
	[tilespmem:$0x1FEA0] =	vst v63  }
0xfe: {  	s31 =	simm.s32 $0x13B80;
	s25 =	sadd.s32 s21, s24;
	s24 =	simm.s32 $0xD  }
0xff: {  	[tilespmem:s31], [sflag:$0x7] =	stream.linear.gather [hbm4b:s25+s4], $0x80, $0x38;
	[tilespmem:$0x1FEA0] =	vst v63  }
0x100: {  	_ =	swait.ge [sflag:s24], $0x4000  }
0x101: {  	[sflag:s24] =	ssyncset.done $0x0  }
0x102: {  	s30 =	simm.s32 $0x13D00;
	s25 =	simm.s32 $0x12;
	[sflag:s24] =	ssyncadd.s32 $0xFFFFC000  }
0x103: {  	[spmem:s17] =	stream.indirect.scatter.add.f32 [tilespmem:s16], [sflag:$0x10], $0x80, s30, s13, $0xb8;
	[tilespmem:$0x1FEA0] =	vst v63  }
0x104: {  	_ =	swait.ge [sflag:s25], $0x4000  }
0x105: {  	[sflag:s25] =	ssyncset.done $0x0  }
0x106: {  	s3 =	simm.s32 $0x6;
	[sflag:s25] =	ssyncadd.s32 $0xFFFFC000  }
0x107: {  	_ =	swait.ge [sflag:s3], $0x80  }
0x108: {  	[sflag:s3] =	ssyncset.done $0x0  }
0x109: {  	s22 =	simm.s32 $0xC;
	[sflag:s3] =	ssyncadd.s32 $0xFFFFFF80  }
0x10a: {  	_ =	swait.ge [sflag:s22], $0x80  }
0x10b: {  	[sflag:s22] =	ssyncset.done $0x0  }
0x10c: {  	s3 =	rddreg [dreg:$0xa];
	[sflag:s22] =	ssyncadd.s32 $0xFFFFFF80  }
0x10d: {  	[tilespmem:s11], [sflag:$0xF] =	stream.indirect.gather [hbm4b:s5+s13], $0x80, s6, s13, $0xb8;
	[tilespmem:$0x1FEA0] =	vst v63  }
0x10e: {  	s23 =	rddreg [dreg:$0xb];
	s22 =	sadd.s32 s21, s3;
	s3 =	simm.s32 $0x13900  }
0x10f: {  	[tilespmem:s3], [sflag:$0x2] =	stream.linear.gather [hbm4b:s22+s4], $0x80, $0x38;
	[tilespmem:$0x1FEA0] =	vst v63  }
0x110: {  	s23 =	sadd.s32 s21, s23  }
0x111: {  	[tilespmem:s18], [sflag:$0x8] =	stream.linear.gather [hbm4b:s23+s4], $0x80, $0x38;
	[tilespmem:$0x1FEA0] =	vst v63  }
0x112: {  	_ =	swait.ge [sflag:s26], $0x4000  }
0x113: {  	[sflag:s26] =	ssyncset.done $0x0  }
0x114: {  	[sflag:s26] =	ssyncadd.s32 $0xFFFFC000  }
0x115: {  	[spmem:s17] =	stream.indirect.scatter.add.f32 [tilespmem:s20], [sflag:$0x11], $0x80, s28, s13, $0xb8;
	[tilespmem:$0x1FEA0] =	vst v63  }
0x116: {  	_ =	swait.ge [sflag:s1], $0x4000  }
0x117: {  	[sflag:s1] =	ssyncset.done $0x0  }
0x118: {  	s26 =	simm.s32 $0x1;
	[sflag:s1] =	ssyncadd.s32 $0xFFFFC000  }
0x119: {  	_ =	swait.ge [sflag:s26], $0x80  }
0x11a: {  	[sflag:s26] =	ssyncset.done $0x0  }
0x11b: {  	s22 =	simm.s32 $0x7;
	[sflag:s26] =	ssyncadd.s32 $0xFFFFFF80  }
0x11c: {  	_ =	swait.ge [sflag:s22], $0x80  }
0x11d: {  	[sflag:s22] =	ssyncset.done $0x0  }
0x11e: {  	s23 =	rddreg [dreg:$0x8];
	[sflag:s22] =	ssyncadd.s32 $0xFFFFFF80  }
0x11f: {  	[tilespmem:s16], [sflag:$0xD] =	stream.indirect.gather [hbm4b:s5+s13], $0x80, s2, s13, $0xb8;
	[tilespmem:$0x1FEA0] =	vst v63  }
0x120: {  	s18 =	simm.s32 $0x13980;
	s26 =	rddreg [dreg:$0x9];
	s22 =	sadd.s32 s21, s23  }
0x121: {  	[tilespmem:s18], [sflag:$0x3] =	stream.linear.gather [hbm4b:s22+s4], $0x80, $0x38;
	[tilespmem:$0x1FEA0] =	vst v63  }
0x122: {  	s1 =	sadd.s32 s21, s26  }
0x123: {  	[tilespmem:s19], [sflag:$0x9] =	stream.linear.gather [hbm4b:s1+s4], $0x80, $0x38;
	[tilespmem:$0x1FEA0] =	vst v63  }
0x124: {  	_ =	swait.ge [sflag:s29], $0x4000  }
0x125: {  	[sflag:s29] =	ssyncset.done $0x0  }
0x126: {  	[sflag:s29] =	ssyncadd.s32 $0xFFFFC000  }
0x127: {  	[spmem:s17] =	stream.indirect.scatter.add.f32 [tilespmem:s11], [sflag:$0x12], $0x80, s15, s13, $0xb8;
	[tilespmem:$0x1FEA0] =	vst v63  }
0x128: {  	_ =	swait.ge [sflag:s0], $0x4000  }
0x129: {  	[sflag:s0] =	ssyncset.done $0x0  }
0x12a: {  	[sflag:s0] =	ssyncadd.s32 $0xFFFFC000  }
0x12b: {  	_ =	swait.ge [sflag:s7], $0x80  }
0x12c: {  	[sflag:s7] =	ssyncset.done $0x0  }
0x12d: {  	[sflag:s7] =	ssyncadd.s32 $0xFFFFFF80  }
0x12e: {  	_ =	swait.ge [sflag:s14], $0x80  }
0x12f: {  	[sflag:s14] =	ssyncset.done $0x0  }
0x130: {  	s2 =	rddreg [dreg:$0x6];
	[sflag:s14] =	ssyncadd.s32 $0xFFFFFF80  }
0x131: {  	[tilespmem:s20], [sflag:$0xE] =	stream.indirect.gather [hbm4b:s5+s13], $0x80, s3, s13, $0xb8;
	[tilespmem:$0x1FEA0] =	vst v63  }
0x132: {  	s15 =	rddreg [dreg:$0x7];
	s22 =	sadd.s32 s21, s2  }
0x133: {  	[tilespmem:s9], [sflag:$0x4] =	stream.linear.gather [hbm4b:s22+s4], $0x80, $0x38;
	[tilespmem:$0x1FEA0] =	vst v63  }
0x134: {  	s23 =	sadd.s32 s21, s15  }
0x135: {  	[tilespmem:s30], [sflag:$0xA] =	stream.linear.gather [hbm4b:s23+s4], $0x80, $0x38;
	[tilespmem:$0x1FEA0] =	vst v63  }
0x136: {  	_ =	swait.ge [sflag:s24], $0x4000  }
0x137: {  	[sflag:s24] =	ssyncset.done $0x0  }
0x138: {  	[sflag:s24] =	ssyncadd.s32 $0xFFFFC000  }
0x139: {  	[spmem:s17] =	stream.indirect.scatter.add.f32 [tilespmem:s16], [sflag:$0x10], $0x80, s31, s13, $0xb8;
	[tilespmem:$0x1FEA0] =	vst v63  }
0x13a: {  	_ =	swait.ge [sflag:s25], $0x4000  }
0x13b: {  	[sflag:s25] =	ssyncset.done $0x0  }
0x13c: {  	s30 =	simm.s32 $0x3;
	[sflag:s25] =	ssyncadd.s32 $0xFFFFC000  }
0x13d: {  	p1 =	sne.s32 s8, $0x420;
	_ =	swait.ge [sflag:s30], $0x80  }
0x13e: {  	s8 =	sadd.s32 $0x60, s8;
	s10 =	sadd.s32 $0x300, s10;
	[sflag:s30] =	ssyncset.done $0x0  }
0x13f: {  	s6 =	simm.s32 $0x13C00;
	s26 =	simm.s32 $0x9;
	[sflag:s30] =	ssyncadd.s32 $0xFFFFFF80  }
0x140: {  	s28 =	simm.s32 $0x13C80;
	s19 =	simm.s32 $0x13A00;
	_ =	swait.ge [sflag:s26], $0x80  }
.Ltmp0:
0x141: {  	[sflag:s26] =	ssyncset.done $0x0;
	s29 =	rddreg [dreg:$0x4];
	(pc) =	sbr.rel @p1 .LBB2_2-.Ltmp0, $4  }
0x142: {  	s9 =	simm.s32 $0x13D00;
	s31 =	rddreg [dreg:$0x5];
	[sflag:s26] =	ssyncadd.s32 $0xFFFFFF80  }
0x143: {  	[tilespmem:s11], [sflag:$0xF] =	stream.indirect.gather [hbm4b:s5+s13], $0x80, s18, s13, $0xb8;
	[tilespmem:$0x1FEA0] =	vst v63  }
0x144: {  	s22 =	sadd.s32 s21, s29;
	s21 =	sadd.s32 s21, s31;
	s11 =	simm.s32 $0x13A80  }
0x145: {  	[tilespmem:s12], [sflag:$0x5] =	stream.linear.gather [hbm4b:s22+s4], $0x80, $0x38;
	[tilespmem:$0x1FEA0] =	vst v63  }
0x146: {  	s10 =	simm.s32 $0x13D80;
	s15 =	simm.s32 $0xE  }
0x147: {  	[tilespmem:s10], [sflag:$0xB] =	stream.linear.gather [hbm4b:s21+s4], $0x80, $0x38;
	[tilespmem:$0x1FEA0] =	vst v63  }
0x148: {  	_ =	swait.ge [sflag:s15], $0x4000  }
0x149: {  	[sflag:s15] =	ssyncset.done $0x0  }
0x14a: {  	[sflag:s15] =	ssyncadd.s32 $0xFFFFC000  }
0x14b: {  	s7 =	simm.s32 $0x17E80;
	s1 =	simm.s32 $0x10;
	s2 =	rddreg [dreg:$0x2]  }
0x14c: {  	[spmem:s2] =	stream.indirect.scatter.add.f32 [tilespmem:s7], [sflag:$0x11], $0x80, s6, s13, $0xb8;
	[tilespmem:$0x1FEA0] =	vst v63  }
0x14d: {  	_ =	swait.ge [sflag:s1], $0x4000  }
0x14e: {  	[sflag:s1] =	ssyncset.done $0x0  }
0x14f: {  	s3 =	simm.s32 $0x4;
	[sflag:s1] =	ssyncadd.s32 $0xFFFFC000  }
0x150: {  	_ =	swait.ge [sflag:s3], $0x80  }
0x151: {  	[sflag:s3] =	ssyncset.done $0x0  }
0x152: {  	s24 =	simm.s32 $0xA;
	[sflag:s3] =	ssyncadd.s32 $0xFFFFFF80  }
0x153: {  	_ =	swait.ge [sflag:s24], $0x80  }
0x154: {  	[sflag:s24] =	ssyncset.done $0x0  }
0x155: {  	s3 =	simm.s32 $0x13E80;
	[sflag:s24] =	ssyncadd.s32 $0xFFFFFF80  }
0x156: {  	[tilespmem:s3], [sflag:$0xD] =	stream.indirect.gather [hbm4b:s5+s13], $0x80, s19, s13, $0xb8;
	[tilespmem:$0x1FEA0] =	vst v63  }
0x157: {  	s12 =	simm.s32 $0x13B00;
	s8 =	rddreg [dreg:$0x1e]  }
0x158: {  	[tilespmem:s12], [sflag:$0x6] =	stream.linear.gather [hbm4b:s8+s4], $0x80, $0x38;
	[tilespmem:$0x1FEA0] =	vst v63  }
0x159: {  	s14 =	simm.s32 $0x13E00;
	s16 =	simm.s32 $0xF;
	s25 =	rddreg [dreg:$0x1f]  }
0x15a: {  	[tilespmem:s14], [sflag:$0xC] =	stream.linear.gather [hbm4b:s25+s4], $0x80, $0x38;
	[tilespmem:$0x1FEA0] =	vst v63  }
0x15b: {  	_ =	swait.ge [sflag:s16], $0x4000  }
0x15c: {  	[sflag:s16] =	ssyncset.done $0x0  }
0x15d: {  	s26 =	simm.s32 $0x1BE80;
	s0 =	simm.s32 $0x11;
	[sflag:s16] =	ssyncadd.s32 $0xFFFFC000  }
0x15e: {  	[spmem:s2] =	stream.indirect.scatter.add.f32 [tilespmem:s26], [sflag:$0x12], $0x80, s28, s13, $0xb8;
	[tilespmem:$0x1FEA0] =	vst v63  }
0x15f: {  	_ =	swait.ge [sflag:s0], $0x4000  }
0x160: {  	[sflag:s0] =	ssyncset.done $0x0  }
0x161: {  	s29 =	simm.s32 $0x5;
	[sflag:s0] =	ssyncadd.s32 $0xFFFFC000  }
0x162: {  	_ =	swait.ge [sflag:s29], $0x80  }
0x163: {  	[sflag:s29] =	ssyncset.done $0x0  }
0x164: {  	s31 =	simm.s32 $0xB;
	[sflag:s29] =	ssyncadd.s32 $0xFFFFFF80  }
0x165: {  	_ =	swait.ge [sflag:s31], $0x80  }
0x166: {  	[sflag:s31] =	ssyncset.done $0x0  }
0x167: {  	s17 =	simm.s32 $0xD;
	[sflag:s31] =	ssyncadd.s32 $0xFFFFFF80  }
0x168: {  	[tilespmem:s7], [sflag:$0xE] =	stream.indirect.gather [hbm4b:s5+s13], $0x80, s11, s13, $0xb8;
	[tilespmem:$0x1FEA0] =	vst v63  }
0x169: {  	_ =	swait.ge [sflag:s17], $0x4000  }
0x16a: {  	[sflag:s17] =	ssyncset.done $0x0  }
0x16b: {  	s19 =	simm.s32 $0x12;
	[sflag:s17] =	ssyncadd.s32 $0xFFFFC000  }
0x16c: {  	[spmem:s2] =	stream.indirect.scatter.add.f32 [tilespmem:s3], [sflag:$0x10], $0x80, s9, s13, $0xb8;
	[tilespmem:$0x1FEA0] =	vst v63  }
0x16d: {  	_ =	swait.ge [sflag:s19], $0x4000  }
0x16e: {  	[sflag:s19] =	ssyncset.done $0x0  }
0x16f: {  	s20 =	simm.s32 $0x6;
	[sflag:s19] =	ssyncadd.s32 $0xFFFFC000  }
0x170: {  	_ =	swait.ge [sflag:s20], $0x80  }
0x171: {  	[sflag:s20] =	ssyncset.done $0x0  }
0x172: {  	s21 =	simm.s32 $0xC;
	[sflag:s20] =	ssyncadd.s32 $0xFFFFFF80  }
0x173: {  	_ =	swait.ge [sflag:s21], $0x80  }
0x174: {  	[sflag:s21] =	ssyncset.done $0x0  }
0x175: {  	[sflag:s21] =	ssyncadd.s32 $0xFFFFFF80  }
0x176: {  	[tilespmem:s26], [sflag:$0xF] =	stream.indirect.gather [hbm4b:s5+s13], $0x80, s12, s13, $0xb8;
	[tilespmem:$0x1FEA0] =	vst v63  }
0x177: {  	_ =	swait.ge [sflag:s15], $0x4000  }
0x178: {  	[sflag:s15] =	ssyncset.done $0x0  }
0x179: {  	[sflag:s15] =	ssyncadd.s32 $0xFFFFC000  }
0x17a: {  	[spmem:s2] =	stream.indirect.scatter.add.f32 [tilespmem:s7], [sflag:$0x11], $0x80, s10, s13, $0xb8;
	[tilespmem:$0x1FEA0] =	vst v63  }
0x17b: {  	_ =	swait.ge [sflag:s1], $0x4000  }
0x17c: {  	[sflag:s1] =	ssyncset.done $0x0  }
0x17d: {  	[sflag:s1] =	ssyncadd.s32 $0xFFFFC000  }
0x17e: {  	_ =	swait.ge [sflag:s16], $0x4000  }
0x17f: {  	[sflag:s16] =	ssyncset.done $0x0  }
0x180: {  	[sflag:s16] =	ssyncadd.s32 $0xFFFFC000  }
0x181: {  	[spmem:s2] =	stream.indirect.scatter.add.f32 [tilespmem:s26], [sflag:$0x12], $0x80, s14, s13, $0xb8;
	[tilespmem:$0x1FEA0] =	vst v63  }
0x182: {  	_ =	swait.ge [sflag:s0], $0x4000  }
0x183: {  	[sflag:s0] =	ssyncset.done $0x0  }
0x184: {  	[sflag:s0] =	ssyncadd.s32 $0xFFFFC000  }
0x185: {  	_ =	swait.ge [sflag:s19], $0x4000  }
0x186: {  	s22 =	sld [smem:$0x7FC]  }
0x187: {  	[sflag:s19] =	ssyncset.done $0x0  }
0x188: {  	s23 =	simm.s32 $0x1FE80;
	s24 =	simm.s32 $0x13;
	[sflag:s19] =	ssyncadd.s32 $0xFFFFC000  }
0x189: {  	[tilespmem:s23], [sflag:$0x13] =	stream.linear.gather [hbm4b:s22+s4], $0x10, $0x38;
	[tilespmem:$0x1FEA0] =	vst v63  }
0x18a: {  	_ =	swait.ge [sflag:s24], $0x10  }
0x18b: {  	s25 =	sld [smem:$0x7FD]  }
0x18c: {  	[sflag:s24] =	ssyncset.done $0x0  }
0x18d: {  	s26 =	simm.s32 $0x1FE90;
	[sflag:s24] =	ssyncadd.s32 $0xFFFFFFF0  }
0x18e: {  	[tilespmem:s26], [sflag:$0x13] =	stream.linear.gather [hbm4b:s25+s4], $0x10, $0x38;
	[tilespmem:$0x1FEA0] =	vst v63  }
0x18f: {  	_ =	swait.ge [sflag:s24], $0x10  }
0x190: {  	[sflag:s24] =	ssyncset.done $0x0  }
0x191: {  	[sflag:s24] =	ssyncadd.s32 $0xFFFFFFF0  }
0x192: {  	[tilespmem:s3], [sflag:$0x13] =	stream.indirect.gather [hbm4b:s5+s1], $0x80, s23, s1, $0xb8;
	[tilespmem:$0x1FEA0] =	vst v63  }
0x193: {  	_ =	swait.ge [sflag:s24], $0x800  }
0x194: {  	[sflag:s24] =	ssyncset.done $0x0  }
0x195: {  	[sflag:s24] =	ssyncadd.s32 $0xFFFFF800  }
0x196: {  	[spmem:s2] =	stream.indirect.scatter.add.f32 [tilespmem:s3], [sflag:$0x13], $0x80, s26, s1, $0xb8;
	[tilespmem:$0x1FEA0] =	vst v63  }
0x197: {  	_ =	swait.ge [sflag:s24], $0x800  }
0x198: {  	[sflag:s24] =	ssyncset.done $0x0  }
0x199: {  	[sflag:s24] =	ssyncadd.s32 $0xFFFFF800  }
0x19a: {  	[bflag:$0x0] =	sbarrier.arrive $0xFFFF  }
0x19b: {  	s21 =	sld [smem:$0x7F9]  }
0x19c: {  	s3 =	sld [smem:$0x7F6];
	_ =	sdelay $0x1  }
0x19d: {  	s10 =	simm.s32 @p0 $0x1FD3;
	s8 =	sadd.s32 @p0 $0x25800, s21  }
0x19e: {  	[hbm:s8], [sflag:s10] =	dma.local @p0 [spmem:s3], $0x1900  }
0x19f: {  	s8 =	simm.s32 @p0 $0x13  }
0x1a0: {  	_ =	swait.ge @p0 [sflag:s8], $0x1900  }
0x1a1: {  	s3 =	sld [smem:$0x7F7]  }
0x1a2: {  	[sflag:s8] =	ssyncset.done @p0 $0x0;
	s6 =	sld [smem:$0x7F8]  }
0x1a3: {  	[sflag:s8] =	ssyncadd.s32 @p0 $0xFFFFE700;
	s8 =	rddreg [dreg:$0xf]  }
0x1a4: {  	s8 =	sadd.s32 @!p0 s8, s21  }
0x1a5: {  	[hbm:s8], [sflag:s3] =	dma.local @!p0 [spmem:s6], $0x2800  }
0x1a6: {  	s8 =	simm.s32 @!p0 $0x13  }
0x1a7: {  	_ =	swait.ge @!p0 [sflag:s8], $0x2800  }
0x1a8: {  	s29 =	sld [smem:$0x7F5]  }
0x1a9: {  	s31 =	sld [smem:$0x7FA];
	_ =	sdelay $0x1  }
0x1aa: {  	s6 =	sadd.s32 $0x1, s29  }
0x1ab: {  	p1 =	sne.s32 s6, s31  }
.Ltmp1:
0x1ac: {  	_ = 	snop;
	(pc) =	sbr.rel @p1 .LBB2_1-.Ltmp1, $4  }
0x1ad: {  	s28 =	simm.s32 $0x8;
	s11 =	simm.s32 $0x13880  }
0x1ae: {  	s12 =	simm.s32 $0x13B80;
	s15 =	simm.s32 $0x13900;
	[sflag:s8] =	ssyncset.done @!p0 $0x0  }
0x1af: {  	s7 =	simm.s32 $0x2;
	s25 =	simm.s32 $0x9;
	[sflag:s8] =	ssyncadd.s32 @!p0 $0xFFFFD800  }
0x1b0: {  	s23 =	simm.s32 $0x1;
	s3 =	simm.s32 $0x7;
	s21 =	rddreg [dreg:$0x1]  }
0x1b1: {  	_ =	sfence.sel $0x180000  }
0x1b2: {  	[bflag:$0x0] =	sbarrier.arrive $0xFFFF  }
0x1b3: {  	_ =	strace $0x9000004A  }
0x1b4: {  	s0 =	stileid.u32;
	[bflag:$0x2] =	sbarrier.arrive $0xFFFF  }
0x1b5: {  	p0 =	sne.s32 s0, $0x0;
	s0 =	rddreg [dreg:$0x3]  }
0x1b6: {  	s0 =	sadd.s32 @!p0 $0x100000, s0  }
0x1b7: {  	[sflag:s0] =	ssyncadd.tile.s32 @!p0 $0x1;
	_ =	shalt  }
.Lfunc_end2:
_tile_overlayer_lowered:
.L_overlay_start_2:
0x1b8: {  	(tag) =	ssettag $0x2  }
0x1b9: {  	s0 =	rddreg [dreg:$0x0];
	s2 =	stileid.u32  }
0x1ba: {  	s1 =	rddreg [dreg:$0x1];
	p0 =	sne.s32 s2, $0x0  }
0x1bb: {  	s3 =	rddreg [dreg:$0x2];
	[bflag:$0x3] =	sbarrier.arrive $0xFFFF;
	s2 =	simm.s32 @!p0 $0x1C13  }
0x1bc: {  	[timem:s3], [sflag:s2] =	dma.local @!p0 [hbm:s0], s1  }
0x1bd: {  	s0 =	simm.s32 @!p0 $0x13  }
0x1be: {  	_ =	swait.ge @!p0 [sflag:s0], s1  }
0x1bf: {  	s1 =	ssub.s32 @!p0 $0x0, s1;
	[sflag:s0] =	ssyncset.done @!p0 $0x0  }
0x1c0: {  	[sflag:s0] =	ssyncadd.s32 @!p0 s1  }
0x1c1: {  	[bflag:$0x3] =	sbarrier.arrive $0xFFFF  }
0x1c2: {  	_ =	shalt  }

// kernel: kernel.14.cloned.1.call-start
scs
__scs_entry_jumppad:
0x0: {  	(pc) =	sbr.rel $0x88, $3  }
0x1: {  	(tag) =	ssettag $0x0;
	lr =	simm.s32 $0x1  }
0x2: {  	[smem:$0x3F9B] =	sst lr;
	_ =	strace $0xD0000000  }
0x3: {  	_ = 	snop  }
0x4: {  	_ = 	snop  }
0x5: {  	_ = 	snop  }
0x6: {  	_ = 	snop  }
0x7: {  	_ = 	snop  }
__scs_overlays_trampoline_lowered:
0x8: {  	[smem:$0x3FAA] =	sst s0  }
0x9: {  	[smem:$0x3FAB] =	sst s1  }
0xa: {  	[smem:$0x3FAC] =	sst s2  }
0xb: {  	[smem:$0x3FAD] =	sst s3  }
0xc: {  	[smem:$0x3FAE] =	sst s4  }
0xd: {  	[smem:$0x3FAF] =	sst s5  }
0xe: {  	[smem:$0x3FB0] =	sst s6  }
0xf: {  	[smem:$0x3FB1] =	sst s7  }
0x10: {  	[smem:$0x3FB2] =	sst s8  }
0x11: {  	[smem:$0x3FB3] =	sst s9;
	s0 =	simm.s32 @!p0 $0x0  }
0x12: {  	s1 =	sld [smem:$0x3F99];
	s0 =	simm.s32 @p0 $0x1  }
0x13: {  	[smem:$0x3FB4] =	sst s0;
	s0 =	simm.s32 @!p1 $0x0  }
0x14: {  	s2 =	sld [smem:$0x3F98];
	s0 =	simm.s32 @p1 $0x1  }
0x15: {  	[smem:$0x3FB5] =	sst s0;
	s0 =	simm.s32 @!p2 $0x0  }
0x16: {  	s3 =	sld [smem:$0x3FDB];
	s0 =	simm.s32 @p2 $0x1  }
0x17: {  	s4 =	simm.s32 $0x1BF5;
	[smem:$0x3FB7] =	sst s0  }
0x18: {  	s0 =	sld [smem:$0x3F9A];
	_ =	swait.ge [sflag:s4], $0x0  }
0x19: {  	s7 =	sld [smem:$0x3F9B]  }
0x1a: {  	s8 =	sadd.s32 $0xFFFFE003, lr  }
0x1b: {  	s9 =	sadd.s32 $0xFFFFFEF7, lr;
	s5 =	simm.s32 $0xFFFFFFFF;
	p2 =	slt.u32 s8, $0xFFFFF086  }
0x1c: {  	p1 =	slt.u32 s9, $0xF7A;
	s5 =	simm.s32 @!p2 $0x0  }
0x1d: {  	s5 =	simm.s32 @p1 $0x1;
	p0 =	seq.s32 s7, s2  }
0x1e: {  	s7 =	smul.u32 @!p0 $0xF7A, s2;
	p2 =	seq.s32 @!p0 s5, $0x0  }
0x1f: {  	s9 =	smul.u32 $0xF7A, s1;
	s8 =	simm.s32 @!p0 $0x1BF5;
	p2 =	por !p2, p0  }
0x20: {  	[sflag:s8] =	ssyncset.s32 @!p0 $0xFFFFF086;
	s6 =	sadd.s32 @!p0 s3, s7;
	s7 =	simm.s32 @!p0 $0x108  }
0x21: {  	s3 =	sadd.s32 s3, s9;
	s6 =	sadd.s32 @!p0 $0x88, s6;
	s7 =	simm.s32 @p2 $0x1082  }
0x22: {  	[simem:s7], [sflag:s8] =	dma.local @!p0 [hbm:s6], $0xF7A  }
0x23: {  	s9 =	sor.u32 $0xD0000000, s2;
	s6 =	simm.s32 $0x108;
	_ =	swait.ge @!p0 [sflag:s8], $0x0  }
0x24: {  	s3 =	sadd.s32 $0x88, s3;
	s6 =	simm.s32 @!p1 $0x1082;
	[sflag:s4] =	ssyncset.s32 $0xFFFFF086  }
0x25: {  	[simem:s6], [sflag:s4] =	dma.local [hbm:s3], $0xF7A  }
0x26: {  	[smem:$0x3F9B] =	sst s1;
	(tag) =	ssettag s2;
	_ =	strace s9  }
0x27: {  	s1 =	sld [smem:$0x3FAB]  }
0x28: {  	s2 =	sld [smem:$0x3FAC]  }
0x29: {  	s4 =	sld [smem:$0x3FAE]  }
0x2a: {  	p0 =	seq.s32 s5, $0x0;
	s5 =	sld [smem:$0x3FAF]  }
0x2b: {  	s6 =	sld [smem:$0x3FB0]  }
0x2c: {  	s7 =	sld [smem:$0x3FB1]  }
0x2d: {  	s3 =	simm.s32 $0x108;
	s8 =	sld [smem:$0x3FB2]  }
0x2e: {  	s3 =	simm.s32 @!p0 $0x1082;
	s9 =	sld [smem:$0x3FB3]  }
0x2f: {  	lr =	sadd.s32 s0, s3;
	s0 =	sld [smem:$0x3FAA]  }
0x30: {  	s3 =	sld [smem:$0x3FAD]  }
0x31: {  	[smem:$0x3FB6] =	sst s10  }
0x32: {  	s10 =	sld [smem:$0x3FB4];
	_ =	sdelay $0x3  }
0x33: {  	p0 =	seq.s32 s10, $0x1;
	s10 =	sld [smem:$0x3FB6];
	_ =	sdelay $0x3  }
0x34: {  	[smem:$0x3FB6] =	sst s10  }
0x35: {  	s10 =	sld [smem:$0x3FB5];
	_ =	sdelay $0x3  }
0x36: {  	p1 =	seq.s32 s10, $0x1;
	s10 =	sld [smem:$0x3FB6];
	_ =	sdelay $0x3  }
0x37: {  	[smem:$0x3FB6] =	sst s10  }
0x38: {  	s10 =	sld [smem:$0x3FB7]  }
0x39: {  	_ = 	snop;
	(pc) =	sbr.ind lr, $3  }
0x3a: {  	_ = 	snop  }
0x3b: {  	_ = 	snop  }
0x3c: {  	p2 =	seq.s32 s10, $0x1;
	s10 =	sld [smem:$0x3FB6]  }
0x3d: {  	_ =	shalt  }
0x3e: {  	_ =	shalt  }
0x3f: {  	_ =	shalt  }
0x40: {  	_ =	shalt  }
0x41: {  	_ =	shalt  }
0x42: {  	_ =	shalt  }
0x43: {  	_ =	shalt  }
0x44: {  	_ =	shalt  }
0x45: {  	_ =	shalt  }
0x46: {  	_ =	shalt  }
0x47: {  	_ =	shalt  }
0x48: {  	_ =	shalt  }
0x49: {  	_ =	shalt  }
0x4a: {  	_ =	shalt  }
0x4b: {  	_ =	shalt  }
0x4c: {  	_ =	shalt  }
0x4d: {  	_ =	shalt  }
0x4e: {  	_ =	shalt  }
0x4f: {  	_ =	shalt  }
0x50: {  	_ =	shalt  }
0x51: {  	_ =	shalt  }
0x52: {  	_ =	shalt  }
0x53: {  	_ =	shalt  }
0x54: {  	_ =	shalt  }
0x55: {  	_ =	shalt  }
0x56: {  	_ =	shalt  }
0x57: {  	_ =	shalt  }
0x58: {  	_ =	shalt  }
0x59: {  	_ =	shalt  }
0x5a: {  	_ =	shalt  }
0x5b: {  	_ =	shalt  }
0x5c: {  	_ =	shalt  }
0x5d: {  	_ =	shalt  }
0x5e: {  	_ =	shalt  }
0x5f: {  	_ =	shalt  }
0x60: {  	_ =	shalt  }
0x61: {  	_ =	shalt  }
0x62: {  	_ =	shalt  }
0x63: {  	_ =	shalt  }
0x64: {  	_ =	shalt  }
0x65: {  	_ =	shalt  }
0x66: {  	_ =	shalt  }
0x67: {  	_ =	shalt  }
0x68: {  	_ =	shalt  }
0x69: {  	_ =	shalt  }
0x6a: {  	_ =	shalt  }
0x6b: {  	_ =	shalt  }
0x6c: {  	_ =	shalt  }
0x6d: {  	_ =	shalt  }
0x6e: {  	_ =	shalt  }
0x6f: {  	_ =	shalt  }
0x70: {  	_ =	shalt  }
0x71: {  	_ =	shalt  }
0x72: {  	_ =	shalt  }
0x73: {  	_ =	shalt  }
0x74: {  	_ =	shalt  }
0x75: {  	_ =	shalt  }
0x76: {  	_ =	shalt  }
0x77: {  	_ =	shalt  }
0x78: {  	_ =	shalt  }
0x79: {  	_ =	shalt  }
0x7a: {  	_ =	shalt  }
0x7b: {  	_ =	shalt  }
0x7c: {  	_ =	shalt  }
0x7d: {  	_ =	shalt  }
0x7e: {  	_ =	shalt  }
0x7f: {  	_ =	shalt  }
0x80: {  	_ =	shalt  }
0x81: {  	_ =	shalt  }
0x82: {  	_ =	shalt  }
0x83: {  	_ =	shalt  }
0x84: {  	_ =	shalt  }
0x85: {  	_ =	shalt  }
0x86: {  	_ =	shalt  }
0x87: {  	_ =	shalt  }
.Lfunc_end0:
.L_simem_size_0:
called_computation.2_lowered:
.L_overlay_start_0:
0x88: {  	s2 =	sld [smem:$0x3FD9]  }
0x89: {  	s3 =	sld [smem:$0x3FFE];
	_ =	sdelay $0x1  }
0x8a: {  	s1 =	srdreg.scid  }
0x8b: {  	s0 =	sand.u32 $0x1, s1  }
0x8c: {  	s17 =	sshll.u32 s0, $0xA;
	s2 =	sadd.s32 s3, s2  }
0x8d: {  	s2 =	sadd.s32 s2, s17  }
0x8e: {  	[smem:$0x3FC2] =	sst s2  }
0x8f: {  	_ = 	snop  }
0x90: {  	s2 =	sld [smem:$0x3FD0];
	(tm) =	ssettm $0x1  }
0x91: {  	s18 =	sld [smem:$0x3FFB];
	_ =	sdelay $0x3  }
0x92: {  	_ =	strace s18  }
0x93: {  	s3 =	sld [smem:$0x3FFC];
	_ =	sdelay $0x3  }
0x94: {  	_ =	strace s3  }
0x95: {  	s3 =	sld [smem:$0x3FFD];
	_ =	sdelay $0x3  }
0x96: {  	_ =	strace s3  }
0x97: {  	_ =	strace $0x8FFFFFFF  }
0x98: {  	s19 =	sld [smem:$0x3FDB];
	_ =	sdelay $0x1  }
0x99: {  	s4 =	simm.s32 $_scs_section_size  }
0x9a: {  	s5 =	simm.s32 $_size__tile_overlayer_lowered;
	s6 =	simm.s32 $_tile_overlayer_lowered  }
0x9b: {  	s22 =	simm.s32 $0x1BFF;
	s21 =	sshll.u32 s6, $0x1;
	s3 =	sadd.s32 s4, s19  }
0x9c: {  	s7 =	simm.s32 $0x0;
	s20 =	sshll.u32 s5, $0x1;
	s5 =	sadd.s32 s21, s3  }
0x9d: {  	[timem:s7], [sflag:s22] =	dma.local [hbm:s5], s20  }
0x9e: {  	_ =	swait.ge [sflag:s22], s20  }
0x9f: {  	s4 =	ssub.s32 $0x0, s20;
	[sflag:s22] =	ssyncset.done $0x0  }
0xa0: {  	[sflag:s22] =	ssyncadd.s32 s4;
	_ =	sdelay $0x1  }
0xa1: {  	s23 =	simm.s32 $0x1B8B  }
0xa2: {  	_ =	swait.ge [sflag:s23], $0x1  }
0xa3: {  	[sflag:s23] =	ssyncset.done $0x0  }
0xa4: {  	s25 =	simm.s32 $0x1B8E;
	s24 =	sld [smem:$0x3FFE];
	[sflag:s23] =	ssyncadd.s32 $0xFFFFFFFF  }
0xa5: {  	s26 =	simm.s32 $execute0_lowered;
	[smem:$0x3FD2] =	sst s25  }
0xa6: {  	s5 =	sshll.u32 s26, $0x1;
	_ =	strace $0x8000004C;
	[dreg:$0x1] =	wrdreg $0xFFFFFFFF  }
0xa7: {  	s28 =	simm.s32 $_size_execute0_lowered;
	s3 =	sadd.s32 s3, s5;
	[dreg:$0x0] =	wrdreg $0x0  }
0xa8: {  	s5 =	sshll.u32 s28, $0x1;
	[dreg:$0x2] =	wrdreg s3  }
0xa9: {  	[dreg:$0x3] =	wrdreg s5  }
0xaa: {  	[dreg:$0x4] =	wrdreg $0xC0  }
0xab: {  	_ =	task [dreg:s7], $0x5FFFF  }
0xac: {  	[dreg:$0x1] =	wrdreg $0xFFFFFFFF  }
0xad: {  	[dreg:$0x0] =	wrdreg $0x60  }
0xae: {  	[dreg:$0x2] =	wrdreg s24  }
0xaf: {  	[dreg:$0x3] =	wrdreg s2  }
0xb0: {  	[dreg:$0x4] =	wrdreg $0x0  }
0xb1: {  	[dreg:$0x5] =	wrdreg $0x9  }
0xb2: {  	_ =	task.clear_ibuf [dreg:s7], $0x6FFFF;
	_ =	strace $0x9000004C  }
0xb3: {  	s29 =	simm.s32 $0x9;
	_ =	strace $0x8000004E  }
0xb4: {  	_ =	swait.ge [sflag:s29], $0x1  }
0xb5: {  	[sflag:s29] =	ssyncadd.s32 $0xFFFFFFFF  }
0xb6: {  	_ =	strace $0x9000004E  }
0xb7: {  	_ =	sfence  }
0xb8: {  	s30 =	sld [smem:$0x0];
	_ =	sdelay $0x2  }
0xb9: {  	s31 =	sshll.u32 s1, $0xD;
	s1 =	sshrl.u32 s1, $0x2  }
0xba: {  	s3 =	sand.u32 $0x4000, s31;
	s1 =	sadd.s32 s1, s30  }
0xbb: {  	s0 =	sor.u32 s3, s0;
	s1 =	sshll.u32 s1, $0x11  }
0xbc: {  	s0 =	sor.u32 s1, s0  }
0xbd: {  	s0 =	sadd.s32 $0x8F2B, s0  }
0xbe: {  	[sflag:s0] =	ssyncadd.remote.s32 $0x1  }
0xbf: {  	_ =	sfence.sel $0xFFFF  }
0xc0: {  	[dreg:$0x0] =	wrdreg $0xFFFFFFFF;
	(pc) =	sbr.abs _section_cstart, $3  }
0xc1: {  	[dreg:$0x1] =	wrdreg $0xFFFFFFFF  }
0xc2: {  	_ =	task.clear_ibuf [dreg:s7], $0x2FFFF;
	_ =	strace $0x9FFFFFFF  }
0xc3: {  	(tm) =	ssettm $0x7FFFFFFF  }
tec
execute0_lowered:
.L_overlay_start_1:
0x0: {  	(tag) =	ssettag $0x1  }
0x1: {  	s3 =	rddreg [dreg:$0x0]  }
0x2: {  	s21 =	rddreg [dreg:$0x1]  }
0x3: {  	s2 =	rddreg [dreg:$0x2];
	s4 =	simm.s32 $0x0;
	s0 =	srdreg.scid  }
0x4: {  	s12 =	stileid.u32;
	s28 =	simm.s32 $0x8;
	s30 =	simm.s32 $0x3  }
0x5: {  	[smem:$0x7FF] =	sst s4;
	s6 =	sand.u32 $0x1, s0;
	s7 =	smul.u32 $0xA000, s12  }
0x6: {  	s5 =	sadd.s32 $0x50600, s3;
	s26 =	smul.u32 $0x2710, s12;
	s29 =	sadd.s32 $0x96000, s2  }
0x7: {  	p0 =	seq.s32 s12, $0xF;
	_ =	strace $0x8000004D;
	s1 =	smul.u32 $0x13880, s6  }
0x8: {  	s0 =	sshll.u32 s6, $0x4;
	s8 =	ssub.s32 $0x2, s6;
	s6 =	smul.u32 $0x27100, s6  }
0x9: {  	[dreg:$0x13] =	wrdreg s29;
	s0 =	sor.u32 s12, s0;
	s11 =	sshrl.u32 s7, $0x3  }
0xa: {  	s9 =	sshrl.u32 s8, $0x1;
	s7 =	sadd.s32 s7, s2;
	s10 =	smul.u32 $0x2710, s0  }
0xb: {  	[dreg:$0xf] =	wrdreg s11;
	s11 =	sadd.s32 s11, s3;
	s0 =	sadd.s32 s1, s3  }
0xc: {  	[dreg:$0x10] =	wrdreg s7;
	s3 =	sadd.s32 $0x76C00, s3;
	s25 =	sadd.s32 $0x64000, s11  }
0xd: {  	[dreg:$0x14] =	wrdreg s3;
	s3 =	sadd.s32 s26, s6;
	s0 =	sadd.s32 $0x77A00, s0  }
0xe: {  	s24 =	sshrl.u32 s10, $0x3;
	[dreg:$0x11] =	wrdreg s25;
	s26 =	sadd.s32 $0x4E600, s3  }
0xf: {  	[smem:$0x7F9] =	sst s0;
	s29 =	sshrl.u32 s26, $0x3;
	s26 =	sadd.s32 $0x300, s3  }
0x10: {  	s1 =	ssub.s32 s8, s9;
	s9 =	sadd.s32 s21, s24;
	[smem:$0x7FB] =	sst s26  }
0x11: {  	s12 =	simm.s32 $0x9F40;
	s31 =	sadd.s32 $0x9C40, s9;
	[dreg:$0x12] =	wrdreg s9  }
0x12: {  	s13 =	sadd.s32 $0x500, s3;
	s2 =	sadd.s32 $0x10, s9;
	[dreg:$0x15] =	wrdreg s31  }
0x13: {  	s15 =	sadd.s32 $0x4E700, s3;
	s8 =	sadd.s32 $0x9C50, s9;
	[dreg:$0x16] =	wrdreg s2  }
0x14: {  	s18 =	sadd.s32 $0x480, s3;
	s10 =	sadd.s32 $0x20, s9;
	[dreg:$0x17] =	wrdreg s8  }
0x15: {  	s20 =	sadd.s32 $0x4E680, s3;
	s11 =	sadd.s32 $0x9C60, s9;
	[dreg:$0x18] =	wrdreg s10  }
0x16: {  	s22 =	sadd.s32 $0x400, s3;
	s14 =	sadd.s32 $0x30, s9;
	[dreg:$0x19] =	wrdreg s11  }
0x17: {  	s6 =	sshrl.u32 s13, $0x3;
	s16 =	sadd.s32 $0x9C70, s9;
	[dreg:$0x1a] =	wrdreg s14  }
0x18: {  	s7 =	sshrl.u32 s15, $0x3;
	s6 =	sadd.s32 s6, s21;
	[dreg:$0x1b] =	wrdreg s16  }
0x19: {  	s24 =	sshrl.u32 s22, $0x3;
	s17 =	sadd.s32 s7, s21;
	[dreg:$0x4] =	wrdreg s6  }
0x1a: {  	s19 =	sshrl.u32 s18, $0x3;
	s25 =	sadd.s32 s24, s21;
	[dreg:$0x5] =	wrdreg s17  }
0x1b: {  	s13 =	sadd.s32 $0x4E500, s3;
	s22 =	sadd.s32 $0x9C80, s9;
	[dreg:$0x8] =	wrdreg s25  }
0x1c: {  	s15 =	sadd.s32 $0x280, s3;
	s24 =	sadd.s32 $0xA110, s9;
	[dreg:$0x1d] =	wrdreg s22  }
0x1d: {  	s7 =	sshrl.u32 s20, $0x3;
	s6 =	sadd.s32 s19, s21;
	[dreg:$0x1f] =	wrdreg s24  }
0x1e: {  	s23 =	sadd.s32 s7, s21;
	s31 =	sadd.s32 $0x380, s3;
	[dreg:$0x6] =	wrdreg s6  }
0x1f: {  	s2 =	sadd.s32 $0x4E580, s3;
	s19 =	sadd.s32 $0x40, s9;
	[dreg:$0x7] =	wrdreg s23  }
0x20: {  	s14 =	sshrl.u32 s13, $0x3;
	s25 =	smax.u32 s1, $0x1;
	[dreg:$0x1c] =	wrdreg s19  }
0x21: {  	s16 =	sadd.s32 $0x4E480, s3;
	s6 =	sadd.s32 s29, s21;
	[smem:$0x7FA] =	sst s25  }
0x22: {  	s3 =	simm.s32 $0x7;
	s23 =	sadd.s32 $0x4D0, s9;
	[dreg:$0x9] =	wrdreg s6  }
0x23: {  	s13 =	simm.s32 $0x80;
	s29 =	sadd.s32 $0x4E0, s9;
	[dreg:$0x1e] =	wrdreg s23  }
0x24: {  	s7 =	sshrl.u32 s31, $0x3;
	s31 =	sadd.s32 $0xA120, s9;
	[smem:$0x7FC] =	sst s29  }
0x25: {  	s10 =	sshrl.u32 s2, $0x3;
	s7 =	sadd.s32 s7, s21;
	[smem:$0x7FD] =	sst s31  }
0x26: {  	s18 =	sshrl.u32 s16, $0x3;
	s11 =	sadd.s32 s10, s21;
	[dreg:$0xa] =	wrdreg s7  }
0x27: {  	s25 =	simm.s32 $0x9;
	s6 =	sadd.s32 s14, s21;
	[dreg:$0xb] =	wrdreg s11  }
0x28: {  	s20 =	sadd.s32 s18, s21;
	s18 =	simm.s32 $0x9D40;
	[dreg:$0xc] =	wrdreg s6  }
0x29: {  	s23 =	simm.s32 $0x1;
	s7 =	sshrl.u32 s15, $0x3;
	[dreg:$0xe] =	wrdreg s20  }
0x2a: {  	s11 =	simm.s32 $0x9C40;
	s15 =	simm.s32 $0x9CC0;
	s17 =	sadd.s32 s7, s21  }
0x2b: {  	s6 =	simm.s32 $0x0;
	s7 =	simm.s32 $0x2;
	[dreg:$0xd] =	wrdreg s17  }
.LBB2_1:
0x2c: {  	[smem:$0x7F5] =	sst s6  }
0x2d: {  	s8 =	rddreg [dreg:$0x13]  }
0x2e: {  	s10 =	rddreg [dreg:$0x14];
	s6 =	sshrl.u32 @p0 s8, $0x3  }
0x2f: {  	s8 =	simm.s32 @p0 $0x1FD3;
	[smem:$0x7F6] =	sst s6  }
0x30: {  	[spmem:s6], [sflag:s8] =	dma.local @p0 [hbm:s10], $0xC80  }
0x31: {  	s8 =	simm.s32 @p0 $0x13  }
0x32: {  	s10 =	stileid.u32;
	_ =	swait.ge @p0 [sflag:s8], $0xC80  }
0x33: {  	s10 =	sshll.u32 @!p0 s10, $0x6;
	[sflag:s8] =	ssyncset.done @p0 $0x0  }
0x34: {  	s6 =	sor.u32 @!p0 $0x1C13, s10;
	[sflag:s8] =	ssyncadd.s32 @p0 $0xFFFFF380;
	s8 =	rddreg [dreg:$0x10]  }
0x35: {  	[smem:$0x7F7] =	sst s6  }
0x36: {  	s9 =	sshrl.u32 @!p0 s8, $0x3;
	s8 =	rddreg [dreg:$0x11]  }
0x37: {  	[smem:$0x7F8] =	sst s9  }
0x38: {  	[spmem:s9], [sflag:s6] =	dma.local @!p0 [hbm:s8], $0x1400  }
0x39: {  	s8 =	simm.s32 @!p0 $0x13  }
0x3a: {  	_ =	swait.ge @!p0 [sflag:s8], $0x1400  }
0x3b: {  	[sflag:s8] =	ssyncset.done @!p0 $0x0  }
0x3c: {  	[sflag:s8] =	ssyncadd.s32 @!p0 $0xFFFFEC00  }
0x3d: {  	[bflag:$0x0] =	sbarrier.arrive $0xFFFF  }
0x3e: {  	s6 =	rddreg [dreg:$0x12]  }
0x3f: {  	[tilespmem:s11], [sflag:$0x1] =	stream.linear.gather [hbm4b:s6+s4], $0x80, $0x38;
	[tilespmem:$0x10260] =	vst v63  }
0x40: {  	s9 =	rddreg [dreg:$0x15]  }
0x41: {  	[tilespmem:s12], [sflag:$0x7] =	stream.linear.gather [hbm4b:s9+s4], $0x80, $0x38;
	[tilespmem:$0x10260] =	vst v63  }
0x42: {  	s10 =	rddreg [dreg:$0x16]  }
0x43: {  	[tilespmem:s15], [sflag:$0x2] =	stream.linear.gather [hbm4b:s10+s4], $0x80, $0x38;
	[tilespmem:$0x10260] =	vst v63  }
0x44: {  	s14 =	rddreg [dreg:$0x17];
	s6 =	simm.s32 $0x9FC0  }
0x45: {  	[tilespmem:s6], [sflag:$0x8] =	stream.linear.gather [hbm4b:s14+s4], $0x80, $0x38;
	[tilespmem:$0x10260] =	vst v63  }
0x46: {  	s16 =	rddreg [dreg:$0x18]  }
0x47: {  	[tilespmem:s18], [sflag:$0x3] =	stream.linear.gather [hbm4b:s16+s4], $0x80, $0x38;
	[tilespmem:$0x10260] =	vst v63  }
0x48: {  	s0 =	simm.s32 $0xA040;
	s17 =	rddreg [dreg:$0x19]  }
0x49: {  	[tilespmem:s0], [sflag:$0x9] =	stream.linear.gather [hbm4b:s17+s4], $0x80, $0x38;
	[tilespmem:$0x10260] =	vst v63  }
0x4a: {  	s20 =	simm.s32 $0x9DC0;
	s19 =	rddreg [dreg:$0x1a]  }
0x4b: {  	[tilespmem:s20], [sflag:$0x4] =	stream.linear.gather [hbm4b:s19+s4], $0x80, $0x38;
	[tilespmem:$0x10260] =	vst v63  }
0x4c: {  	s1 =	simm.s32 $0xA0C0;
	s24 =	rddreg [dreg:$0x1b]  }
0x4d: {  	[tilespmem:s1], [sflag:$0xA] =	stream.linear.gather [hbm4b:s24+s4], $0x80, $0x38;
	[tilespmem:$0x10260] =	vst v63  }
0x4e: {  	_ =	swait.ge [sflag:s23], $0x80  }
0x4f: {  	[sflag:s23] =	ssyncset.done $0x0  }
0x50: {  	[sflag:s23] =	ssyncadd.s32 $0xFFFFFF80  }
0x51: {  	_ =	swait.ge [sflag:s3], $0x80  }
0x52: {  	[sflag:s3] =	ssyncset.done $0x0  }
0x53: {  	s16 =	simm.s32 $0xA240;
	[sflag:s3] =	ssyncadd.s32 $0xFFFFFF80  }
0x54: {  	[tilespmem:s16], [sflag:$0xD] =	stream.indirect.gather [hbm4b:s5+s13], $0x40, s11, s13, $0xb8;
	[tilespmem:$0x10260] =	vst v63  }
0x55: {  	_ =	swait.ge [sflag:s7], $0x80  }
0x56: {  	[sflag:s7] =	ssyncset.done $0x0  }
0x57: {  	[sflag:s7] =	ssyncadd.s32 $0xFFFFFF80  }
0x58: {  	_ =	swait.ge [sflag:s28], $0x80  }
0x59: {  	[sflag:s28] =	ssyncset.done $0x0  }
0x5a: {  	s17 =	simm.s32 $0xD;
	s20 =	simm.s32 $0xC240;
	[sflag:s28] =	ssyncadd.s32 $0xFFFFFF80  }
0x5b: {  	[tilespmem:s20], [sflag:$0xE] =	stream.indirect.gather [hbm4b:s5+s13], $0x40, s15, s13, $0xb8;
	[tilespmem:$0x10260] =	vst v63  }
0x5c: {  	_ =	swait.ge [sflag:s17], $0x2000  }
0x5d: {  	[sflag:s17] =	ssyncset.done $0x0  }
0x5e: {  	[sflag:s17] =	ssyncadd.s32 $0xFFFFE000  }
0x5f: {  	s2 =	rddreg [dreg:$0x2]  }
0x60: {  	[spmem:s2] =	stream.indirect.scatter.add.f32 [tilespmem:s16], [sflag:$0x10], $0x40, s12, s13, $0xb8;
	[tilespmem:$0x10260] =	vst v63  }
0x61: {  	_ =	swait.ge [sflag:s30], $0x80  }
0x62: {  	[sflag:s30] =	ssyncset.done $0x0  }
0x63: {  	[sflag:s30] =	ssyncadd.s32 $0xFFFFFF80  }
0x64: {  	_ =	swait.ge [sflag:s25], $0x80  }
0x65: {  	[sflag:s25] =	ssyncset.done $0x0  }
0x66: {  	s31 =	simm.s32 $0xE240;
	[sflag:s25] =	ssyncadd.s32 $0xFFFFFF80  }
0x67: {  	[tilespmem:s31], [sflag:$0xF] =	stream.indirect.gather [hbm4b:s5+s13], $0x40, s18, s13, $0xb8;
	[tilespmem:$0x10260] =	vst v63  }
0x68: {  	s29 =	simm.s32 $0x9E40;
	s26 =	rddreg [dreg:$0x1c]  }
0x69: {  	[tilespmem:s29], [sflag:$0x5] =	stream.linear.gather [hbm4b:s26+s4], $0x80, $0x38;
	[tilespmem:$0x10260] =	vst v63  }
0x6a: {  	s9 =	simm.s32 $0xA140;
	s24 =	simm.s32 $0xE;
	s1 =	rddreg [dreg:$0x1d]  }
0x6b: {  	[tilespmem:s9], [sflag:$0xB] =	stream.linear.gather [hbm4b:s1+s4], $0x80, $0x38;
	[tilespmem:$0x10260] =	vst v63  }
0x6c: {  	_ =	swait.ge [sflag:s24], $0x2000  }
0x6d: {  	[sflag:s24] =	ssyncset.done $0x0  }
0x6e: {  	s1 =	simm.s32 $0x10;
	[sflag:s24] =	ssyncadd.s32 $0xFFFFE000  }
0x6f: {  	[spmem:s2] =	stream.indirect.scatter.add.f32 [tilespmem:s20], [sflag:$0x11], $0x40, s6, s13, $0xb8;
	[tilespmem:$0x10260] =	vst v63  }
0x70: {  	_ =	swait.ge [sflag:s1], $0x2000  }
0x71: {  	[sflag:s1] =	ssyncset.done $0x0  }
0x72: {  	s10 =	simm.s32 $0x4;
	[sflag:s1] =	ssyncadd.s32 $0xFFFFE000  }
0x73: {  	_ =	swait.ge [sflag:s10], $0x80  }
0x74: {  	[sflag:s10] =	ssyncset.done $0x0  }
0x75: {  	s14 =	simm.s32 $0xA;
	[sflag:s10] =	ssyncadd.s32 $0xFFFFFF80  }
0x76: {  	_ =	swait.ge [sflag:s14], $0x80  }
0x77: {  	[sflag:s14] =	ssyncset.done $0x0  }
0x78: {  	s0 =	simm.s32 $0x9DC0;
	s19 =	rddreg [dreg:$0xd];
	[sflag:s14] =	ssyncadd.s32 $0xFFFFFF80  }
0x79: {  	[tilespmem:s16], [sflag:$0xD] =	stream.indirect.gather [hbm4b:s5+s13], $0x40, s0, s13, $0xb8;
	[tilespmem:$0x10260] =	vst v63  }
0x7a: {  	s26 =	rddreg [dreg:$0xe];
	s8 =	sadd.s32 $0x0, s19;
	s14 =	simm.s32 $0x9EC0  }
0x7b: {  	[tilespmem:s14], [sflag:$0x6] =	stream.linear.gather [hbm4b:s8+s4], $0x80, $0x38;
	[tilespmem:$0x10260] =	vst v63  }
0x7c: {  	s10 =	sadd.s32 $0x0, s26;
	s19 =	simm.s32 $0xA1C0;
	s26 =	simm.s32 $0xF  }
0x7d: {  	[tilespmem:s19], [sflag:$0xC] =	stream.linear.gather [hbm4b:s10+s4], $0x80, $0x38;
	[tilespmem:$0x10260] =	vst v63  }
0x7e: {  	_ =	swait.ge [sflag:s26], $0x2000  }
0x7f: {  	[sflag:s26] =	ssyncset.done $0x0  }
0x80: {  	s22 =	simm.s32 $0xA040;
	s0 =	simm.s32 $0x11;
	[sflag:s26] =	ssyncadd.s32 $0xFFFFE000  }
0x81: {  	[spmem:s2] =	stream.indirect.scatter.add.f32 [tilespmem:s31], [sflag:$0x12], $0x40, s22, s13, $0xb8;
	[tilespmem:$0x10260] =	vst v63  }
0x82: {  	_ =	swait.ge [sflag:s0], $0x2000  }
0x83: {  	[sflag:s0] =	ssyncset.done $0x0  }
0x84: {  	s22 =	simm.s32 $0x5;
	[sflag:s0] =	ssyncadd.s32 $0xFFFFE000  }
0x85: {  	_ =	swait.ge [sflag:s22], $0x80  }
0x86: {  	[sflag:s22] =	ssyncset.done $0x0  }
0x87: {  	s10 =	simm.s32 $0xB;
	[sflag:s22] =	ssyncadd.s32 $0xFFFFFF80  }
0x88: {  	_ =	swait.ge [sflag:s10], $0x80  }
0x89: {  	[sflag:s10] =	ssyncset.done $0x0;
	s22 =	sld [smem:$0x7FB]  }
0x8a: {  	s29 =	simm.s32 $0x9E40;
	[sflag:s10] =	ssyncadd.s32 $0xFFFFFF80  }
0x8b: {  	[tilespmem:s20], [sflag:$0xE] =	stream.indirect.gather [hbm4b:s5+s13], $0x40, s29, s13, $0xb8;
	[tilespmem:$0x10260] =	vst v63  }
0x8c: {  	s8 =	sshrl.u32 s22, $0x3  }
0x8d: {  	s10 =	rddreg [dreg:$0xc];
	s8 =	sadd.s32 s21, s8  }
0x8e: {  	[tilespmem:s11], [sflag:$0x1] =	stream.linear.gather [hbm4b:s8+s4], $0x80, $0x38;
	[tilespmem:$0x10260] =	vst v63  }
0x8f: {  	s21 =	sadd.s32 $0x0, s10  }
0x90: {  	[tilespmem:s12], [sflag:$0x7] =	stream.linear.gather [hbm4b:s21+s4], $0x80, $0x38;
	[tilespmem:$0x10260] =	vst v63  }
0x91: {  	_ =	swait.ge [sflag:s17], $0x2000  }
0x92: {  	[sflag:s17] =	ssyncset.done $0x0  }
0x93: {  	s29 =	simm.s32 $0xA0C0;
	s21 =	simm.s32 $0x12;
	[sflag:s17] =	ssyncadd.s32 $0xFFFFE000  }
0x94: {  	[spmem:s2] =	stream.indirect.scatter.add.f32 [tilespmem:s16], [sflag:$0x10], $0x40, s29, s13, $0xb8;
	[tilespmem:$0x10260] =	vst v63  }
0x95: {  	_ =	swait.ge [sflag:s21], $0x2000  }
0x96: {  	[sflag:s21] =	ssyncset.done $0x0  }
0x97: {  	s10 =	simm.s32 $0x6;
	[sflag:s21] =	ssyncadd.s32 $0xFFFFE000  }
0x98: {  	_ =	swait.ge [sflag:s10], $0x80  }
0x99: {  	[sflag:s10] =	ssyncset.done $0x0  }
0x9a: {  	[sflag:s10] =	ssyncadd.s32 $0xFFFFFF80;
	s10 =	simm.s32 $0xC  }
0x9b: {  	_ =	swait.ge [sflag:s10], $0x80  }
0x9c: {  	[sflag:s10] =	ssyncset.done $0x0  }
0x9d: {  	s8 =	rddreg [dreg:$0xa];
	[sflag:s10] =	ssyncadd.s32 $0xFFFFFF80  }
0x9e: {  	[tilespmem:s31], [sflag:$0xF] =	stream.indirect.gather [hbm4b:s5+s13], $0x40, s14, s13, $0xb8;
	[tilespmem:$0x10260] =	vst v63  }
0x9f: {  	s10 =	rddreg [dreg:$0xb];
	s8 =	sadd.s32 $0x0, s8  }
0xa0: {  	[tilespmem:s15], [sflag:$0x2] =	stream.linear.gather [hbm4b:s8+s4], $0x80, $0x38;
	[tilespmem:$0x10260] =	vst v63  }
0xa1: {  	s14 =	sadd.s32 $0x0, s10  }
0xa2: {  	[tilespmem:s6], [sflag:$0x8] =	stream.linear.gather [hbm4b:s14+s4], $0x80, $0x38;
	[tilespmem:$0x10260] =	vst v63  }
0xa3: {  	_ =	swait.ge [sflag:s24], $0x2000  }
0xa4: {  	[sflag:s24] =	ssyncset.done $0x0  }
0xa5: {  	[sflag:s24] =	ssyncadd.s32 $0xFFFFE000  }
0xa6: {  	[spmem:s2] =	stream.indirect.scatter.add.f32 [tilespmem:s20], [sflag:$0x11], $0x40, s9, s13, $0xb8;
	[tilespmem:$0x10260] =	vst v63  }
0xa7: {  	_ =	swait.ge [sflag:s1], $0x2000  }
0xa8: {  	[sflag:s1] =	ssyncset.done $0x0  }
0xa9: {  	[sflag:s1] =	ssyncadd.s32 $0xFFFFE000  }
0xaa: {  	_ =	swait.ge [sflag:s23], $0x80  }
0xab: {  	[sflag:s23] =	ssyncset.done $0x0  }
0xac: {  	[sflag:s23] =	ssyncadd.s32 $0xFFFFFF80  }
0xad: {  	_ =	swait.ge [sflag:s3], $0x80  }
0xae: {  	[sflag:s3] =	ssyncset.done $0x0  }
0xaf: {  	s6 =	rddreg [dreg:$0x8];
	[sflag:s3] =	ssyncadd.s32 $0xFFFFFF80  }
0xb0: {  	[tilespmem:s16], [sflag:$0xD] =	stream.indirect.gather [hbm4b:s5+s13], $0x40, s11, s13, $0xb8;
	[tilespmem:$0x10260] =	vst v63  }
0xb1: {  	s9 =	rddreg [dreg:$0x9];
	s8 =	sadd.s32 $0x0, s6  }
0xb2: {  	[tilespmem:s18], [sflag:$0x3] =	stream.linear.gather [hbm4b:s8+s4], $0x80, $0x38;
	[tilespmem:$0x10260] =	vst v63  }
0xb3: {  	s14 =	simm.s32 $0xA040;
	s11 =	sadd.s32 $0x0, s9  }
0xb4: {  	[tilespmem:s14], [sflag:$0x9] =	stream.linear.gather [hbm4b:s11+s4], $0x80, $0x38;
	[tilespmem:$0x10260] =	vst v63  }
0xb5: {  	_ =	swait.ge [sflag:s26], $0x2000  }
0xb6: {  	[sflag:s26] =	ssyncset.done $0x0  }
0xb7: {  	[sflag:s26] =	ssyncadd.s32 $0xFFFFE000  }
0xb8: {  	[spmem:s2] =	stream.indirect.scatter.add.f32 [tilespmem:s31], [sflag:$0x12], $0x40, s19, s13, $0xb8;
	[tilespmem:$0x10260] =	vst v63  }
0xb9: {  	_ =	swait.ge [sflag:s0], $0x2000  }
0xba: {  	[sflag:s0] =	ssyncset.done $0x0  }
0xbb: {  	[sflag:s0] =	ssyncadd.s32 $0xFFFFE000  }
0xbc: {  	_ =	swait.ge [sflag:s7], $0x80  }
0xbd: {  	[sflag:s7] =	ssyncset.done $0x0  }
0xbe: {  	[sflag:s7] =	ssyncadd.s32 $0xFFFFFF80  }
0xbf: {  	_ =	swait.ge [sflag:s28], $0x80  }
0xc0: {  	[sflag:s28] =	ssyncset.done $0x0  }
0xc1: {  	s23 =	rddreg [dreg:$0x6];
	[sflag:s28] =	ssyncadd.s32 $0xFFFFFF80  }
0xc2: {  	[tilespmem:s20], [sflag:$0xE] =	stream.indirect.gather [hbm4b:s5+s13], $0x40, s15, s13, $0xb8;
	[tilespmem:$0x10260] =	vst v63  }
0xc3: {  	s26 =	simm.s32 $0x9DC0;
	s24 =	rddreg [dreg:$0x7];
	s8 =	sadd.s32 $0x0, s23  }
0xc4: {  	[tilespmem:s26], [sflag:$0x4] =	stream.linear.gather [hbm4b:s8+s4], $0x80, $0x38;
	[tilespmem:$0x10260] =	vst v63  }
0xc5: {  	s29 =	simm.s32 $0xA0C0;
	s28 =	sadd.s32 $0x0, s24  }
0xc6: {  	[tilespmem:s29], [sflag:$0xA] =	stream.linear.gather [hbm4b:s28+s4], $0x80, $0x38;
	[tilespmem:$0x10260] =	vst v63  }
0xc7: {  	_ =	swait.ge [sflag:s17], $0x2000  }
0xc8: {  	[sflag:s17] =	ssyncset.done $0x0  }
0xc9: {  	[sflag:s17] =	ssyncadd.s32 $0xFFFFE000  }
0xca: {  	[spmem:s2] =	stream.indirect.scatter.add.f32 [tilespmem:s16], [sflag:$0x10], $0x40, s12, s13, $0xb8;
	[tilespmem:$0x10260] =	vst v63  }
0xcb: {  	_ =	swait.ge [sflag:s21], $0x2000  }
0xcc: {  	[sflag:s21] =	ssyncset.done $0x0  }
0xcd: {  	[sflag:s21] =	ssyncadd.s32 $0xFFFFE000  }
0xce: {  	_ =	swait.ge [sflag:s30], $0x80  }
0xcf: {  	[sflag:s30] =	ssyncset.done $0x0  }
0xd0: {  	[sflag:s30] =	ssyncadd.s32 $0xFFFFFF80  }
0xd1: {  	_ =	swait.ge [sflag:s25], $0x80  }
0xd2: {  	s10 =	sadd.s32 $0x300, s22;
	[sflag:s25] =	ssyncset.done $0x0  }
0xd3: {  	s14 =	simm.s32 $0x8;
	s29 =	rddreg [dreg:$0x4];
	[sflag:s25] =	ssyncadd.s32 $0xFFFFFF80  }
0xd4: {  	[tilespmem:s31], [sflag:$0xF] =	stream.indirect.gather [hbm4b:s5+s13], $0x40, s18, s13, $0xb8;
	[tilespmem:$0x10260] =	vst v63  }
0xd5: {  	s30 =	rddreg [dreg:$0x5];
	s8 =	sadd.s32 $0x0, s29;
	s31 =	simm.s32 $0x9E40  }
0xd6: {  	[tilespmem:s31], [sflag:$0x5] =	stream.linear.gather [hbm4b:s8+s4], $0x80, $0x38;
	[tilespmem:$0x10260] =	vst v63  }
0xd7: {  	s7 =	simm.s32 $0x2;
	s21 =	sadd.s32 $0x0, s30;
	s8 =	simm.s32 $0x60  }
.LBB2_2:
0xd8: {  	s28 =	simm.s32 $0xA140;
	s26 =	simm.s32 $0xE  }
0xd9: {  	[tilespmem:s28], [sflag:$0xB] =	stream.linear.gather [hbm4b:s21+s4], $0x80, $0x38;
	[tilespmem:$0x10260] =	vst v63  }
0xda: {  	_ =	swait.ge [sflag:s26], $0x2000  }
0xdb: {  	[sflag:s26] =	ssyncset.done $0x0  }
0xdc: {  	s18 =	simm.s32 $0x9FC0;
	[sflag:s26] =	ssyncadd.s32 $0xFFFFE000  }
0xdd: {  	s20 =	simm.s32 $0xC240;
	s1 =	simm.s32 $0x10;
	s17 =	rddreg [dreg:$0x2]  }
0xde: {  	[spmem:s17] =	stream.indirect.scatter.add.f32 [tilespmem:s20], [sflag:$0x11], $0x40, s18, s13, $0xb8;
	[tilespmem:$0x10260] =	vst v63  }
0xdf: {  	_ =	swait.ge [sflag:s1], $0x2000  }
0xe0: {  	[sflag:s1] =	ssyncset.done $0x0  }
0xe1: {  	s6 =	simm.s32 $0x4;
	[sflag:s1] =	ssyncadd.s32 $0xFFFFE000  }
0xe2: {  	_ =	swait.ge [sflag:s6], $0x80  }
0xe3: {  	[sflag:s6] =	ssyncset.done $0x0  }
0xe4: {  	s16 =	simm.s32 $0xA;
	[sflag:s6] =	ssyncadd.s32 $0xFFFFFF80  }
0xe5: {  	_ =	swait.ge [sflag:s16], $0x80  }
0xe6: {  	s9 =	simm.s32 $0x9DC0;
	s21 =	smov.u32 s8;
	[sflag:s16] =	ssyncset.done $0x0  }
0xe7: {  	s22 =	rddreg [dreg:$0xd];
	[sflag:s16] =	ssyncadd.s32 $0xFFFFFF80;
	s16 =	simm.s32 $0xA240  }
0xe8: {  	[tilespmem:s16], [sflag:$0xD] =	stream.indirect.gather [hbm4b:s5+s13], $0x40, s9, s13, $0xb8;
	[tilespmem:$0x10260] =	vst v63  }
0xe9: {  	s6 =	simm.s32 $0x9EC0;
	s23 =	rddreg [dreg:$0xe];
	s22 =	sadd.s32 s21, s22  }
0xea: {  	[tilespmem:s6], [sflag:$0x6] =	stream.linear.gather [hbm4b:s22+s4], $0x80, $0x38;
	[tilespmem:$0x10260] =	vst v63  }
0xeb: {  	s15 =	simm.s32 $0xA1C0;
	s29 =	simm.s32 $0xF;
	s19 =	sadd.s32 s21, s23  }
0xec: {  	[tilespmem:s15], [sflag:$0xC] =	stream.linear.gather [hbm4b:s19+s4], $0x80, $0x38;
	[tilespmem:$0x10260] =	vst v63  }
0xed: {  	_ =	swait.ge [sflag:s29], $0x2000  }
0xee: {  	s11 =	simm.s32 $0xE240;
	[sflag:s29] =	ssyncset.done $0x0  }
0xef: {  	s0 =	simm.s32 $0x11;
	s19 =	simm.s32 $0xA040;
	[sflag:s29] =	ssyncadd.s32 $0xFFFFE000  }
0xf0: {  	[spmem:s17] =	stream.indirect.scatter.add.f32 [tilespmem:s11], [sflag:$0x12], $0x40, s19, s13, $0xb8;
	[tilespmem:$0x10260] =	vst v63  }
0xf1: {  	_ =	swait.ge [sflag:s0], $0x2000  }
0xf2: {  	[sflag:s0] =	ssyncset.done $0x0  }
0xf3: {  	s12 =	simm.s32 $0x5;
	[sflag:s0] =	ssyncadd.s32 $0xFFFFE000  }
0xf4: {  	_ =	swait.ge [sflag:s12], $0x80  }
0xf5: {  	[sflag:s12] =	ssyncset.done $0x0  }
0xf6: {  	s22 =	simm.s32 $0xB;
	[sflag:s12] =	ssyncadd.s32 $0xFFFFFF80  }
0xf7: {  	_ =	swait.ge [sflag:s22], $0x80  }
0xf8: {  	[sflag:s22] =	ssyncset.done $0x0  }
0xf9: {  	s12 =	simm.s32 $0x9E40;
	[sflag:s22] =	ssyncadd.s32 $0xFFFFFF80  }
0xfa: {  	[tilespmem:s20], [sflag:$0xE] =	stream.indirect.gather [hbm4b:s5+s13], $0x40, s12, s13, $0xb8;
	[tilespmem:$0x10260] =	vst v63  }
0xfb: {  	s23 =	sshrl.u32 s10, $0x3;
	s30 =	rddreg [dreg:$0x1]  }
0xfc: {  	s2 =	simm.s32 $0x9C40;
	s24 =	rddreg [dreg:$0xc];
	s22 =	sadd.s32 s30, s23  }
0xfd: {  	[tilespmem:s2], [sflag:$0x1] =	stream.linear.gather [hbm4b:s22+s4], $0x80, $0x38;
	[tilespmem:$0x10260] =	vst v63  }
0xfe: {  	s31 =	simm.s32 $0x9F40;
	s25 =	sadd.s32 s21, s24;
	s24 =	simm.s32 $0xD  }
0xff: {  	[tilespmem:s31], [sflag:$0x7] =	stream.linear.gather [hbm4b:s25+s4], $0x80, $0x38;
	[tilespmem:$0x10260] =	vst v63  }
0x100: {  	_ =	swait.ge [sflag:s24], $0x2000  }
0x101: {  	[sflag:s24] =	ssyncset.done $0x0  }
0x102: {  	s30 =	simm.s32 $0xA0C0;
	s25 =	simm.s32 $0x12;
	[sflag:s24] =	ssyncadd.s32 $0xFFFFE000  }
0x103: {  	[spmem:s17] =	stream.indirect.scatter.add.f32 [tilespmem:s16], [sflag:$0x10], $0x40, s30, s13, $0xb8;
	[tilespmem:$0x10260] =	vst v63  }
0x104: {  	_ =	swait.ge [sflag:s25], $0x2000  }
0x105: {  	[sflag:s25] =	ssyncset.done $0x0  }
0x106: {  	s3 =	simm.s32 $0x6;
	[sflag:s25] =	ssyncadd.s32 $0xFFFFE000  }
0x107: {  	_ =	swait.ge [sflag:s3], $0x80  }
0x108: {  	[sflag:s3] =	ssyncset.done $0x0  }
0x109: {  	s22 =	simm.s32 $0xC;
	[sflag:s3] =	ssyncadd.s32 $0xFFFFFF80  }
0x10a: {  	_ =	swait.ge [sflag:s22], $0x80  }
0x10b: {  	[sflag:s22] =	ssyncset.done $0x0  }
0x10c: {  	s3 =	rddreg [dreg:$0xa];
	[sflag:s22] =	ssyncadd.s32 $0xFFFFFF80  }
0x10d: {  	[tilespmem:s11], [sflag:$0xF] =	stream.indirect.gather [hbm4b:s5+s13], $0x40, s6, s13, $0xb8;
	[tilespmem:$0x10260] =	vst v63  }
0x10e: {  	s23 =	rddreg [dreg:$0xb];
	s22 =	sadd.s32 s21, s3;
	s3 =	simm.s32 $0x9CC0  }
0x10f: {  	[tilespmem:s3], [sflag:$0x2] =	stream.linear.gather [hbm4b:s22+s4], $0x80, $0x38;
	[tilespmem:$0x10260] =	vst v63  }
0x110: {  	s23 =	sadd.s32 s21, s23  }
0x111: {  	[tilespmem:s18], [sflag:$0x8] =	stream.linear.gather [hbm4b:s23+s4], $0x80, $0x38;
	[tilespmem:$0x10260] =	vst v63  }
0x112: {  	_ =	swait.ge [sflag:s26], $0x2000  }
0x113: {  	[sflag:s26] =	ssyncset.done $0x0  }
0x114: {  	[sflag:s26] =	ssyncadd.s32 $0xFFFFE000  }
0x115: {  	[spmem:s17] =	stream.indirect.scatter.add.f32 [tilespmem:s20], [sflag:$0x11], $0x40, s28, s13, $0xb8;
	[tilespmem:$0x10260] =	vst v63  }
0x116: {  	_ =	swait.ge [sflag:s1], $0x2000  }
0x117: {  	[sflag:s1] =	ssyncset.done $0x0  }
0x118: {  	s26 =	simm.s32 $0x1;
	[sflag:s1] =	ssyncadd.s32 $0xFFFFE000  }
0x119: {  	_ =	swait.ge [sflag:s26], $0x80  }
0x11a: {  	[sflag:s26] =	ssyncset.done $0x0  }
0x11b: {  	s22 =	simm.s32 $0x7;
	[sflag:s26] =	ssyncadd.s32 $0xFFFFFF80  }
0x11c: {  	_ =	swait.ge [sflag:s22], $0x80  }
0x11d: {  	[sflag:s22] =	ssyncset.done $0x0  }
0x11e: {  	s23 =	rddreg [dreg:$0x8];
	[sflag:s22] =	ssyncadd.s32 $0xFFFFFF80  }
0x11f: {  	[tilespmem:s16], [sflag:$0xD] =	stream.indirect.gather [hbm4b:s5+s13], $0x40, s2, s13, $0xb8;
	[tilespmem:$0x10260] =	vst v63  }
0x120: {  	s18 =	simm.s32 $0x9D40;
	s26 =	rddreg [dreg:$0x9];
	s22 =	sadd.s32 s21, s23  }
0x121: {  	[tilespmem:s18], [sflag:$0x3] =	stream.linear.gather [hbm4b:s22+s4], $0x80, $0x38;
	[tilespmem:$0x10260] =	vst v63  }
0x122: {  	s1 =	sadd.s32 s21, s26  }
0x123: {  	[tilespmem:s19], [sflag:$0x9] =	stream.linear.gather [hbm4b:s1+s4], $0x80, $0x38;
	[tilespmem:$0x10260] =	vst v63  }
0x124: {  	_ =	swait.ge [sflag:s29], $0x2000  }
0x125: {  	[sflag:s29] =	ssyncset.done $0x0  }
0x126: {  	[sflag:s29] =	ssyncadd.s32 $0xFFFFE000  }
0x127: {  	[spmem:s17] =	stream.indirect.scatter.add.f32 [tilespmem:s11], [sflag:$0x12], $0x40, s15, s13, $0xb8;
	[tilespmem:$0x10260] =	vst v63  }
0x128: {  	_ =	swait.ge [sflag:s0], $0x2000  }
0x129: {  	[sflag:s0] =	ssyncset.done $0x0  }
0x12a: {  	[sflag:s0] =	ssyncadd.s32 $0xFFFFE000  }
0x12b: {  	_ =	swait.ge [sflag:s7], $0x80  }
0x12c: {  	[sflag:s7] =	ssyncset.done $0x0  }
0x12d: {  	[sflag:s7] =	ssyncadd.s32 $0xFFFFFF80  }
0x12e: {  	_ =	swait.ge [sflag:s14], $0x80  }
0x12f: {  	[sflag:s14] =	ssyncset.done $0x0  }
0x130: {  	s2 =	rddreg [dreg:$0x6];
	[sflag:s14] =	ssyncadd.s32 $0xFFFFFF80  }
0x131: {  	[tilespmem:s20], [sflag:$0xE] =	stream.indirect.gather [hbm4b:s5+s13], $0x40, s3, s13, $0xb8;
	[tilespmem:$0x10260] =	vst v63  }
0x132: {  	s15 =	rddreg [dreg:$0x7];
	s22 =	sadd.s32 s21, s2  }
0x133: {  	[tilespmem:s9], [sflag:$0x4] =	stream.linear.gather [hbm4b:s22+s4], $0x80, $0x38;
	[tilespmem:$0x10260] =	vst v63  }
0x134: {  	s23 =	sadd.s32 s21, s15  }
0x135: {  	[tilespmem:s30], [sflag:$0xA] =	stream.linear.gather [hbm4b:s23+s4], $0x80, $0x38;
	[tilespmem:$0x10260] =	vst v63  }
0x136: {  	_ =	swait.ge [sflag:s24], $0x2000  }
0x137: {  	[sflag:s24] =	ssyncset.done $0x0  }
0x138: {  	[sflag:s24] =	ssyncadd.s32 $0xFFFFE000  }
0x139: {  	[spmem:s17] =	stream.indirect.scatter.add.f32 [tilespmem:s16], [sflag:$0x10], $0x40, s31, s13, $0xb8;
	[tilespmem:$0x10260] =	vst v63  }
0x13a: {  	_ =	swait.ge [sflag:s25], $0x2000  }
0x13b: {  	[sflag:s25] =	ssyncset.done $0x0  }
0x13c: {  	s30 =	simm.s32 $0x3;
	[sflag:s25] =	ssyncadd.s32 $0xFFFFE000  }
0x13d: {  	p1 =	sne.s32 s8, $0x420;
	_ =	swait.ge [sflag:s30], $0x80  }
0x13e: {  	s8 =	sadd.s32 $0x60, s8;
	s10 =	sadd.s32 $0x300, s10;
	[sflag:s30] =	ssyncset.done $0x0  }
0x13f: {  	s6 =	simm.s32 $0x9FC0;
	s26 =	simm.s32 $0x9;
	[sflag:s30] =	ssyncadd.s32 $0xFFFFFF80  }
0x140: {  	s28 =	simm.s32 $0xA040;
	s19 =	simm.s32 $0x9DC0;
	_ =	swait.ge [sflag:s26], $0x80  }
.Ltmp0:
0x141: {  	[sflag:s26] =	ssyncset.done $0x0;
	s29 =	rddreg [dreg:$0x4];
	(pc) =	sbr.rel @p1 .LBB2_2-.Ltmp0, $4  }
0x142: {  	s9 =	simm.s32 $0xA0C0;
	s31 =	rddreg [dreg:$0x5];
	[sflag:s26] =	ssyncadd.s32 $0xFFFFFF80  }
0x143: {  	[tilespmem:s11], [sflag:$0xF] =	stream.indirect.gather [hbm4b:s5+s13], $0x40, s18, s13, $0xb8;
	[tilespmem:$0x10260] =	vst v63  }
0x144: {  	s22 =	sadd.s32 s21, s29;
	s21 =	sadd.s32 s21, s31;
	s11 =	simm.s32 $0x9E40  }
0x145: {  	[tilespmem:s12], [sflag:$0x5] =	stream.linear.gather [hbm4b:s22+s4], $0x80, $0x38;
	[tilespmem:$0x10260] =	vst v63  }
0x146: {  	s10 =	simm.s32 $0xA140;
	s15 =	simm.s32 $0xE  }
0x147: {  	[tilespmem:s10], [sflag:$0xB] =	stream.linear.gather [hbm4b:s21+s4], $0x80, $0x38;
	[tilespmem:$0x10260] =	vst v63  }
0x148: {  	_ =	swait.ge [sflag:s15], $0x2000  }
0x149: {  	[sflag:s15] =	ssyncset.done $0x0  }
0x14a: {  	[sflag:s15] =	ssyncadd.s32 $0xFFFFE000  }
0x14b: {  	s7 =	simm.s32 $0xC240;
	s1 =	simm.s32 $0x10;
	s2 =	rddreg [dreg:$0x2]  }
0x14c: {  	[spmem:s2] =	stream.indirect.scatter.add.f32 [tilespmem:s7], [sflag:$0x11], $0x40, s6, s13, $0xb8;
	[tilespmem:$0x10260] =	vst v63  }
0x14d: {  	_ =	swait.ge [sflag:s1], $0x2000  }
0x14e: {  	[sflag:s1] =	ssyncset.done $0x0  }
0x14f: {  	s3 =	simm.s32 $0x4;
	[sflag:s1] =	ssyncadd.s32 $0xFFFFE000  }
0x150: {  	_ =	swait.ge [sflag:s3], $0x80  }
0x151: {  	[sflag:s3] =	ssyncset.done $0x0  }
0x152: {  	s24 =	simm.s32 $0xA;
	[sflag:s3] =	ssyncadd.s32 $0xFFFFFF80  }
0x153: {  	_ =	swait.ge [sflag:s24], $0x80  }
0x154: {  	[sflag:s24] =	ssyncset.done $0x0  }
0x155: {  	s3 =	simm.s32 $0xA240;
	[sflag:s24] =	ssyncadd.s32 $0xFFFFFF80  }
0x156: {  	[tilespmem:s3], [sflag:$0xD] =	stream.indirect.gather [hbm4b:s5+s13], $0x40, s19, s13, $0xb8;
	[tilespmem:$0x10260] =	vst v63  }
0x157: {  	s12 =	simm.s32 $0x9EC0;
	s8 =	rddreg [dreg:$0x1e]  }
0x158: {  	[tilespmem:s12], [sflag:$0x6] =	stream.linear.gather [hbm4b:s8+s4], $0x80, $0x38;
	[tilespmem:$0x10260] =	vst v63  }
0x159: {  	s14 =	simm.s32 $0xA1C0;
	s16 =	simm.s32 $0xF;
	s25 =	rddreg [dreg:$0x1f]  }
0x15a: {  	[tilespmem:s14], [sflag:$0xC] =	stream.linear.gather [hbm4b:s25+s4], $0x80, $0x38;
	[tilespmem:$0x10260] =	vst v63  }
0x15b: {  	_ =	swait.ge [sflag:s16], $0x2000  }
0x15c: {  	[sflag:s16] =	ssyncset.done $0x0  }
0x15d: {  	s26 =	simm.s32 $0xE240;
	s0 =	simm.s32 $0x11;
	[sflag:s16] =	ssyncadd.s32 $0xFFFFE000  }
0x15e: {  	[spmem:s2] =	stream.indirect.scatter.add.f32 [tilespmem:s26], [sflag:$0x12], $0x40, s28, s13, $0xb8;
	[tilespmem:$0x10260] =	vst v63  }
0x15f: {  	_ =	swait.ge [sflag:s0], $0x2000  }
0x160: {  	[sflag:s0] =	ssyncset.done $0x0  }
0x161: {  	s29 =	simm.s32 $0x5;
	[sflag:s0] =	ssyncadd.s32 $0xFFFFE000  }
0x162: {  	_ =	swait.ge [sflag:s29], $0x80  }
0x163: {  	[sflag:s29] =	ssyncset.done $0x0  }
0x164: {  	s31 =	simm.s32 $0xB;
	[sflag:s29] =	ssyncadd.s32 $0xFFFFFF80  }
0x165: {  	_ =	swait.ge [sflag:s31], $0x80  }
0x166: {  	[sflag:s31] =	ssyncset.done $0x0  }
0x167: {  	s17 =	simm.s32 $0xD;
	[sflag:s31] =	ssyncadd.s32 $0xFFFFFF80  }
0x168: {  	[tilespmem:s7], [sflag:$0xE] =	stream.indirect.gather [hbm4b:s5+s13], $0x40, s11, s13, $0xb8;
	[tilespmem:$0x10260] =	vst v63  }
0x169: {  	_ =	swait.ge [sflag:s17], $0x2000  }
0x16a: {  	[sflag:s17] =	ssyncset.done $0x0  }
0x16b: {  	s19 =	simm.s32 $0x12;
	[sflag:s17] =	ssyncadd.s32 $0xFFFFE000  }
0x16c: {  	[spmem:s2] =	stream.indirect.scatter.add.f32 [tilespmem:s3], [sflag:$0x10], $0x40, s9, s13, $0xb8;
	[tilespmem:$0x10260] =	vst v63  }
0x16d: {  	_ =	swait.ge [sflag:s19], $0x2000  }
0x16e: {  	[sflag:s19] =	ssyncset.done $0x0  }
0x16f: {  	s20 =	simm.s32 $0x6;
	[sflag:s19] =	ssyncadd.s32 $0xFFFFE000  }
0x170: {  	_ =	swait.ge [sflag:s20], $0x80  }
0x171: {  	[sflag:s20] =	ssyncset.done $0x0  }
0x172: {  	s21 =	simm.s32 $0xC;
	[sflag:s20] =	ssyncadd.s32 $0xFFFFFF80  }
0x173: {  	_ =	swait.ge [sflag:s21], $0x80  }
0x174: {  	[sflag:s21] =	ssyncset.done $0x0  }
0x175: {  	[sflag:s21] =	ssyncadd.s32 $0xFFFFFF80  }
0x176: {  	[tilespmem:s26], [sflag:$0xF] =	stream.indirect.gather [hbm4b:s5+s13], $0x40, s12, s13, $0xb8;
	[tilespmem:$0x10260] =	vst v63  }
0x177: {  	_ =	swait.ge [sflag:s15], $0x2000  }
0x178: {  	[sflag:s15] =	ssyncset.done $0x0  }
0x179: {  	[sflag:s15] =	ssyncadd.s32 $0xFFFFE000  }
0x17a: {  	[spmem:s2] =	stream.indirect.scatter.add.f32 [tilespmem:s7], [sflag:$0x11], $0x40, s10, s13, $0xb8;
	[tilespmem:$0x10260] =	vst v63  }
0x17b: {  	_ =	swait.ge [sflag:s1], $0x2000  }
0x17c: {  	[sflag:s1] =	ssyncset.done $0x0  }
0x17d: {  	[sflag:s1] =	ssyncadd.s32 $0xFFFFE000  }
0x17e: {  	_ =	swait.ge [sflag:s16], $0x2000  }
0x17f: {  	[sflag:s16] =	ssyncset.done $0x0  }
0x180: {  	[sflag:s16] =	ssyncadd.s32 $0xFFFFE000  }
0x181: {  	[spmem:s2] =	stream.indirect.scatter.add.f32 [tilespmem:s26], [sflag:$0x12], $0x40, s14, s13, $0xb8;
	[tilespmem:$0x10260] =	vst v63  }
0x182: {  	_ =	swait.ge [sflag:s0], $0x2000  }
0x183: {  	[sflag:s0] =	ssyncset.done $0x0  }
0x184: {  	[sflag:s0] =	ssyncadd.s32 $0xFFFFE000  }
0x185: {  	_ =	swait.ge [sflag:s19], $0x2000  }
0x186: {  	s22 =	sld [smem:$0x7FC]  }
0x187: {  	[sflag:s19] =	ssyncset.done $0x0  }
0x188: {  	s23 =	simm.s32 $0x10240;
	s24 =	simm.s32 $0x13;
	[sflag:s19] =	ssyncadd.s32 $0xFFFFE000  }
0x189: {  	[tilespmem:s23], [sflag:$0x13] =	stream.linear.gather [hbm4b:s22+s4], $0x10, $0x38;
	[tilespmem:$0x10260] =	vst v63  }
0x18a: {  	_ =	swait.ge [sflag:s24], $0x10  }
0x18b: {  	s25 =	sld [smem:$0x7FD]  }
0x18c: {  	[sflag:s24] =	ssyncset.done $0x0  }
0x18d: {  	s26 =	simm.s32 $0x10250;
	[sflag:s24] =	ssyncadd.s32 $0xFFFFFFF0  }
0x18e: {  	[tilespmem:s26], [sflag:$0x13] =	stream.linear.gather [hbm4b:s25+s4], $0x10, $0x38;
	[tilespmem:$0x10260] =	vst v63  }
0x18f: {  	_ =	swait.ge [sflag:s24], $0x10  }
0x190: {  	[sflag:s24] =	ssyncset.done $0x0  }
0x191: {  	[sflag:s24] =	ssyncadd.s32 $0xFFFFFFF0  }
0x192: {  	[tilespmem:s3], [sflag:$0x13] =	stream.indirect.gather [hbm4b:s5+s1], $0x40, s23, s1, $0xb8;
	[tilespmem:$0x10260] =	vst v63  }
0x193: {  	_ =	swait.ge [sflag:s24], $0x400  }
0x194: {  	[sflag:s24] =	ssyncset.done $0x0  }
0x195: {  	[sflag:s24] =	ssyncadd.s32 $0xFFFFFC00  }
0x196: {  	[spmem:s2] =	stream.indirect.scatter.add.f32 [tilespmem:s3], [sflag:$0x13], $0x40, s26, s1, $0xb8;
	[tilespmem:$0x10260] =	vst v63  }
0x197: {  	_ =	swait.ge [sflag:s24], $0x400  }
0x198: {  	[sflag:s24] =	ssyncset.done $0x0  }
0x199: {  	[sflag:s24] =	ssyncadd.s32 $0xFFFFFC00  }
0x19a: {  	[bflag:$0x0] =	sbarrier.arrive $0xFFFF  }
0x19b: {  	s21 =	sld [smem:$0x7F9]  }
0x19c: {  	s3 =	sld [smem:$0x7F6];
	_ =	sdelay $0x1  }
0x19d: {  	s10 =	simm.s32 @p0 $0x1FD3;
	s8 =	sadd.s32 @p0 $0x12C00, s21  }
0x19e: {  	[hbm:s8], [sflag:s10] =	dma.local @p0 [spmem:s3], $0xC80  }
0x19f: {  	s8 =	simm.s32 @p0 $0x13  }
0x1a0: {  	_ =	swait.ge @p0 [sflag:s8], $0xC80  }
0x1a1: {  	s3 =	sld [smem:$0x7F7]  }
0x1a2: {  	[sflag:s8] =	ssyncset.done @p0 $0x0;
	s6 =	sld [smem:$0x7F8]  }
0x1a3: {  	[sflag:s8] =	ssyncadd.s32 @p0 $0xFFFFF380;
	s8 =	rddreg [dreg:$0xf]  }
0x1a4: {  	s8 =	sadd.s32 @!p0 s8, s21  }
0x1a5: {  	[hbm:s8], [sflag:s3] =	dma.local @!p0 [spmem:s6], $0x1400  }
0x1a6: {  	s8 =	simm.s32 @!p0 $0x13  }
0x1a7: {  	_ =	swait.ge @!p0 [sflag:s8], $0x1400  }
0x1a8: {  	s29 =	sld [smem:$0x7F5]  }
0x1a9: {  	s31 =	sld [smem:$0x7FA];
	_ =	sdelay $0x1  }
0x1aa: {  	s6 =	sadd.s32 $0x1, s29  }
0x1ab: {  	p1 =	sne.s32 s6, s31  }
.Ltmp1:
0x1ac: {  	_ = 	snop;
	(pc) =	sbr.rel @p1 .LBB2_1-.Ltmp1, $4  }
0x1ad: {  	s28 =	simm.s32 $0x8;
	s11 =	simm.s32 $0x9C40  }
0x1ae: {  	s12 =	simm.s32 $0x9F40;
	s15 =	simm.s32 $0x9CC0;
	[sflag:s8] =	ssyncset.done @!p0 $0x0  }
0x1af: {  	s7 =	simm.s32 $0x2;
	s25 =	simm.s32 $0x9;
	[sflag:s8] =	ssyncadd.s32 @!p0 $0xFFFFEC00  }
0x1b0: {  	s23 =	simm.s32 $0x1;
	s3 =	simm.s32 $0x7;
	s21 =	rddreg [dreg:$0x1]  }
0x1b1: {  	_ =	sfence.sel $0x180000  }
0x1b2: {  	[bflag:$0x0] =	sbarrier.arrive $0xFFFF  }
0x1b3: {  	_ =	strace $0x9000004D  }
0x1b4: {  	s0 =	stileid.u32;
	[bflag:$0x2] =	sbarrier.arrive $0xFFFF  }
0x1b5: {  	p0 =	sne.s32 s0, $0x0;
	s0 =	rddreg [dreg:$0x3]  }
0x1b6: {  	s0 =	sadd.s32 @!p0 $0x100000, s0  }
0x1b7: {  	[sflag:s0] =	ssyncadd.tile.s32 @!p0 $0x1;
	_ =	shalt  }
.Lfunc_end2:
_tile_overlayer_lowered:
.L_overlay_start_2:
0x1b8: {  	(tag) =	ssettag $0x2  }
0x1b9: {  	s0 =	rddreg [dreg:$0x0];
	s2 =	stileid.u32  }
0x1ba: {  	s1 =	rddreg [dreg:$0x1];
	p0 =	sne.s32 s2, $0x0  }
0x1bb: {  	s3 =	rddreg [dreg:$0x2];
	[bflag:$0x3] =	sbarrier.arrive $0xFFFF;
	s2 =	simm.s32 @!p0 $0x1C13  }
0x1bc: {  	[timem:s3], [sflag:s2] =	dma.local @!p0 [hbm:s0], s1  }
0x1bd: {  	s0 =	simm.s32 @!p0 $0x13  }
0x1be: {  	_ =	swait.ge @!p0 [sflag:s0], s1  }
0x1bf: {  	s1 =	ssub.s32 @!p0 $0x0, s1;
	[sflag:s0] =	ssyncset.done @!p0 $0x0  }
0x1c0: {  	[sflag:s0] =	ssyncadd.s32 @!p0 s1  }
0x1c1: {  	[bflag:$0x3] =	sbarrier.arrive $0xFFFF  }
0x1c2: {  	_ =	shalt  }

// kernel: kernel.8.cloned.1.call-start
scs
__scs_entry_jumppad:
0x0: {  	(pc) =	sbr.rel $0x88, $3  }
0x1: {  	(tag) =	ssettag $0x0;
	lr =	simm.s32 $0x1  }
0x2: {  	[smem:$0x3F9B] =	sst lr;
	_ =	strace $0xD0000000  }
0x3: {  	_ = 	snop  }
0x4: {  	_ = 	snop  }
0x5: {  	_ = 	snop  }
0x6: {  	_ = 	snop  }
0x7: {  	_ = 	snop  }
__scs_overlays_trampoline_lowered:
0x8: {  	[smem:$0x3FAA] =	sst s0  }
0x9: {  	[smem:$0x3FAB] =	sst s1  }
0xa: {  	[smem:$0x3FAC] =	sst s2  }
0xb: {  	[smem:$0x3FAD] =	sst s3  }
0xc: {  	[smem:$0x3FAE] =	sst s4  }
0xd: {  	[smem:$0x3FAF] =	sst s5  }
0xe: {  	[smem:$0x3FB0] =	sst s6  }
0xf: {  	[smem:$0x3FB1] =	sst s7  }
0x10: {  	[smem:$0x3FB2] =	sst s8  }
0x11: {  	[smem:$0x3FB3] =	sst s9;
	s0 =	simm.s32 @!p0 $0x0  }
0x12: {  	s1 =	sld [smem:$0x3F99];
	s0 =	simm.s32 @p0 $0x1  }
0x13: {  	[smem:$0x3FB4] =	sst s0;
	s0 =	simm.s32 @!p1 $0x0  }
0x14: {  	s2 =	sld [smem:$0x3F98];
	s0 =	simm.s32 @p1 $0x1  }
0x15: {  	[smem:$0x3FB5] =	sst s0;
	s0 =	simm.s32 @!p2 $0x0  }
0x16: {  	s3 =	sld [smem:$0x3FDB];
	s0 =	simm.s32 @p2 $0x1  }
0x17: {  	s4 =	simm.s32 $0x1BF5;
	[smem:$0x3FB7] =	sst s0  }
0x18: {  	s0 =	sld [smem:$0x3F9A];
	_ =	swait.ge [sflag:s4], $0x0  }
0x19: {  	s7 =	sld [smem:$0x3F9B]  }
0x1a: {  	s8 =	sadd.s32 $0xFFFFE003, lr  }
0x1b: {  	s9 =	sadd.s32 $0xFFFFFEF7, lr;
	s5 =	simm.s32 $0xFFFFFFFF;
	p2 =	slt.u32 s8, $0xFFFFF086  }
0x1c: {  	p1 =	slt.u32 s9, $0xF7A;
	s5 =	simm.s32 @!p2 $0x0  }
0x1d: {  	s5 =	simm.s32 @p1 $0x1;
	p0 =	seq.s32 s7, s2  }
0x1e: {  	s7 =	smul.u32 @!p0 $0xF7A, s2;
	p2 =	seq.s32 @!p0 s5, $0x0  }
0x1f: {  	s9 =	smul.u32 $0xF7A, s1;
	s8 =	simm.s32 @!p0 $0x1BF5;
	p2 =	por !p2, p0  }
0x20: {  	[sflag:s8] =	ssyncset.s32 @!p0 $0xFFFFF086;
	s6 =	sadd.s32 @!p0 s3, s7;
	s7 =	simm.s32 @!p0 $0x108  }
0x21: {  	s3 =	sadd.s32 s3, s9;
	s6 =	sadd.s32 @!p0 $0x88, s6;
	s7 =	simm.s32 @p2 $0x1082  }
0x22: {  	[simem:s7], [sflag:s8] =	dma.local @!p0 [hbm:s6], $0xF7A  }
0x23: {  	s9 =	sor.u32 $0xD0000000, s2;
	s6 =	simm.s32 $0x108;
	_ =	swait.ge @!p0 [sflag:s8], $0x0  }
0x24: {  	s3 =	sadd.s32 $0x88, s3;
	s6 =	simm.s32 @!p1 $0x1082;
	[sflag:s4] =	ssyncset.s32 $0xFFFFF086  }
0x25: {  	[simem:s6], [sflag:s4] =	dma.local [hbm:s3], $0xF7A  }
0x26: {  	[smem:$0x3F9B] =	sst s1;
	(tag) =	ssettag s2;
	_ =	strace s9  }
0x27: {  	s1 =	sld [smem:$0x3FAB]  }
0x28: {  	s2 =	sld [smem:$0x3FAC]  }
0x29: {  	s4 =	sld [smem:$0x3FAE]  }
0x2a: {  	p0 =	seq.s32 s5, $0x0;
	s5 =	sld [smem:$0x3FAF]  }
0x2b: {  	s6 =	sld [smem:$0x3FB0]  }
0x2c: {  	s7 =	sld [smem:$0x3FB1]  }
0x2d: {  	s3 =	simm.s32 $0x108;
	s8 =	sld [smem:$0x3FB2]  }
0x2e: {  	s3 =	simm.s32 @!p0 $0x1082;
	s9 =	sld [smem:$0x3FB3]  }
0x2f: {  	lr =	sadd.s32 s0, s3;
	s0 =	sld [smem:$0x3FAA]  }
0x30: {  	s3 =	sld [smem:$0x3FAD]  }
0x31: {  	[smem:$0x3FB6] =	sst s10  }
0x32: {  	s10 =	sld [smem:$0x3FB4];
	_ =	sdelay $0x3  }
0x33: {  	p0 =	seq.s32 s10, $0x1;
	s10 =	sld [smem:$0x3FB6];
	_ =	sdelay $0x3  }
0x34: {  	[smem:$0x3FB6] =	sst s10  }
0x35: {  	s10 =	sld [smem:$0x3FB5];
	_ =	sdelay $0x3  }
0x36: {  	p1 =	seq.s32 s10, $0x1;
	s10 =	sld [smem:$0x3FB6];
	_ =	sdelay $0x3  }
0x37: {  	[smem:$0x3FB6] =	sst s10  }
0x38: {  	s10 =	sld [smem:$0x3FB7]  }
0x39: {  	_ = 	snop;
	(pc) =	sbr.ind lr, $3  }
0x3a: {  	_ = 	snop  }
0x3b: {  	_ = 	snop  }
0x3c: {  	p2 =	seq.s32 s10, $0x1;
	s10 =	sld [smem:$0x3FB6]  }
0x3d: {  	_ =	shalt  }
0x3e: {  	_ =	shalt  }
0x3f: {  	_ =	shalt  }
0x40: {  	_ =	shalt  }
0x41: {  	_ =	shalt  }
0x42: {  	_ =	shalt  }
0x43: {  	_ =	shalt  }
0x44: {  	_ =	shalt  }
0x45: {  	_ =	shalt  }
0x46: {  	_ =	shalt  }
0x47: {  	_ =	shalt  }
0x48: {  	_ =	shalt  }
0x49: {  	_ =	shalt  }
0x4a: {  	_ =	shalt  }
0x4b: {  	_ =	shalt  }
0x4c: {  	_ =	shalt  }
0x4d: {  	_ =	shalt  }
0x4e: {  	_ =	shalt  }
0x4f: {  	_ =	shalt  }
0x50: {  	_ =	shalt  }
0x51: {  	_ =	shalt  }
0x52: {  	_ =	shalt  }
0x53: {  	_ =	shalt  }
0x54: {  	_ =	shalt  }
0x55: {  	_ =	shalt  }
0x56: {  	_ =	shalt  }
0x57: {  	_ =	shalt  }
0x58: {  	_ =	shalt  }
0x59: {  	_ =	shalt  }
0x5a: {  	_ =	shalt  }
0x5b: {  	_ =	shalt  }
0x5c: {  	_ =	shalt  }
0x5d: {  	_ =	shalt  }
0x5e: {  	_ =	shalt  }
0x5f: {  	_ =	shalt  }
0x60: {  	_ =	shalt  }
0x61: {  	_ =	shalt  }
0x62: {  	_ =	shalt  }
0x63: {  	_ =	shalt  }
0x64: {  	_ =	shalt  }
0x65: {  	_ =	shalt  }
0x66: {  	_ =	shalt  }
0x67: {  	_ =	shalt  }
0x68: {  	_ =	shalt  }
0x69: {  	_ =	shalt  }
0x6a: {  	_ =	shalt  }
0x6b: {  	_ =	shalt  }
0x6c: {  	_ =	shalt  }
0x6d: {  	_ =	shalt  }
0x6e: {  	_ =	shalt  }
0x6f: {  	_ =	shalt  }
0x70: {  	_ =	shalt  }
0x71: {  	_ =	shalt  }
0x72: {  	_ =	shalt  }
0x73: {  	_ =	shalt  }
0x74: {  	_ =	shalt  }
0x75: {  	_ =	shalt  }
0x76: {  	_ =	shalt  }
0x77: {  	_ =	shalt  }
0x78: {  	_ =	shalt  }
0x79: {  	_ =	shalt  }
0x7a: {  	_ =	shalt  }
0x7b: {  	_ =	shalt  }
0x7c: {  	_ =	shalt  }
0x7d: {  	_ =	shalt  }
0x7e: {  	_ =	shalt  }
0x7f: {  	_ =	shalt  }
0x80: {  	_ =	shalt  }
0x81: {  	_ =	shalt  }
0x82: {  	_ =	shalt  }
0x83: {  	_ =	shalt  }
0x84: {  	_ =	shalt  }
0x85: {  	_ =	shalt  }
0x86: {  	_ =	shalt  }
0x87: {  	_ =	shalt  }
.Lfunc_end0:
.L_simem_size_0:
called_computation_lowered:
.L_overlay_start_0:
0x88: {  	s2 =	sld [smem:$0x3FD9]  }
0x89: {  	s3 =	sld [smem:$0x3FFE];
	_ =	sdelay $0x1  }
0x8a: {  	s1 =	srdreg.scid  }
0x8b: {  	s0 =	sand.u32 $0x1, s1  }
0x8c: {  	s17 =	sshll.u32 s0, $0xA;
	s2 =	sadd.s32 s3, s2  }
0x8d: {  	s2 =	sadd.s32 s2, s17  }
0x8e: {  	[smem:$0x3FC2] =	sst s2  }
0x8f: {  	_ = 	snop  }
0x90: {  	s2 =	sld [smem:$0x3FD0];
	(tm) =	ssettm $0x1  }
0x91: {  	s18 =	sld [smem:$0x3FFB];
	_ =	sdelay $0x3  }
0x92: {  	_ =	strace s18  }
0x93: {  	s3 =	sld [smem:$0x3FFC];
	_ =	sdelay $0x3  }
0x94: {  	_ =	strace s3  }
0x95: {  	s3 =	sld [smem:$0x3FFD];
	_ =	sdelay $0x3  }
0x96: {  	_ =	strace s3  }
0x97: {  	_ =	strace $0x8FFFFFFF  }
0x98: {  	s19 =	sld [smem:$0x3FDB];
	_ =	sdelay $0x1  }
0x99: {  	s4 =	simm.s32 $_scs_section_size  }
0x9a: {  	s5 =	simm.s32 $_size__tile_overlayer_lowered;
	s6 =	simm.s32 $_tile_overlayer_lowered  }
0x9b: {  	s22 =	simm.s32 $0x1BFF;
	s21 =	sshll.u32 s6, $0x1;
	s3 =	sadd.s32 s4, s19  }
0x9c: {  	s7 =	simm.s32 $0x0;
	s20 =	sshll.u32 s5, $0x1;
	s5 =	sadd.s32 s21, s3  }
0x9d: {  	[timem:s7], [sflag:s22] =	dma.local [hbm:s5], s20  }
0x9e: {  	_ =	swait.ge [sflag:s22], s20  }
0x9f: {  	s4 =	ssub.s32 $0x0, s20;
	[sflag:s22] =	ssyncset.done $0x0  }
0xa0: {  	[sflag:s22] =	ssyncadd.s32 s4;
	_ =	sdelay $0x1  }
0xa1: {  	s23 =	simm.s32 $0x1B8B  }
0xa2: {  	_ =	swait.ge [sflag:s23], $0x1  }
0xa3: {  	[sflag:s23] =	ssyncset.done $0x0  }
0xa4: {  	s25 =	simm.s32 $0x1B8E;
	s24 =	sld [smem:$0x3FFE];
	[sflag:s23] =	ssyncadd.s32 $0xFFFFFFFF  }
0xa5: {  	s26 =	simm.s32 $execute0_lowered;
	[smem:$0x3FD2] =	sst s25  }
0xa6: {  	s5 =	sshll.u32 s26, $0x1;
	_ =	strace $0x80000046;
	[dreg:$0x1] =	wrdreg $0xFFFFFFFF  }
0xa7: {  	s28 =	simm.s32 $_size_execute0_lowered;
	s3 =	sadd.s32 s3, s5;
	[dreg:$0x0] =	wrdreg $0x0  }
0xa8: {  	s5 =	sshll.u32 s28, $0x1;
	[dreg:$0x2] =	wrdreg s3  }
0xa9: {  	[dreg:$0x3] =	wrdreg s5  }
0xaa: {  	[dreg:$0x4] =	wrdreg $0xC0  }
0xab: {  	_ =	task [dreg:s7], $0x5FFFF  }
0xac: {  	[dreg:$0x1] =	wrdreg $0xFFFFFFFF  }
0xad: {  	[dreg:$0x0] =	wrdreg $0x60  }
0xae: {  	[dreg:$0x2] =	wrdreg s2  }
0xaf: {  	[dreg:$0x3] =	wrdreg s24  }
0xb0: {  	[dreg:$0x4] =	wrdreg $0x2800  }
0xb1: {  	[dreg:$0x5] =	wrdreg $0x9  }
0xb2: {  	_ =	task.clear_ibuf [dreg:s7], $0x6FFFF;
	_ =	strace $0x90000046  }
0xb3: {  	s29 =	simm.s32 $0x9;
	_ =	strace $0x80000048  }
0xb4: {  	_ =	swait.ge [sflag:s29], $0x1  }
0xb5: {  	[sflag:s29] =	ssyncadd.s32 $0xFFFFFFFF  }
0xb6: {  	_ =	strace $0x90000048  }
0xb7: {  	_ =	sfence  }
0xb8: {  	s30 =	sld [smem:$0x0];
	_ =	sdelay $0x2  }
0xb9: {  	s31 =	sshll.u32 s1, $0xD;
	s1 =	sshrl.u32 s1, $0x2  }
0xba: {  	s3 =	sand.u32 $0x4000, s31;
	s1 =	sadd.s32 s1, s30  }
0xbb: {  	s0 =	sor.u32 s3, s0;
	s1 =	sshll.u32 s1, $0x11  }
0xbc: {  	s0 =	sor.u32 s1, s0  }
0xbd: {  	s0 =	sadd.s32 $0x8F2B, s0  }
0xbe: {  	[sflag:s0] =	ssyncadd.remote.s32 $0x1  }
0xbf: {  	_ =	sfence.sel $0xFFFF  }
0xc0: {  	[dreg:$0x0] =	wrdreg $0xFFFFFFFF;
	(pc) =	sbr.abs _section_cstart, $3  }
0xc1: {  	[dreg:$0x1] =	wrdreg $0xFFFFFFFF  }
0xc2: {  	_ =	task.clear_ibuf [dreg:s7], $0x2FFFF;
	_ =	strace $0x9FFFFFFF  }
0xc3: {  	(tm) =	ssettm $0x7FFFFFFF  }
tec
execute0_lowered:
.L_overlay_start_1:
0x0: {  	(tag) =	ssettag $0x1  }
0x1: {  	s17 =	rddreg [dreg:$0x0]  }
0x2: {  	s2 =	rddreg [dreg:$0x1]  }
0x3: {  	s3 =	rddreg [dreg:$0x2]  }
0x4: {  	s4 =	simm.s32 $0x0;
	s11 =	stileid.u32;
	s0 =	srdreg.scid  }
0x5: {  	[smem:$0x7FF] =	sst s4;
	s5 =	smul.u32 $0x1400, s11  }
0x6: {  	s6 =	sand.u32 $0x1, s0;
	s24 =	sadd.s32 $0x4C00, s2;
	s29 =	sadd.s32 $0x12C00, s3  }
0x7: {  	s30 =	smul.u32 $0x2710, s11;
	p0 =	seq.s32 s11, $0xF;
	_ =	strace $0x80000047  }
0x8: {  	[dreg:$0xf] =	wrdreg s24;
	s25 =	sshll.u32 s6, $0x4;
	s1 =	smul.u32 $0x2710, s6  }
0x9: {  	s7 =	ssub.s32 $0x2, s6;
	s6 =	smul.u32 $0x27100, s6;
	[dreg:$0x13] =	wrdreg s29  }
0xa: {  	s8 =	sshrl.u32 s5, $0x3;
	s0 =	sor.u32 s11, s25;
	s9 =	sshrl.u32 s7, $0x1  }
0xb: {  	s5 =	sadd.s32 s5, s3;
	s11 =	simm.s32 $0x16;
	[dreg:$0x10] =	wrdreg s8  }
0xc: {  	s8 =	sadd.s32 s8, s2;
	s10 =	smul.u32 $0x2710, s0;
	s0 =	sadd.s32 s1, s2  }
0xd: {  	s1 =	ssub.s32 s7, s9;
	[dreg:$0x11] =	wrdreg s5;
	s2 =	sadd.s32 $0x4980, s2  }
0xe: {  	s26 =	sadd.s32 $0x2400, s8;
	[dreg:$0x15] =	wrdreg s2;
	s2 =	sadd.s32 s30, s6  }
0xf: {  	s0 =	sadd.s32 $0x4E00, s0;
	[dreg:$0x12] =	wrdreg s26;
	s28 =	sshrl.u32 s10, $0x3  }
0x10: {  	s14 =	sadd.s32 $0x730, s2;
	s16 =	sadd.s32 $0x6E0, s2;
	s20 =	sadd.s32 $0x690, s2  }
0x11: {  	s22 =	sadd.s32 $0x640, s2;
	[smem:$0x7F6] =	sst s0;
	s8 =	sadd.s32 s17, s28  }
0x12: {  	s23 =	sadd.s32 $0x5F0, s2;
	s31 =	sadd.s32 $0xA, s8;
	[dreg:$0x14] =	wrdreg s8  }
0x13: {  	s30 =	sadd.s32 $0x550, s2;
	s7 =	sadd.s32 $0x14, s8;
	[dreg:$0x16] =	wrdreg s31  }
0x14: {  	s0 =	simm.s32 $0x8;
	s9 =	sadd.s32 $0x1E, s8;
	[dreg:$0x17] =	wrdreg s7  }
0x15: {  	s5 =	sshrl.u32 s14, $0x3;
	s10 =	sadd.s32 $0x28, s8;
	[dreg:$0x18] =	wrdreg s9  }
0x16: {  	s6 =	sshrl.u32 s16, $0x3;
	s12 =	sadd.s32 $0x32, s8;
	[dreg:$0x19] =	wrdreg s10  }
0x17: {  	s21 =	sshrl.u32 s20, $0x3;
	s13 =	sadd.s32 $0x3C, s8;
	[dreg:$0x1a] =	wrdreg s12  }
0x18: {  	s25 =	sshrl.u32 s23, $0x3;
	s15 =	sadd.s32 $0x46, s8;
	[dreg:$0x1b] =	wrdreg s13  }
0x19: {  	s28 =	sadd.s32 $0x5A0, s2;
	s18 =	sadd.s32 $0x50, s8;
	[dreg:$0x1c] =	wrdreg s15  }
0x1a: {  	s16 =	sadd.s32 $0x410, s2;
	s5 =	sadd.s32 s5, s17;
	[dreg:$0x1d] =	wrdreg s18  }
0x1b: {  	s19 =	sadd.s32 s6, s17;
	s6 =	sshrl.u32 s22, $0x3;
	[dreg:$0x4] =	wrdreg s5  }
0x1c: {  	s26 =	sadd.s32 s25, s17;
	s29 =	sshrl.u32 s28, $0x3;
	[dreg:$0x5] =	wrdreg s19  }
0x1d: {  	s20 =	sadd.s32 $0x5A, s8;
	s22 =	sadd.s32 $0x64, s8;
	[dreg:$0x8] =	wrdreg s26  }
0x1e: {  	s23 =	sadd.s32 $0x6E, s8;
	s25 =	sadd.s32 $0x3C0, s2;
	[dreg:$0x1e] =	wrdreg s20  }
0x1f: {  	s28 =	sadd.s32 $0x4BA, s8;
	s5 =	sadd.s32 s21, s17;
	[dreg:$0x1f] =	wrdreg s22  }
0x20: {  	s24 =	sadd.s32 s6, s17;
	s6 =	sshrl.u32 s30, $0x3;
	[smem:$0x7F5] =	sst s23  }
0x21: {  	s31 =	sadd.s32 $0x500, s2;
	s13 =	sadd.s32 $0x4B0, s2;
	[smem:$0x7F8] =	sst s25  }
0x22: {  	s15 =	sadd.s32 $0x460, s2;
	s19 =	sshrl.u32 s16, $0x3;
	[smem:$0x7FA] =	sst s28  }
0x23: {  	s26 =	sadd.s32 $0x4B0, s8;
	s30 =	sadd.s32 $0x4CE, s8;
	[dreg:$0x6] =	wrdreg s5  }
0x24: {  	s16 =	simm.s32 $0x50;
	s23 =	simm.s32 $0x12;
	[dreg:$0x7] =	wrdreg s24  }
0x25: {  	s25 =	simm.s32 $0x9;
	s2 =	simm.s32 $0xA;
	[smem:$0x7F9] =	sst s26  }
0x26: {  	s7 =	simm.s32 $0xB;
	s5 =	sadd.s32 s29, s17;
	[smem:$0x7FC] =	sst s30  }
0x27: {  	s9 =	sadd.s32 s6, s17;
	s10 =	sshrl.u32 s31, $0x3;
	[dreg:$0x9] =	wrdreg s5  }
0x28: {  	s14 =	sshrl.u32 s13, $0x3;
	s21 =	sadd.s32 s19, s17;
	[dreg:$0xa] =	wrdreg s9  }
0x29: {  	s6 =	sshrl.u32 s15, $0x3;
	s24 =	smax.u32 s1, $0x1;
	[dreg:$0xe] =	wrdreg s21  }
0x2a: {  	s29 =	sadd.s32 $0x4C4, s8;
	s31 =	sadd.s32 $0x4D8, s8;
	[smem:$0x7F7] =	sst s24  }
0x2b: {  	s1 =	simm.s32 $0x13;
	s8 =	simm.s32 $0x15;
	[smem:$0x7FB] =	sst s29  }
0x2c: {  	s13 =	simm.s32 $0x18;
	s12 =	sadd.s32 s10, s17;
	[smem:$0x7FD] =	sst s31  }
0x2d: {  	s5 =	sadd.s32 s14, s17;
	s18 =	sadd.s32 s6, s17;
	[dreg:$0xb] =	wrdreg s12  }
0x2e: {  	s9 =	simm.s32 $0xC;
	s10 =	simm.s32 $0x0;
	[dreg:$0xc] =	wrdreg s5  }
0x2f: {  	[dreg:$0xd] =	wrdreg s18;
	s5 =	simm.s32 $0x14;
	s12 =	simm.s32 $0x17  }
.LBB2_1:
0x30: {  	[smem:$0x7F1] =	sst s10  }
0x31: {  	s6 =	rddreg [dreg:$0x13]  }
0x32: {  	s14 =	rddreg [dreg:$0x15];
	s10 =	sshrl.u32 @p0 s6, $0x3  }
0x33: {  	s6 =	simm.s32 @p0 $0x1FD9;
	[smem:$0x7F2] =	sst s10  }
0x34: {  	[spmem:s10], [sflag:s6] =	dma.local @p0 [hbm:s14], $0x190  }
0x35: {  	s6 =	simm.s32 @p0 $0x19  }
0x36: {  	s14 =	stileid.u32;
	_ =	swait.ge @p0 [sflag:s6], $0x190  }
0x37: {  	s14 =	sshll.u32 @!p0 s14, $0x6;
	[sflag:s6] =	ssyncset.done @p0 $0x0  }
0x38: {  	s10 =	sor.u32 @!p0 $0x1C19, s14;
	[sflag:s6] =	ssyncadd.s32 @p0 $0xFFFFFE70;
	s6 =	rddreg [dreg:$0x11]  }
0x39: {  	[smem:$0x7F3] =	sst s10  }
0x3a: {  	s14 =	sshrl.u32 @!p0 s6, $0x3;
	s6 =	rddreg [dreg:$0x12]  }
0x3b: {  	[smem:$0x7F4] =	sst s14  }
0x3c: {  	[spmem:s14], [sflag:s10] =	dma.local @!p0 [hbm:s6], $0x280  }
0x3d: {  	s6 =	simm.s32 @!p0 $0x19  }
0x3e: {  	_ =	swait.ge @!p0 [sflag:s6], $0x280  }
0x3f: {  	[sflag:s6] =	ssyncset.done @!p0 $0x0  }
0x40: {  	s19 =	simm.s32 $0x19;
	s18 =	rddreg [dreg:$0xf];
	[sflag:s6] =	ssyncadd.s32 @!p0 $0xFFFFFD80  }
0x41: {  	[tilespmem:s4], [sflag:$0x19] =	stream.linear.gather [hbm4b:s18+s4], $0x280, $0x38;
	[tilespmem:$0x19C8] =	vst v63  }
0x42: {  	_ =	swait.ge [sflag:s19], $0x280  }
0x43: {  	[sflag:s19] =	ssyncset.done $0x0  }
0x44: {  	[sflag:s19] =	ssyncadd.s32 $0xFFFFFD80  }
0x45: {  	[bflag:$0x0] =	sbarrier.arrive $0xFFFF  }
0x46: {  	s14 =	simm.s32 $0x1608;
	s20 =	rddreg [dreg:$0x14]  }
0x47: {  	[tilespmem:s14], [sflag:$0x1] =	stream.linear.gather [hbm4b:s20+s4], $0x50, $0x38;
	[tilespmem:$0x19C8] =	vst v63  }
0x48: {  	s15 =	simm.s32 $0x1658;
	s21 =	rddreg [dreg:$0x16]  }
0x49: {  	[tilespmem:s15], [sflag:$0x2] =	stream.linear.gather [hbm4b:s21+s4], $0x50, $0x38;
	[tilespmem:$0x19C8] =	vst v63  }
0x4a: {  	s18 =	simm.s32 $0x16A8;
	s22 =	rddreg [dreg:$0x17]  }
0x4b: {  	[tilespmem:s18], [sflag:$0x3] =	stream.linear.gather [hbm4b:s22+s4], $0x50, $0x38;
	[tilespmem:$0x19C8] =	vst v63  }
0x4c: {  	s24 =	rddreg [dreg:$0x18];
	s20 =	simm.s32 $0x16F8  }
0x4d: {  	[tilespmem:s20], [sflag:$0x4] =	stream.linear.gather [hbm4b:s24+s4], $0x50, $0x38;
	[tilespmem:$0x19C8] =	vst v63  }
0x4e: {  	s26 =	rddreg [dreg:$0x19];
	s21 =	simm.s32 $0x1748  }
0x4f: {  	[tilespmem:s21], [sflag:$0x5] =	stream.linear.gather [hbm4b:s26+s4], $0x50, $0x38;
	[tilespmem:$0x19C8] =	vst v63  }
0x50: {  	s28 =	rddreg [dreg:$0x1a];
	s22 =	simm.s32 $0x1798  }
0x51: {  	[tilespmem:s22], [sflag:$0x6] =	stream.linear.gather [hbm4b:s28+s4], $0x50, $0x38;
	[tilespmem:$0x19C8] =	vst v63  }
0x52: {  	s29 =	rddreg [dreg:$0x1b];
	s24 =	simm.s32 $0x17E8  }
0x53: {  	[tilespmem:s24], [sflag:$0x7] =	stream.linear.gather [hbm4b:s29+s4], $0x50, $0x38;
	[tilespmem:$0x19C8] =	vst v63  }
0x54: {  	s30 =	rddreg [dreg:$0x1c];
	s26 =	simm.s32 $0x1838  }
0x55: {  	[tilespmem:s26], [sflag:$0x8] =	stream.linear.gather [hbm4b:s30+s4], $0x50, $0x38;
	[tilespmem:$0x19C8] =	vst v63  }
0x56: {  	s31 =	rddreg [dreg:$0x1d];
	s28 =	simm.s32 $0x1888  }
0x57: {  	[tilespmem:s28], [sflag:$0x9] =	stream.linear.gather [hbm4b:s31+s4], $0x50, $0x38;
	[tilespmem:$0x19C8] =	vst v63  }
0x58: {  	s10 =	rddreg [dreg:$0x1e];
	s29 =	simm.s32 $0x18D8;
	s30 =	simm.s32 $0x1  }
0x59: {  	[tilespmem:s29], [sflag:$0xA] =	stream.linear.gather [hbm4b:s10+s4], $0x50, $0x38;
	[tilespmem:$0x19C8] =	vst v63  }
0x5a: {  	_ =	swait.ge [sflag:s30], $0x50  }
0x5b: {  	[sflag:s30] =	ssyncset.done $0x0  }
0x5c: {  	[sflag:s30] =	ssyncadd.s32 $0xFFFFFFB0  }
0x5d: {  	[spmem:s3] =	stream.indirect.scatter.add.f32 [tilespmem:s4], [sflag:$0xD], $0x8, s14, s16, $0xb8;
	[tilespmem:$0x19C8] =	vst v63  }
0x5e: {  	s31 =	simm.s32 $0x1928;
	s19 =	rddreg [dreg:$0x1f]  }
0x5f: {  	[tilespmem:s31], [sflag:$0xB] =	stream.linear.gather [hbm4b:s19+s4], $0x50, $0x38;
	[tilespmem:$0x19C8] =	vst v63  }
0x60: {  	s31 =	simm.s32 $0x2  }
0x61: {  	_ =	swait.ge [sflag:s31], $0x50  }
0x62: {  	[sflag:s31] =	ssyncset.done $0x0  }
0x63: {  	s10 =	sld [smem:$0x7F5];
	[sflag:s31] =	ssyncadd.s32 $0xFFFFFFB0  }
0x64: {  	[spmem:s3] =	stream.indirect.scatter.add.f32 [tilespmem:s4], [sflag:$0xE], $0x8, s15, s16, $0xb8;
	[tilespmem:$0x19C8] =	vst v63  }
0x65: {  	s19 =	simm.s32 $0x1978  }
0x66: {  	[tilespmem:s19], [sflag:$0xC] =	stream.linear.gather [hbm4b:s10+s4], $0x50, $0x38;
	[tilespmem:$0x19C8] =	vst v63  }
0x67: {  	s10 =	simm.s32 $0x3  }
0x68: {  	_ =	swait.ge [sflag:s10], $0x50  }
0x69: {  	[sflag:s10] =	ssyncset.done $0x0  }
0x6a: {  	[sflag:s10] =	ssyncadd.s32 $0xFFFFFFB0;
	s10 =	simm.s32 $0xD  }
0x6b: {  	[spmem:s3] =	stream.indirect.scatter.add.f32 [tilespmem:s4], [sflag:$0xF], $0x8, s18, s16, $0xb8;
	[tilespmem:$0x19C8] =	vst v63  }
0x6c: {  	_ =	swait.ge [sflag:s10], $0x280  }
0x6d: {  	s19 =	sld [smem:$0x7F8];
	_ =	sdelay $0x2  }
0x6e: {  	[sflag:s10] =	ssyncset.done $0x0;
	s6 =	sshrl.u32 s19, $0x3  }
0x6f: {  	[sflag:s10] =	ssyncadd.s32 $0xFFFFFD80;
	s6 =	sadd.s32 s17, s6;
	s17 =	simm.s32 $0x4  }
0x70: {  	[tilespmem:s14], [sflag:$0x1] =	stream.linear.gather [hbm4b:s6+s4], $0x50, $0x38;
	[tilespmem:$0x19C8] =	vst v63  }
0x71: {  	_ =	swait.ge [sflag:s17], $0x50  }
0x72: {  	[sflag:s17] =	ssyncset.done $0x0  }
0x73: {  	s6 =	simm.s32 $0xE;
	[sflag:s17] =	ssyncadd.s32 $0xFFFFFFB0  }
0x74: {  	[spmem:s3] =	stream.indirect.scatter.add.f32 [tilespmem:s4], [sflag:$0x10], $0x8, s20, s16, $0xb8;
	[tilespmem:$0x19C8] =	vst v63  }
0x75: {  	_ =	swait.ge [sflag:s6], $0x280  }
0x76: {  	s17 =	rddreg [dreg:$0xe];
	[sflag:s6] =	ssyncset.done $0x0  }
0x77: {  	[sflag:s6] =	ssyncadd.s32 $0xFFFFFD80;
	s6 =	sadd.s32 $0x0, s17;
	s17 =	simm.s32 $0x5  }
0x78: {  	[tilespmem:s15], [sflag:$0x2] =	stream.linear.gather [hbm4b:s6+s4], $0x50, $0x38;
	[tilespmem:$0x19C8] =	vst v63  }
0x79: {  	_ =	swait.ge [sflag:s17], $0x50  }
0x7a: {  	[sflag:s17] =	ssyncset.done $0x0  }
0x7b: {  	s6 =	simm.s32 $0xF;
	[sflag:s17] =	ssyncadd.s32 $0xFFFFFFB0  }
0x7c: {  	[spmem:s3] =	stream.indirect.scatter.add.f32 [tilespmem:s4], [sflag:$0x11], $0x8, s21, s16, $0xb8;
	[tilespmem:$0x19C8] =	vst v63  }
0x7d: {  	_ =	swait.ge [sflag:s6], $0x280  }
0x7e: {  	s17 =	rddreg [dreg:$0xd];
	[sflag:s6] =	ssyncset.done $0x0  }
0x7f: {  	s10 =	simm.s32 $0x6;
	[sflag:s6] =	ssyncadd.s32 $0xFFFFFD80;
	s6 =	sadd.s32 $0x0, s17  }
0x80: {  	[tilespmem:s18], [sflag:$0x3] =	stream.linear.gather [hbm4b:s6+s4], $0x50, $0x38;
	[tilespmem:$0x19C8] =	vst v63  }
0x81: {  	_ =	swait.ge [sflag:s10], $0x50  }
0x82: {  	[sflag:s10] =	ssyncset.done $0x0  }
0x83: {  	s17 =	simm.s32 $0x10;
	[sflag:s10] =	ssyncadd.s32 $0xFFFFFFB0  }
0x84: {  	[spmem:s3] =	stream.indirect.scatter.add.f32 [tilespmem:s4], [sflag:$0x12], $0x8, s22, s16, $0xb8;
	[tilespmem:$0x19C8] =	vst v63  }
0x85: {  	_ =	swait.ge [sflag:s17], $0x280  }
0x86: {  	s18 =	rddreg [dreg:$0xc];
	[sflag:s17] =	ssyncset.done $0x0  }
0x87: {  	[sflag:s17] =	ssyncadd.s32 $0xFFFFFD80;
	s6 =	sadd.s32 $0x0, s18  }
0x88: {  	[tilespmem:s20], [sflag:$0x4] =	stream.linear.gather [hbm4b:s6+s4], $0x50, $0x38;
	[tilespmem:$0x19C8] =	vst v63  }
0x89: {  	s20 =	simm.s32 $0x7  }
0x8a: {  	_ =	swait.ge [sflag:s20], $0x50  }
0x8b: {  	[sflag:s20] =	ssyncset.done $0x0  }
0x8c: {  	s6 =	simm.s32 $0x11;
	[sflag:s20] =	ssyncadd.s32 $0xFFFFFFB0  }
0x8d: {  	[spmem:s3] =	stream.indirect.scatter.add.f32 [tilespmem:s4], [sflag:$0x13], $0x8, s24, s16, $0xb8;
	[tilespmem:$0x19C8] =	vst v63  }
0x8e: {  	_ =	swait.ge [sflag:s6], $0x280  }
0x8f: {  	s17 =	rddreg [dreg:$0xb];
	[sflag:s6] =	ssyncset.done $0x0  }
0x90: {  	[sflag:s6] =	ssyncadd.s32 $0xFFFFFD80;
	s6 =	sadd.s32 $0x0, s17  }
0x91: {  	[tilespmem:s21], [sflag:$0x5] =	stream.linear.gather [hbm4b:s6+s4], $0x50, $0x38;
	[tilespmem:$0x19C8] =	vst v63  }
0x92: {  	_ =	swait.ge [sflag:s0], $0x50  }
0x93: {  	[sflag:s0] =	ssyncset.done $0x0  }
0x94: {  	[sflag:s0] =	ssyncadd.s32 $0xFFFFFFB0  }
0x95: {  	[spmem:s3] =	stream.indirect.scatter.add.f32 [tilespmem:s4], [sflag:$0x14], $0x8, s26, s16, $0xb8;
	[tilespmem:$0x19C8] =	vst v63  }
0x96: {  	_ =	swait.ge [sflag:s23], $0x280  }
0x97: {  	s18 =	rddreg [dreg:$0xa];
	[sflag:s23] =	ssyncset.done $0x0  }
0x98: {  	[sflag:s23] =	ssyncadd.s32 $0xFFFFFD80;
	s6 =	sadd.s32 $0x0, s18  }
0x99: {  	[tilespmem:s22], [sflag:$0x6] =	stream.linear.gather [hbm4b:s6+s4], $0x50, $0x38;
	[tilespmem:$0x19C8] =	vst v63  }
0x9a: {  	_ =	swait.ge [sflag:s25], $0x50  }
0x9b: {  	[sflag:s25] =	ssyncset.done $0x0  }
0x9c: {  	[sflag:s25] =	ssyncadd.s32 $0xFFFFFFB0  }
0x9d: {  	[spmem:s3] =	stream.indirect.scatter.add.f32 [tilespmem:s4], [sflag:$0x15], $0x8, s28, s16, $0xb8;
	[tilespmem:$0x19C8] =	vst v63  }
0x9e: {  	_ =	swait.ge [sflag:s1], $0x280  }
0x9f: {  	s20 =	rddreg [dreg:$0x9];
	[sflag:s1] =	ssyncset.done $0x0  }
0xa0: {  	[sflag:s1] =	ssyncadd.s32 $0xFFFFFD80;
	s6 =	sadd.s32 $0x0, s20  }
0xa1: {  	[tilespmem:s24], [sflag:$0x7] =	stream.linear.gather [hbm4b:s6+s4], $0x50, $0x38;
	[tilespmem:$0x19C8] =	vst v63  }
0xa2: {  	_ =	swait.ge [sflag:s2], $0x50  }
0xa3: {  	[sflag:s2] =	ssyncset.done $0x0  }
0xa4: {  	[sflag:s2] =	ssyncadd.s32 $0xFFFFFFB0  }
0xa5: {  	[spmem:s3] =	stream.indirect.scatter.add.f32 [tilespmem:s4], [sflag:$0x16], $0x8, s29, s16, $0xb8;
	[tilespmem:$0x19C8] =	vst v63  }
0xa6: {  	_ =	swait.ge [sflag:s5], $0x280  }
0xa7: {  	s21 =	rddreg [dreg:$0x8];
	[sflag:s5] =	ssyncset.done $0x0  }
0xa8: {  	[sflag:s5] =	ssyncadd.s32 $0xFFFFFD80;
	s6 =	sadd.s32 $0x0, s21  }
0xa9: {  	[tilespmem:s26], [sflag:$0x8] =	stream.linear.gather [hbm4b:s6+s4], $0x50, $0x38;
	[tilespmem:$0x19C8] =	vst v63  }
0xaa: {  	_ =	swait.ge [sflag:s7], $0x50  }
0xab: {  	[sflag:s7] =	ssyncset.done $0x0  }
0xac: {  	s22 =	simm.s32 $0x1928;
	[sflag:s7] =	ssyncadd.s32 $0xFFFFFFB0  }
0xad: {  	[spmem:s3] =	stream.indirect.scatter.add.f32 [tilespmem:s4], [sflag:$0x17], $0x8, s22, s16, $0xb8;
	[tilespmem:$0x19C8] =	vst v63  }
0xae: {  	_ =	swait.ge [sflag:s8], $0x280  }
0xaf: {  	s24 =	rddreg [dreg:$0x7];
	[sflag:s8] =	ssyncset.done $0x0  }
0xb0: {  	[sflag:s8] =	ssyncadd.s32 $0xFFFFFD80;
	s6 =	sadd.s32 $0x0, s24  }
0xb1: {  	[tilespmem:s28], [sflag:$0x9] =	stream.linear.gather [hbm4b:s6+s4], $0x50, $0x38;
	[tilespmem:$0x19C8] =	vst v63  }
0xb2: {  	_ =	swait.ge [sflag:s9], $0x50  }
0xb3: {  	[sflag:s9] =	ssyncset.done $0x0  }
0xb4: {  	s26 =	simm.s32 $0x1978;
	[sflag:s9] =	ssyncadd.s32 $0xFFFFFFB0  }
0xb5: {  	[spmem:s3] =	stream.indirect.scatter.add.f32 [tilespmem:s4], [sflag:$0x18], $0x8, s26, s16, $0xb8;
	[tilespmem:$0x19C8] =	vst v63  }
0xb6: {  	_ =	swait.ge [sflag:s11], $0x280  }
0xb7: {  	s28 =	rddreg [dreg:$0x6];
	[sflag:s11] =	ssyncset.done $0x0  }
0xb8: {  	[sflag:s11] =	ssyncadd.s32 $0xFFFFFD80;
	s6 =	sadd.s32 $0x0, s28  }
0xb9: {  	[tilespmem:s29], [sflag:$0xA] =	stream.linear.gather [hbm4b:s6+s4], $0x50, $0x38;
	[tilespmem:$0x19C8] =	vst v63  }
0xba: {  	_ =	swait.ge [sflag:s30], $0x50  }
0xbb: {  	[sflag:s30] =	ssyncset.done $0x0  }
0xbc: {  	[sflag:s30] =	ssyncadd.s32 $0xFFFFFFB0  }
0xbd: {  	[spmem:s3] =	stream.indirect.scatter.add.f32 [tilespmem:s4], [sflag:$0xD], $0x8, s14, s16, $0xb8;
	[tilespmem:$0x19C8] =	vst v63  }
0xbe: {  	_ =	swait.ge [sflag:s12], $0x280  }
0xbf: {  	s30 =	rddreg [dreg:$0x5];
	[sflag:s12] =	ssyncset.done $0x0  }
0xc0: {  	[sflag:s12] =	ssyncadd.s32 $0xFFFFFD80;
	s6 =	sadd.s32 $0x0, s30  }
0xc1: {  	[tilespmem:s22], [sflag:$0xB] =	stream.linear.gather [hbm4b:s6+s4], $0x50, $0x38;
	[tilespmem:$0x19C8] =	vst v63  }
0xc2: {  	_ =	swait.ge [sflag:s31], $0x50  }
0xc3: {  	[sflag:s31] =	ssyncset.done $0x0  }
0xc4: {  	[sflag:s31] =	ssyncadd.s32 $0xFFFFFFB0  }
0xc5: {  	[spmem:s3] =	stream.indirect.scatter.add.f32 [tilespmem:s4], [sflag:$0xE], $0x8, s15, s16, $0xb8;
	[tilespmem:$0x19C8] =	vst v63  }
0xc6: {  	_ =	swait.ge [sflag:s13], $0x280  }
0xc7: {  	s14 =	simm.s32 $0x78;
	s31 =	rddreg [dreg:$0x4];
	[sflag:s13] =	ssyncset.done $0x0  }
0xc8: {  	s6 =	sadd.s32 $0x3C0, s19;
	[sflag:s13] =	ssyncadd.s32 $0xFFFFFD80;
	s17 =	sadd.s32 $0x0, s31  }
.LBB2_2:
0xc9: {  	s10 =	simm.s32 $0x1978;
	s15 =	simm.s32 $0x3  }
0xca: {  	[tilespmem:s10], [sflag:$0xC] =	stream.linear.gather [hbm4b:s17+s4], $0x50, $0x38;
	[tilespmem:$0x19C8] =	vst v63  }
0xcb: {  	_ =	swait.ge [sflag:s15], $0x50  }
0xcc: {  	[sflag:s15] =	ssyncset.done $0x0  }
0xcd: {  	s20 =	simm.s32 $0x16A8;
	s22 =	simm.s32 $0xD;
	[sflag:s15] =	ssyncadd.s32 $0xFFFFFFB0  }
0xce: {  	[spmem:s3] =	stream.indirect.scatter.add.f32 [tilespmem:s4], [sflag:$0xF], $0x8, s20, s16, $0xb8;
	[tilespmem:$0x19C8] =	vst v63  }
0xcf: {  	_ =	swait.ge [sflag:s22], $0x280  }
0xd0: {  	[sflag:s22] =	ssyncset.done $0x0  }
0xd1: {  	[sflag:s22] =	ssyncadd.s32 $0xFFFFFD80  }
0xd2: {  	s19 =	sshrl.u32 s6, $0x3;
	s15 =	rddreg [dreg:$0x0]  }
0xd3: {  	s18 =	simm.s32 $0x4;
	s19 =	sadd.s32 s15, s19;
	s15 =	simm.s32 $0x1608  }
0xd4: {  	[tilespmem:s15], [sflag:$0x1] =	stream.linear.gather [hbm4b:s19+s4], $0x50, $0x38;
	[tilespmem:$0x19C8] =	vst v63  }
0xd5: {  	_ =	swait.ge [sflag:s18], $0x50  }
0xd6: {  	[sflag:s18] =	ssyncset.done $0x0  }
0xd7: {  	s21 =	simm.s32 $0x16F8;
	s24 =	simm.s32 $0xE;
	[sflag:s18] =	ssyncadd.s32 $0xFFFFFFB0  }
0xd8: {  	[spmem:s3] =	stream.indirect.scatter.add.f32 [tilespmem:s4], [sflag:$0x10], $0x8, s21, s16, $0xb8;
	[tilespmem:$0x19C8] =	vst v63  }
0xd9: {  	s29 =	simm.s32 $0x5;
	_ =	swait.ge [sflag:s24], $0x280  }
0xda: {  	s17 =	smov.u32 s14;
	s26 =	rddreg [dreg:$0xe];
	[sflag:s24] =	ssyncset.done $0x0  }
0xdb: {  	s18 =	simm.s32 $0x1658;
	[sflag:s24] =	ssyncadd.s32 $0xFFFFFD80;
	s19 =	sadd.s32 s17, s26  }
0xdc: {  	[tilespmem:s18], [sflag:$0x2] =	stream.linear.gather [hbm4b:s19+s4], $0x50, $0x38;
	[tilespmem:$0x19C8] =	vst v63  }
0xdd: {  	_ =	swait.ge [sflag:s29], $0x50  }
0xde: {  	[sflag:s29] =	ssyncset.done $0x0  }
0xdf: {  	s22 =	simm.s32 $0x1748;
	s24 =	simm.s32 $0xF;
	[sflag:s29] =	ssyncadd.s32 $0xFFFFFFB0  }
0xe0: {  	[spmem:s3] =	stream.indirect.scatter.add.f32 [tilespmem:s4], [sflag:$0x11], $0x8, s22, s16, $0xb8;
	[tilespmem:$0x19C8] =	vst v63  }
0xe1: {  	_ =	swait.ge [sflag:s24], $0x280  }
0xe2: {  	s30 =	rddreg [dreg:$0xd];
	[sflag:s24] =	ssyncset.done $0x0  }
0xe3: {  	s31 =	simm.s32 $0x6;
	[sflag:s24] =	ssyncadd.s32 $0xFFFFFD80;
	s19 =	sadd.s32 s17, s30  }
0xe4: {  	[tilespmem:s20], [sflag:$0x3] =	stream.linear.gather [hbm4b:s19+s4], $0x50, $0x38;
	[tilespmem:$0x19C8] =	vst v63  }
0xe5: {  	_ =	swait.ge [sflag:s31], $0x50  }
0xe6: {  	[sflag:s31] =	ssyncset.done $0x0  }
0xe7: {  	s24 =	simm.s32 $0x1798;
	s19 =	simm.s32 $0x10;
	[sflag:s31] =	ssyncadd.s32 $0xFFFFFFB0  }
0xe8: {  	[spmem:s3] =	stream.indirect.scatter.add.f32 [tilespmem:s4], [sflag:$0x12], $0x8, s24, s16, $0xb8;
	[tilespmem:$0x19C8] =	vst v63  }
0xe9: {  	_ =	swait.ge [sflag:s19], $0x280  }
0xea: {  	s26 =	rddreg [dreg:$0xc];
	[sflag:s19] =	ssyncset.done $0x0  }
0xeb: {  	s29 =	simm.s32 $0x7;
	[sflag:s19] =	ssyncadd.s32 $0xFFFFFD80;
	s19 =	sadd.s32 s17, s26  }
0xec: {  	[tilespmem:s21], [sflag:$0x4] =	stream.linear.gather [hbm4b:s19+s4], $0x50, $0x38;
	[tilespmem:$0x19C8] =	vst v63  }
0xed: {  	_ =	swait.ge [sflag:s29], $0x50  }
0xee: {  	[sflag:s29] =	ssyncset.done $0x0  }
0xef: {  	s30 =	simm.s32 $0x11;
	s26 =	simm.s32 $0x17E8;
	[sflag:s29] =	ssyncadd.s32 $0xFFFFFFB0  }
0xf0: {  	[spmem:s3] =	stream.indirect.scatter.add.f32 [tilespmem:s4], [sflag:$0x13], $0x8, s26, s16, $0xb8;
	[tilespmem:$0x19C8] =	vst v63  }
0xf1: {  	_ =	swait.ge [sflag:s30], $0x280  }
0xf2: {  	s31 =	rddreg [dreg:$0xb];
	[sflag:s30] =	ssyncset.done $0x0  }
0xf3: {  	[sflag:s30] =	ssyncadd.s32 $0xFFFFFD80;
	s19 =	sadd.s32 s17, s31  }
0xf4: {  	[tilespmem:s22], [sflag:$0x5] =	stream.linear.gather [hbm4b:s19+s4], $0x50, $0x38;
	[tilespmem:$0x19C8] =	vst v63  }
0xf5: {  	_ =	swait.ge [sflag:s0], $0x50  }
0xf6: {  	[sflag:s0] =	ssyncset.done $0x0  }
0xf7: {  	s28 =	simm.s32 $0x1838;
	[sflag:s0] =	ssyncadd.s32 $0xFFFFFFB0  }
0xf8: {  	[spmem:s3] =	stream.indirect.scatter.add.f32 [tilespmem:s4], [sflag:$0x14], $0x8, s28, s16, $0xb8;
	[tilespmem:$0x19C8] =	vst v63  }
0xf9: {  	_ =	swait.ge [sflag:s23], $0x280  }
0xfa: {  	s21 =	rddreg [dreg:$0xa];
	[sflag:s23] =	ssyncset.done $0x0  }
0xfb: {  	[sflag:s23] =	ssyncadd.s32 $0xFFFFFD80;
	s19 =	sadd.s32 s17, s21  }
0xfc: {  	[tilespmem:s24], [sflag:$0x6] =	stream.linear.gather [hbm4b:s19+s4], $0x50, $0x38;
	[tilespmem:$0x19C8] =	vst v63  }
0xfd: {  	_ =	swait.ge [sflag:s25], $0x50  }
0xfe: {  	[sflag:s25] =	ssyncset.done $0x0  }
0xff: {  	s29 =	simm.s32 $0x1888;
	[sflag:s25] =	ssyncadd.s32 $0xFFFFFFB0  }
0x100: {  	[spmem:s3] =	stream.indirect.scatter.add.f32 [tilespmem:s4], [sflag:$0x15], $0x8, s29, s16, $0xb8;
	[tilespmem:$0x19C8] =	vst v63  }
0x101: {  	_ =	swait.ge [sflag:s1], $0x280  }
0x102: {  	s22 =	rddreg [dreg:$0x9];
	[sflag:s1] =	ssyncset.done $0x0  }
0x103: {  	[sflag:s1] =	ssyncadd.s32 $0xFFFFFD80;
	s19 =	sadd.s32 s17, s22  }
0x104: {  	[tilespmem:s26], [sflag:$0x7] =	stream.linear.gather [hbm4b:s19+s4], $0x50, $0x38;
	[tilespmem:$0x19C8] =	vst v63  }
0x105: {  	_ =	swait.ge [sflag:s2], $0x50  }
0x106: {  	[sflag:s2] =	ssyncset.done $0x0  }
0x107: {  	s30 =	simm.s32 $0x18D8;
	[sflag:s2] =	ssyncadd.s32 $0xFFFFFFB0  }
0x108: {  	[spmem:s3] =	stream.indirect.scatter.add.f32 [tilespmem:s4], [sflag:$0x16], $0x8, s30, s16, $0xb8;
	[tilespmem:$0x19C8] =	vst v63  }
0x109: {  	_ =	swait.ge [sflag:s5], $0x280  }
0x10a: {  	s24 =	rddreg [dreg:$0x8];
	[sflag:s5] =	ssyncset.done $0x0  }
0x10b: {  	[sflag:s5] =	ssyncadd.s32 $0xFFFFFD80;
	s19 =	sadd.s32 s17, s24  }
0x10c: {  	[tilespmem:s28], [sflag:$0x8] =	stream.linear.gather [hbm4b:s19+s4], $0x50, $0x38;
	[tilespmem:$0x19C8] =	vst v63  }
0x10d: {  	_ =	swait.ge [sflag:s7], $0x50  }
0x10e: {  	[sflag:s7] =	ssyncset.done $0x0  }
0x10f: {  	s31 =	simm.s32 $0x1928;
	[sflag:s7] =	ssyncadd.s32 $0xFFFFFFB0  }
0x110: {  	[spmem:s3] =	stream.indirect.scatter.add.f32 [tilespmem:s4], [sflag:$0x17], $0x8, s31, s16, $0xb8;
	[tilespmem:$0x19C8] =	vst v63  }
0x111: {  	_ =	swait.ge [sflag:s8], $0x280  }
0x112: {  	s26 =	rddreg [dreg:$0x7];
	[sflag:s8] =	ssyncset.done $0x0  }
0x113: {  	[sflag:s8] =	ssyncadd.s32 $0xFFFFFD80;
	s19 =	sadd.s32 s17, s26  }
0x114: {  	[tilespmem:s29], [sflag:$0x9] =	stream.linear.gather [hbm4b:s19+s4], $0x50, $0x38;
	[tilespmem:$0x19C8] =	vst v63  }
0x115: {  	_ =	swait.ge [sflag:s9], $0x50  }
0x116: {  	[sflag:s9] =	ssyncset.done $0x0  }
0x117: {  	[sflag:s9] =	ssyncadd.s32 $0xFFFFFFB0  }
0x118: {  	[spmem:s3] =	stream.indirect.scatter.add.f32 [tilespmem:s4], [sflag:$0x18], $0x8, s10, s16, $0xb8;
	[tilespmem:$0x19C8] =	vst v63  }
0x119: {  	_ =	swait.ge [sflag:s11], $0x280  }
0x11a: {  	s29 =	rddreg [dreg:$0x6];
	[sflag:s11] =	ssyncset.done $0x0  }
0x11b: {  	s10 =	simm.s32 $0x1;
	[sflag:s11] =	ssyncadd.s32 $0xFFFFFD80;
	s19 =	sadd.s32 s17, s29  }
0x11c: {  	[tilespmem:s30], [sflag:$0xA] =	stream.linear.gather [hbm4b:s19+s4], $0x50, $0x38;
	[tilespmem:$0x19C8] =	vst v63  }
0x11d: {  	_ =	swait.ge [sflag:s10], $0x50  }
0x11e: {  	[sflag:s10] =	ssyncset.done $0x0  }
0x11f: {  	[sflag:s10] =	ssyncadd.s32 $0xFFFFFFB0  }
0x120: {  	[spmem:s3] =	stream.indirect.scatter.add.f32 [tilespmem:s4], [sflag:$0xD], $0x8, s15, s16, $0xb8;
	[tilespmem:$0x19C8] =	vst v63  }
0x121: {  	_ =	swait.ge [sflag:s12], $0x280  }
0x122: {  	s29 =	rddreg [dreg:$0x5];
	[sflag:s12] =	ssyncset.done $0x0  }
0x123: {  	s30 =	simm.s32 $0x2;
	[sflag:s12] =	ssyncadd.s32 $0xFFFFFD80;
	s19 =	sadd.s32 s17, s29  }
0x124: {  	[tilespmem:s31], [sflag:$0xB] =	stream.linear.gather [hbm4b:s19+s4], $0x50, $0x38;
	[tilespmem:$0x19C8] =	vst v63  }
0x125: {  	p1 =	sne.s32 s14, $0x3C0;
	s6 =	sadd.s32 $0x3C0, s6;
	_ =	swait.ge [sflag:s30], $0x50  }
0x126: {  	s14 =	sadd.s32 $0x78, s14;
	s20 =	simm.s32 $0x1798;
	[sflag:s30] =	ssyncset.done $0x0  }
.Ltmp0:
0x127: {  	s21 =	simm.s32 $0x17E8;
	[sflag:s30] =	ssyncadd.s32 $0xFFFFFFB0;
	(pc) =	sbr.rel @p1 .LBB2_2-.Ltmp0, $4  }
0x128: {  	[spmem:s3] =	stream.indirect.scatter.add.f32 [tilespmem:s4], [sflag:$0xE], $0x8, s18, s16, $0xb8;
	[tilespmem:$0x19C8] =	vst v63  }
0x129: {  	s22 =	simm.s32 $0x1838;
	s24 =	simm.s32 $0x1888;
	_ =	swait.ge [sflag:s13], $0x280  }
0x12a: {  	s28 =	simm.s32 $0x1928;
	[sflag:s13] =	ssyncset.done $0x0;
	s31 =	rddreg [dreg:$0x4]  }
0x12b: {  	s26 =	simm.s32 $0x18D8;
	[sflag:s13] =	ssyncadd.s32 $0xFFFFFD80;
	s17 =	sadd.s32 s17, s31  }
0x12c: {  	s6 =	simm.s32 $0x1978;
	s29 =	simm.s32 $0x3  }
0x12d: {  	[tilespmem:s6], [sflag:$0xC] =	stream.linear.gather [hbm4b:s17+s4], $0x50, $0x38;
	[tilespmem:$0x19C8] =	vst v63  }
0x12e: {  	_ =	swait.ge [sflag:s29], $0x50  }
0x12f: {  	[sflag:s29] =	ssyncset.done $0x0  }
0x130: {  	s30 =	simm.s32 $0xD;
	s17 =	simm.s32 $0x16A8;
	[sflag:s29] =	ssyncadd.s32 $0xFFFFFFB0  }
0x131: {  	[spmem:s3] =	stream.indirect.scatter.add.f32 [tilespmem:s4], [sflag:$0xF], $0x8, s17, s16, $0xb8;
	[tilespmem:$0x19C8] =	vst v63  }
0x132: {  	_ =	swait.ge [sflag:s30], $0x280  }
0x133: {  	s31 =	sld [smem:$0x7F9]  }
0x134: {  	[sflag:s30] =	ssyncset.done $0x0  }
0x135: {  	s10 =	simm.s32 $0x1608;
	[sflag:s30] =	ssyncadd.s32 $0xFFFFFD80  }
0x136: {  	[tilespmem:s10], [sflag:$0x1] =	stream.linear.gather [hbm4b:s31+s4], $0x50, $0x38;
	[tilespmem:$0x19C8] =	vst v63  }
0x137: {  	s31 =	simm.s32 $0x4  }
0x138: {  	_ =	swait.ge [sflag:s31], $0x50  }
0x139: {  	[sflag:s31] =	ssyncset.done $0x0  }
0x13a: {  	s18 =	simm.s32 $0x16F8;
	s15 =	simm.s32 $0xE;
	[sflag:s31] =	ssyncadd.s32 $0xFFFFFFB0  }
0x13b: {  	[spmem:s3] =	stream.indirect.scatter.add.f32 [tilespmem:s4], [sflag:$0x10], $0x8, s18, s16, $0xb8;
	[tilespmem:$0x19C8] =	vst v63  }
0x13c: {  	_ =	swait.ge [sflag:s15], $0x280  }
0x13d: {  	s14 =	sld [smem:$0x7FA]  }
0x13e: {  	[sflag:s15] =	ssyncset.done $0x0  }
0x13f: {  	s19 =	simm.s32 $0x1658;
	s10 =	simm.s32 $0x5;
	[sflag:s15] =	ssyncadd.s32 $0xFFFFFD80  }
0x140: {  	[tilespmem:s19], [sflag:$0x2] =	stream.linear.gather [hbm4b:s14+s4], $0x50, $0x38;
	[tilespmem:$0x19C8] =	vst v63  }
0x141: {  	_ =	swait.ge [sflag:s10], $0x50  }
0x142: {  	[sflag:s10] =	ssyncset.done $0x0  }
0x143: {  	s19 =	simm.s32 $0x1748;
	s14 =	simm.s32 $0xF;
	[sflag:s10] =	ssyncadd.s32 $0xFFFFFFB0  }
0x144: {  	[spmem:s3] =	stream.indirect.scatter.add.f32 [tilespmem:s4], [sflag:$0x11], $0x8, s19, s16, $0xb8;
	[tilespmem:$0x19C8] =	vst v63  }
0x145: {  	_ =	swait.ge [sflag:s14], $0x280  }
0x146: {  	s6 =	sld [smem:$0x7FB]  }
0x147: {  	[sflag:s14] =	ssyncset.done $0x0  }
0x148: {  	[sflag:s14] =	ssyncadd.s32 $0xFFFFFD80  }
0x149: {  	[tilespmem:s17], [sflag:$0x3] =	stream.linear.gather [hbm4b:s6+s4], $0x50, $0x38;
	[tilespmem:$0x19C8] =	vst v63  }
0x14a: {  	s6 =	simm.s32 $0x6  }
0x14b: {  	_ =	swait.ge [sflag:s6], $0x50  }
0x14c: {  	[sflag:s6] =	ssyncset.done $0x0  }
0x14d: {  	[sflag:s6] =	ssyncadd.s32 $0xFFFFFFB0  }
0x14e: {  	[spmem:s3] =	stream.indirect.scatter.add.f32 [tilespmem:s4], [sflag:$0x12], $0x8, s20, s16, $0xb8;
	[tilespmem:$0x19C8] =	vst v63  }
0x14f: {  	s20 =	simm.s32 $0x10  }
0x150: {  	_ =	swait.ge [sflag:s20], $0x280  }
0x151: {  	s6 =	sld [smem:$0x7FC]  }
0x152: {  	[sflag:s20] =	ssyncset.done $0x0  }
0x153: {  	[sflag:s20] =	ssyncadd.s32 $0xFFFFFD80  }
0x154: {  	[tilespmem:s18], [sflag:$0x4] =	stream.linear.gather [hbm4b:s6+s4], $0x50, $0x38;
	[tilespmem:$0x19C8] =	vst v63  }
0x155: {  	s6 =	simm.s32 $0x7  }
0x156: {  	_ =	swait.ge [sflag:s6], $0x50  }
0x157: {  	[sflag:s6] =	ssyncset.done $0x0  }
0x158: {  	[sflag:s6] =	ssyncadd.s32 $0xFFFFFFB0  }
0x159: {  	[spmem:s3] =	stream.indirect.scatter.add.f32 [tilespmem:s4], [sflag:$0x13], $0x8, s21, s16, $0xb8;
	[tilespmem:$0x19C8] =	vst v63  }
0x15a: {  	s21 =	simm.s32 $0x11  }
0x15b: {  	_ =	swait.ge [sflag:s21], $0x280  }
0x15c: {  	s6 =	sld [smem:$0x7FD]  }
0x15d: {  	[sflag:s21] =	ssyncset.done $0x0  }
0x15e: {  	[sflag:s21] =	ssyncadd.s32 $0xFFFFFD80  }
0x15f: {  	[tilespmem:s19], [sflag:$0x5] =	stream.linear.gather [hbm4b:s6+s4], $0x50, $0x38;
	[tilespmem:$0x19C8] =	vst v63  }
0x160: {  	_ =	swait.ge [sflag:s0], $0x50  }
0x161: {  	[sflag:s0] =	ssyncset.done $0x0  }
0x162: {  	[sflag:s0] =	ssyncadd.s32 $0xFFFFFFB0  }
0x163: {  	[spmem:s3] =	stream.indirect.scatter.add.f32 [tilespmem:s4], [sflag:$0x14], $0x8, s22, s16, $0xb8;
	[tilespmem:$0x19C8] =	vst v63  }
0x164: {  	_ =	swait.ge [sflag:s23], $0x280  }
0x165: {  	[sflag:s23] =	ssyncset.done $0x0  }
0x166: {  	[sflag:s23] =	ssyncadd.s32 $0xFFFFFD80  }
0x167: {  	_ =	swait.ge [sflag:s25], $0x50  }
0x168: {  	[sflag:s25] =	ssyncset.done $0x0  }
0x169: {  	[sflag:s25] =	ssyncadd.s32 $0xFFFFFFB0  }
0x16a: {  	[spmem:s3] =	stream.indirect.scatter.add.f32 [tilespmem:s4], [sflag:$0x15], $0x8, s24, s16, $0xb8;
	[tilespmem:$0x19C8] =	vst v63  }
0x16b: {  	_ =	swait.ge [sflag:s1], $0x280  }
0x16c: {  	[sflag:s1] =	ssyncset.done $0x0  }
0x16d: {  	[sflag:s1] =	ssyncadd.s32 $0xFFFFFD80  }
0x16e: {  	_ =	swait.ge [sflag:s2], $0x50  }
0x16f: {  	[sflag:s2] =	ssyncset.done $0x0  }
0x170: {  	[sflag:s2] =	ssyncadd.s32 $0xFFFFFFB0  }
0x171: {  	[spmem:s3] =	stream.indirect.scatter.add.f32 [tilespmem:s4], [sflag:$0x16], $0x8, s26, s16, $0xb8;
	[tilespmem:$0x19C8] =	vst v63  }
0x172: {  	_ =	swait.ge [sflag:s5], $0x280  }
0x173: {  	[sflag:s5] =	ssyncset.done $0x0  }
0x174: {  	[sflag:s5] =	ssyncadd.s32 $0xFFFFFD80  }
0x175: {  	_ =	swait.ge [sflag:s7], $0x50  }
0x176: {  	[sflag:s7] =	ssyncset.done $0x0  }
0x177: {  	[sflag:s7] =	ssyncadd.s32 $0xFFFFFFB0  }
0x178: {  	[spmem:s3] =	stream.indirect.scatter.add.f32 [tilespmem:s4], [sflag:$0x17], $0x8, s28, s16, $0xb8;
	[tilespmem:$0x19C8] =	vst v63  }
0x179: {  	_ =	swait.ge [sflag:s8], $0x280  }
0x17a: {  	[sflag:s8] =	ssyncset.done $0x0  }
0x17b: {  	[sflag:s8] =	ssyncadd.s32 $0xFFFFFD80  }
0x17c: {  	_ =	swait.ge [sflag:s9], $0x50  }
0x17d: {  	[sflag:s9] =	ssyncset.done $0x0  }
0x17e: {  	s28 =	simm.s32 $0x1978;
	[sflag:s9] =	ssyncadd.s32 $0xFFFFFFB0  }
0x17f: {  	[spmem:s3] =	stream.indirect.scatter.add.f32 [tilespmem:s4], [sflag:$0x18], $0x8, s28, s16, $0xb8;
	[tilespmem:$0x19C8] =	vst v63  }
0x180: {  	_ =	swait.ge [sflag:s11], $0x280  }
0x181: {  	[sflag:s11] =	ssyncset.done $0x0  }
0x182: {  	s22 =	simm.s32 $0x1;
	[sflag:s11] =	ssyncadd.s32 $0xFFFFFD80  }
0x183: {  	_ =	swait.ge [sflag:s22], $0x50  }
0x184: {  	[sflag:s22] =	ssyncset.done $0x0  }
0x185: {  	s24 =	simm.s32 $0x1608;
	[sflag:s22] =	ssyncadd.s32 $0xFFFFFFB0  }
0x186: {  	[spmem:s3] =	stream.indirect.scatter.add.f32 [tilespmem:s4], [sflag:$0xD], $0x8, s24, s16, $0xb8;
	[tilespmem:$0x19C8] =	vst v63  }
0x187: {  	_ =	swait.ge [sflag:s12], $0x280  }
0x188: {  	[sflag:s12] =	ssyncset.done $0x0  }
0x189: {  	s26 =	simm.s32 $0x2;
	[sflag:s12] =	ssyncadd.s32 $0xFFFFFD80  }
0x18a: {  	_ =	swait.ge [sflag:s26], $0x50  }
0x18b: {  	[sflag:s26] =	ssyncset.done $0x0  }
0x18c: {  	s28 =	simm.s32 $0x1658;
	[sflag:s26] =	ssyncadd.s32 $0xFFFFFFB0  }
0x18d: {  	[spmem:s3] =	stream.indirect.scatter.add.f32 [tilespmem:s4], [sflag:$0xE], $0x8, s28, s16, $0xb8;
	[tilespmem:$0x19C8] =	vst v63  }
0x18e: {  	_ =	swait.ge [sflag:s13], $0x280  }
0x18f: {  	[sflag:s13] =	ssyncset.done $0x0  }
0x190: {  	[sflag:s13] =	ssyncadd.s32 $0xFFFFFD80  }
0x191: {  	_ =	swait.ge [sflag:s29], $0x50  }
0x192: {  	[sflag:s29] =	ssyncset.done $0x0  }
0x193: {  	[sflag:s29] =	ssyncadd.s32 $0xFFFFFFB0  }
0x194: {  	[spmem:s3] =	stream.indirect.scatter.add.f32 [tilespmem:s4], [sflag:$0xF], $0x8, s17, s16, $0xb8;
	[tilespmem:$0x19C8] =	vst v63  }
0x195: {  	_ =	swait.ge [sflag:s30], $0x280  }
0x196: {  	[sflag:s30] =	ssyncset.done $0x0  }
0x197: {  	[sflag:s30] =	ssyncadd.s32 $0xFFFFFD80  }
0x198: {  	_ =	swait.ge [sflag:s31], $0x50  }
0x199: {  	[sflag:s31] =	ssyncset.done $0x0  }
0x19a: {  	[sflag:s31] =	ssyncadd.s32 $0xFFFFFFB0  }
0x19b: {  	[spmem:s3] =	stream.indirect.scatter.add.f32 [tilespmem:s4], [sflag:$0x10], $0x8, s18, s16, $0xb8;
	[tilespmem:$0x19C8] =	vst v63  }
0x19c: {  	_ =	swait.ge [sflag:s15], $0x280  }
0x19d: {  	[sflag:s15] =	ssyncset.done $0x0  }
0x19e: {  	[sflag:s15] =	ssyncadd.s32 $0xFFFFFD80  }
0x19f: {  	_ =	swait.ge [sflag:s10], $0x50  }
0x1a0: {  	[sflag:s10] =	ssyncset.done $0x0  }
0x1a1: {  	[sflag:s10] =	ssyncadd.s32 $0xFFFFFFB0  }
0x1a2: {  	[spmem:s3] =	stream.indirect.scatter.add.f32 [tilespmem:s4], [sflag:$0x11], $0x8, s19, s16, $0xb8;
	[tilespmem:$0x19C8] =	vst v63  }
0x1a3: {  	_ =	swait.ge [sflag:s14], $0x280  }
0x1a4: {  	[sflag:s14] =	ssyncset.done $0x0  }
0x1a5: {  	[sflag:s14] =	ssyncadd.s32 $0xFFFFFD80  }
0x1a6: {  	_ =	swait.ge [sflag:s20], $0x280  }
0x1a7: {  	[sflag:s20] =	ssyncset.done $0x0  }
0x1a8: {  	[sflag:s20] =	ssyncadd.s32 $0xFFFFFD80  }
0x1a9: {  	_ =	swait.ge [sflag:s21], $0x280  }
0x1aa: {  	[sflag:s21] =	ssyncset.done $0x0  }
0x1ab: {  	[sflag:s21] =	ssyncadd.s32 $0xFFFFFD80  }
0x1ac: {  	[bflag:$0x0] =	sbarrier.arrive $0xFFFF  }
0x1ad: {  	s17 =	sld [smem:$0x7F6]  }
0x1ae: {  	s10 =	sld [smem:$0x7F2];
	_ =	sdelay $0x1  }
0x1af: {  	s14 =	simm.s32 @p0 $0x1FD9;
	s6 =	sadd.s32 @p0 $0x2580, s17  }
0x1b0: {  	[hbm:s6], [sflag:s14] =	dma.local @p0 [spmem:s10], $0x190  }
0x1b1: {  	s6 =	simm.s32 @p0 $0x19  }
0x1b2: {  	_ =	swait.ge @p0 [sflag:s6], $0x190  }
0x1b3: {  	s10 =	sld [smem:$0x7F3]  }
0x1b4: {  	[sflag:s6] =	ssyncset.done @p0 $0x0;
	s14 =	sld [smem:$0x7F4]  }
0x1b5: {  	[sflag:s6] =	ssyncadd.s32 @p0 $0xFFFFFE70;
	s6 =	rddreg [dreg:$0x10]  }
0x1b6: {  	s6 =	sadd.s32 @!p0 s6, s17  }
0x1b7: {  	[hbm:s6], [sflag:s10] =	dma.local @!p0 [spmem:s14], $0x280  }
0x1b8: {  	s6 =	simm.s32 @!p0 $0x19  }
0x1b9: {  	_ =	swait.ge @!p0 [sflag:s6], $0x280  }
0x1ba: {  	s30 =	sld [smem:$0x7F1]  }
0x1bb: {  	s31 =	sld [smem:$0x7F7];
	_ =	sdelay $0x1  }
0x1bc: {  	s10 =	sadd.s32 $0x1, s30  }
0x1bd: {  	p1 =	sne.s32 s10, s31  }
.Ltmp1:
0x1be: {  	_ = 	snop;
	(pc) =	sbr.rel @p1 .LBB2_1-.Ltmp1, $4  }
0x1bf: {  	_ = 	snop  }
0x1c0: {  	[sflag:s6] =	ssyncset.done @!p0 $0x0  }
0x1c1: {  	[sflag:s6] =	ssyncadd.s32 @!p0 $0xFFFFFD80  }
0x1c2: {  	s17 =	rddreg [dreg:$0x0]  }
0x1c3: {  	_ =	sfence.sel $0x180000  }
0x1c4: {  	[bflag:$0x0] =	sbarrier.arrive $0xFFFF  }
0x1c5: {  	_ =	strace $0x90000047  }
0x1c6: {  	s0 =	stileid.u32;
	[bflag:$0x2] =	sbarrier.arrive $0xFFFF  }
0x1c7: {  	p0 =	sne.s32 s0, $0x0;
	s0 =	rddreg [dreg:$0x3]  }
0x1c8: {  	s0 =	sadd.s32 @!p0 $0x100000, s0  }
0x1c9: {  	[sflag:s0] =	ssyncadd.tile.s32 @!p0 $0x1;
	_ =	shalt  }
.Lfunc_end2:
_tile_overlayer_lowered:
.L_overlay_start_2:
0x1ca: {  	(tag) =	ssettag $0x2  }
0x1cb: {  	s0 =	rddreg [dreg:$0x0];
	s2 =	stileid.u32  }
0x1cc: {  	s1 =	rddreg [dreg:$0x1];
	p0 =	sne.s32 s2, $0x0  }
0x1cd: {  	s3 =	rddreg [dreg:$0x2];
	[bflag:$0x3] =	sbarrier.arrive $0xFFFF;
	s2 =	simm.s32 @!p0 $0x1C19  }
0x1ce: {  	[timem:s3], [sflag:s2] =	dma.local @!p0 [hbm:s0], s1  }
0x1cf: {  	s0 =	simm.s32 @!p0 $0x19  }
0x1d0: {  	_ =	swait.ge @!p0 [sflag:s0], s1  }
0x1d1: {  	s1 =	ssub.s32 @!p0 $0x0, s1;
	[sflag:s0] =	ssyncset.done @!p0 $0x0  }
0x1d2: {  	[sflag:s0] =	ssyncadd.s32 @!p0 s1  }
0x1d3: {  	[bflag:$0x3] =	sbarrier.arrive $0xFFFF  }
0x1d4: {  	_ =	shalt  }

</sc_bundles>
